<compile_context>
chip_gen: v7x
topology: tpu7x:2x2x1
jax: 0.10.2.dev20260603
libtpu: 0.0.44.dev20260713+nightly
codegen_flags: <defaults>
</compile_context>

<pallas_src>
import functools

import jax
import jax.numpy as jnp
from jax import lax
from jax.experimental import pallas as pl
from jax.experimental.pallas import tpu as pltpu
from jax.experimental.pallas import tpu_sc as plsc

B, S, D = 2, 2048, 768
E, ED, OD = 8, 1024, 768
T = B * S

BLK = 128
NB = T // BLK + E
CAP = NB * BLK
NBPAD = 64
L16 = 16
NC, NS = 2, 16
NW = NC * NS
RPW = CAP // NW
CHUNKS = 4
CR = RPW // CHUNKS
TPT = T // NS
SPT = CAP // NS
D2 = D // 2
OD2 = OD // 2


@functools.cache
def _sc_mesh():
    return plsc.VectorSubcoreMesh(
        core_axis_name="c", subcore_axis_name="s",
        num_cores=NC, num_subcores=NS)


def _bf16_bits(v):
    b = lax.bitcast_convert_type(v, jnp.int32)
    return b + 0x7FFF + (lax.shift_right_logical(b, 16) & 1)


def _pack_pair(lo, hi):
    return (_bf16_bits(hi) & jnp.int32(-65536)) | lax.shift_right_logical(
        _bf16_bits(lo), 16)


def _unpack_lo(w):
    return lax.bitcast_convert_type(lax.shift_left(w, 16), jnp.float32)


def _unpack_hi(w):
    return lax.bitcast_convert_type(w & jnp.int32(-65536), jnp.float32)


def _gate_body(x_ref, gw_ref, gb_ref, out_ref, xp_ref):
    xv = x_ref[...]
    logits = lax.dot_general(
        xv, gw_ref[...], (((1,), (1,)), ((), ())),
        preferred_element_type=jnp.float32)
    logits = logits + gb_ref[...]
    out_ref[...] = jnp.argmax(logits, axis=-1).astype(jnp.int32)
    xp_ref[...] = _pack_pair(xv[:, :D2], xv[:, D2:])


def _gate(xf, gate_W, gate_b):
    blk = 512
    return pl.pallas_call(
        _gate_body,
        grid=(T // blk,),
        in_specs=[
            pl.BlockSpec((blk, D), lambda i: (i, 0)),
            pl.BlockSpec((E, D), lambda i: (0, 0)),
            pl.BlockSpec((1, E), lambda i: (0, 0)),
        ],
        out_specs=[
            pl.BlockSpec((blk,), lambda i: (i,)),
            pl.BlockSpec((blk, D2), lambda i: (i, 0)),
        ],
        out_shape=[
            jax.ShapeDtypeStruct((T,), jnp.int32),
            jax.ShapeDtypeStruct((T, D2), jnp.int32),
        ],
    )(xf, gate_W, gate_b.reshape(1, E))


def _route_body_v1(assign_hbm, perm_hbm, bexp_hbm,
                   assign_v, perm_v, bexp_v):
    cid = lax.axis_index("c")
    sid = lax.axis_index("s")

    @pl.when(jnp.logical_and(cid == 0, sid == 0))
    def _():
        pltpu.sync_copy(assign_hbm, assign_v)
        lanes = lax.iota(jnp.int32, L16)

        def init_body(j, carry):
            idx = j * L16 + lanes
            plsc.store_scatter(perm_v, [idx], jnp.full((L16,), T, jnp.int32))
            return carry

        lax.fori_loop(0, CAP // L16, init_body, jnp.int32(0))

        ends = []
        start = jnp.int32(0)
        for e in range(E):
            def scan_body(j, cnt, e=e, start=start):
                idx = j * L16 + lanes
                a = plsc.load_gather(assign_v, [idx])
                m = a == e
                mi = m.astype(jnp.int32)
                rank = plsc.cumsum(mi) - mi
                pos = start + cnt + rank
                plsc.store_scatter(perm_v, [pos], idx, mask=m)
                return cnt + jnp.sum(mi)

            cnt = lax.fori_loop(0, T // L16, scan_body, jnp.int32(0))
            nblk = (cnt + BLK - 1) // BLK
            start = start + nblk * BLK
            ends.append(start)

        for v in range(NBPAD // L16):
            bidx = v * L16 + lanes
            bstart = bidx * BLK
            eid = jnp.zeros((L16,), jnp.int32)
            for e in range(E - 1):
                eid = eid + (bstart >= ends[e]).astype(jnp.int32)
            plsc.store_scatter(bexp_v, [bidx], eid)

        pltpu.sync_copy(perm_v, perm_hbm)
        pltpu.sync_copy(bexp_v, bexp_hbm)


@functools.cache
def _route_v1():
    return pl.kernel(
        _route_body_v1,
        out_type=(
            jax.ShapeDtypeStruct((CAP,), jnp.int32),
            jax.ShapeDtypeStruct((NBPAD,), jnp.int32),
        ),
        mesh=_sc_mesh(),
        compiler_params=pltpu.CompilerParams(needs_layout_passes=False),
        scratch_types=[
            pltpu.VMEM((T,), jnp.int32),
            pltpu.VMEM((CAP,), jnp.int32),
            pltpu.VMEM((NBPAD,), jnp.int32),
        ],
    )


def _route_body_v2(assign_hbm, perm_hbm, bexp_hbm,
                   assign_v, toks_v, cnt_v, all_cnt_v, bexp_v, sh_cnt):
    cid = lax.axis_index("c")
    sid = lax.axis_index("s")

    @pl.when(cid == 0)
    def _():
        lanes = lax.iota(jnp.int32, L16)
        fill = jnp.full((L16,), T, jnp.int32)

        @pl.when(sid < E)
        def _():
            pltpu.sync_copy(assign_hbm, assign_v)
            def fill_body(j, carry):
                plsc.store_scatter(toks_v, [j * L16 + lanes], fill)
                return carry

            lax.fori_loop(0, (T + BLK) // L16, fill_body, jnp.int32(0))

            def scan_body(j, cnt):
                idx = j * L16 + lanes
                a = plsc.load_gather(assign_v, [idx])
                m = a == sid
                mi = m.astype(jnp.int32)
                rank = plsc.cumsum(mi) - mi
                plsc.store_scatter(toks_v, [cnt + rank], idx, mask=m)
                return cnt + jnp.sum(mi)

            cnt = lax.fori_loop(0, T // L16, scan_body, jnp.int32(0))
            plsc.store_scatter(cnt_v, [lanes],
                              jnp.full((L16,), cnt, jnp.int32))
            pltpu.sync_copy(cnt_v, sh_cnt.at[sid])

        plsc.subcore_barrier()
        pltpu.sync_copy(sh_cnt, all_cnt_v)
        counts = [
            jnp.sum(plsc.load_gather(
                all_cnt_v, [jnp.full((L16,), e, jnp.int32), lanes])
                * (lanes == 0).astype(jnp.int32)) for e in range(E)]
        nblks = [(c + BLK - 1) // BLK for c in counts]
        starts = []
        cur = jnp.int32(0)
        for e in range(E):
            starts.append(cur)
            cur = cur + nblks[e] * BLK

        @pl.when(sid < E)
        def _():
            def out_body(k, carry):
                src_off = pl.multiple_of(k * BLK, BLK)
                dst_off = pl.multiple_of(_pick(starts, sid) + k * BLK, BLK)
                pltpu.sync_copy(
                    toks_v.at[pl.ds(src_off, BLK)],
                    perm_hbm.at[pl.ds(dst_off, BLK)])
                return carry

            lax.fori_loop(0, _pick(nblks, sid), out_body, jnp.int32(0))

        @pl.when(sid == E)
        def _():
            def fill_body(j, carry):
                plsc.store_scatter(toks_v, [j * L16 + lanes], fill)
                return carry

            lax.fori_loop(0, BLK // L16, fill_body, jnp.int32(0))

            def tail_body(k, carry):
                dst_off = pl.multiple_of(cur + k * BLK, BLK)
                pltpu.sync_copy(
                    toks_v.at[pl.ds(0, BLK)],
                    perm_hbm.at[pl.ds(dst_off, BLK)])
                return carry

            lax.fori_loop(0, (CAP - cur) // BLK, tail_body, jnp.int32(0))

            ends = []
            run = jnp.int32(0)
            for e in range(E):
                run = run + nblks[e] * BLK
                ends.append(run)
            for v in range(NBPAD // L16):
                bidx = v * L16 + lanes
                bstart = bidx * BLK
                eid = jnp.zeros((L16,), jnp.int32)
                for e in range(E - 1):
                    eid = eid + (bstart >= ends[e]).astype(jnp.int32)
                plsc.store_scatter(bexp_v, [bidx], eid)
            pltpu.sync_copy(bexp_v, bexp_hbm)


def _pick(vals, sel):
    out = vals[0]
    for i in range(1, len(vals)):
        out = jnp.where(sel == i, vals[i], out)
    return out


@functools.cache
def _route_v2():
    return pl.kernel(
        _route_body_v2,
        out_type=(
            jax.ShapeDtypeStruct((CAP,), jnp.int32),
            jax.ShapeDtypeStruct((NBPAD,), jnp.int32),
        ),
        mesh=_sc_mesh(),
        compiler_params=pltpu.CompilerParams(needs_layout_passes=False),
        scratch_types=[
            pltpu.VMEM((T,), jnp.int32),
            pltpu.VMEM((T + BLK,), jnp.int32),
            pltpu.VMEM((L16,), jnp.int32),
            pltpu.VMEM((E, L16), jnp.int32),
            pltpu.VMEM((NBPAD,), jnp.int32),
            pltpu.VMEM_SHARED((E, L16), jnp.int32),
        ],
    )


def _route_body(assign_hbm, perm_hbm, bexp_hbm,
                assign_v, fill_v, cnt_v, all_cnt_v, pos_v, val_v, bexp_v,
                sh_cnt):
    cid = lax.axis_index("c")
    sid = lax.axis_index("s")

    @pl.when(cid == 0)
    def _():
        lanes = lax.iota(jnp.int32, L16)
        base = sid * TPT
        pltpu.sync_copy(assign_hbm.at[pl.ds(base, TPT)], assign_v)

        fill = jnp.full((L16,), T, jnp.int32)
        for j in range(SPT // L16):
            plsc.store_scatter(fill_v, [j * L16 + lanes], fill)
        pltpu.sync_copy(fill_v, perm_hbm.at[pl.ds(sid * SPT, SPT)])

        avs = [plsc.load_gather(assign_v, [j * L16 + lanes])
               for j in range(TPT // L16)]
        cnts = []
        for e in range(E):
            c = jnp.int32(0)
            for a in avs:
                c = c + jnp.sum((a == e).astype(jnp.int32))
            cnts.append(c)
        cnt_vec = jnp.zeros((L16,), jnp.int32)
        for e in range(E):
            cnt_vec = jnp.where(lanes == e, cnts[e], cnt_vec)
        plsc.store_scatter(cnt_v, [lanes], cnt_vec)
        pltpu.sync_copy(cnt_v, sh_cnt.at[sid])
        plsc.subcore_barrier()

        pltpu.sync_copy(sh_cnt, all_cnt_v)
        acc = jnp.zeros((L16,), jnp.int32)
        pref = jnp.zeros((L16,), jnp.int32)
        for wp in range(NS):
            row = plsc.load_gather(
                all_cnt_v, [jnp.full((L16,), wp, jnp.int32), lanes])
            pref = jnp.where(jnp.full((L16,), wp, jnp.int32) == sid,
                             acc, pref)
            acc = acc + row
        padded = ((acc + BLK - 1) // BLK) * BLK
        pend = plsc.cumsum(padded)
        myoff = (pend - padded) + pref
        offs = [jnp.sum(jnp.where(lanes == e, myoff, 0))
                for e in range(E)]

        runs = [jnp.int32(0)] * E
        for j in range(TPT // L16):
            a = avs[j]
            tok = base + j * L16 + lanes
            pos = jnp.zeros((L16,), jnp.int32)
            for e in range(E):
                m = a == e
                mi = m.astype(jnp.int32)
                rank = plsc.cumsum(mi) - mi
                pos = jnp.where(m, offs[e] + runs[e] + rank, pos)
                runs[e] = runs[e] + jnp.sum(mi)
            half = j // 8
            slot = (j % 8) * L16 + lanes
            plsc.store_scatter(pos_v, [jnp.full((L16,), half, jnp.int32),
                                       slot], pos)
            plsc.store_scatter(val_v, [jnp.full((L16,), half, jnp.int32),
                                       slot], tok)
        for h in range(TPT // 128):
            pltpu.sync_copy(val_v.at[h], perm_hbm.at[pos_v.at[h]])

        @pl.when(sid == 0)
        def _():
            ends = [jnp.sum(jnp.where(lanes == e, pend, 0))
                    for e in range(E - 1)]
            for v in range(NBPAD // L16):
                bidx = v * L16 + lanes
                bstart = bidx * BLK
                eid = jnp.zeros((L16,), jnp.int32)
                for e in range(E - 1):
                    eid = eid + (bstart >= ends[e]).astype(jnp.int32)
                plsc.store_scatter(bexp_v, [bidx], eid)
            pltpu.sync_copy(bexp_v, bexp_hbm)


@functools.cache
def _route():
    return pl.kernel(
        _route_body,
        out_type=(
            jax.ShapeDtypeStruct((CAP,), jnp.int32),
            jax.ShapeDtypeStruct((NBPAD,), jnp.int32),
        ),
        mesh=_sc_mesh(),
        compiler_params=pltpu.CompilerParams(needs_layout_passes=False),
        scratch_types=[
            pltpu.VMEM((TPT,), jnp.int32),
            pltpu.VMEM((SPT,), jnp.int32),
            pltpu.VMEM((L16,), jnp.int32),
            pltpu.VMEM((NS, L16), jnp.int32),
            pltpu.VMEM((TPT // 128, 128), jnp.int32),
            pltpu.VMEM((TPT // 128, 128), jnp.int32),
            pltpu.VMEM((NBPAD,), jnp.int32),
            pltpu.VMEM_SHARED((NS, L16), jnp.int32),
        ],
    )


@functools.cache
def _gather(nch):
    def body(x_hbm, perm2_hbm, xs_hbm, idx_v, rows_v, sem_i, sem_g, sem_w):
        cid = lax.axis_index("c")
        sid = lax.axis_index("s")
        wid = sid * NC + cid
        lanes = lax.iota(jnp.int32, L16)

        ci = [pltpu.async_copy(perm2_hbm.at[wid * nch + c], idx_v.at[c],
                               sem_i.at[c])
              for c in range(nch)]
        cg = [None] * nch
        cw = [None] * nch
        for c in range(nch):
            ci[c].wait()
            for j in range((CR + L16 - 1) // L16):
                ii = jnp.minimum(j * L16 + lanes, CR - 1)
                cc = jnp.full((L16,), c, jnp.int32)
                v = plsc.load_gather(idx_v, [cc, ii])
                plsc.store_scatter(idx_v, [cc, ii], jnp.minimum(v, T - 1))
            cg[c] = pltpu.async_copy(x_hbm.at[idx_v.at[c]], rows_v.at[c],
                                     sem_g.at[c])
        for c in range(nch):
            cg[c].wait()
            cw[c] = pltpu.async_copy(rows_v.at[c], xs_hbm.at[wid, c],
                                     sem_w.at[c])
        for c in range(nch):
            cw[c].wait()

    return pl.kernel(
        body,
        out_type=jax.ShapeDtypeStruct((NW, nch, CR, D2), jnp.int32),
        mesh=_sc_mesh(),
        compiler_params=pltpu.CompilerParams(needs_layout_passes=False),
        scratch_types=[
            pltpu.VMEM((nch, CR), jnp.int32),
            pltpu.VMEM((nch, CR, D2), jnp.int32),
            pltpu.SemaphoreType.DMA((nch,)),
            pltpu.SemaphoreType.DMA((nch,)),
            pltpu.SemaphoreType.DMA((nch,)),
        ],
    )


def _mm_body(bexp_ref, xs_ref, ew_ref, eb_ref, ow_ref, ob_ref, out_ref,
             ewb_scr, owb_scr):
    i = pl.program_id(0)

    @pl.when(i == 0)
    def _():
        owb_scr[...] = ow_ref[...].astype(jnp.bfloat16)

    prev = bexp_ref[jnp.maximum(i - 1, 0)]

    @pl.when(jnp.logical_or(i == 0, bexp_ref[i] != prev))
    def _():
        ewb_scr[...] = ew_ref[0].astype(jnp.bfloat16)

    w = xs_ref[...]
    xb = jnp.concatenate(
        [_unpack_lo(w), _unpack_hi(w)], axis=1).astype(jnp.bfloat16)
    h = lax.dot_general(
        xb, ewb_scr[...], (((1,), (1,)), ((), ())),
        preferred_element_type=jnp.float32)
    h = (h + eb_ref[0]).astype(jnp.bfloat16)
    o = lax.dot_general(
        h, owb_scr[...], (((1,), (1,)), ((), ())),
        preferred_element_type=jnp.float32)
    o = o + ob_ref[...]
    out_ref[...] = _pack_pair(o[:, :OD2], o[:, OD2:])


def _mm(bexp, xs, expert_W, expert_b, out_W, out_b):
    nblk = xs.shape[0] // BLK
    return pl.pallas_call(
        _mm_body,
        grid_spec=pltpu.PrefetchScalarGridSpec(
            num_scalar_prefetch=1,
            grid=(nblk,),
            in_specs=[
                pl.BlockSpec((BLK, D2), lambda i, b: (i, 0)),
                pl.BlockSpec((1, ED, D), lambda i, b: (b[i], 0, 0)),
                pl.BlockSpec((1, 1, ED), lambda i, b: (b[i], 0, 0)),
                pl.BlockSpec((OD, ED), lambda i, b: (0, 0)),
                pl.BlockSpec((1, OD), lambda i, b: (0, 0)),
            ],
            out_specs=pl.BlockSpec((BLK, OD2), lambda i, b: (i, 0)),
            scratch_shapes=[
                pltpu.VMEM((ED, D), jnp.bfloat16),
                pltpu.VMEM((OD, ED), jnp.bfloat16),
            ],
        ),
        out_shape=jax.ShapeDtypeStruct((xs.shape[0], OD2), jnp.int32),
        compiler_params=pltpu.CompilerParams(
            dimension_semantics=("arbitrary",)),
    )(bexp, xs, expert_W, expert_b.reshape(E, 1, ED), out_W,
      out_b.reshape(1, OD))


def _unpack_body(op_ref, out_ref):
    w = op_ref[...]
    out_ref[...] = jnp.concatenate([_unpack_lo(w), _unpack_hi(w)], axis=1)


def _unpack_out(opad):
    blk = 512
    return pl.pallas_call(
        _unpack_body,
        grid=(T // blk,),
        in_specs=[pl.BlockSpec((blk, OD2), lambda i: (i, 0))],
        out_specs=pl.BlockSpec((blk, OD), lambda i: (i, 0)),
        out_shape=jax.ShapeDtypeStruct((T, OD), jnp.float32),
    )(opad)


def _scatter_body(ys0_hbm, ys1_hbm, perm2_hbm, opad_hbm, idx_v, rows_v,
                  sem_i, sem_r, sem_s):
    cid = lax.axis_index("c")
    sid = lax.axis_index("s")
    wid = sid * NC + cid

    ci = [pltpu.async_copy(perm2_hbm.at[wid * CHUNKS + c], idx_v.at[c],
                           sem_i.at[c])
          for c in range(CHUNKS)]

    @pl.when(wid < NS)
    def _():
        cr = [pltpu.async_copy(ys0_hbm.at[wid, c], rows_v.at[c],
                               sem_r.at[c])
              for c in range(CHUNKS)]
        for d in cr:
            d.wait()

    @pl.when(wid >= NS)
    def _():
        cr = [pltpu.async_copy(ys1_hbm.at[wid - NS, c], rows_v.at[c],
                               sem_r.at[c])
              for c in range(CHUNKS)]
        for d in cr:
            d.wait()

    cs = [None] * CHUNKS
    for c in range(CHUNKS):
        ci[c].wait()
        cs[c] = pltpu.async_copy(rows_v.at[c], opad_hbm.at[idx_v.at[c]],
                                 sem_s.at[c])
    for c in range(CHUNKS):
        cs[c].wait()


@functools.cache
def _scatter():
    return pl.kernel(
        _scatter_body,
        out_type=jax.ShapeDtypeStruct((T + 8, OD2), jnp.int32),
        mesh=_sc_mesh(),
        compiler_params=pltpu.CompilerParams(needs_layout_passes=False),
        scratch_types=[
            pltpu.VMEM((CHUNKS, CR), jnp.int32),
            pltpu.VMEM((CHUNKS, CR, OD2), jnp.int32),
            pltpu.SemaphoreType.DMA((CHUNKS,)),
            pltpu.SemaphoreType.DMA((CHUNKS,)),
            pltpu.SemaphoreType.DMA((CHUNKS,)),
        ],
    )


def kernel(x, gate_W, gate_b, expert_W, expert_b, out_W, out_b):
    assert x.shape == (B, S, D)
    assert expert_W.shape == (E, ED, D)
    assert out_W.shape == (OD, ED)

    xf = x.reshape(T, D)
    assign, xp = _gate(xf, gate_W, gate_b)
    perm, bexp = _route_v2()(assign)
    half = CAP // 2
    nbh = NB // 2
    xs0 = _gather(2)(xp, perm[:half].reshape(NW * 2, CR))
    xs1 = _gather(2)(xp, perm[half:].reshape(NW * 2, CR))
    ys0 = _mm(bexp[:nbh], xs0.reshape(half, D2), expert_W, expert_b,
              out_W, out_b)
    ys1 = _mm(bexp[nbh:2 * nbh], xs1.reshape(half, D2), expert_W,
              expert_b, out_W, out_b)
    opad = _scatter()(ys0.reshape(NS, CHUNKS, CR, OD2),
                      ys1.reshape(NS, CHUNKS, CR, OD2),
                      perm.reshape(NW * CHUNKS, CR))
    return _unpack_out(opad).reshape(B, S, OD)

# --- scband reference (transcript-rebuilt; emitter-appended) ---
"""Pipeline reference for scband-mo-elayer-79637283602980 (READ-ONLY COPY).

The authoritative reference and input builder live on the scoring server;
editing this copy changes nothing except your own understanding.
"""

import jax, jax.numpy as jnp
import numpy as np

B, S, D = 2, 2048, 768
E, ED, OD = 8, 1024, 768

def setup_inputs(seed: int = 0):
    key = jax.random.key(seed)
    ks = jax.random.split(key, 8)
    x = jax.random.normal(ks[0], (B, S, D), dtype=jnp.float32)
    gate_W = jax.random.normal(ks[1], (E, D), dtype=jnp.float32) * 0.02
    gate_b = jnp.zeros((E,), dtype=jnp.float32)
    expert_W = jax.random.normal(ks[2], (E, ED, D), dtype=jnp.float32) * 0.02
    expert_b = jnp.zeros((E, ED), dtype=jnp.float32)
    out_W = jax.random.normal(ks[3], (OD, ED), dtype=jnp.float32) * 0.02
    out_b = jnp.zeros((OD,), dtype=jnp.float32)
    return {"x": x, "gate_W": gate_W, "gate_b": gate_b, "expert_W": expert_W, "expert_b": expert_b, "out_W": out_W, "out_b": out_b}

def reference(x, gate_W, gate_b, expert_W, expert_b, out_W, out_b):
    b, s, _ = x.shape
    num_experts = expert_W.shape[0]
    # gate: softmax over experts, then hard top-1 assignment via argmax (as in torch)
    gate_scores = jax.nn.softmax(x @ gate_W.T + gate_b, axis=-1)
    assign = jnp.argmax(gate_scores, axis=-1)  # [B, S] int
    onehot = jax.nn.one_hot(assign, num_experts, dtype=x.dtype)  # [B, S, E]
    # compute every expert's linear on all tokens, then select the assigned one.
    # This is mathematically identical to torch's masked gather/scatter:
    # final_output[mask_i] = experts[i](x[mask_i]) for each expert i.
    all_expert = jnp.einsum('bsd,eod->bseo', x, expert_W) + expert_b  # [B, S, E, ED]
    final = jnp.einsum('bseo,bse->bso', all_expert, onehot)  # [B, S, ED]
    out = final.reshape(-1, final.shape[-1]) @ out_W.T + out_b
    return out.reshape(b, s, -1)

if __name__ == "__main__":
    import jax
    _d = setup_inputs()
    print(jax.jit(kernel)(*tuple(_d.values())))

</pallas_src>

<mosaic_0001>
#map = affine_map<(d0, d1) -> (0, 0, 0, 0)>
#map1 = affine_map<(d0, d1) -> (0, 0)>
module attributes {stable_mosaic.version = 14 : i64} {
  func.func @_scatter_body(%arg0: i32, %arg1: i32, %arg2: memref<16x4x40x384xi32, #tpu.memory_space<hbm>>, %arg3: memref<16x4x40x384xi32, #tpu.memory_space<hbm>>, %arg4: memref<128x40xi32, #tpu.memory_space<hbm>>, %arg5: memref<4104x384xi32, #tpu.memory_space<hbm>>, %arg6: memref<4x40xi32, #tpu.memory_space<vmem>>, %arg7: memref<4x40x384xi32, #tpu.memory_space<vmem>>, %arg8: memref<4x!tpu.dma_semaphore, #tpu.memory_space<semaphore_mem>>, %arg9: memref<4x!tpu.dma_semaphore, #tpu.memory_space<semaphore_mem>>, %arg10: memref<4x!tpu.dma_semaphore, #tpu.memory_space<semaphore_mem>>) attributes {dimension_semantics = [#tpu.dimension_semantics<core_parallel>, #tpu.dimension_semantics<subcore_parallel>], iteration_bounds = array<i64: 2, 16>, scalar_prefetch = 0 : i64, scratch_operands = 5 : i64, tpu.core_type = #tpu.core_type<sc_vector_subcore>, window_params = [{transform_indices = #map}, {transform_indices = #map}, {transform_indices = #map1}, {transform_indices = #map1}]} {
    %mul3A = arith.constant 2 : i32
    %mul3A_0 = arith.muli %arg1, %mul3A : i32
    %add3A = arith.addi %mul3A_0, %arg0 : i32
    %mul3A_1 = arith.constant 4 : i32
    %mul3A_2 = arith.muli %add3A, %mul3A_1 : i32
    %add3A_3 = arith.constant 0 : i32
    %add3A_4 = arith.addi %mul3A_2, %add3A_3 : i32
    %dma_start3A = arith.constant 0 : i32
    %dma_start3A_5 = arith.constant 0 : i32
    %dma_start3A_6 = arith.constant 0 : i32
    %dma_start3A_7 = tpu.memref_slice %arg6[%dma_start3A, %dma_start3A_6] : memref<4x40xi32, #tpu.memory_space<vmem>> -> memref<1x40xi32, #tpu.memory_space<vmem>>
    %dma_start3A_8 = tpu.memref_squeeze %dma_start3A_7 : memref<1x40xi32, #tpu.memory_space<vmem>> -> memref<40xi32, #tpu.memory_space<vmem>>
    %dma_start3A_9 = arith.constant 0 : i32
    %dma_start3A_10 = tpu.memref_slice %arg4[%add3A_4, %dma_start3A_9] : memref<128x40xi32, #tpu.memory_space<hbm>> -> memref<1x40xi32, #tpu.memory_space<hbm>>
    %dma_start3A_11 = tpu.memref_squeeze %dma_start3A_10 : memref<1x40xi32, #tpu.memory_space<hbm>> -> memref<40xi32, #tpu.memory_space<hbm>>
    %dma_start3A_12 = tpu.memref_slice %arg8[%dma_start3A_5] : memref<4x!tpu.dma_semaphore, #tpu.memory_space<semaphore_mem>> -> memref<1x!tpu.dma_semaphore, #tpu.memory_space<semaphore_mem>>
    %dma_start3A_13 = tpu.memref_squeeze %dma_start3A_12 : memref<1x!tpu.dma_semaphore, #tpu.memory_space<semaphore_mem>> -> memref<!tpu.dma_semaphore, #tpu.memory_space<semaphore_mem>>
    %dma_start3A_14 = arith.constant 0 : i32
    %dma_start3A_15 = tpu.memref_slice %arg6[%dma_start3A, %dma_start3A_14] : memref<4x40xi32, #tpu.memory_space<vmem>> -> memref<1x40xi32, #tpu.memory_space<vmem>>
    %dma_start3A_16 = tpu.memref_squeeze %dma_start3A_15 : memref<1x40xi32, #tpu.memory_space<vmem>> -> memref<40xi32, #tpu.memory_space<vmem>>
    %dma_start3A_17 = arith.constant 0 : i32
    %dma_start3A_18 = tpu.memref_slice %arg4[%add3A_4, %dma_start3A_17] : memref<128x40xi32, #tpu.memory_space<hbm>> -> memref<1x40xi32, #tpu.memory_space<hbm>>
    %dma_start3A_19 = tpu.memref_squeeze %dma_start3A_18 : memref<1x40xi32, #tpu.memory_space<hbm>> -> memref<40xi32, #tpu.memory_space<hbm>>
    tpu.enqueue_dma source(%dma_start3A_19 : memref<40xi32, #tpu.memory_space<hbm>>) target(%dma_start3A_16 : memref<40xi32, #tpu.memory_space<vmem>>) target_semaphore(%dma_start3A_13 : memref<!tpu.dma_semaphore, #tpu.memory_space<semaphore_mem>>)
    %mul3A_20 = arith.constant 4 : i32
    %mul3A_21 = arith.muli %add3A, %mul3A_20 : i32
    %add3A_22 = arith.constant 1 : i32
    %add3A_23 = arith.addi %mul3A_21, %add3A_22 : i32
    %dma_start3A_24 = arith.constant 1 : i32
    %dma_start3A_25 = arith.constant 1 : i32
    %dma_start3A_26 = arith.constant 0 : i32
    %dma_start3A_27 = tpu.memref_slice %arg6[%dma_start3A_24, %dma_start3A_26] : memref<4x40xi32, #tpu.memory_space<vmem>> -> memref<1x40xi32, #tpu.memory_space<vmem>>
    %dma_start3A_28 = tpu.memref_squeeze %dma_start3A_27 : memref<1x40xi32, #tpu.memory_space<vmem>> -> memref<40xi32, #tpu.memory_space<vmem>>
    %dma_start3A_29 = arith.constant 0 : i32
    %dma_start3A_30 = tpu.memref_slice %arg4[%add3A_23, %dma_start3A_29] : memref<128x40xi32, #tpu.memory_space<hbm>> -> memref<1x40xi32, #tpu.memory_space<hbm>>
    %dma_start3A_31 = tpu.memref_squeeze %dma_start3A_30 : memref<1x40xi32, #tpu.memory_space<hbm>> -> memref<40xi32, #tpu.memory_space<hbm>>
    %dma_start3A_32 = tpu.memref_slice %arg8[%dma_start3A_25] : memref<4x!tpu.dma_semaphore, #tpu.memory_space<semaphore_mem>> -> memref<1x!tpu.dma_semaphore, #tpu.memory_space<semaphore_mem>>
    %dma_start3A_33 = tpu.memref_squeeze %dma_start3A_32 : memref<1x!tpu.dma_semaphore, #tpu.memory_space<semaphore_mem>> -> memref<!tpu.dma_semaphore, #tpu.memory_space<semaphore_mem>>
    %dma_start3A_34 = arith.constant 0 : i32
    %dma_start3A_35 = tpu.memref_slice %arg6[%dma_start3A_24, %dma_start3A_34] : memref<4x40xi32, #tpu.memory_space<vmem>> -> memref<1x40xi32, #tpu.memory_space<vmem>>
    %dma_start3A_36 = tpu.memref_squeeze %dma_start3A_35 : memref<1x40xi32, #tpu.memory_space<vmem>> -> memref<40xi32, #tpu.memory_space<vmem>>
    %dma_start3A_37 = arith.constant 0 : i32
    %dma_start3A_38 = tpu.memref_slice %arg4[%add3A_23, %dma_start3A_37] : memref<128x40xi32, #tpu.memory_space<hbm>> -> memref<1x40xi32, #tpu.memory_space<hbm>>
    %dma_start3A_39 = tpu.memref_squeeze %dma_start3A_38 : memref<1x40xi32, #tpu.memory_space<hbm>> -> memref<40xi32, #tpu.memory_space<hbm>>
    tpu.enqueue_dma source(%dma_start3A_39 : memref<40xi32, #tpu.memory_space<hbm>>) target(%dma_start3A_36 : memref<40xi32, #tpu.memory_space<vmem>>) target_semaphore(%dma_start3A_33 : memref<!tpu.dma_semaphore, #tpu.memory_space<semaphore_mem>>)
    %mul3A_40 = arith.constant 4 : i32
    %mul3A_41 = arith.muli %add3A, %mul3A_40 : i32
    %add3A_42 = arith.constant 2 : i32
    %add3A_43 = arith.addi %mul3A_41, %add3A_42 : i32
    %dma_start3A_44 = arith.constant 2 : i32
    %dma_start3A_45 = arith.constant 2 : i32
    %dma_start3A_46 = arith.constant 0 : i32
    %dma_start3A_47 = tpu.memref_slice %arg6[%dma_start3A_44, %dma_start3A_46] : memref<4x40xi32, #tpu.memory_space<vmem>> -> memref<1x40xi32, #tpu.memory_space<vmem>>
    %dma_start3A_48 = tpu.memref_squeeze %dma_start3A_47 : memref<1x40xi32, #tpu.memory_space<vmem>> -> memref<40xi32, #tpu.memory_space<vmem>>
    %dma_start3A_49 = arith.constant 0 : i32
    %dma_start3A_50 = tpu.memref_slice %arg4[%add3A_43, %dma_start3A_49] : memref<128x40xi32, #tpu.memory_space<hbm>> -> memref<1x40xi32, #tpu.memory_space<hbm>>
    %dma_start3A_51 = tpu.memref_squeeze %dma_start3A_50 : memref<1x40xi32, #tpu.memory_space<hbm>> -> memref<40xi32, #tpu.memory_space<hbm>>
    %dma_start3A_52 = tpu.memref_slice %arg8[%dma_start3A_45] : memref<4x!tpu.dma_semaphore, #tpu.memory_space<semaphore_mem>> -> memref<1x!tpu.dma_semaphore, #tpu.memory_space<semaphore_mem>>
    %dma_start3A_53 = tpu.memref_squeeze %dma_start3A_52 : memref<1x!tpu.dma_semaphore, #tpu.memory_space<semaphore_mem>> -> memref<!tpu.dma_semaphore, #tpu.memory_space<semaphore_mem>>
    %dma_start3A_54 = arith.constant 0 : i32
    %dma_start3A_55 = tpu.memref_slice %arg6[%dma_start3A_44, %dma_start3A_54] : memref<4x40xi32, #tpu.memory_space<vmem>> -> memref<1x40xi32, #tpu.memory_space<vmem>>
    %dma_start3A_56 = tpu.memref_squeeze %dma_start3A_55 : memref<1x40xi32, #tpu.memory_space<vmem>> -> memref<40xi32, #tpu.memory_space<vmem>>
    %dma_start3A_57 = arith.constant 0 : i32
    %dma_start3A_58 = tpu.memref_slice %arg4[%add3A_43, %dma_start3A_57] : memref<128x40xi32, #tpu.memory_space<hbm>> -> memref<1x40xi32, #tpu.memory_space<hbm>>
    %dma_start3A_59 = tpu.memref_squeeze %dma_start3A_58 : memref<1x40xi32, #tpu.memory_space<hbm>> -> memref<40xi32, #tpu.memory_space<hbm>>
    tpu.enqueue_dma source(%dma_start3A_59 : memref<40xi32, #tpu.memory_space<hbm>>) target(%dma_start3A_56 : memref<40xi32, #tpu.memory_space<vmem>>) target_semaphore(%dma_start3A_53 : memref<!tpu.dma_semaphore, #tpu.memory_space<semaphore_mem>>)
    %mul3A_60 = arith.constant 4 : i32
    %mul3A_61 = arith.muli %add3A, %mul3A_60 : i32
    %add3A_62 = arith.constant 3 : i32
    %add3A_63 = arith.addi %mul3A_61, %add3A_62 : i32
    %dma_start3A_64 = arith.constant 3 : i32
    %dma_start3A_65 = arith.constant 3 : i32
    %dma_start3A_66 = arith.constant 0 : i32
    %dma_start3A_67 = tpu.memref_slice %arg6[%dma_start3A_64, %dma_start3A_66] : memref<4x40xi32, #tpu.memory_space<vmem>> -> memref<1x40xi32, #tpu.memory_space<vmem>>
    %dma_start3A_68 = tpu.memref_squeeze %dma_start3A_67 : memref<1x40xi32, #tpu.memory_space<vmem>> -> memref<40xi32, #tpu.memory_space<vmem>>
    %dma_start3A_69 = arith.constant 0 : i32
    %dma_start3A_70 = tpu.memref_slice %arg4[%add3A_63, %dma_start3A_69] : memref<128x40xi32, #tpu.memory_space<hbm>> -> memref<1x40xi32, #tpu.memory_space<hbm>>
    %dma_start3A_71 = tpu.memref_squeeze %dma_start3A_70 : memref<1x40xi32, #tpu.memory_space<hbm>> -> memref<40xi32, #tpu.memory_space<hbm>>
    %dma_start3A_72 = tpu.memref_slice %arg8[%dma_start3A_65] : memref<4x!tpu.dma_semaphore, #tpu.memory_space<semaphore_mem>> -> memref<1x!tpu.dma_semaphore, #tpu.memory_space<semaphore_mem>>
    %dma_start3A_73 = tpu.memref_squeeze %dma_start3A_72 : memref<1x!tpu.dma_semaphore, #tpu.memory_space<semaphore_mem>> -> memref<!tpu.dma_semaphore, #tpu.memory_space<semaphore_mem>>
    %dma_start3A_74 = arith.constant 0 : i32
    %dma_start3A_75 = tpu.memref_slice %arg6[%dma_start3A_64, %dma_start3A_74] : memref<4x40xi32, #tpu.memory_space<vmem>> -> memref<1x40xi32, #tpu.memory_space<vmem>>
    %dma_start3A_76 = tpu.memref_squeeze %dma_start3A_75 : memref<1x40xi32, #tpu.memory_space<vmem>> -> memref<40xi32, #tpu.memory_space<vmem>>
    %dma_start3A_77 = arith.constant 0 : i32
    %dma_start3A_78 = tpu.memref_slice %arg4[%add3A_63, %dma_start3A_77] : memref<128x40xi32, #tpu.memory_space<hbm>> -> memref<1x40xi32, #tpu.memory_space<hbm>>
    %dma_start3A_79 = tpu.memref_squeeze %dma_start3A_78 : memref<1x40xi32, #tpu.memory_space<hbm>> -> memref<40xi32, #tpu.memory_space<hbm>>
    tpu.enqueue_dma source(%dma_start3A_79 : memref<40xi32, #tpu.memory_space<hbm>>) target(%dma_start3A_76 : memref<40xi32, #tpu.memory_space<vmem>>) target_semaphore(%dma_start3A_73 : memref<!tpu.dma_semaphore, #tpu.memory_space<semaphore_mem>>)
    %lt3A = arith.constant 16 : i32
    %lt3A_80 = arith.cmpi slt, %add3A, %lt3A : i32
    %convert_element_type3A = arith.extui %lt3A_80 : i1 to i32
    %cond3A = arith.constant 0 : i32
    %cond3A_81 = arith.cmpi ne, %convert_element_type3A, %cond3A : i32
    scf.if %cond3A_81 {
      %dma_start3A_269 = arith.constant 0 : i32
      %dma_start3A_270 = arith.constant 0 : i32
      %dma_start3A_271 = arith.constant 0 : i32
      %dma_start3A_272 = arith.constant 0 : i32
      %dma_start3A_273 = arith.constant 0 : i32
      %dma_start3A_274 = tpu.memref_slice %arg7[%dma_start3A_270, %dma_start3A_272, %dma_start3A_273] : memref<4x40x384xi32, #tpu.memory_space<vmem>> -> memref<1x40x384xi32, #tpu.memory_space<vmem>>
      %dma_start3A_275 = tpu.memref_squeeze %dma_start3A_274 : memref<1x40x384xi32, #tpu.memory_space<vmem>> -> memref<40x384xi32, #tpu.memory_space<vmem>>
      %dma_start3A_276 = arith.constant 0 : i32
      %dma_start3A_277 = arith.constant 0 : i32
      %dma_start3A_278 = tpu.memref_slice %arg2[%add3A, %dma_start3A_269, %dma_start3A_276, %dma_start3A_277] : memref<16x4x40x384xi32, #tpu.memory_space<hbm>> -> memref<1x1x40x384xi32, #tpu.memory_space<hbm>>
      %dma_start3A_279 = tpu.memref_squeeze %dma_start3A_278 : memref<1x1x40x384xi32, #tpu.memory_space<hbm>> -> memref<40x384xi32, #tpu.memory_space<hbm>>
      %dma_start3A_280 = tpu.memref_slice %arg9[%dma_start3A_271] : memref<4x!tpu.dma_semaphore, #tpu.memory_space<semaphore_mem>> -> memref<1x!tpu.dma_semaphore, #tpu.memory_space<semaphore_mem>>
      %dma_start3A_281 = tpu.memref_squeeze %dma_start3A_280 : memref<1x!tpu.dma_semaphore, #tpu.memory_space<semaphore_mem>> -> memref<!tpu.dma_semaphore, #tpu.memory_space<semaphore_mem>>
      %dma_start3A_282 = arith.constant 0 : i32
      %dma_start3A_283 = arith.constant 0 : i32
      %dma_start3A_284 = tpu.memref_slice %arg7[%dma_start3A_270, %dma_start3A_282, %dma_start3A_283] : memref<4x40x384xi32, #tpu.memory_space<vmem>> -> memref<1x40x384xi32, #tpu.memory_space<vmem>>
      %dma_start3A_285 = tpu.memref_squeeze %dma_start3A_284 : memref<1x40x384xi32, #tpu.memory_space<vmem>> -> memref<40x384xi32, #tpu.memory_space<vmem>>
      %dma_start3A_286 = arith.constant 0 : i32
      %dma_start3A_287 = arith.constant 0 : i32
      %dma_start3A_288 = tpu.memref_slice %arg2[%add3A, %dma_start3A_269, %dma_start3A_286, %dma_start3A_287] : memref<16x4x40x384xi32, #tpu.memory_space<hbm>> -> memref<1x1x40x384xi32, #tpu.memory_space<hbm>>
      %dma_start3A_289 = tpu.memref_squeeze %dma_start3A_288 : memref<1x1x40x384xi32, #tpu.memory_space<hbm>> -> memref<40x384xi32, #tpu.memory_space<hbm>>
      tpu.enqueue_dma source(%dma_start3A_289 : memref<40x384xi32, #tpu.memory_space<hbm>>) target(%dma_start3A_285 : memref<40x384xi32, #tpu.memory_space<vmem>>) target_semaphore(%dma_start3A_281 : memref<!tpu.dma_semaphore, #tpu.memory_space<semaphore_mem>>)
      %dma_start3A_290 = arith.constant 1 : i32
      %dma_start3A_291 = arith.constant 1 : i32
      %dma_start3A_292 = arith.constant 1 : i32
      %dma_start3A_293 = arith.constant 0 : i32
      %dma_start3A_294 = arith.constant 0 : i32
      %dma_start3A_295 = tpu.memref_slice %arg7[%dma_start3A_291, %dma_start3A_293, %dma_start3A_294] : memref<4x40x384xi32, #tpu.memory_space<vmem>> -> memref<1x40x384xi32, #tpu.memory_space<vmem>>
      %dma_start3A_296 = tpu.memref_squeeze %dma_start3A_295 : memref<1x40x384xi32, #tpu.memory_space<vmem>> -> memref<40x384xi32, #tpu.memory_space<vmem>>
      %dma_start3A_297 = arith.constant 0 : i32
      %dma_start3A_298 = arith.constant 0 : i32
      %dma_start3A_299 = tpu.memref_slice %arg2[%add3A, %dma_start3A_290, %dma_start3A_297, %dma_start3A_298] : memref<16x4x40x384xi32, #tpu.memory_space<hbm>> -> memref<1x1x40x384xi32, #tpu.memory_space<hbm>>
      %dma_start3A_300 = tpu.memref_squeeze %dma_start3A_299 : memref<1x1x40x384xi32, #tpu.memory_space<hbm>> -> memref<40x384xi32, #tpu.memory_space<hbm>>
      %dma_start3A_301 = tpu.memref_slice %arg9[%dma_start3A_292] : memref<4x!tpu.dma_semaphore, #tpu.memory_space<semaphore_mem>> -> memref<1x!tpu.dma_semaphore, #tpu.memory_space<semaphore_mem>>
      %dma_start3A_302 = tpu.memref_squeeze %dma_start3A_301 : memref<1x!tpu.dma_semaphore, #tpu.memory_space<semaphore_mem>> -> memref<!tpu.dma_semaphore, #tpu.memory_space<semaphore_mem>>
      %dma_start3A_303 = arith.constant 0 : i32
      %dma_start3A_304 = arith.constant 0 : i32
      %dma_start3A_305 = tpu.memref_slice %arg7[%dma_start3A_291, %dma_start3A_303, %dma_start3A_304] : memref<4x40x384xi32, #tpu.memory_space<vmem>> -> memref<1x40x384xi32, #tpu.memory_space<vmem>>
      %dma_start3A_306 = tpu.memref_squeeze %dma_start3A_305 : memref<1x40x384xi32, #tpu.memory_space<vmem>> -> memref<40x384xi32, #tpu.memory_space<vmem>>
      %dma_start3A_307 = arith.constant 0 : i32
      %dma_start3A_308 = arith.constant 0 : i32
      %dma_start3A_309 = tpu.memref_slice %arg2[%add3A, %dma_start3A_290, %dma_start3A_307, %dma_start3A_308] : memref<16x4x40x384xi32, #tpu.memory_space<hbm>> -> memref<1x1x40x384xi32, #tpu.memory_space<hbm>>
      %dma_start3A_310 = tpu.memref_squeeze %dma_start3A_309 : memref<1x1x40x384xi32, #tpu.memory_space<hbm>> -> memref<40x384xi32, #tpu.memory_space<hbm>>
      tpu.enqueue_dma source(%dma_start3A_310 : memref<40x384xi32, #tpu.memory_space<hbm>>) target(%dma_start3A_306 : memref<40x384xi32, #tpu.memory_space<vmem>>) target_semaphore(%dma_start3A_302 : memref<!tpu.dma_semaphore, #tpu.memory_space<semaphore_mem>>)
      %dma_start3A_311 = arith.constant 2 : i32
      %dma_start3A_312 = arith.constant 2 : i32
      %dma_start3A_313 = arith.constant 2 : i32
      %dma_start3A_314 = arith.constant 0 : i32
      %dma_start3A_315 = arith.constant 0 : i32
      %dma_start3A_316 = tpu.memref_slice %arg7[%dma_start3A_312, %dma_start3A_314, %dma_start3A_315] : memref<4x40x384xi32, #tpu.memory_space<vmem>> -> memref<1x40x384xi32, #tpu.memory_space<vmem>>
      %dma_start3A_317 = tpu.memref_squeeze %dma_start3A_316 : memref<1x40x384xi32, #tpu.memory_space<vmem>> -> memref<40x384xi32, #tpu.memory_space<vmem>>
      %dma_start3A_318 = arith.constant 0 : i32
      %dma_start3A_319 = arith.constant 0 : i32
      %dma_start3A_320 = tpu.memref_slice %arg2[%add3A, %dma_start3A_311, %dma_start3A_318, %dma_start3A_319] : memref<16x4x40x384xi32, #tpu.memory_space<hbm>> -> memref<1x1x40x384xi32, #tpu.memory_space<hbm>>
      %dma_start3A_321 = tpu.memref_squeeze %dma_start3A_320 : memref<1x1x40x384xi32, #tpu.memory_space<hbm>> -> memref<40x384xi32, #tpu.memory_space<hbm>>
      %dma_start3A_322 = tpu.memref_slice %arg9[%dma_start3A_313] : memref<4x!tpu.dma_semaphore, #tpu.memory_space<semaphore_mem>> -> memref<1x!tpu.dma_semaphore, #tpu.memory_space<semaphore_mem>>
      %dma_start3A_323 = tpu.memref_squeeze %dma_start3A_322 : memref<1x!tpu.dma_semaphore, #tpu.memory_space<semaphore_mem>> -> memref<!tpu.dma_semaphore, #tpu.memory_space<semaphore_mem>>
      %dma_start3A_324 = arith.constant 0 : i32
      %dma_start3A_325 = arith.constant 0 : i32
      %dma_start3A_326 = tpu.memref_slice %arg7[%dma_start3A_312, %dma_start3A_324, %dma_start3A_325] : memref<4x40x384xi32, #tpu.memory_space<vmem>> -> memref<1x40x384xi32, #tpu.memory_space<vmem>>
      %dma_start3A_327 = tpu.memref_squeeze %dma_start3A_326 : memref<1x40x384xi32, #tpu.memory_space<vmem>> -> memref<40x384xi32, #tpu.memory_space<vmem>>
      %dma_start3A_328 = arith.constant 0 : i32
      %dma_start3A_329 = arith.constant 0 : i32
      %dma_start3A_330 = tpu.memref_slice %arg2[%add3A, %dma_start3A_311, %dma_start3A_328, %dma_start3A_329] : memref<16x4x40x384xi32, #tpu.memory_space<hbm>> -> memref<1x1x40x384xi32, #tpu.memory_space<hbm>>
      %dma_start3A_331 = tpu.memref_squeeze %dma_start3A_330 : memref<1x1x40x384xi32, #tpu.memory_space<hbm>> -> memref<40x384xi32, #tpu.memory_space<hbm>>
      tpu.enqueue_dma source(%dma_start3A_331 : memref<40x384xi32, #tpu.memory_space<hbm>>) target(%dma_start3A_327 : memref<40x384xi32, #tpu.memory_space<vmem>>) target_semaphore(%dma_start3A_323 : memref<!tpu.dma_semaphore, #tpu.memory_space<semaphore_mem>>)
      %dma_start3A_332 = arith.constant 3 : i32
      %dma_start3A_333 = arith.constant 3 : i32
      %dma_start3A_334 = arith.constant 3 : i32
      %dma_start3A_335 = arith.constant 0 : i32
      %dma_start3A_336 = arith.constant 0 : i32
      %dma_start3A_337 = tpu.memref_slice %arg7[%dma_start3A_333, %dma_start3A_335, %dma_start3A_336] : memref<4x40x384xi32, #tpu.memory_space<vmem>> -> memref<1x40x384xi32, #tpu.memory_space<vmem>>
      %dma_start3A_338 = tpu.memref_squeeze %dma_start3A_337 : memref<1x40x384xi32, #tpu.memory_space<vmem>> -> memref<40x384xi32, #tpu.memory_space<vmem>>
      %dma_start3A_339 = arith.constant 0 : i32
      %dma_start3A_340 = arith.constant 0 : i32
      %dma_start3A_341 = tpu.memref_slice %arg2[%add3A, %dma_start3A_332, %dma_start3A_339, %dma_start3A_340] : memref<16x4x40x384xi32, #tpu.memory_space<hbm>> -> memref<1x1x40x384xi32, #tpu.memory_space<hbm>>
      %dma_start3A_342 = tpu.memref_squeeze %dma_start3A_341 : memref<1x1x40x384xi32, #tpu.memory_space<hbm>> -> memref<40x384xi32, #tpu.memory_space<hbm>>
      %dma_start3A_343 = tpu.memref_slice %arg9[%dma_start3A_334] : memref<4x!tpu.dma_semaphore, #tpu.memory_space<semaphore_mem>> -> memref<1x!tpu.dma_semaphore, #tpu.memory_space<semaphore_mem>>
      %dma_start3A_344 = tpu.memref_squeeze %dma_start3A_343 : memref<1x!tpu.dma_semaphore, #tpu.memory_space<semaphore_mem>> -> memref<!tpu.dma_semaphore, #tpu.memory_space<semaphore_mem>>
      %dma_start3A_345 = arith.constant 0 : i32
      %dma_start3A_346 = arith.constant 0 : i32
      %dma_start3A_347 = tpu.memref_slice %arg7[%dma_start3A_333, %dma_start3A_345, %dma_start3A_346] : memref<4x40x384xi32, #tpu.memory_space<vmem>> -> memref<1x40x384xi32, #tpu.memory_space<vmem>>
      %dma_start3A_348 = tpu.memref_squeeze %dma_start3A_347 : memref<1x40x384xi32, #tpu.memory_space<vmem>> -> memref<40x384xi32, #tpu.memory_space<vmem>>
      %dma_start3A_349 = arith.constant 0 : i32
      %dma_start3A_350 = arith.constant 0 : i32
      %dma_start3A_351 = tpu.memref_slice %arg2[%add3A, %dma_start3A_332, %dma_start3A_349, %dma_start3A_350] : memref<16x4x40x384xi32, #tpu.memory_space<hbm>> -> memref<1x1x40x384xi32, #tpu.memory_space<hbm>>
      %dma_start3A_352 = tpu.memref_squeeze %dma_start3A_351 : memref<1x1x40x384xi32, #tpu.memory_space<hbm>> -> memref<40x384xi32, #tpu.memory_space<hbm>>
      tpu.enqueue_dma source(%dma_start3A_352 : memref<40x384xi32, #tpu.memory_space<hbm>>) target(%dma_start3A_348 : memref<40x384xi32, #tpu.memory_space<vmem>>) target_semaphore(%dma_start3A_344 : memref<!tpu.dma_semaphore, #tpu.memory_space<semaphore_mem>>)
      %dma_wait3A_353 = arith.constant 0 : i32
      %dma_wait3A_354 = arith.constant 0 : i32
      %dma_wait3A_355 = arith.constant 0 : i32
      %dma_wait3A_356 = arith.constant 0 : i32
      %dma_wait3A_357 = arith.constant 0 : i32
      %dma_wait3A_358 = tpu.memref_slice %arg7[%dma_wait3A_354, %dma_wait3A_356, %dma_wait3A_357] : memref<4x40x384xi32, #tpu.memory_space<vmem>> -> memref<1x40x384xi32, #tpu.memory_space<vmem>>
      %dma_wait3A_359 = tpu.memref_squeeze %dma_wait3A_358 : memref<1x40x384xi32, #tpu.memory_space<vmem>> -> memref<40x384xi32, #tpu.memory_space<vmem>>
      %dma_wait3A_360 = arith.constant 0 : i32
      %dma_wait3A_361 = arith.constant 0 : i32
      %dma_wait3A_362 = tpu.memref_slice %arg2[%add3A, %dma_wait3A_353, %dma_wait3A_360, %dma_wait3A_361] : memref<16x4x40x384xi32, #tpu.memory_space<hbm>> -> memref<1x1x40x384xi32, #tpu.memory_space<hbm>>
      %dma_wait3A_363 = tpu.memref_squeeze %dma_wait3A_362 : memref<1x1x40x384xi32, #tpu.memory_space<hbm>> -> memref<40x384xi32, #tpu.memory_space<hbm>>
      %dma_wait3A_364 = tpu.memref_slice %arg9[%dma_wait3A_355] : memref<4x!tpu.dma_semaphore, #tpu.memory_space<semaphore_mem>> -> memref<1x!tpu.dma_semaphore, #tpu.memory_space<semaphore_mem>>
      %dma_wait3A_365 = tpu.memref_squeeze %dma_wait3A_364 : memref<1x!tpu.dma_semaphore, #tpu.memory_space<semaphore_mem>> -> memref<!tpu.dma_semaphore, #tpu.memory_space<semaphore_mem>>
      %dma_wait3A_366 = arith.constant 0 : i32
      %dma_wait3A_367 = arith.constant 0 : i32
      %dma_wait3A_368 = tpu.memref_slice %arg7[%dma_wait3A_354, %dma_wait3A_366, %dma_wait3A_367] : memref<4x40x384xi32, #tpu.memory_space<vmem>> -> memref<1x40x384xi32, #tpu.memory_space<vmem>>
      %dma_wait3A_369 = tpu.memref_squeeze %dma_wait3A_368 : memref<1x40x384xi32, #tpu.memory_space<vmem>> -> memref<40x384xi32, #tpu.memory_space<vmem>>
      %dma_wait3A_370 = arith.constant 0 : i32
      %dma_wait3A_371 = arith.constant 0 : i32
      %dma_wait3A_372 = tpu.memref_slice %arg2[%add3A, %dma_wait3A_353, %dma_wait3A_370, %dma_wait3A_371] : memref<16x4x40x384xi32, #tpu.memory_space<hbm>> -> memref<1x1x40x384xi32, #tpu.memory_space<hbm>>
      %dma_wait3A_373 = tpu.memref_squeeze %dma_wait3A_372 : memref<1x1x40x384xi32, #tpu.memory_space<hbm>> -> memref<40x384xi32, #tpu.memory_space<hbm>>
      tpu.wait_dma2 semaphore(%dma_wait3A_365 : memref<!tpu.dma_semaphore, #tpu.memory_space<semaphore_mem>>) src(%dma_wait3A_373 : memref<40x384xi32, #tpu.memory_space<hbm>>) dst(%dma_wait3A_369 : memref<40x384xi32, #tpu.memory_space<vmem>>)
      %dma_wait3A_374 = arith.constant 1 : i32
      %dma_wait3A_375 = arith.constant 1 : i32
      %dma_wait3A_376 = arith.constant 1 : i32
      %dma_wait3A_377 = arith.constant 0 : i32
      %dma_wait3A_378 = arith.constant 0 : i32
      %dma_wait3A_379 = tpu.memref_slice %arg7[%dma_wait3A_375, %dma_wait3A_377, %dma_wait3A_378] : memref<4x40x384xi32, #tpu.memory_space<vmem>> -> memref<1x40x384xi32, #tpu.memory_space<vmem>>
      %dma_wait3A_380 = tpu.memref_squeeze %dma_wait3A_379 : memref<1x40x384xi32, #tpu.memory_space<vmem>> -> memref<40x384xi32, #tpu.memory_space<vmem>>
      %dma_wait3A_381 = arith.constant 0 : i32
      %dma_wait3A_382 = arith.constant 0 : i32
      %dma_wait3A_383 = tpu.memref_slice %arg2[%add3A, %dma_wait3A_374, %dma_wait3A_381, %dma_wait3A_382] : memref<16x4x40x384xi32, #tpu.memory_space<hbm>> -> memref<1x1x40x384xi32, #tpu.memory_space<hbm>>
      %dma_wait3A_384 = tpu.memref_squeeze %dma_wait3A_383 : memref<1x1x40x384xi32, #tpu.memory_space<hbm>> -> memref<40x384xi32, #tpu.memory_space<hbm>>
      %dma_wait3A_385 = tpu.memref_slice %arg9[%dma_wait3A_376] : memref<4x!tpu.dma_semaphore, #tpu.memory_space<semaphore_mem>> -> memref<1x!tpu.dma_semaphore, #tpu.memory_space<semaphore_mem>>
      %dma_wait3A_386 = tpu.memref_squeeze %dma_wait3A_385 : memref<1x!tpu.dma_semaphore, #tpu.memory_space<semaphore_mem>> -> memref<!tpu.dma_semaphore, #tpu.memory_space<semaphore_mem>>
      %dma_wait3A_387 = arith.constant 0 : i32
      %dma_wait3A_388 = arith.constant 0 : i32
      %dma_wait3A_389 = tpu.memref_slice %arg7[%dma_wait3A_375, %dma_wait3A_387, %dma_wait3A_388] : memref<4x40x384xi32, #tpu.memory_space<vmem>> -> memref<1x40x384xi32, #tpu.memory_space<vmem>>
      %dma_wait3A_390 = tpu.memref_squeeze %dma_wait3A_389 : memref<1x40x384xi32, #tpu.memory_space<vmem>> -> memref<40x384xi32, #tpu.memory_space<vmem>>
      %dma_wait3A_391 = arith.constant 0 : i32
      %dma_wait3A_392 = arith.constant 0 : i32
      %dma_wait3A_393 = tpu.memref_slice %arg2[%add3A, %dma_wait3A_374, %dma_wait3A_391, %dma_wait3A_392] : memref<16x4x40x384xi32, #tpu.memory_space<hbm>> -> memref<1x1x40x384xi32, #tpu.memory_space<hbm>>
      %dma_wait3A_394 = tpu.memref_squeeze %dma_wait3A_393 : memref<1x1x40x384xi32, #tpu.memory_space<hbm>> -> memref<40x384xi32, #tpu.memory_space<hbm>>
      tpu.wait_dma2 semaphore(%dma_wait3A_386 : memref<!tpu.dma_semaphore, #tpu.memory_space<semaphore_mem>>) src(%dma_wait3A_394 : memref<40x384xi32, #tpu.memory_space<hbm>>) dst(%dma_wait3A_390 : memref<40x384xi32, #tpu.memory_space<vmem>>)
      %dma_wait3A_395 = arith.constant 2 : i32
      %dma_wait3A_396 = arith.constant 2 : i32
      %dma_wait3A_397 = arith.constant 2 : i32
      %dma_wait3A_398 = arith.constant 0 : i32
      %dma_wait3A_399 = arith.constant 0 : i32
      %dma_wait3A_400 = tpu.memref_slice %arg7[%dma_wait3A_396, %dma_wait3A_398, %dma_wait3A_399] : memref<4x40x384xi32, #tpu.memory_space<vmem>> -> memref<1x40x384xi32, #tpu.memory_space<vmem>>
      %dma_wait3A_401 = tpu.memref_squeeze %dma_wait3A_400 : memref<1x40x384xi32, #tpu.memory_space<vmem>> -> memref<40x384xi32, #tpu.memory_space<vmem>>
      %dma_wait3A_402 = arith.constant 0 : i32
      %dma_wait3A_403 = arith.constant 0 : i32
      %dma_wait3A_404 = tpu.memref_slice %arg2[%add3A, %dma_wait3A_395, %dma_wait3A_402, %dma_wait3A_403] : memref<16x4x40x384xi32, #tpu.memory_space<hbm>> -> memref<1x1x40x384xi32, #tpu.memory_space<hbm>>
      %dma_wait3A_405 = tpu.memref_squeeze %dma_wait3A_404 : memref<1x1x40x384xi32, #tpu.memory_space<hbm>> -> memref<40x384xi32, #tpu.memory_space<hbm>>
      %dma_wait3A_406 = tpu.memref_slice %arg9[%dma_wait3A_397] : memref<4x!tpu.dma_semaphore, #tpu.memory_space<semaphore_mem>> -> memref<1x!tpu.dma_semaphore, #tpu.memory_space<semaphore_mem>>
      %dma_wait3A_407 = tpu.memref_squeeze %dma_wait3A_406 : memref<1x!tpu.dma_semaphore, #tpu.memory_space<semaphore_mem>> -> memref<!tpu.dma_semaphore, #tpu.memory_space<semaphore_mem>>
      %dma_wait3A_408 = arith.constant 0 : i32
      %dma_wait3A_409 = arith.constant 0 : i32
      %dma_wait3A_410 = tpu.memref_slice %arg7[%dma_wait3A_396, %dma_wait3A_408, %dma_wait3A_409] : memref<4x40x384xi32, #tpu.memory_space<vmem>> -> memref<1x40x384xi32, #tpu.memory_space<vmem>>
      %dma_wait3A_411 = tpu.memref_squeeze %dma_wait3A_410 : memref<1x40x384xi32, #tpu.memory_space<vmem>> -> memref<40x384xi32, #tpu.memory_space<vmem>>
      %dma_wait3A_412 = arith.constant 0 : i32
      %dma_wait3A_413 = arith.constant 0 : i32
      %dma_wait3A_414 = tpu.memref_slice %arg2[%add3A, %dma_wait3A_395, %dma_wait3A_412, %dma_wait3A_413] : memref<16x4x40x384xi32, #tpu.memory_space<hbm>> -> memref<1x1x40x384xi32, #tpu.memory_space<hbm>>
      %dma_wait3A_415 = tpu.memref_squeeze %dma_wait3A_414 : memref<1x1x40x384xi32, #tpu.memory_space<hbm>> -> memref<40x384xi32, #tpu.memory_space<hbm>>
      tpu.wait_dma2 semaphore(%dma_wait3A_407 : memref<!tpu.dma_semaphore, #tpu.memory_space<semaphore_mem>>) src(%dma_wait3A_415 : memref<40x384xi32, #tpu.memory_space<hbm>>) dst(%dma_wait3A_411 : memref<40x384xi32, #tpu.memory_space<vmem>>)
      %dma_wait3A_416 = arith.constant 3 : i32
      %dma_wait3A_417 = arith.constant 3 : i32
      %dma_wait3A_418 = arith.constant 3 : i32
      %dma_wait3A_419 = arith.constant 0 : i32
      %dma_wait3A_420 = arith.constant 0 : i32
      %dma_wait3A_421 = tpu.memref_slice %arg7[%dma_wait3A_417, %dma_wait3A_419, %dma_wait3A_420] : memref<4x40x384xi32, #tpu.memory_space<vmem>> -> memref<1x40x384xi32, #tpu.memory_space<vmem>>
      %dma_wait3A_422 = tpu.memref_squeeze %dma_wait3A_421 : memref<1x40x384xi32, #tpu.memory_space<vmem>> -> memref<40x384xi32, #tpu.memory_space<vmem>>
      %dma_wait3A_423 = arith.constant 0 : i32
      %dma_wait3A_424 = arith.constant 0 : i32
      %dma_wait3A_425 = tpu.memref_slice %arg2[%add3A, %dma_wait3A_416, %dma_wait3A_423, %dma_wait3A_424] : memref<16x4x40x384xi32, #tpu.memory_space<hbm>> -> memref<1x1x40x384xi32, #tpu.memory_space<hbm>>
      %dma_wait3A_426 = tpu.memref_squeeze %dma_wait3A_425 : memref<1x1x40x384xi32, #tpu.memory_space<hbm>> -> memref<40x384xi32, #tpu.memory_space<hbm>>
      %dma_wait3A_427 = tpu.memref_slice %arg9[%dma_wait3A_418] : memref<4x!tpu.dma_semaphore, #tpu.memory_space<semaphore_mem>> -> memref<1x!tpu.dma_semaphore, #tpu.memory_space<semaphore_mem>>
      %dma_wait3A_428 = tpu.memref_squeeze %dma_wait3A_427 : memref<1x!tpu.dma_semaphore, #tpu.memory_space<semaphore_mem>> -> memref<!tpu.dma_semaphore, #tpu.memory_space<semaphore_mem>>
      %dma_wait3A_429 = arith.constant 0 : i32
      %dma_wait3A_430 = arith.constant 0 : i32
      %dma_wait3A_431 = tpu.memref_slice %arg7[%dma_wait3A_417, %dma_wait3A_429, %dma_wait3A_430] : memref<4x40x384xi32, #tpu.memory_space<vmem>> -> memref<1x40x384xi32, #tpu.memory_space<vmem>>
      %dma_wait3A_432 = tpu.memref_squeeze %dma_wait3A_431 : memref<1x40x384xi32, #tpu.memory_space<vmem>> -> memref<40x384xi32, #tpu.memory_space<vmem>>
      %dma_wait3A_433 = arith.constant 0 : i32
      %dma_wait3A_434 = arith.constant 0 : i32
      %dma_wait3A_435 = tpu.memref_slice %arg2[%add3A, %dma_wait3A_416, %dma_wait3A_433, %dma_wait3A_434] : memref<16x4x40x384xi32, #tpu.memory_space<hbm>> -> memref<1x1x40x384xi32, #tpu.memory_space<hbm>>
      %dma_wait3A_436 = tpu.memref_squeeze %dma_wait3A_435 : memref<1x1x40x384xi32, #tpu.memory_space<hbm>> -> memref<40x384xi32, #tpu.memory_space<hbm>>
      tpu.wait_dma2 semaphore(%dma_wait3A_428 : memref<!tpu.dma_semaphore, #tpu.memory_space<semaphore_mem>>) src(%dma_wait3A_436 : memref<40x384xi32, #tpu.memory_space<hbm>>) dst(%dma_wait3A_432 : memref<40x384xi32, #tpu.memory_space<vmem>>)
    } else {
    }
    %ge3A = arith.constant 16 : i32
    %ge3A_82 = arith.cmpi sge, %add3A, %ge3A : i32
    %convert_element_type3A_83 = arith.extui %ge3A_82 : i1 to i32
    %cond3A_84 = arith.constant 0 : i32
    %cond3A_85 = arith.cmpi ne, %convert_element_type3A_83, %cond3A_84 : i32
    scf.if %cond3A_85 {
      %sub3A = arith.constant 16 : i32
      %sub3A_269 = arith.subi %add3A, %sub3A : i32
      %dma_start3A_270 = arith.constant 0 : i32
      %dma_start3A_271 = arith.constant 0 : i32
      %dma_start3A_272 = arith.constant 0 : i32
      %dma_start3A_273 = arith.constant 0 : i32
      %dma_start3A_274 = arith.constant 0 : i32
      %dma_start3A_275 = tpu.memref_slice %arg7[%dma_start3A_271, %dma_start3A_273, %dma_start3A_274] : memref<4x40x384xi32, #tpu.memory_space<vmem>> -> memref<1x40x384xi32, #tpu.memory_space<vmem>>
      %dma_start3A_276 = tpu.memref_squeeze %dma_start3A_275 : memref<1x40x384xi32, #tpu.memory_space<vmem>> -> memref<40x384xi32, #tpu.memory_space<vmem>>
      %dma_start3A_277 = arith.constant 0 : i32
      %dma_start3A_278 = arith.constant 0 : i32
      %dma_start3A_279 = tpu.memref_slice %arg3[%sub3A_269, %dma_start3A_270, %dma_start3A_277, %dma_start3A_278] : memref<16x4x40x384xi32, #tpu.memory_space<hbm>> -> memref<1x1x40x384xi32, #tpu.memory_space<hbm>>
      %dma_start3A_280 = tpu.memref_squeeze %dma_start3A_279 : memref<1x1x40x384xi32, #tpu.memory_space<hbm>> -> memref<40x384xi32, #tpu.memory_space<hbm>>
      %dma_start3A_281 = tpu.memref_slice %arg9[%dma_start3A_272] : memref<4x!tpu.dma_semaphore, #tpu.memory_space<semaphore_mem>> -> memref<1x!tpu.dma_semaphore, #tpu.memory_space<semaphore_mem>>
      %dma_start3A_282 = tpu.memref_squeeze %dma_start3A_281 : memref<1x!tpu.dma_semaphore, #tpu.memory_space<semaphore_mem>> -> memref<!tpu.dma_semaphore, #tpu.memory_space<semaphore_mem>>
      %dma_start3A_283 = arith.constant 0 : i32
      %dma_start3A_284 = arith.constant 0 : i32
      %dma_start3A_285 = tpu.memref_slice %arg7[%dma_start3A_271, %dma_start3A_283, %dma_start3A_284] : memref<4x40x384xi32, #tpu.memory_space<vmem>> -> memref<1x40x384xi32, #tpu.memory_space<vmem>>
      %dma_start3A_286 = tpu.memref_squeeze %dma_start3A_285 : memref<1x40x384xi32, #tpu.memory_space<vmem>> -> memref<40x384xi32, #tpu.memory_space<vmem>>
      %dma_start3A_287 = arith.constant 0 : i32
      %dma_start3A_288 = arith.constant 0 : i32
      %dma_start3A_289 = tpu.memref_slice %arg3[%sub3A_269, %dma_start3A_270, %dma_start3A_287, %dma_start3A_288] : memref<16x4x40x384xi32, #tpu.memory_space<hbm>> -> memref<1x1x40x384xi32, #tpu.memory_space<hbm>>
      %dma_start3A_290 = tpu.memref_squeeze %dma_start3A_289 : memref<1x1x40x384xi32, #tpu.memory_space<hbm>> -> memref<40x384xi32, #tpu.memory_space<hbm>>
      tpu.enqueue_dma source(%dma_start3A_290 : memref<40x384xi32, #tpu.memory_space<hbm>>) target(%dma_start3A_286 : memref<40x384xi32, #tpu.memory_space<vmem>>) target_semaphore(%dma_start3A_282 : memref<!tpu.dma_semaphore, #tpu.memory_space<semaphore_mem>>)
      %sub3A_291 = arith.constant 16 : i32
      %sub3A_292 = arith.subi %add3A, %sub3A_291 : i32
      %dma_start3A_293 = arith.constant 1 : i32
      %dma_start3A_294 = arith.constant 1 : i32
      %dma_start3A_295 = arith.constant 1 : i32
      %dma_start3A_296 = arith.constant 0 : i32
      %dma_start3A_297 = arith.constant 0 : i32
      %dma_start3A_298 = tpu.memref_slice %arg7[%dma_start3A_294, %dma_start3A_296, %dma_start3A_297] : memref<4x40x384xi32, #tpu.memory_space<vmem>> -> memref<1x40x384xi32, #tpu.memory_space<vmem>>
      %dma_start3A_299 = tpu.memref_squeeze %dma_start3A_298 : memref<1x40x384xi32, #tpu.memory_space<vmem>> -> memref<40x384xi32, #tpu.memory_space<vmem>>
      %dma_start3A_300 = arith.constant 0 : i32
      %dma_start3A_301 = arith.constant 0 : i32
      %dma_start3A_302 = tpu.memref_slice %arg3[%sub3A_292, %dma_start3A_293, %dma_start3A_300, %dma_start3A_301] : memref<16x4x40x384xi32, #tpu.memory_space<hbm>> -> memref<1x1x40x384xi32, #tpu.memory_space<hbm>>
      %dma_start3A_303 = tpu.memref_squeeze %dma_start3A_302 : memref<1x1x40x384xi32, #tpu.memory_space<hbm>> -> memref<40x384xi32, #tpu.memory_space<hbm>>
      %dma_start3A_304 = tpu.memref_slice %arg9[%dma_start3A_295] : memref<4x!tpu.dma_semaphore, #tpu.memory_space<semaphore_mem>> -> memref<1x!tpu.dma_semaphore, #tpu.memory_space<semaphore_mem>>
      %dma_start3A_305 = tpu.memref_squeeze %dma_start3A_304 : memref<1x!tpu.dma_semaphore, #tpu.memory_space<semaphore_mem>> -> memref<!tpu.dma_semaphore, #tpu.memory_space<semaphore_mem>>
      %dma_start3A_306 = arith.constant 0 : i32
      %dma_start3A_307 = arith.constant 0 : i32
      %dma_start3A_308 = tpu.memref_slice %arg7[%dma_start3A_294, %dma_start3A_306, %dma_start3A_307] : memref<4x40x384xi32, #tpu.memory_space<vmem>> -> memref<1x40x384xi32, #tpu.memory_space<vmem>>
      %dma_start3A_309 = tpu.memref_squeeze %dma_start3A_308 : memref<1x40x384xi32, #tpu.memory_space<vmem>> -> memref<40x384xi32, #tpu.memory_space<vmem>>
      %dma_start3A_310 = arith.constant 0 : i32
      %dma_start3A_311 = arith.constant 0 : i32
      %dma_start3A_312 = tpu.memref_slice %arg3[%sub3A_292, %dma_start3A_293, %dma_start3A_310, %dma_start3A_311] : memref<16x4x40x384xi32, #tpu.memory_space<hbm>> -> memref<1x1x40x384xi32, #tpu.memory_space<hbm>>
      %dma_start3A_313 = tpu.memref_squeeze %dma_start3A_312 : memref<1x1x40x384xi32, #tpu.memory_space<hbm>> -> memref<40x384xi32, #tpu.memory_space<hbm>>
      tpu.enqueue_dma source(%dma_start3A_313 : memref<40x384xi32, #tpu.memory_space<hbm>>) target(%dma_start3A_309 : memref<40x384xi32, #tpu.memory_space<vmem>>) target_semaphore(%dma_start3A_305 : memref<!tpu.dma_semaphore, #tpu.memory_space<semaphore_mem>>)
      %sub3A_314 = arith.constant 16 : i32
      %sub3A_315 = arith.subi %add3A, %sub3A_314 : i32
      %dma_start3A_316 = arith.constant 2 : i32
      %dma_start3A_317 = arith.constant 2 : i32
      %dma_start3A_318 = arith.constant 2 : i32
      %dma_start3A_319 = arith.constant 0 : i32
      %dma_start3A_320 = arith.constant 0 : i32
      %dma_start3A_321 = tpu.memref_slice %arg7[%dma_start3A_317, %dma_start3A_319, %dma_start3A_320] : memref<4x40x384xi32, #tpu.memory_space<vmem>> -> memref<1x40x384xi32, #tpu.memory_space<vmem>>
      %dma_start3A_322 = tpu.memref_squeeze %dma_start3A_321 : memref<1x40x384xi32, #tpu.memory_space<vmem>> -> memref<40x384xi32, #tpu.memory_space<vmem>>
      %dma_start3A_323 = arith.constant 0 : i32
      %dma_start3A_324 = arith.constant 0 : i32
      %dma_start3A_325 = tpu.memref_slice %arg3[%sub3A_315, %dma_start3A_316, %dma_start3A_323, %dma_start3A_324] : memref<16x4x40x384xi32, #tpu.memory_space<hbm>> -> memref<1x1x40x384xi32, #tpu.memory_space<hbm>>
      %dma_start3A_326 = tpu.memref_squeeze %dma_start3A_325 : memref<1x1x40x384xi32, #tpu.memory_space<hbm>> -> memref<40x384xi32, #tpu.memory_space<hbm>>
      %dma_start3A_327 = tpu.memref_slice %arg9[%dma_start3A_318] : memref<4x!tpu.dma_semaphore, #tpu.memory_space<semaphore_mem>> -> memref<1x!tpu.dma_semaphore, #tpu.memory_space<semaphore_mem>>
      %dma_start3A_328 = tpu.memref_squeeze %dma_start3A_327 : memref<1x!tpu.dma_semaphore, #tpu.memory_space<semaphore_mem>> -> memref<!tpu.dma_semaphore, #tpu.memory_space<semaphore_mem>>
      %dma_start3A_329 = arith.constant 0 : i32
      %dma_start3A_330 = arith.constant 0 : i32
      %dma_start3A_331 = tpu.memref_slice %arg7[%dma_start3A_317, %dma_start3A_329, %dma_start3A_330] : memref<4x40x384xi32, #tpu.memory_space<vmem>> -> memref<1x40x384xi32, #tpu.memory_space<vmem>>
      %dma_start3A_332 = tpu.memref_squeeze %dma_start3A_331 : memref<1x40x384xi32, #tpu.memory_space<vmem>> -> memref<40x384xi32, #tpu.memory_space<vmem>>
      %dma_start3A_333 = arith.constant 0 : i32
      %dma_start3A_334 = arith.constant 0 : i32
      %dma_start3A_335 = tpu.memref_slice %arg3[%sub3A_315, %dma_start3A_316, %dma_start3A_333, %dma_start3A_334] : memref<16x4x40x384xi32, #tpu.memory_space<hbm>> -> memref<1x1x40x384xi32, #tpu.memory_space<hbm>>
      %dma_start3A_336 = tpu.memref_squeeze %dma_start3A_335 : memref<1x1x40x384xi32, #tpu.memory_space<hbm>> -> memref<40x384xi32, #tpu.memory_space<hbm>>
      tpu.enqueue_dma source(%dma_start3A_336 : memref<40x384xi32, #tpu.memory_space<hbm>>) target(%dma_start3A_332 : memref<40x384xi32, #tpu.memory_space<vmem>>) target_semaphore(%dma_start3A_328 : memref<!tpu.dma_semaphore, #tpu.memory_space<semaphore_mem>>)
      %sub3A_337 = arith.constant 16 : i32
      %sub3A_338 = arith.subi %add3A, %sub3A_337 : i32
      %dma_start3A_339 = arith.constant 3 : i32
      %dma_start3A_340 = arith.constant 3 : i32
      %dma_start3A_341 = arith.constant 3 : i32
      %dma_start3A_342 = arith.constant 0 : i32
      %dma_start3A_343 = arith.constant 0 : i32
      %dma_start3A_344 = tpu.memref_slice %arg7[%dma_start3A_340, %dma_start3A_342, %dma_start3A_343] : memref<4x40x384xi32, #tpu.memory_space<vmem>> -> memref<1x40x384xi32, #tpu.memory_space<vmem>>
      %dma_start3A_345 = tpu.memref_squeeze %dma_start3A_344 : memref<1x40x384xi32, #tpu.memory_space<vmem>> -> memref<40x384xi32, #tpu.memory_space<vmem>>
      %dma_start3A_346 = arith.constant 0 : i32
      %dma_start3A_347 = arith.constant 0 : i32
      %dma_start3A_348 = tpu.memref_slice %arg3[%sub3A_338, %dma_start3A_339, %dma_start3A_346, %dma_start3A_347] : memref<16x4x40x384xi32, #tpu.memory_space<hbm>> -> memref<1x1x40x384xi32, #tpu.memory_space<hbm>>
      %dma_start3A_349 = tpu.memref_squeeze %dma_start3A_348 : memref<1x1x40x384xi32, #tpu.memory_space<hbm>> -> memref<40x384xi32, #tpu.memory_space<hbm>>
      %dma_start3A_350 = tpu.memref_slice %arg9[%dma_start3A_341] : memref<4x!tpu.dma_semaphore, #tpu.memory_space<semaphore_mem>> -> memref<1x!tpu.dma_semaphore, #tpu.memory_space<semaphore_mem>>
      %dma_start3A_351 = tpu.memref_squeeze %dma_start3A_350 : memref<1x!tpu.dma_semaphore, #tpu.memory_space<semaphore_mem>> -> memref<!tpu.dma_semaphore, #tpu.memory_space<semaphore_mem>>
      %dma_start3A_352 = arith.constant 0 : i32
      %dma_start3A_353 = arith.constant 0 : i32
      %dma_start3A_354 = tpu.memref_slice %arg7[%dma_start3A_340, %dma_start3A_352, %dma_start3A_353] : memref<4x40x384xi32, #tpu.memory_space<vmem>> -> memref<1x40x384xi32, #tpu.memory_space<vmem>>
      %dma_start3A_355 = tpu.memref_squeeze %dma_start3A_354 : memref<1x40x384xi32, #tpu.memory_space<vmem>> -> memref<40x384xi32, #tpu.memory_space<vmem>>
      %dma_start3A_356 = arith.constant 0 : i32
      %dma_start3A_357 = arith.constant 0 : i32
      %dma_start3A_358 = tpu.memref_slice %arg3[%sub3A_338, %dma_start3A_339, %dma_start3A_356, %dma_start3A_357] : memref<16x4x40x384xi32, #tpu.memory_space<hbm>> -> memref<1x1x40x384xi32, #tpu.memory_space<hbm>>
      %dma_start3A_359 = tpu.memref_squeeze %dma_start3A_358 : memref<1x1x40x384xi32, #tpu.memory_space<hbm>> -> memref<40x384xi32, #tpu.memory_space<hbm>>
      tpu.enqueue_dma source(%dma_start3A_359 : memref<40x384xi32, #tpu.memory_space<hbm>>) target(%dma_start3A_355 : memref<40x384xi32, #tpu.memory_space<vmem>>) target_semaphore(%dma_start3A_351 : memref<!tpu.dma_semaphore, #tpu.memory_space<semaphore_mem>>)
      %dma_wait3A_360 = arith.constant 0 : i32
      %dma_wait3A_361 = arith.constant 0 : i32
      %dma_wait3A_362 = arith.constant 0 : i32
      %dma_wait3A_363 = arith.constant 0 : i32
      %dma_wait3A_364 = arith.constant 0 : i32
      %dma_wait3A_365 = tpu.memref_slice %arg7[%dma_wait3A_361, %dma_wait3A_363, %dma_wait3A_364] : memref<4x40x384xi32, #tpu.memory_space<vmem>> -> memref<1x40x384xi32, #tpu.memory_space<vmem>>
      %dma_wait3A_366 = tpu.memref_squeeze %dma_wait3A_365 : memref<1x40x384xi32, #tpu.memory_space<vmem>> -> memref<40x384xi32, #tpu.memory_space<vmem>>
      %dma_wait3A_367 = arith.constant 0 : i32
      %dma_wait3A_368 = arith.constant 0 : i32
      %dma_wait3A_369 = tpu.memref_slice %arg3[%sub3A_269, %dma_wait3A_360, %dma_wait3A_367, %dma_wait3A_368] : memref<16x4x40x384xi32, #tpu.memory_space<hbm>> -> memref<1x1x40x384xi32, #tpu.memory_space<hbm>>
      %dma_wait3A_370 = tpu.memref_squeeze %dma_wait3A_369 : memref<1x1x40x384xi32, #tpu.memory_space<hbm>> -> memref<40x384xi32, #tpu.memory_space<hbm>>
      %dma_wait3A_371 = tpu.memref_slice %arg9[%dma_wait3A_362] : memref<4x!tpu.dma_semaphore, #tpu.memory_space<semaphore_mem>> -> memref<1x!tpu.dma_semaphore, #tpu.memory_space<semaphore_mem>>
      %dma_wait3A_372 = tpu.memref_squeeze %dma_wait3A_371 : memref<1x!tpu.dma_semaphore, #tpu.memory_space<semaphore_mem>> -> memref<!tpu.dma_semaphore, #tpu.memory_space<semaphore_mem>>
      %dma_wait3A_373 = arith.constant 0 : i32
      %dma_wait3A_374 = arith.constant 0 : i32
      %dma_wait3A_375 = tpu.memref_slice %arg7[%dma_wait3A_361, %dma_wait3A_373, %dma_wait3A_374] : memref<4x40x384xi32, #tpu.memory_space<vmem>> -> memref<1x40x384xi32, #tpu.memory_space<vmem>>
      %dma_wait3A_376 = tpu.memref_squeeze %dma_wait3A_375 : memref<1x40x384xi32, #tpu.memory_space<vmem>> -> memref<40x384xi32, #tpu.memory_space<vmem>>
      %dma_wait3A_377 = arith.constant 0 : i32
      %dma_wait3A_378 = arith.constant 0 : i32
      %dma_wait3A_379 = tpu.memref_slice %arg3[%sub3A_269, %dma_wait3A_360, %dma_wait3A_377, %dma_wait3A_378] : memref<16x4x40x384xi32, #tpu.memory_space<hbm>> -> memref<1x1x40x384xi32, #tpu.memory_space<hbm>>
      %dma_wait3A_380 = tpu.memref_squeeze %dma_wait3A_379 : memref<1x1x40x384xi32, #tpu.memory_space<hbm>> -> memref<40x384xi32, #tpu.memory_space<hbm>>
      tpu.wait_dma2 semaphore(%dma_wait3A_372 : memref<!tpu.dma_semaphore, #tpu.memory_space<semaphore_mem>>) src(%dma_wait3A_380 : memref<40x384xi32, #tpu.memory_space<hbm>>) dst(%dma_wait3A_376 : memref<40x384xi32, #tpu.memory_space<vmem>>)
      %dma_wait3A_381 = arith.constant 1 : i32
      %dma_wait3A_382 = arith.constant 1 : i32
      %dma_wait3A_383 = arith.constant 1 : i32
      %dma_wait3A_384 = arith.constant 0 : i32
      %dma_wait3A_385 = arith.constant 0 : i32
      %dma_wait3A_386 = tpu.memref_slice %arg7[%dma_wait3A_382, %dma_wait3A_384, %dma_wait3A_385] : memref<4x40x384xi32, #tpu.memory_space<vmem>> -> memref<1x40x384xi32, #tpu.memory_space<vmem>>
      %dma_wait3A_387 = tpu.memref_squeeze %dma_wait3A_386 : memref<1x40x384xi32, #tpu.memory_space<vmem>> -> memref<40x384xi32, #tpu.memory_space<vmem>>
      %dma_wait3A_388 = arith.constant 0 : i32
      %dma_wait3A_389 = arith.constant 0 : i32
      %dma_wait3A_390 = tpu.memref_slice %arg3[%sub3A_292, %dma_wait3A_381, %dma_wait3A_388, %dma_wait3A_389] : memref<16x4x40x384xi32, #tpu.memory_space<hbm>> -> memref<1x1x40x384xi32, #tpu.memory_space<hbm>>
      %dma_wait3A_391 = tpu.memref_squeeze %dma_wait3A_390 : memref<1x1x40x384xi32, #tpu.memory_space<hbm>> -> memref<40x384xi32, #tpu.memory_space<hbm>>
      %dma_wait3A_392 = tpu.memref_slice %arg9[%dma_wait3A_383] : memref<4x!tpu.dma_semaphore, #tpu.memory_space<semaphore_mem>> -> memref<1x!tpu.dma_semaphore, #tpu.memory_space<semaphore_mem>>
      %dma_wait3A_393 = tpu.memref_squeeze %dma_wait3A_392 : memref<1x!tpu.dma_semaphore, #tpu.memory_space<semaphore_mem>> -> memref<!tpu.dma_semaphore, #tpu.memory_space<semaphore_mem>>
      %dma_wait3A_394 = arith.constant 0 : i32
      %dma_wait3A_395 = arith.constant 0 : i32
      %dma_wait3A_396 = tpu.memref_slice %arg7[%dma_wait3A_382, %dma_wait3A_394, %dma_wait3A_395] : memref<4x40x384xi32, #tpu.memory_space<vmem>> -> memref<1x40x384xi32, #tpu.memory_space<vmem>>
      %dma_wait3A_397 = tpu.memref_squeeze %dma_wait3A_396 : memref<1x40x384xi32, #tpu.memory_space<vmem>> -> memref<40x384xi32, #tpu.memory_space<vmem>>
      %dma_wait3A_398 = arith.constant 0 : i32
      %dma_wait3A_399 = arith.constant 0 : i32
      %dma_wait3A_400 = tpu.memref_slice %arg3[%sub3A_292, %dma_wait3A_381, %dma_wait3A_398, %dma_wait3A_399] : memref<16x4x40x384xi32, #tpu.memory_space<hbm>> -> memref<1x1x40x384xi32, #tpu.memory_space<hbm>>
      %dma_wait3A_401 = tpu.memref_squeeze %dma_wait3A_400 : memref<1x1x40x384xi32, #tpu.memory_space<hbm>> -> memref<40x384xi32, #tpu.memory_space<hbm>>
      tpu.wait_dma2 semaphore(%dma_wait3A_393 : memref<!tpu.dma_semaphore, #tpu.memory_space<semaphore_mem>>) src(%dma_wait3A_401 : memref<40x384xi32, #tpu.memory_space<hbm>>) dst(%dma_wait3A_397 : memref<40x384xi32, #tpu.memory_space<vmem>>)
      %dma_wait3A_402 = arith.constant 2 : i32
      %dma_wait3A_403 = arith.constant 2 : i32
      %dma_wait3A_404 = arith.constant 2 : i32
      %dma_wait3A_405 = arith.constant 0 : i32
      %dma_wait3A_406 = arith.constant 0 : i32
      %dma_wait3A_407 = tpu.memref_slice %arg7[%dma_wait3A_403, %dma_wait3A_405, %dma_wait3A_406] : memref<4x40x384xi32, #tpu.memory_space<vmem>> -> memref<1x40x384xi32, #tpu.memory_space<vmem>>
      %dma_wait3A_408 = tpu.memref_squeeze %dma_wait3A_407 : memref<1x40x384xi32, #tpu.memory_space<vmem>> -> memref<40x384xi32, #tpu.memory_space<vmem>>
      %dma_wait3A_409 = arith.constant 0 : i32
      %dma_wait3A_410 = arith.constant 0 : i32
      %dma_wait3A_411 = tpu.memref_slice %arg3[%sub3A_315, %dma_wait3A_402, %dma_wait3A_409, %dma_wait3A_410] : memref<16x4x40x384xi32, #tpu.memory_space<hbm>> -> memref<1x1x40x384xi32, #tpu.memory_space<hbm>>
      %dma_wait3A_412 = tpu.memref_squeeze %dma_wait3A_411 : memref<1x1x40x384xi32, #tpu.memory_space<hbm>> -> memref<40x384xi32, #tpu.memory_space<hbm>>
      %dma_wait3A_413 = tpu.memref_slice %arg9[%dma_wait3A_404] : memref<4x!tpu.dma_semaphore, #tpu.memory_space<semaphore_mem>> -> memref<1x!tpu.dma_semaphore, #tpu.memory_space<semaphore_mem>>
      %dma_wait3A_414 = tpu.memref_squeeze %dma_wait3A_413 : memref<1x!tpu.dma_semaphore, #tpu.memory_space<semaphore_mem>> -> memref<!tpu.dma_semaphore, #tpu.memory_space<semaphore_mem>>
      %dma_wait3A_415 = arith.constant 0 : i32
      %dma_wait3A_416 = arith.constant 0 : i32
      %dma_wait3A_417 = tpu.memref_slice %arg7[%dma_wait3A_403, %dma_wait3A_415, %dma_wait3A_416] : memref<4x40x384xi32, #tpu.memory_space<vmem>> -> memref<1x40x384xi32, #tpu.memory_space<vmem>>
      %dma_wait3A_418 = tpu.memref_squeeze %dma_wait3A_417 : memref<1x40x384xi32, #tpu.memory_space<vmem>> -> memref<40x384xi32, #tpu.memory_space<vmem>>
      %dma_wait3A_419 = arith.constant 0 : i32
      %dma_wait3A_420 = arith.constant 0 : i32
      %dma_wait3A_421 = tpu.memref_slice %arg3[%sub3A_315, %dma_wait3A_402, %dma_wait3A_419, %dma_wait3A_420] : memref<16x4x40x384xi32, #tpu.memory_space<hbm>> -> memref<1x1x40x384xi32, #tpu.memory_space<hbm>>
      %dma_wait3A_422 = tpu.memref_squeeze %dma_wait3A_421 : memref<1x1x40x384xi32, #tpu.memory_space<hbm>> -> memref<40x384xi32, #tpu.memory_space<hbm>>
      tpu.wait_dma2 semaphore(%dma_wait3A_414 : memref<!tpu.dma_semaphore, #tpu.memory_space<semaphore_mem>>) src(%dma_wait3A_422 : memref<40x384xi32, #tpu.memory_space<hbm>>) dst(%dma_wait3A_418 : memref<40x384xi32, #tpu.memory_space<vmem>>)
      %dma_wait3A_423 = arith.constant 3 : i32
      %dma_wait3A_424 = arith.constant 3 : i32
      %dma_wait3A_425 = arith.constant 3 : i32
      %dma_wait3A_426 = arith.constant 0 : i32
      %dma_wait3A_427 = arith.constant 0 : i32
      %dma_wait3A_428 = tpu.memref_slice %arg7[%dma_wait3A_424, %dma_wait3A_426, %dma_wait3A_427] : memref<4x40x384xi32, #tpu.memory_space<vmem>> -> memref<1x40x384xi32, #tpu.memory_space<vmem>>
      %dma_wait3A_429 = tpu.memref_squeeze %dma_wait3A_428 : memref<1x40x384xi32, #tpu.memory_space<vmem>> -> memref<40x384xi32, #tpu.memory_space<vmem>>
      %dma_wait3A_430 = arith.constant 0 : i32
      %dma_wait3A_431 = arith.constant 0 : i32
      %dma_wait3A_432 = tpu.memref_slice %arg3[%sub3A_338, %dma_wait3A_423, %dma_wait3A_430, %dma_wait3A_431] : memref<16x4x40x384xi32, #tpu.memory_space<hbm>> -> memref<1x1x40x384xi32, #tpu.memory_space<hbm>>
      %dma_wait3A_433 = tpu.memref_squeeze %dma_wait3A_432 : memref<1x1x40x384xi32, #tpu.memory_space<hbm>> -> memref<40x384xi32, #tpu.memory_space<hbm>>
      %dma_wait3A_434 = tpu.memref_slice %arg9[%dma_wait3A_425] : memref<4x!tpu.dma_semaphore, #tpu.memory_space<semaphore_mem>> -> memref<1x!tpu.dma_semaphore, #tpu.memory_space<semaphore_mem>>
      %dma_wait3A_435 = tpu.memref_squeeze %dma_wait3A_434 : memref<1x!tpu.dma_semaphore, #tpu.memory_space<semaphore_mem>> -> memref<!tpu.dma_semaphore, #tpu.memory_space<semaphore_mem>>
      %dma_wait3A_436 = arith.constant 0 : i32
      %dma_wait3A_437 = arith.constant 0 : i32
      %dma_wait3A_438 = tpu.memref_slice %arg7[%dma_wait3A_424, %dma_wait3A_436, %dma_wait3A_437] : memref<4x40x384xi32, #tpu.memory_space<vmem>> -> memref<1x40x384xi32, #tpu.memory_space<vmem>>
      %dma_wait3A_439 = tpu.memref_squeeze %dma_wait3A_438 : memref<1x40x384xi32, #tpu.memory_space<vmem>> -> memref<40x384xi32, #tpu.memory_space<vmem>>
      %dma_wait3A_440 = arith.constant 0 : i32
      %dma_wait3A_441 = arith.constant 0 : i32
      %dma_wait3A_442 = tpu.memref_slice %arg3[%sub3A_338, %dma_wait3A_423, %dma_wait3A_440, %dma_wait3A_441] : memref<16x4x40x384xi32, #tpu.memory_space<hbm>> -> memref<1x1x40x384xi32, #tpu.memory_space<hbm>>
      %dma_wait3A_443 = tpu.memref_squeeze %dma_wait3A_442 : memref<1x1x40x384xi32, #tpu.memory_space<hbm>> -> memref<40x384xi32, #tpu.memory_space<hbm>>
      tpu.wait_dma2 semaphore(%dma_wait3A_435 : memref<!tpu.dma_semaphore, #tpu.memory_space<semaphore_mem>>) src(%dma_wait3A_443 : memref<40x384xi32, #tpu.memory_space<hbm>>) dst(%dma_wait3A_439 : memref<40x384xi32, #tpu.memory_space<vmem>>)
    } else {
    }
    %dma_wait3A = arith.constant 0 : i32
    %dma_wait3A_86 = arith.constant 0 : i32
    %dma_wait3A_87 = arith.constant 0 : i32
    %dma_wait3A_88 = tpu.memref_slice %arg6[%dma_wait3A, %dma_wait3A_87] : memref<4x40xi32, #tpu.memory_space<vmem>> -> memref<1x40xi32, #tpu.memory_space<vmem>>
    %dma_wait3A_89 = tpu.memref_squeeze %dma_wait3A_88 : memref<1x40xi32, #tpu.memory_space<vmem>> -> memref<40xi32, #tpu.memory_space<vmem>>
    %dma_wait3A_90 = arith.constant 0 : i32
    %dma_wait3A_91 = tpu.memref_slice %arg4[%add3A_4, %dma_wait3A_90] : memref<128x40xi32, #tpu.memory_space<hbm>> -> memref<1x40xi32, #tpu.memory_space<hbm>>
    %dma_wait3A_92 = tpu.memref_squeeze %dma_wait3A_91 : memref<1x40xi32, #tpu.memory_space<hbm>> -> memref<40xi32, #tpu.memory_space<hbm>>
    %dma_wait3A_93 = tpu.memref_slice %arg8[%dma_wait3A_86] : memref<4x!tpu.dma_semaphore, #tpu.memory_space<semaphore_mem>> -> memref<1x!tpu.dma_semaphore, #tpu.memory_space<semaphore_mem>>
    %dma_wait3A_94 = tpu.memref_squeeze %dma_wait3A_93 : memref<1x!tpu.dma_semaphore, #tpu.memory_space<semaphore_mem>> -> memref<!tpu.dma_semaphore, #tpu.memory_space<semaphore_mem>>
    %dma_wait3A_95 = arith.constant 0 : i32
    %dma_wait3A_96 = tpu.memref_slice %arg6[%dma_wait3A, %dma_wait3A_95] : memref<4x40xi32, #tpu.memory_space<vmem>> -> memref<1x40xi32, #tpu.memory_space<vmem>>
    %dma_wait3A_97 = tpu.memref_squeeze %dma_wait3A_96 : memref<1x40xi32, #tpu.memory_space<vmem>> -> memref<40xi32, #tpu.memory_space<vmem>>
    %dma_wait3A_98 = arith.constant 0 : i32
    %dma_wait3A_99 = tpu.memref_slice %arg4[%add3A_4, %dma_wait3A_98] : memref<128x40xi32, #tpu.memory_space<hbm>> -> memref<1x40xi32, #tpu.memory_space<hbm>>
    %dma_wait3A_100 = tpu.memref_squeeze %dma_wait3A_99 : memref<1x40xi32, #tpu.memory_space<hbm>> -> memref<40xi32, #tpu.memory_space<hbm>>
    tpu.wait_dma2 semaphore(%dma_wait3A_94 : memref<!tpu.dma_semaphore, #tpu.memory_space<semaphore_mem>>) src(%dma_wait3A_100 : memref<40xi32, #tpu.memory_space<hbm>>) dst(%dma_wait3A_97 : memref<40xi32, #tpu.memory_space<vmem>>)
    %dma_start3A_101 = arith.constant 0 : i32
    %dma_start3A_102 = arith.constant 0 : i32
    %dma_start3A_103 = arith.constant 0 : i32
    %dma_start3A_104 = arith.constant 0 : i32
    %dma_start3A_105 = arith.constant 0 : i32
    %dma_start3A_106 = tpu.memref_slice %arg7[%dma_start3A_101, %dma_start3A_104, %dma_start3A_105] : memref<4x40x384xi32, #tpu.memory_space<vmem>> -> memref<1x40x384xi32, #tpu.memory_space<vmem>>
    %dma_start3A_107 = tpu.memref_squeeze %dma_start3A_106 : memref<1x40x384xi32, #tpu.memory_space<vmem>> -> memref<40x384xi32, #tpu.memory_space<vmem>>
    %dma_start3A_108 = arith.constant 0 : i32
    %dma_start3A_109 = tpu.memref_slice %arg6[%dma_start3A_102, %dma_start3A_108] : memref<4x40xi32, #tpu.memory_space<vmem>> -> memref<1x40xi32, #tpu.memory_space<vmem>>
    %dma_start3A_110 = tpu.memref_squeeze %dma_start3A_109 : memref<1x40xi32, #tpu.memory_space<vmem>> -> memref<40xi32, #tpu.memory_space<vmem>>
    %dma_start3A_111 = arith.constant 0 : i32
    %dma_start3A_112 = arith.constant 0 : i32
    %dma_start3A_113 = tpu.memref_slice %arg5[%dma_start3A_111, %dma_start3A_112] : memref<4104x384xi32, #tpu.memory_space<hbm>> -> memref<4104x384xi32, #tpu.memory_space<hbm>>
    %dma_start3A_114 = tpu.memref_slice %arg10[%dma_start3A_103] : memref<4x!tpu.dma_semaphore, #tpu.memory_space<semaphore_mem>> -> memref<1x!tpu.dma_semaphore, #tpu.memory_space<semaphore_mem>>
    %dma_start3A_115 = tpu.memref_squeeze %dma_start3A_114 : memref<1x!tpu.dma_semaphore, #tpu.memory_space<semaphore_mem>> -> memref<!tpu.dma_semaphore, #tpu.memory_space<semaphore_mem>>
    tpu.enqueue_indirect_dma source(%dma_start3A_107 : memref<40x384xi32, #tpu.memory_space<vmem>>) target(%dma_start3A_113 : memref<4104x384xi32, #tpu.memory_space<hbm>>) offsets(%dma_start3A_110 : memref<40xi32, #tpu.memory_space<vmem>>) semaphore(%dma_start3A_115 : memref<!tpu.dma_semaphore, #tpu.memory_space<semaphore_mem>>)
    %dma_wait3A_116 = arith.constant 1 : i32
    %dma_wait3A_117 = arith.constant 1 : i32
    %dma_wait3A_118 = arith.constant 0 : i32
    %dma_wait3A_119 = tpu.memref_slice %arg6[%dma_wait3A_116, %dma_wait3A_118] : memref<4x40xi32, #tpu.memory_space<vmem>> -> memref<1x40xi32, #tpu.memory_space<vmem>>
    %dma_wait3A_120 = tpu.memref_squeeze %dma_wait3A_119 : memref<1x40xi32, #tpu.memory_space<vmem>> -> memref<40xi32, #tpu.memory_space<vmem>>
    %dma_wait3A_121 = arith.constant 0 : i32
    %dma_wait3A_122 = tpu.memref_slice %arg4[%add3A_23, %dma_wait3A_121] : memref<128x40xi32, #tpu.memory_space<hbm>> -> memref<1x40xi32, #tpu.memory_space<hbm>>
    %dma_wait3A_123 = tpu.memref_squeeze %dma_wait3A_122 : memref<1x40xi32, #tpu.memory_space<hbm>> -> memref<40xi32, #tpu.memory_space<hbm>>
    %dma_wait3A_124 = tpu.memref_slice %arg8[%dma_wait3A_117] : memref<4x!tpu.dma_semaphore, #tpu.memory_space<semaphore_mem>> -> memref<1x!tpu.dma_semaphore, #tpu.memory_space<semaphore_mem>>
    %dma_wait3A_125 = tpu.memref_squeeze %dma_wait3A_124 : memref<1x!tpu.dma_semaphore, #tpu.memory_space<semaphore_mem>> -> memref<!tpu.dma_semaphore, #tpu.memory_space<semaphore_mem>>
    %dma_wait3A_126 = arith.constant 0 : i32
    %dma_wait3A_127 = tpu.memref_slice %arg6[%dma_wait3A_116, %dma_wait3A_126] : memref<4x40xi32, #tpu.memory_space<vmem>> -> memref<1x40xi32, #tpu.memory_space<vmem>>
    %dma_wait3A_128 = tpu.memref_squeeze %dma_wait3A_127 : memref<1x40xi32, #tpu.memory_space<vmem>> -> memref<40xi32, #tpu.memory_space<vmem>>
    %dma_wait3A_129 = arith.constant 0 : i32
    %dma_wait3A_130 = tpu.memref_slice %arg4[%add3A_23, %dma_wait3A_129] : memref<128x40xi32, #tpu.memory_space<hbm>> -> memref<1x40xi32, #tpu.memory_space<hbm>>
    %dma_wait3A_131 = tpu.memref_squeeze %dma_wait3A_130 : memref<1x40xi32, #tpu.memory_space<hbm>> -> memref<40xi32, #tpu.memory_space<hbm>>
    tpu.wait_dma2 semaphore(%dma_wait3A_125 : memref<!tpu.dma_semaphore, #tpu.memory_space<semaphore_mem>>) src(%dma_wait3A_131 : memref<40xi32, #tpu.memory_space<hbm>>) dst(%dma_wait3A_128 : memref<40xi32, #tpu.memory_space<vmem>>)
    %dma_start3A_132 = arith.constant 1 : i32
    %dma_start3A_133 = arith.constant 1 : i32
    %dma_start3A_134 = arith.constant 1 : i32
    %dma_start3A_135 = arith.constant 0 : i32
    %dma_start3A_136 = arith.constant 0 : i32
    %dma_start3A_137 = tpu.memref_slice %arg7[%dma_start3A_132, %dma_start3A_135, %dma_start3A_136] : memref<4x40x384xi32, #tpu.memory_space<vmem>> -> memref<1x40x384xi32, #tpu.memory_space<vmem>>
    %dma_start3A_138 = tpu.memref_squeeze %dma_start3A_137 : memref<1x40x384xi32, #tpu.memory_space<vmem>> -> memref<40x384xi32, #tpu.memory_space<vmem>>
    %dma_start3A_139 = arith.constant 0 : i32
    %dma_start3A_140 = tpu.memref_slice %arg6[%dma_start3A_133, %dma_start3A_139] : memref<4x40xi32, #tpu.memory_space<vmem>> -> memref<1x40xi32, #tpu.memory_space<vmem>>
    %dma_start3A_141 = tpu.memref_squeeze %dma_start3A_140 : memref<1x40xi32, #tpu.memory_space<vmem>> -> memref<40xi32, #tpu.memory_space<vmem>>
    %dma_start3A_142 = arith.constant 0 : i32
    %dma_start3A_143 = arith.constant 0 : i32
    %dma_start3A_144 = tpu.memref_slice %arg5[%dma_start3A_142, %dma_start3A_143] : memref<4104x384xi32, #tpu.memory_space<hbm>> -> memref<4104x384xi32, #tpu.memory_space<hbm>>
    %dma_start3A_145 = tpu.memref_slice %arg10[%dma_start3A_134] : memref<4x!tpu.dma_semaphore, #tpu.memory_space<semaphore_mem>> -> memref<1x!tpu.dma_semaphore, #tpu.memory_space<semaphore_mem>>
    %dma_start3A_146 = tpu.memref_squeeze %dma_start3A_145 : memref<1x!tpu.dma_semaphore, #tpu.memory_space<semaphore_mem>> -> memref<!tpu.dma_semaphore, #tpu.memory_space<semaphore_mem>>
    tpu.enqueue_indirect_dma source(%dma_start3A_138 : memref<40x384xi32, #tpu.memory_space<vmem>>) target(%dma_start3A_144 : memref<4104x384xi32, #tpu.memory_space<hbm>>) offsets(%dma_start3A_141 : memref<40xi32, #tpu.memory_space<vmem>>) semaphore(%dma_start3A_146 : memref<!tpu.dma_semaphore, #tpu.memory_space<semaphore_mem>>)
    %dma_wait3A_147 = arith.constant 2 : i32
    %dma_wait3A_148 = arith.constant 2 : i32
    %dma_wait3A_149 = arith.constant 0 : i32
    %dma_wait3A_150 = tpu.memref_slice %arg6[%dma_wait3A_147, %dma_wait3A_149] : memref<4x40xi32, #tpu.memory_space<vmem>> -> memref<1x40xi32, #tpu.memory_space<vmem>>
    %dma_wait3A_151 = tpu.memref_squeeze %dma_wait3A_150 : memref<1x40xi32, #tpu.memory_space<vmem>> -> memref<40xi32, #tpu.memory_space<vmem>>
    %dma_wait3A_152 = arith.constant 0 : i32
    %dma_wait3A_153 = tpu.memref_slice %arg4[%add3A_43, %dma_wait3A_152] : memref<128x40xi32, #tpu.memory_space<hbm>> -> memref<1x40xi32, #tpu.memory_space<hbm>>
    %dma_wait3A_154 = tpu.memref_squeeze %dma_wait3A_153 : memref<1x40xi32, #tpu.memory_space<hbm>> -> memref<40xi32, #tpu.memory_space<hbm>>
    %dma_wait3A_155 = tpu.memref_slice %arg8[%dma_wait3A_148] : memref<4x!tpu.dma_semaphore, #tpu.memory_space<semaphore_mem>> -> memref<1x!tpu.dma_semaphore, #tpu.memory_space<semaphore_mem>>
    %dma_wait3A_156 = tpu.memref_squeeze %dma_wait3A_155 : memref<1x!tpu.dma_semaphore, #tpu.memory_space<semaphore_mem>> -> memref<!tpu.dma_semaphore, #tpu.memory_space<semaphore_mem>>
    %dma_wait3A_157 = arith.constant 0 : i32
    %dma_wait3A_158 = tpu.memref_slice %arg6[%dma_wait3A_147, %dma_wait3A_157] : memref<4x40xi32, #tpu.memory_space<vmem>> -> memref<1x40xi32, #tpu.memory_space<vmem>>
    %dma_wait3A_159 = tpu.memref_squeeze %dma_wait3A_158 : memref<1x40xi32, #tpu.memory_space<vmem>> -> memref<40xi32, #tpu.memory_space<vmem>>
    %dma_wait3A_160 = arith.constant 0 : i32
    %dma_wait3A_161 = tpu.memref_slice %arg4[%add3A_43, %dma_wait3A_160] : memref<128x40xi32, #tpu.memory_space<hbm>> -> memref<1x40xi32, #tpu.memory_space<hbm>>
    %dma_wait3A_162 = tpu.memref_squeeze %dma_wait3A_161 : memref<1x40xi32, #tpu.memory_space<hbm>> -> memref<40xi32, #tpu.memory_space<hbm>>
    tpu.wait_dma2 semaphore(%dma_wait3A_156 : memref<!tpu.dma_semaphore, #tpu.memory_space<semaphore_mem>>) src(%dma_wait3A_162 : memref<40xi32, #tpu.memory_space<hbm>>) dst(%dma_wait3A_159 : memref<40xi32, #tpu.memory_space<vmem>>)
    %dma_start3A_163 = arith.constant 2 : i32
    %dma_start3A_164 = arith.constant 2 : i32
    %dma_start3A_165 = arith.constant 2 : i32
    %dma_start3A_166 = arith.constant 0 : i32
    %dma_start3A_167 = arith.constant 0 : i32
    %dma_start3A_168 = tpu.memref_slice %arg7[%dma_start3A_163, %dma_start3A_166, %dma_start3A_167] : memref<4x40x384xi32, #tpu.memory_space<vmem>> -> memref<1x40x384xi32, #tpu.memory_space<vmem>>
    %dma_start3A_169 = tpu.memref_squeeze %dma_start3A_168 : memref<1x40x384xi32, #tpu.memory_space<vmem>> -> memref<40x384xi32, #tpu.memory_space<vmem>>
    %dma_start3A_170 = arith.constant 0 : i32
    %dma_start3A_171 = tpu.memref_slice %arg6[%dma_start3A_164, %dma_start3A_170] : memref<4x40xi32, #tpu.memory_space<vmem>> -> memref<1x40xi32, #tpu.memory_space<vmem>>
    %dma_start3A_172 = tpu.memref_squeeze %dma_start3A_171 : memref<1x40xi32, #tpu.memory_space<vmem>> -> memref<40xi32, #tpu.memory_space<vmem>>
    %dma_start3A_173 = arith.constant 0 : i32
    %dma_start3A_174 = arith.constant 0 : i32
    %dma_start3A_175 = tpu.memref_slice %arg5[%dma_start3A_173, %dma_start3A_174] : memref<4104x384xi32, #tpu.memory_space<hbm>> -> memref<4104x384xi32, #tpu.memory_space<hbm>>
    %dma_start3A_176 = tpu.memref_slice %arg10[%dma_start3A_165] : memref<4x!tpu.dma_semaphore, #tpu.memory_space<semaphore_mem>> -> memref<1x!tpu.dma_semaphore, #tpu.memory_space<semaphore_mem>>
    %dma_start3A_177 = tpu.memref_squeeze %dma_start3A_176 : memref<1x!tpu.dma_semaphore, #tpu.memory_space<semaphore_mem>> -> memref<!tpu.dma_semaphore, #tpu.memory_space<semaphore_mem>>
    tpu.enqueue_indirect_dma source(%dma_start3A_169 : memref<40x384xi32, #tpu.memory_space<vmem>>) target(%dma_start3A_175 : memref<4104x384xi32, #tpu.memory_space<hbm>>) offsets(%dma_start3A_172 : memref<40xi32, #tpu.memory_space<vmem>>) semaphore(%dma_start3A_177 : memref<!tpu.dma_semaphore, #tpu.memory_space<semaphore_mem>>)
    %dma_wait3A_178 = arith.constant 3 : i32
    %dma_wait3A_179 = arith.constant 3 : i32
    %dma_wait3A_180 = arith.constant 0 : i32
    %dma_wait3A_181 = tpu.memref_slice %arg6[%dma_wait3A_178, %dma_wait3A_180] : memref<4x40xi32, #tpu.memory_space<vmem>> -> memref<1x40xi32, #tpu.memory_space<vmem>>
    %dma_wait3A_182 = tpu.memref_squeeze %dma_wait3A_181 : memref<1x40xi32, #tpu.memory_space<vmem>> -> memref<40xi32, #tpu.memory_space<vmem>>
    %dma_wait3A_183 = arith.constant 0 : i32
    %dma_wait3A_184 = tpu.memref_slice %arg4[%add3A_63, %dma_wait3A_183] : memref<128x40xi32, #tpu.memory_space<hbm>> -> memref<1x40xi32, #tpu.memory_space<hbm>>
    %dma_wait3A_185 = tpu.memref_squeeze %dma_wait3A_184 : memref<1x40xi32, #tpu.memory_space<hbm>> -> memref<40xi32, #tpu.memory_space<hbm>>
    %dma_wait3A_186 = tpu.memref_slice %arg8[%dma_wait3A_179] : memref<4x!tpu.dma_semaphore, #tpu.memory_space<semaphore_mem>> -> memref<1x!tpu.dma_semaphore, #tpu.memory_space<semaphore_mem>>
    %dma_wait3A_187 = tpu.memref_squeeze %dma_wait3A_186 : memref<1x!tpu.dma_semaphore, #tpu.memory_space<semaphore_mem>> -> memref<!tpu.dma_semaphore, #tpu.memory_space<semaphore_mem>>
    %dma_wait3A_188 = arith.constant 0 : i32
    %dma_wait3A_189 = tpu.memref_slice %arg6[%dma_wait3A_178, %dma_wait3A_188] : memref<4x40xi32, #tpu.memory_space<vmem>> -> memref<1x40xi32, #tpu.memory_space<vmem>>
    %dma_wait3A_190 = tpu.memref_squeeze %dma_wait3A_189 : memref<1x40xi32, #tpu.memory_space<vmem>> -> memref<40xi32, #tpu.memory_space<vmem>>
    %dma_wait3A_191 = arith.constant 0 : i32
    %dma_wait3A_192 = tpu.memref_slice %arg4[%add3A_63, %dma_wait3A_191] : memref<128x40xi32, #tpu.memory_space<hbm>> -> memref<1x40xi32, #tpu.memory_space<hbm>>
    %dma_wait3A_193 = tpu.memref_squeeze %dma_wait3A_192 : memref<1x40xi32, #tpu.memory_space<hbm>> -> memref<40xi32, #tpu.memory_space<hbm>>
    tpu.wait_dma2 semaphore(%dma_wait3A_187 : memref<!tpu.dma_semaphore, #tpu.memory_space<semaphore_mem>>) src(%dma_wait3A_193 : memref<40xi32, #tpu.memory_space<hbm>>) dst(%dma_wait3A_190 : memref<40xi32, #tpu.memory_space<vmem>>)
    %dma_start3A_194 = arith.constant 3 : i32
    %dma_start3A_195 = arith.constant 3 : i32
    %dma_start3A_196 = arith.constant 3 : i32
    %dma_start3A_197 = arith.constant 0 : i32
    %dma_start3A_198 = arith.constant 0 : i32
    %dma_start3A_199 = tpu.memref_slice %arg7[%dma_start3A_194, %dma_start3A_197, %dma_start3A_198] : memref<4x40x384xi32, #tpu.memory_space<vmem>> -> memref<1x40x384xi32, #tpu.memory_space<vmem>>
    %dma_start3A_200 = tpu.memref_squeeze %dma_start3A_199 : memref<1x40x384xi32, #tpu.memory_space<vmem>> -> memref<40x384xi32, #tpu.memory_space<vmem>>
    %dma_start3A_201 = arith.constant 0 : i32
    %dma_start3A_202 = tpu.memref_slice %arg6[%dma_start3A_195, %dma_start3A_201] : memref<4x40xi32, #tpu.memory_space<vmem>> -> memref<1x40xi32, #tpu.memory_space<vmem>>
    %dma_start3A_203 = tpu.memref_squeeze %dma_start3A_202 : memref<1x40xi32, #tpu.memory_space<vmem>> -> memref<40xi32, #tpu.memory_space<vmem>>
    %dma_start3A_204 = arith.constant 0 : i32
    %dma_start3A_205 = arith.constant 0 : i32
    %dma_start3A_206 = tpu.memref_slice %arg5[%dma_start3A_204, %dma_start3A_205] : memref<4104x384xi32, #tpu.memory_space<hbm>> -> memref<4104x384xi32, #tpu.memory_space<hbm>>
    %dma_start3A_207 = tpu.memref_slice %arg10[%dma_start3A_196] : memref<4x!tpu.dma_semaphore, #tpu.memory_space<semaphore_mem>> -> memref<1x!tpu.dma_semaphore, #tpu.memory_space<semaphore_mem>>
    %dma_start3A_208 = tpu.memref_squeeze %dma_start3A_207 : memref<1x!tpu.dma_semaphore, #tpu.memory_space<semaphore_mem>> -> memref<!tpu.dma_semaphore, #tpu.memory_space<semaphore_mem>>
    tpu.enqueue_indirect_dma source(%dma_start3A_200 : memref<40x384xi32, #tpu.memory_space<vmem>>) target(%dma_start3A_206 : memref<4104x384xi32, #tpu.memory_space<hbm>>) offsets(%dma_start3A_203 : memref<40xi32, #tpu.memory_space<vmem>>) semaphore(%dma_start3A_208 : memref<!tpu.dma_semaphore, #tpu.memory_space<semaphore_mem>>)
    %dma_wait3A_209 = arith.constant 0 : i32
    %dma_wait3A_210 = arith.constant 0 : i32
    %dma_wait3A_211 = arith.constant 0 : i32
    %dma_wait3A_212 = arith.constant 0 : i32
    %dma_wait3A_213 = arith.constant 0 : i32
    %dma_wait3A_214 = tpu.memref_slice %arg7[%dma_wait3A_209, %dma_wait3A_212, %dma_wait3A_213] : memref<4x40x384xi32, #tpu.memory_space<vmem>> -> memref<1x40x384xi32, #tpu.memory_space<vmem>>
    %dma_wait3A_215 = tpu.memref_squeeze %dma_wait3A_214 : memref<1x40x384xi32, #tpu.memory_space<vmem>> -> memref<40x384xi32, #tpu.memory_space<vmem>>
    %dma_wait3A_216 = arith.constant 0 : i32
    %dma_wait3A_217 = tpu.memref_slice %arg6[%dma_wait3A_210, %dma_wait3A_216] : memref<4x40xi32, #tpu.memory_space<vmem>> -> memref<1x40xi32, #tpu.memory_space<vmem>>
    %dma_wait3A_218 = tpu.memref_squeeze %dma_wait3A_217 : memref<1x40xi32, #tpu.memory_space<vmem>> -> memref<40xi32, #tpu.memory_space<vmem>>
    %dma_wait3A_219 = arith.constant 0 : i32
    %dma_wait3A_220 = arith.constant 0 : i32
    %dma_wait3A_221 = tpu.memref_slice %arg5[%dma_wait3A_219, %dma_wait3A_220] : memref<4104x384xi32, #tpu.memory_space<hbm>> -> memref<4104x384xi32, #tpu.memory_space<hbm>>
    %dma_wait3A_222 = tpu.memref_slice %arg10[%dma_wait3A_211] : memref<4x!tpu.dma_semaphore, #tpu.memory_space<semaphore_mem>> -> memref<1x!tpu.dma_semaphore, #tpu.memory_space<semaphore_mem>>
    %dma_wait3A_223 = tpu.memref_squeeze %dma_wait3A_222 : memref<1x!tpu.dma_semaphore, #tpu.memory_space<semaphore_mem>> -> memref<!tpu.dma_semaphore, #tpu.memory_space<semaphore_mem>>
    tpu.wait_indirect_dma semaphore(%dma_wait3A_223 : memref<!tpu.dma_semaphore, #tpu.memory_space<semaphore_mem>>) src(%dma_wait3A_215 : memref<40x384xi32, #tpu.memory_space<vmem>>) dst(%dma_wait3A_221 : memref<4104x384xi32, #tpu.memory_space<hbm>>)
    %dma_wait3A_224 = arith.constant 1 : i32
    %dma_wait3A_225 = arith.constant 1 : i32
    %dma_wait3A_226 = arith.constant 1 : i32
    %dma_wait3A_227 = arith.constant 0 : i32
    %dma_wait3A_228 = arith.constant 0 : i32
    %dma_wait3A_229 = tpu.memref_slice %arg7[%dma_wait3A_224, %dma_wait3A_227, %dma_wait3A_228] : memref<4x40x384xi32, #tpu.memory_space<vmem>> -> memref<1x40x384xi32, #tpu.memory_space<vmem>>
    %dma_wait3A_230 = tpu.memref_squeeze %dma_wait3A_229 : memref<1x40x384xi32, #tpu.memory_space<vmem>> -> memref<40x384xi32, #tpu.memory_space<vmem>>
    %dma_wait3A_231 = arith.constant 0 : i32
    %dma_wait3A_232 = tpu.memref_slice %arg6[%dma_wait3A_225, %dma_wait3A_231] : memref<4x40xi32, #tpu.memory_space<vmem>> -> memref<1x40xi32, #tpu.memory_space<vmem>>
    %dma_wait3A_233 = tpu.memref_squeeze %dma_wait3A_232 : memref<1x40xi32, #tpu.memory_space<vmem>> -> memref<40xi32, #tpu.memory_space<vmem>>
    %dma_wait3A_234 = arith.constant 0 : i32
    %dma_wait3A_235 = arith.constant 0 : i32
    %dma_wait3A_236 = tpu.memref_slice %arg5[%dma_wait3A_234, %dma_wait3A_235] : memref<4104x384xi32, #tpu.memory_space<hbm>> -> memref<4104x384xi32, #tpu.memory_space<hbm>>
    %dma_wait3A_237 = tpu.memref_slice %arg10[%dma_wait3A_226] : memref<4x!tpu.dma_semaphore, #tpu.memory_space<semaphore_mem>> -> memref<1x!tpu.dma_semaphore, #tpu.memory_space<semaphore_mem>>
    %dma_wait3A_238 = tpu.memref_squeeze %dma_wait3A_237 : memref<1x!tpu.dma_semaphore, #tpu.memory_space<semaphore_mem>> -> memref<!tpu.dma_semaphore, #tpu.memory_space<semaphore_mem>>
    tpu.wait_indirect_dma semaphore(%dma_wait3A_238 : memref<!tpu.dma_semaphore, #tpu.memory_space<semaphore_mem>>) src(%dma_wait3A_230 : memref<40x384xi32, #tpu.memory_space<vmem>>) dst(%dma_wait3A_236 : memref<4104x384xi32, #tpu.memory_space<hbm>>)
    %dma_wait3A_239 = arith.constant 2 : i32
    %dma_wait3A_240 = arith.constant 2 : i32
    %dma_wait3A_241 = arith.constant 2 : i32
    %dma_wait3A_242 = arith.constant 0 : i32
    %dma_wait3A_243 = arith.constant 0 : i32
    %dma_wait3A_244 = tpu.memref_slice %arg7[%dma_wait3A_239, %dma_wait3A_242, %dma_wait3A_243] : memref<4x40x384xi32, #tpu.memory_space<vmem>> -> memref<1x40x384xi32, #tpu.memory_space<vmem>>
    %dma_wait3A_245 = tpu.memref_squeeze %dma_wait3A_244 : memref<1x40x384xi32, #tpu.memory_space<vmem>> -> memref<40x384xi32, #tpu.memory_space<vmem>>
    %dma_wait3A_246 = arith.constant 0 : i32
    %dma_wait3A_247 = tpu.memref_slice %arg6[%dma_wait3A_240, %dma_wait3A_246] : memref<4x40xi32, #tpu.memory_space<vmem>> -> memref<1x40xi32, #tpu.memory_space<vmem>>
    %dma_wait3A_248 = tpu.memref_squeeze %dma_wait3A_247 : memref<1x40xi32, #tpu.memory_space<vmem>> -> memref<40xi32, #tpu.memory_space<vmem>>
    %dma_wait3A_249 = arith.constant 0 : i32
    %dma_wait3A_250 = arith.constant 0 : i32
    %dma_wait3A_251 = tpu.memref_slice %arg5[%dma_wait3A_249, %dma_wait3A_250] : memref<4104x384xi32, #tpu.memory_space<hbm>> -> memref<4104x384xi32, #tpu.memory_space<hbm>>
    %dma_wait3A_252 = tpu.memref_slice %arg10[%dma_wait3A_241] : memref<4x!tpu.dma_semaphore, #tpu.memory_space<semaphore_mem>> -> memref<1x!tpu.dma_semaphore, #tpu.memory_space<semaphore_mem>>
    %dma_wait3A_253 = tpu.memref_squeeze %dma_wait3A_252 : memref<1x!tpu.dma_semaphore, #tpu.memory_space<semaphore_mem>> -> memref<!tpu.dma_semaphore, #tpu.memory_space<semaphore_mem>>
    tpu.wait_indirect_dma semaphore(%dma_wait3A_253 : memref<!tpu.dma_semaphore, #tpu.memory_space<semaphore_mem>>) src(%dma_wait3A_245 : memref<40x384xi32, #tpu.memory_space<vmem>>) dst(%dma_wait3A_251 : memref<4104x384xi32, #tpu.memory_space<hbm>>)
    %dma_wait3A_254 = arith.constant 3 : i32
    %dma_wait3A_255 = arith.constant 3 : i32
    %dma_wait3A_256 = arith.constant 3 : i32
    %dma_wait3A_257 = arith.constant 0 : i32
    %dma_wait3A_258 = arith.constant 0 : i32
    %dma_wait3A_259 = tpu.memref_slice %arg7[%dma_wait3A_254, %dma_wait3A_257, %dma_wait3A_258] : memref<4x40x384xi32, #tpu.memory_space<vmem>> -> memref<1x40x384xi32, #tpu.memory_space<vmem>>
    %dma_wait3A_260 = tpu.memref_squeeze %dma_wait3A_259 : memref<1x40x384xi32, #tpu.memory_space<vmem>> -> memref<40x384xi32, #tpu.memory_space<vmem>>
    %dma_wait3A_261 = arith.constant 0 : i32
    %dma_wait3A_262 = tpu.memref_slice %arg6[%dma_wait3A_255, %dma_wait3A_261] : memref<4x40xi32, #tpu.memory_space<vmem>> -> memref<1x40xi32, #tpu.memory_space<vmem>>
    %dma_wait3A_263 = tpu.memref_squeeze %dma_wait3A_262 : memref<1x40xi32, #tpu.memory_space<vmem>> -> memref<40xi32, #tpu.memory_space<vmem>>
    %dma_wait3A_264 = arith.constant 0 : i32
    %dma_wait3A_265 = arith.constant 0 : i32
    %dma_wait3A_266 = tpu.memref_slice %arg5[%dma_wait3A_264, %dma_wait3A_265] : memref<4104x384xi32, #tpu.memory_space<hbm>> -> memref<4104x384xi32, #tpu.memory_space<hbm>>
    %dma_wait3A_267 = tpu.memref_slice %arg10[%dma_wait3A_256] : memref<4x!tpu.dma_semaphore, #tpu.memory_space<semaphore_mem>> -> memref<1x!tpu.dma_semaphore, #tpu.memory_space<semaphore_mem>>
    %dma_wait3A_268 = tpu.memref_squeeze %dma_wait3A_267 : memref<1x!tpu.dma_semaphore, #tpu.memory_space<semaphore_mem>> -> memref<!tpu.dma_semaphore, #tpu.memory_space<semaphore_mem>>
    tpu.wait_indirect_dma semaphore(%dma_wait3A_268 : memref<!tpu.dma_semaphore, #tpu.memory_space<semaphore_mem>>) src(%dma_wait3A_260 : memref<40x384xi32, #tpu.memory_space<vmem>>) dst(%dma_wait3A_266 : memref<4104x384xi32, #tpu.memory_space<hbm>>)
    return
  }
}

#map = affine_map<(d0, d1) -> (0, 0)>
#map1 = affine_map<(d0, d1) -> (0, 0, 0, 0)>
module attributes {stable_mosaic.version = 14 : i64} {
  func.func @body(%arg0: i32, %arg1: i32, %arg2: memref<4096x384xi32, #tpu.memory_space<hbm>>, %arg3: memref<64x40xi32, #tpu.memory_space<hbm>>, %arg4: memref<32x2x40x384xi32, #tpu.memory_space<hbm>>, %arg5: memref<2x40xi32, #tpu.memory_space<vmem>>, %arg6: memref<2x40x384xi32, #tpu.memory_space<vmem>>, %arg7: memref<2x!tpu.dma_semaphore, #tpu.memory_space<semaphore_mem>>, %arg8: memref<2x!tpu.dma_semaphore, #tpu.memory_space<semaphore_mem>>, %arg9: memref<2x!tpu.dma_semaphore, #tpu.memory_space<semaphore_mem>>) attributes {dimension_semantics = [#tpu.dimension_semantics<core_parallel>, #tpu.dimension_semantics<subcore_parallel>], iteration_bounds = array<i64: 2, 16>, scalar_prefetch = 0 : i64, scratch_operands = 5 : i64, tpu.core_type = #tpu.core_type<sc_vector_subcore>, window_params = [{transform_indices = #map}, {transform_indices = #map}, {transform_indices = #map1}]} {
    %mul3A = arith.constant 2 : i32
    %mul3A_0 = arith.muli %arg1, %mul3A : i32
    %add3A = arith.addi %mul3A_0, %arg0 : i32
    %iota3A = tpu.iota {dimensions = array<i32: 0>} : vector<16xi32>
    %mul3A_1 = arith.constant 2 : i32
    %mul3A_2 = arith.muli %add3A, %mul3A_1 : i32
    %add3A_3 = arith.constant 0 : i32
    %add3A_4 = arith.addi %mul3A_2, %add3A_3 : i32
    %dma_start3A = arith.constant 0 : i32
    %dma_start3A_5 = arith.constant 0 : i32
    %dma_start3A_6 = arith.constant 0 : i32
    %dma_start3A_7 = tpu.memref_slice %arg5[%dma_start3A, %dma_start3A_6] : memref<2x40xi32, #tpu.memory_space<vmem>> -> memref<1x40xi32, #tpu.memory_space<vmem>>
    %dma_start3A_8 = tpu.memref_squeeze %dma_start3A_7 : memref<1x40xi32, #tpu.memory_space<vmem>> -> memref<40xi32, #tpu.memory_space<vmem>>
    %dma_start3A_9 = arith.constant 0 : i32
    %dma_start3A_10 = tpu.memref_slice %arg3[%add3A_4, %dma_start3A_9] : memref<64x40xi32, #tpu.memory_space<hbm>> -> memref<1x40xi32, #tpu.memory_space<hbm>>
    %dma_start3A_11 = tpu.memref_squeeze %dma_start3A_10 : memref<1x40xi32, #tpu.memory_space<hbm>> -> memref<40xi32, #tpu.memory_space<hbm>>
    %dma_start3A_12 = tpu.memref_slice %arg7[%dma_start3A_5] : memref<2x!tpu.dma_semaphore, #tpu.memory_space<semaphore_mem>> -> memref<1x!tpu.dma_semaphore, #tpu.memory_space<semaphore_mem>>
    %dma_start3A_13 = tpu.memref_squeeze %dma_start3A_12 : memref<1x!tpu.dma_semaphore, #tpu.memory_space<semaphore_mem>> -> memref<!tpu.dma_semaphore, #tpu.memory_space<semaphore_mem>>
    %dma_start3A_14 = arith.constant 0 : i32
    %dma_start3A_15 = tpu.memref_slice %arg5[%dma_start3A, %dma_start3A_14] : memref<2x40xi32, #tpu.memory_space<vmem>> -> memref<1x40xi32, #tpu.memory_space<vmem>>
    %dma_start3A_16 = tpu.memref_squeeze %dma_start3A_15 : memref<1x40xi32, #tpu.memory_space<vmem>> -> memref<40xi32, #tpu.memory_space<vmem>>
    %dma_start3A_17 = arith.constant 0 : i32
    %dma_start3A_18 = tpu.memref_slice %arg3[%add3A_4, %dma_start3A_17] : memref<64x40xi32, #tpu.memory_space<hbm>> -> memref<1x40xi32, #tpu.memory_space<hbm>>
    %dma_start3A_19 = tpu.memref_squeeze %dma_start3A_18 : memref<1x40xi32, #tpu.memory_space<hbm>> -> memref<40xi32, #tpu.memory_space<hbm>>
    tpu.enqueue_dma source(%dma_start3A_19 : memref<40xi32, #tpu.memory_space<hbm>>) target(%dma_start3A_16 : memref<40xi32, #tpu.memory_space<vmem>>) target_semaphore(%dma_start3A_13 : memref<!tpu.dma_semaphore, #tpu.memory_space<semaphore_mem>>)
    %mul3A_20 = arith.constant 2 : i32
    %mul3A_21 = arith.muli %add3A, %mul3A_20 : i32
    %add3A_22 = arith.constant 1 : i32
    %add3A_23 = arith.addi %mul3A_21, %add3A_22 : i32
    %dma_start3A_24 = arith.constant 1 : i32
    %dma_start3A_25 = arith.constant 1 : i32
    %dma_start3A_26 = arith.constant 0 : i32
    %dma_start3A_27 = tpu.memref_slice %arg5[%dma_start3A_24, %dma_start3A_26] : memref<2x40xi32, #tpu.memory_space<vmem>> -> memref<1x40xi32, #tpu.memory_space<vmem>>
    %dma_start3A_28 = tpu.memref_squeeze %dma_start3A_27 : memref<1x40xi32, #tpu.memory_space<vmem>> -> memref<40xi32, #tpu.memory_space<vmem>>
    %dma_start3A_29 = arith.constant 0 : i32
    %dma_start3A_30 = tpu.memref_slice %arg3[%add3A_23, %dma_start3A_29] : memref<64x40xi32, #tpu.memory_space<hbm>> -> memref<1x40xi32, #tpu.memory_space<hbm>>
    %dma_start3A_31 = tpu.memref_squeeze %dma_start3A_30 : memref<1x40xi32, #tpu.memory_space<hbm>> -> memref<40xi32, #tpu.memory_space<hbm>>
    %dma_start3A_32 = tpu.memref_slice %arg7[%dma_start3A_25] : memref<2x!tpu.dma_semaphore, #tpu.memory_space<semaphore_mem>> -> memref<1x!tpu.dma_semaphore, #tpu.memory_space<semaphore_mem>>
    %dma_start3A_33 = tpu.memref_squeeze %dma_start3A_32 : memref<1x!tpu.dma_semaphore, #tpu.memory_space<semaphore_mem>> -> memref<!tpu.dma_semaphore, #tpu.memory_space<semaphore_mem>>
    %dma_start3A_34 = arith.constant 0 : i32
    %dma_start3A_35 = tpu.memref_slice %arg5[%dma_start3A_24, %dma_start3A_34] : memref<2x40xi32, #tpu.memory_space<vmem>> -> memref<1x40xi32, #tpu.memory_space<vmem>>
    %dma_start3A_36 = tpu.memref_squeeze %dma_start3A_35 : memref<1x40xi32, #tpu.memory_space<vmem>> -> memref<40xi32, #tpu.memory_space<vmem>>
    %dma_start3A_37 = arith.constant 0 : i32
    %dma_start3A_38 = tpu.memref_slice %arg3[%add3A_23, %dma_start3A_37] : memref<64x40xi32, #tpu.memory_space<hbm>> -> memref<1x40xi32, #tpu.memory_space<hbm>>
    %dma_start3A_39 = tpu.memref_squeeze %dma_start3A_38 : memref<1x40xi32, #tpu.memory_space<hbm>> -> memref<40xi32, #tpu.memory_space<hbm>>
    tpu.enqueue_dma source(%dma_start3A_39 : memref<40xi32, #tpu.memory_space<hbm>>) target(%dma_start3A_36 : memref<40xi32, #tpu.memory_space<vmem>>) target_semaphore(%dma_start3A_33 : memref<!tpu.dma_semaphore, #tpu.memory_space<semaphore_mem>>)
    %dma_wait3A = arith.constant 0 : i32
    %dma_wait3A_40 = arith.constant 0 : i32
    %dma_wait3A_41 = arith.constant 0 : i32
    %dma_wait3A_42 = tpu.memref_slice %arg5[%dma_wait3A, %dma_wait3A_41] : memref<2x40xi32, #tpu.memory_space<vmem>> -> memref<1x40xi32, #tpu.memory_space<vmem>>
    %dma_wait3A_43 = tpu.memref_squeeze %dma_wait3A_42 : memref<1x40xi32, #tpu.memory_space<vmem>> -> memref<40xi32, #tpu.memory_space<vmem>>
    %dma_wait3A_44 = arith.constant 0 : i32
    %dma_wait3A_45 = tpu.memref_slice %arg3[%add3A_4, %dma_wait3A_44] : memref<64x40xi32, #tpu.memory_space<hbm>> -> memref<1x40xi32, #tpu.memory_space<hbm>>
    %dma_wait3A_46 = tpu.memref_squeeze %dma_wait3A_45 : memref<1x40xi32, #tpu.memory_space<hbm>> -> memref<40xi32, #tpu.memory_space<hbm>>
    %dma_wait3A_47 = tpu.memref_slice %arg7[%dma_wait3A_40] : memref<2x!tpu.dma_semaphore, #tpu.memory_space<semaphore_mem>> -> memref<1x!tpu.dma_semaphore, #tpu.memory_space<semaphore_mem>>
    %dma_wait3A_48 = tpu.memref_squeeze %dma_wait3A_47 : memref<1x!tpu.dma_semaphore, #tpu.memory_space<semaphore_mem>> -> memref<!tpu.dma_semaphore, #tpu.memory_space<semaphore_mem>>
    %dma_wait3A_49 = arith.constant 0 : i32
    %dma_wait3A_50 = tpu.memref_slice %arg5[%dma_wait3A, %dma_wait3A_49] : memref<2x40xi32, #tpu.memory_space<vmem>> -> memref<1x40xi32, #tpu.memory_space<vmem>>
    %dma_wait3A_51 = tpu.memref_squeeze %dma_wait3A_50 : memref<1x40xi32, #tpu.memory_space<vmem>> -> memref<40xi32, #tpu.memory_space<vmem>>
    %dma_wait3A_52 = arith.constant 0 : i32
    %dma_wait3A_53 = tpu.memref_slice %arg3[%add3A_4, %dma_wait3A_52] : memref<64x40xi32, #tpu.memory_space<hbm>> -> memref<1x40xi32, #tpu.memory_space<hbm>>
    %dma_wait3A_54 = tpu.memref_squeeze %dma_wait3A_53 : memref<1x40xi32, #tpu.memory_space<hbm>> -> memref<40xi32, #tpu.memory_space<hbm>>
    tpu.wait_dma2 semaphore(%dma_wait3A_48 : memref<!tpu.dma_semaphore, #tpu.memory_space<semaphore_mem>>) src(%dma_wait3A_54 : memref<40xi32, #tpu.memory_space<hbm>>) dst(%dma_wait3A_51 : memref<40xi32, #tpu.memory_space<vmem>>)
    %add3A_55 = arith.constant 0 : i32
    %add3A_56 = vector.broadcast %add3A_55 : i32 to vector<16xi32>
    %add3A_57 = arith.addi %add3A_56, %iota3A : vector<16xi32>
    %min3A = arith.constant 39 : i32
    %min3A_58 = vector.broadcast %min3A : i32 to vector<16xi32>
    %min3A_59 = arith.minsi %add3A_57, %min3A_58 : vector<16xi32>
    %broadcast_in_dim3A = arith.constant 0 : i32
    %broadcast_in_dim3A_60 = vector.broadcast %broadcast_in_dim3A : i32 to vector<16xi32>
    %gather3A = tpu.vector_load_idx %arg5[%broadcast_in_dim3A_60, %min3A_59] : memref<2x40xi32, #tpu.memory_space<vmem>>[vector<16xi32>, vector<16xi32>], vector<16xi32>,
    %min3A_61 = arith.constant 4095 : i32
    %min3A_62 = vector.broadcast %min3A_61 : i32 to vector<16xi32>
    %min3A_63 = arith.minsi %gather3A, %min3A_62 : vector<16xi32>
    tpu.vector_store_idx %arg5[%broadcast_in_dim3A_60, %min3A_59], %min3A_63 : memref<2x40xi32, #tpu.memory_space<vmem>>[vector<16xi32>, vector<16xi32>], vector<16xi32>,
    %add3A_64 = arith.constant 16 : i32
    %add3A_65 = vector.broadcast %add3A_64 : i32 to vector<16xi32>
    %add3A_66 = arith.addi %add3A_65, %iota3A : vector<16xi32>
    %min3A_67 = arith.constant 39 : i32
    %min3A_68 = vector.broadcast %min3A_67 : i32 to vector<16xi32>
    %min3A_69 = arith.minsi %add3A_66, %min3A_68 : vector<16xi32>
    %broadcast_in_dim3A_70 = arith.constant 0 : i32
    %broadcast_in_dim3A_71 = vector.broadcast %broadcast_in_dim3A_70 : i32 to vector<16xi32>
    %gather3A_72 = tpu.vector_load_idx %arg5[%broadcast_in_dim3A_71, %min3A_69] : memref<2x40xi32, #tpu.memory_space<vmem>>[vector<16xi32>, vector<16xi32>], vector<16xi32>,
    %min3A_73 = arith.constant 4095 : i32
    %min3A_74 = vector.broadcast %min3A_73 : i32 to vector<16xi32>
    %min3A_75 = arith.minsi %gather3A_72, %min3A_74 : vector<16xi32>
    tpu.vector_store_idx %arg5[%broadcast_in_dim3A_71, %min3A_69], %min3A_75 : memref<2x40xi32, #tpu.memory_space<vmem>>[vector<16xi32>, vector<16xi32>], vector<16xi32>,
    %add3A_76 = arith.constant 32 : i32
    %add3A_77 = vector.broadcast %add3A_76 : i32 to vector<16xi32>
    %add3A_78 = arith.addi %add3A_77, %iota3A : vector<16xi32>
    %min3A_79 = arith.constant 39 : i32
    %min3A_80 = vector.broadcast %min3A_79 : i32 to vector<16xi32>
    %min3A_81 = arith.minsi %add3A_78, %min3A_80 : vector<16xi32>
    %broadcast_in_dim3A_82 = arith.constant 0 : i32
    %broadcast_in_dim3A_83 = vector.broadcast %broadcast_in_dim3A_82 : i32 to vector<16xi32>
    %gather3A_84 = tpu.vector_load_idx %arg5[%broadcast_in_dim3A_83, %min3A_81] : memref<2x40xi32, #tpu.memory_space<vmem>>[vector<16xi32>, vector<16xi32>], vector<16xi32>,
    %min3A_85 = arith.constant 4095 : i32
    %min3A_86 = vector.broadcast %min3A_85 : i32 to vector<16xi32>
    %min3A_87 = arith.minsi %gather3A_84, %min3A_86 : vector<16xi32>
    tpu.vector_store_idx %arg5[%broadcast_in_dim3A_83, %min3A_81], %min3A_87 : memref<2x40xi32, #tpu.memory_space<vmem>>[vector<16xi32>, vector<16xi32>], vector<16xi32>,
    %dma_start3A_88 = arith.constant 0 : i32
    %dma_start3A_89 = arith.constant 0 : i32
    %dma_start3A_90 = arith.constant 0 : i32
    %dma_start3A_91 = arith.constant 0 : i32
    %dma_start3A_92 = arith.constant 0 : i32
    %dma_start3A_93 = tpu.memref_slice %arg6[%dma_start3A_89, %dma_start3A_91, %dma_start3A_92] : memref<2x40x384xi32, #tpu.memory_space<vmem>> -> memref<1x40x384xi32, #tpu.memory_space<vmem>>
    %dma_start3A_94 = tpu.memref_squeeze %dma_start3A_93 : memref<1x40x384xi32, #tpu.memory_space<vmem>> -> memref<40x384xi32, #tpu.memory_space<vmem>>
    %dma_start3A_95 = arith.constant 0 : i32
    %dma_start3A_96 = tpu.memref_slice %arg5[%dma_start3A_88, %dma_start3A_95] : memref<2x40xi32, #tpu.memory_space<vmem>> -> memref<1x40xi32, #tpu.memory_space<vmem>>
    %dma_start3A_97 = tpu.memref_squeeze %dma_start3A_96 : memref<1x40xi32, #tpu.memory_space<vmem>> -> memref<40xi32, #tpu.memory_space<vmem>>
    %dma_start3A_98 = arith.constant 0 : i32
    %dma_start3A_99 = arith.constant 0 : i32
    %dma_start3A_100 = tpu.memref_slice %arg2[%dma_start3A_98, %dma_start3A_99] : memref<4096x384xi32, #tpu.memory_space<hbm>> -> memref<4096x384xi32, #tpu.memory_space<hbm>>
    %dma_start3A_101 = tpu.memref_slice %arg8[%dma_start3A_90] : memref<2x!tpu.dma_semaphore, #tpu.memory_space<semaphore_mem>> -> memref<1x!tpu.dma_semaphore, #tpu.memory_space<semaphore_mem>>
    %dma_start3A_102 = tpu.memref_squeeze %dma_start3A_101 : memref<1x!tpu.dma_semaphore, #tpu.memory_space<semaphore_mem>> -> memref<!tpu.dma_semaphore, #tpu.memory_space<semaphore_mem>>
    tpu.enqueue_indirect_dma source(%dma_start3A_100 : memref<4096x384xi32, #tpu.memory_space<hbm>>) target(%dma_start3A_94 : memref<40x384xi32, #tpu.memory_space<vmem>>) offsets(%dma_start3A_97 : memref<40xi32, #tpu.memory_space<vmem>>) semaphore(%dma_start3A_102 : memref<!tpu.dma_semaphore, #tpu.memory_space<semaphore_mem>>)
    %dma_wait3A_103 = arith.constant 1 : i32
    %dma_wait3A_104 = arith.constant 1 : i32
    %dma_wait3A_105 = arith.constant 0 : i32
    %dma_wait3A_106 = tpu.memref_slice %arg5[%dma_wait3A_103, %dma_wait3A_105] : memref<2x40xi32, #tpu.memory_space<vmem>> -> memref<1x40xi32, #tpu.memory_space<vmem>>
    %dma_wait3A_107 = tpu.memref_squeeze %dma_wait3A_106 : memref<1x40xi32, #tpu.memory_space<vmem>> -> memref<40xi32, #tpu.memory_space<vmem>>
    %dma_wait3A_108 = arith.constant 0 : i32
    %dma_wait3A_109 = tpu.memref_slice %arg3[%add3A_23, %dma_wait3A_108] : memref<64x40xi32, #tpu.memory_space<hbm>> -> memref<1x40xi32, #tpu.memory_space<hbm>>
    %dma_wait3A_110 = tpu.memref_squeeze %dma_wait3A_109 : memref<1x40xi32, #tpu.memory_space<hbm>> -> memref<40xi32, #tpu.memory_space<hbm>>
    %dma_wait3A_111 = tpu.memref_slice %arg7[%dma_wait3A_104] : memref<2x!tpu.dma_semaphore, #tpu.memory_space<semaphore_mem>> -> memref<1x!tpu.dma_semaphore, #tpu.memory_space<semaphore_mem>>
    %dma_wait3A_112 = tpu.memref_squeeze %dma_wait3A_111 : memref<1x!tpu.dma_semaphore, #tpu.memory_space<semaphore_mem>> -> memref<!tpu.dma_semaphore, #tpu.memory_space<semaphore_mem>>
    %dma_wait3A_113 = arith.constant 0 : i32
    %dma_wait3A_114 = tpu.memref_slice %arg5[%dma_wait3A_103, %dma_wait3A_113] : memref<2x40xi32, #tpu.memory_space<vmem>> -> memref<1x40xi32, #tpu.memory_space<vmem>>
    %dma_wait3A_115 = tpu.memref_squeeze %dma_wait3A_114 : memref<1x40xi32, #tpu.memory_space<vmem>> -> memref<40xi32, #tpu.memory_space<vmem>>
    %dma_wait3A_116 = arith.constant 0 : i32
    %dma_wait3A_117 = tpu.memref_slice %arg3[%add3A_23, %dma_wait3A_116] : memref<64x40xi32, #tpu.memory_space<hbm>> -> memref<1x40xi32, #tpu.memory_space<hbm>>
    %dma_wait3A_118 = tpu.memref_squeeze %dma_wait3A_117 : memref<1x40xi32, #tpu.memory_space<hbm>> -> memref<40xi32, #tpu.memory_space<hbm>>
    tpu.wait_dma2 semaphore(%dma_wait3A_112 : memref<!tpu.dma_semaphore, #tpu.memory_space<semaphore_mem>>) src(%dma_wait3A_118 : memref<40xi32, #tpu.memory_space<hbm>>) dst(%dma_wait3A_115 : memref<40xi32, #tpu.memory_space<vmem>>)
    %add3A_119 = arith.constant 0 : i32
    %add3A_120 = vector.broadcast %add3A_119 : i32 to vector<16xi32>
    %add3A_121 = arith.addi %add3A_120, %iota3A : vector<16xi32>
    %min3A_122 = arith.constant 39 : i32
    %min3A_123 = vector.broadcast %min3A_122 : i32 to vector<16xi32>
    %min3A_124 = arith.minsi %add3A_121, %min3A_123 : vector<16xi32>
    %broadcast_in_dim3A_125 = arith.constant 1 : i32
    %broadcast_in_dim3A_126 = vector.broadcast %broadcast_in_dim3A_125 : i32 to vector<16xi32>
    %gather3A_127 = tpu.vector_load_idx %arg5[%broadcast_in_dim3A_126, %min3A_124] : memref<2x40xi32, #tpu.memory_space<vmem>>[vector<16xi32>, vector<16xi32>], vector<16xi32>,
    %min3A_128 = arith.constant 4095 : i32
    %min3A_129 = vector.broadcast %min3A_128 : i32 to vector<16xi32>
    %min3A_130 = arith.minsi %gather3A_127, %min3A_129 : vector<16xi32>
    tpu.vector_store_idx %arg5[%broadcast_in_dim3A_126, %min3A_124], %min3A_130 : memref<2x40xi32, #tpu.memory_space<vmem>>[vector<16xi32>, vector<16xi32>], vector<16xi32>,
    %add3A_131 = arith.constant 16 : i32
    %add3A_132 = vector.broadcast %add3A_131 : i32 to vector<16xi32>
    %add3A_133 = arith.addi %add3A_132, %iota3A : vector<16xi32>
    %min3A_134 = arith.constant 39 : i32
    %min3A_135 = vector.broadcast %min3A_134 : i32 to vector<16xi32>
    %min3A_136 = arith.minsi %add3A_133, %min3A_135 : vector<16xi32>
    %broadcast_in_dim3A_137 = arith.constant 1 : i32
    %broadcast_in_dim3A_138 = vector.broadcast %broadcast_in_dim3A_137 : i32 to vector<16xi32>
    %gather3A_139 = tpu.vector_load_idx %arg5[%broadcast_in_dim3A_138, %min3A_136] : memref<2x40xi32, #tpu.memory_space<vmem>>[vector<16xi32>, vector<16xi32>], vector<16xi32>,
    %min3A_140 = arith.constant 4095 : i32
    %min3A_141 = vector.broadcast %min3A_140 : i32 to vector<16xi32>
    %min3A_142 = arith.minsi %gather3A_139, %min3A_141 : vector<16xi32>
    tpu.vector_store_idx %arg5[%broadcast_in_dim3A_138, %min3A_136], %min3A_142 : memref<2x40xi32, #tpu.memory_space<vmem>>[vector<16xi32>, vector<16xi32>], vector<16xi32>,
    %add3A_143 = arith.constant 32 : i32
    %add3A_144 = vector.broadcast %add3A_143 : i32 to vector<16xi32>
    %add3A_145 = arith.addi %add3A_144, %iota3A : vector<16xi32>
    %min3A_146 = arith.constant 39 : i32
    %min3A_147 = vector.broadcast %min3A_146 : i32 to vector<16xi32>
    %min3A_148 = arith.minsi %add3A_145, %min3A_147 : vector<16xi32>
    %broadcast_in_dim3A_149 = arith.constant 1 : i32
    %broadcast_in_dim3A_150 = vector.broadcast %broadcast_in_dim3A_149 : i32 to vector<16xi32>
    %gather3A_151 = tpu.vector_load_idx %arg5[%broadcast_in_dim3A_150, %min3A_148] : memref<2x40xi32, #tpu.memory_space<vmem>>[vector<16xi32>, vector<16xi32>], vector<16xi32>,
    %min3A_152 = arith.constant 4095 : i32
    %min3A_153 = vector.broadcast %min3A_152 : i32 to vector<16xi32>
    %min3A_154 = arith.minsi %gather3A_151, %min3A_153 : vector<16xi32>
    tpu.vector_store_idx %arg5[%broadcast_in_dim3A_150, %min3A_148], %min3A_154 : memref<2x40xi32, #tpu.memory_space<vmem>>[vector<16xi32>, vector<16xi32>], vector<16xi32>,
    %dma_start3A_155 = arith.constant 1 : i32
    %dma_start3A_156 = arith.constant 1 : i32
    %dma_start3A_157 = arith.constant 1 : i32
    %dma_start3A_158 = arith.constant 0 : i32
    %dma_start3A_159 = arith.constant 0 : i32
    %dma_start3A_160 = tpu.memref_slice %arg6[%dma_start3A_156, %dma_start3A_158, %dma_start3A_159] : memref<2x40x384xi32, #tpu.memory_space<vmem>> -> memref<1x40x384xi32, #tpu.memory_space<vmem>>
    %dma_start3A_161 = tpu.memref_squeeze %dma_start3A_160 : memref<1x40x384xi32, #tpu.memory_space<vmem>> -> memref<40x384xi32, #tpu.memory_space<vmem>>
    %dma_start3A_162 = arith.constant 0 : i32
    %dma_start3A_163 = tpu.memref_slice %arg5[%dma_start3A_155, %dma_start3A_162] : memref<2x40xi32, #tpu.memory_space<vmem>> -> memref<1x40xi32, #tpu.memory_space<vmem>>
    %dma_start3A_164 = tpu.memref_squeeze %dma_start3A_163 : memref<1x40xi32, #tpu.memory_space<vmem>> -> memref<40xi32, #tpu.memory_space<vmem>>
    %dma_start3A_165 = arith.constant 0 : i32
    %dma_start3A_166 = arith.constant 0 : i32
    %dma_start3A_167 = tpu.memref_slice %arg2[%dma_start3A_165, %dma_start3A_166] : memref<4096x384xi32, #tpu.memory_space<hbm>> -> memref<4096x384xi32, #tpu.memory_space<hbm>>
    %dma_start3A_168 = tpu.memref_slice %arg8[%dma_start3A_157] : memref<2x!tpu.dma_semaphore, #tpu.memory_space<semaphore_mem>> -> memref<1x!tpu.dma_semaphore, #tpu.memory_space<semaphore_mem>>
    %dma_start3A_169 = tpu.memref_squeeze %dma_start3A_168 : memref<1x!tpu.dma_semaphore, #tpu.memory_space<semaphore_mem>> -> memref<!tpu.dma_semaphore, #tpu.memory_space<semaphore_mem>>
    tpu.enqueue_indirect_dma source(%dma_start3A_167 : memref<4096x384xi32, #tpu.memory_space<hbm>>) target(%dma_start3A_161 : memref<40x384xi32, #tpu.memory_space<vmem>>) offsets(%dma_start3A_164 : memref<40xi32, #tpu.memory_space<vmem>>) semaphore(%dma_start3A_169 : memref<!tpu.dma_semaphore, #tpu.memory_space<semaphore_mem>>)
    %dma_wait3A_170 = arith.constant 0 : i32
    %dma_wait3A_171 = arith.constant 0 : i32
    %dma_wait3A_172 = arith.constant 0 : i32
    %dma_wait3A_173 = arith.constant 0 : i32
    %dma_wait3A_174 = arith.constant 0 : i32
    %dma_wait3A_175 = tpu.memref_slice %arg6[%dma_wait3A_171, %dma_wait3A_173, %dma_wait3A_174] : memref<2x40x384xi32, #tpu.memory_space<vmem>> -> memref<1x40x384xi32, #tpu.memory_space<vmem>>
    %dma_wait3A_176 = tpu.memref_squeeze %dma_wait3A_175 : memref<1x40x384xi32, #tpu.memory_space<vmem>> -> memref<40x384xi32, #tpu.memory_space<vmem>>
    %dma_wait3A_177 = arith.constant 0 : i32
    %dma_wait3A_178 = tpu.memref_slice %arg5[%dma_wait3A_170, %dma_wait3A_177] : memref<2x40xi32, #tpu.memory_space<vmem>> -> memref<1x40xi32, #tpu.memory_space<vmem>>
    %dma_wait3A_179 = tpu.memref_squeeze %dma_wait3A_178 : memref<1x40xi32, #tpu.memory_space<vmem>> -> memref<40xi32, #tpu.memory_space<vmem>>
    %dma_wait3A_180 = arith.constant 0 : i32
    %dma_wait3A_181 = arith.constant 0 : i32
    %dma_wait3A_182 = tpu.memref_slice %arg2[%dma_wait3A_180, %dma_wait3A_181] : memref<4096x384xi32, #tpu.memory_space<hbm>> -> memref<4096x384xi32, #tpu.memory_space<hbm>>
    %dma_wait3A_183 = tpu.memref_slice %arg8[%dma_wait3A_172] : memref<2x!tpu.dma_semaphore, #tpu.memory_space<semaphore_mem>> -> memref<1x!tpu.dma_semaphore, #tpu.memory_space<semaphore_mem>>
    %dma_wait3A_184 = tpu.memref_squeeze %dma_wait3A_183 : memref<1x!tpu.dma_semaphore, #tpu.memory_space<semaphore_mem>> -> memref<!tpu.dma_semaphore, #tpu.memory_space<semaphore_mem>>
    tpu.wait_indirect_dma semaphore(%dma_wait3A_184 : memref<!tpu.dma_semaphore, #tpu.memory_space<semaphore_mem>>) src(%dma_wait3A_182 : memref<4096x384xi32, #tpu.memory_space<hbm>>) dst(%dma_wait3A_176 : memref<40x384xi32, #tpu.memory_space<vmem>>)
    %dma_start3A_185 = arith.constant 0 : i32
    %dma_start3A_186 = arith.constant 0 : i32
    %dma_start3A_187 = arith.constant 0 : i32
    %dma_start3A_188 = arith.constant 0 : i32
    %dma_start3A_189 = arith.constant 0 : i32
    %dma_start3A_190 = tpu.memref_slice %arg6[%dma_start3A_185, %dma_start3A_188, %dma_start3A_189] : memref<2x40x384xi32, #tpu.memory_space<vmem>> -> memref<1x40x384xi32, #tpu.memory_space<vmem>>
    %dma_start3A_191 = tpu.memref_squeeze %dma_start3A_190 : memref<1x40x384xi32, #tpu.memory_space<vmem>> -> memref<40x384xi32, #tpu.memory_space<vmem>>
    %dma_start3A_192 = arith.constant 0 : i32
    %dma_start3A_193 = arith.constant 0 : i32
    %dma_start3A_194 = tpu.memref_slice %arg4[%add3A, %dma_start3A_186, %dma_start3A_192, %dma_start3A_193] : memref<32x2x40x384xi32, #tpu.memory_space<hbm>> -> memref<1x1x40x384xi32, #tpu.memory_space<hbm>>
    %dma_start3A_195 = tpu.memref_squeeze %dma_start3A_194 : memref<1x1x40x384xi32, #tpu.memory_space<hbm>> -> memref<40x384xi32, #tpu.memory_space<hbm>>
    %dma_start3A_196 = tpu.memref_slice %arg9[%dma_start3A_187] : memref<2x!tpu.dma_semaphore, #tpu.memory_space<semaphore_mem>> -> memref<1x!tpu.dma_semaphore, #tpu.memory_space<semaphore_mem>>
    %dma_start3A_197 = tpu.memref_squeeze %dma_start3A_196 : memref<1x!tpu.dma_semaphore, #tpu.memory_space<semaphore_mem>> -> memref<!tpu.dma_semaphore, #tpu.memory_space<semaphore_mem>>
    %dma_start3A_198 = arith.constant 0 : i32
    %dma_start3A_199 = arith.constant 0 : i32
    %dma_start3A_200 = tpu.memref_slice %arg4[%add3A, %dma_start3A_186, %dma_start3A_198, %dma_start3A_199] : memref<32x2x40x384xi32, #tpu.memory_space<hbm>> -> memref<1x1x40x384xi32, #tpu.memory_space<hbm>>
    %dma_start3A_201 = tpu.memref_squeeze %dma_start3A_200 : memref<1x1x40x384xi32, #tpu.memory_space<hbm>> -> memref<40x384xi32, #tpu.memory_space<hbm>>
    %dma_start3A_202 = arith.constant 0 : i32
    %dma_start3A_203 = arith.constant 0 : i32
    %dma_start3A_204 = tpu.memref_slice %arg6[%dma_start3A_185, %dma_start3A_202, %dma_start3A_203] : memref<2x40x384xi32, #tpu.memory_space<vmem>> -> memref<1x40x384xi32, #tpu.memory_space<vmem>>
    %dma_start3A_205 = tpu.memref_squeeze %dma_start3A_204 : memref<1x40x384xi32, #tpu.memory_space<vmem>> -> memref<40x384xi32, #tpu.memory_space<vmem>>
    tpu.enqueue_dma source(%dma_start3A_205 : memref<40x384xi32, #tpu.memory_space<vmem>>) target(%dma_start3A_201 : memref<40x384xi32, #tpu.memory_space<hbm>>) target_semaphore(%dma_start3A_197 : memref<!tpu.dma_semaphore, #tpu.memory_space<semaphore_mem>>)
    %dma_wait3A_206 = arith.constant 1 : i32
    %dma_wait3A_207 = arith.constant 1 : i32
    %dma_wait3A_208 = arith.constant 1 : i32
    %dma_wait3A_209 = arith.constant 0 : i32
    %dma_wait3A_210 = arith.constant 0 : i32
    %dma_wait3A_211 = tpu.memref_slice %arg6[%dma_wait3A_207, %dma_wait3A_209, %dma_wait3A_210] : memref<2x40x384xi32, #tpu.memory_space<vmem>> -> memref<1x40x384xi32, #tpu.memory_space<vmem>>
    %dma_wait3A_212 = tpu.memref_squeeze %dma_wait3A_211 : memref<1x40x384xi32, #tpu.memory_space<vmem>> -> memref<40x384xi32, #tpu.memory_space<vmem>>
    %dma_wait3A_213 = arith.constant 0 : i32
    %dma_wait3A_214 = tpu.memref_slice %arg5[%dma_wait3A_206, %dma_wait3A_213] : memref<2x40xi32, #tpu.memory_space<vmem>> -> memref<1x40xi32, #tpu.memory_space<vmem>>
    %dma_wait3A_215 = tpu.memref_squeeze %dma_wait3A_214 : memref<1x40xi32, #tpu.memory_space<vmem>> -> memref<40xi32, #tpu.memory_space<vmem>>
    %dma_wait3A_216 = arith.constant 0 : i32
    %dma_wait3A_217 = arith.constant 0 : i32
    %dma_wait3A_218 = tpu.memref_slice %arg2[%dma_wait3A_216, %dma_wait3A_217] : memref<4096x384xi32, #tpu.memory_space<hbm>> -> memref<4096x384xi32, #tpu.memory_space<hbm>>
    %dma_wait3A_219 = tpu.memref_slice %arg8[%dma_wait3A_208] : memref<2x!tpu.dma_semaphore, #tpu.memory_space<semaphore_mem>> -> memref<1x!tpu.dma_semaphore, #tpu.memory_space<semaphore_mem>>
    %dma_wait3A_220 = tpu.memref_squeeze %dma_wait3A_219 : memref<1x!tpu.dma_semaphore, #tpu.memory_space<semaphore_mem>> -> memref<!tpu.dma_semaphore, #tpu.memory_space<semaphore_mem>>
    tpu.wait_indirect_dma semaphore(%dma_wait3A_220 : memref<!tpu.dma_semaphore, #tpu.memory_space<semaphore_mem>>) src(%dma_wait3A_218 : memref<4096x384xi32, #tpu.memory_space<hbm>>) dst(%dma_wait3A_212 : memref<40x384xi32, #tpu.memory_space<vmem>>)
    %dma_start3A_221 = arith.constant 1 : i32
    %dma_start3A_222 = arith.constant 1 : i32
    %dma_start3A_223 = arith.constant 1 : i32
    %dma_start3A_224 = arith.constant 0 : i32
    %dma_start3A_225 = arith.constant 0 : i32
    %dma_start3A_226 = tpu.memref_slice %arg6[%dma_start3A_221, %dma_start3A_224, %dma_start3A_225] : memref<2x40x384xi32, #tpu.memory_space<vmem>> -> memref<1x40x384xi32, #tpu.memory_space<vmem>>
    %dma_start3A_227 = tpu.memref_squeeze %dma_start3A_226 : memref<1x40x384xi32, #tpu.memory_space<vmem>> -> memref<40x384xi32, #tpu.memory_space<vmem>>
    %dma_start3A_228 = arith.constant 0 : i32
    %dma_start3A_229 = arith.constant 0 : i32
    %dma_start3A_230 = tpu.memref_slice %arg4[%add3A, %dma_start3A_222, %dma_start3A_228, %dma_start3A_229] : memref<32x2x40x384xi32, #tpu.memory_space<hbm>> -> memref<1x1x40x384xi32, #tpu.memory_space<hbm>>
    %dma_start3A_231 = tpu.memref_squeeze %dma_start3A_230 : memref<1x1x40x384xi32, #tpu.memory_space<hbm>> -> memref<40x384xi32, #tpu.memory_space<hbm>>
    %dma_start3A_232 = tpu.memref_slice %arg9[%dma_start3A_223] : memref<2x!tpu.dma_semaphore, #tpu.memory_space<semaphore_mem>> -> memref<1x!tpu.dma_semaphore, #tpu.memory_space<semaphore_mem>>
    %dma_start3A_233 = tpu.memref_squeeze %dma_start3A_232 : memref<1x!tpu.dma_semaphore, #tpu.memory_space<semaphore_mem>> -> memref<!tpu.dma_semaphore, #tpu.memory_space<semaphore_mem>>
    %dma_start3A_234 = arith.constant 0 : i32
    %dma_start3A_235 = arith.constant 0 : i32
    %dma_start3A_236 = tpu.memref_slice %arg4[%add3A, %dma_start3A_222, %dma_start3A_234, %dma_start3A_235] : memref<32x2x40x384xi32, #tpu.memory_space<hbm>> -> memref<1x1x40x384xi32, #tpu.memory_space<hbm>>
    %dma_start3A_237 = tpu.memref_squeeze %dma_start3A_236 : memref<1x1x40x384xi32, #tpu.memory_space<hbm>> -> memref<40x384xi32, #tpu.memory_space<hbm>>
    %dma_start3A_238 = arith.constant 0 : i32
    %dma_start3A_239 = arith.constant 0 : i32
    %dma_start3A_240 = tpu.memref_slice %arg6[%dma_start3A_221, %dma_start3A_238, %dma_start3A_239] : memref<2x40x384xi32, #tpu.memory_space<vmem>> -> memref<1x40x384xi32, #tpu.memory_space<vmem>>
    %dma_start3A_241 = tpu.memref_squeeze %dma_start3A_240 : memref<1x40x384xi32, #tpu.memory_space<vmem>> -> memref<40x384xi32, #tpu.memory_space<vmem>>
    tpu.enqueue_dma source(%dma_start3A_241 : memref<40x384xi32, #tpu.memory_space<vmem>>) target(%dma_start3A_237 : memref<40x384xi32, #tpu.memory_space<hbm>>) target_semaphore(%dma_start3A_233 : memref<!tpu.dma_semaphore, #tpu.memory_space<semaphore_mem>>)
    %dma_wait3A_242 = arith.constant 0 : i32
    %dma_wait3A_243 = arith.constant 0 : i32
    %dma_wait3A_244 = arith.constant 0 : i32
    %dma_wait3A_245 = arith.constant 0 : i32
    %dma_wait3A_246 = arith.constant 0 : i32
    %dma_wait3A_247 = tpu.memref_slice %arg6[%dma_wait3A_242, %dma_wait3A_245, %dma_wait3A_246] : memref<2x40x384xi32, #tpu.memory_space<vmem>> -> memref<1x40x384xi32, #tpu.memory_space<vmem>>
    %dma_wait3A_248 = tpu.memref_squeeze %dma_wait3A_247 : memref<1x40x384xi32, #tpu.memory_space<vmem>> -> memref<40x384xi32, #tpu.memory_space<vmem>>
    %dma_wait3A_249 = arith.constant 0 : i32
    %dma_wait3A_250 = arith.constant 0 : i32
    %dma_wait3A_251 = tpu.memref_slice %arg4[%add3A, %dma_wait3A_243, %dma_wait3A_249, %dma_wait3A_250] : memref<32x2x40x384xi32, #tpu.memory_space<hbm>> -> memref<1x1x40x384xi32, #tpu.memory_space<hbm>>
    %dma_wait3A_252 = tpu.memref_squeeze %dma_wait3A_251 : memref<1x1x40x384xi32, #tpu.memory_space<hbm>> -> memref<40x384xi32, #tpu.memory_space<hbm>>
    %dma_wait3A_253 = tpu.memref_slice %arg9[%dma_wait3A_244] : memref<2x!tpu.dma_semaphore, #tpu.memory_space<semaphore_mem>> -> memref<1x!tpu.dma_semaphore, #tpu.memory_space<semaphore_mem>>
    %dma_wait3A_254 = tpu.memref_squeeze %dma_wait3A_253 : memref<1x!tpu.dma_semaphore, #tpu.memory_space<semaphore_mem>> -> memref<!tpu.dma_semaphore, #tpu.memory_space<semaphore_mem>>
    %dma_wait3A_255 = arith.constant 0 : i32
    %dma_wait3A_256 = arith.constant 0 : i32
    %dma_wait3A_257 = tpu.memref_slice %arg4[%add3A, %dma_wait3A_243, %dma_wait3A_255, %dma_wait3A_256] : memref<32x2x40x384xi32, #tpu.memory_space<hbm>> -> memref<1x1x40x384xi32, #tpu.memory_space<hbm>>
    %dma_wait3A_258 = tpu.memref_squeeze %dma_wait3A_257 : memref<1x1x40x384xi32, #tpu.memory_space<hbm>> -> memref<40x384xi32, #tpu.memory_space<hbm>>
    %dma_wait3A_259 = arith.constant 0 : i32
    %dma_wait3A_260 = arith.constant 0 : i32
    %dma_wait3A_261 = tpu.memref_slice %arg6[%dma_wait3A_242, %dma_wait3A_259, %dma_wait3A_260] : memref<2x40x384xi32, #tpu.memory_space<vmem>> -> memref<1x40x384xi32, #tpu.memory_space<vmem>>
    %dma_wait3A_262 = tpu.memref_squeeze %dma_wait3A_261 : memref<1x40x384xi32, #tpu.memory_space<vmem>> -> memref<40x384xi32, #tpu.memory_space<vmem>>
    tpu.wait_dma2 semaphore(%dma_wait3A_254 : memref<!tpu.dma_semaphore, #tpu.memory_space<semaphore_mem>>) src(%dma_wait3A_262 : memref<40x384xi32, #tpu.memory_space<vmem>>) dst(%dma_wait3A_258 : memref<40x384xi32, #tpu.memory_space<hbm>>)
    %dma_wait3A_263 = arith.constant 1 : i32
    %dma_wait3A_264 = arith.constant 1 : i32
    %dma_wait3A_265 = arith.constant 1 : i32
    %dma_wait3A_266 = arith.constant 0 : i32
    %dma_wait3A_267 = arith.constant 0 : i32
    %dma_wait3A_268 = tpu.memref_slice %arg6[%dma_wait3A_263, %dma_wait3A_266, %dma_wait3A_267] : memref<2x40x384xi32, #tpu.memory_space<vmem>> -> memref<1x40x384xi32, #tpu.memory_space<vmem>>
    %dma_wait3A_269 = tpu.memref_squeeze %dma_wait3A_268 : memref<1x40x384xi32, #tpu.memory_space<vmem>> -> memref<40x384xi32, #tpu.memory_space<vmem>>
    %dma_wait3A_270 = arith.constant 0 : i32
    %dma_wait3A_271 = arith.constant 0 : i32
    %dma_wait3A_272 = tpu.memref_slice %arg4[%add3A, %dma_wait3A_264, %dma_wait3A_270, %dma_wait3A_271] : memref<32x2x40x384xi32, #tpu.memory_space<hbm>> -> memref<1x1x40x384xi32, #tpu.memory_space<hbm>>
    %dma_wait3A_273 = tpu.memref_squeeze %dma_wait3A_272 : memref<1x1x40x384xi32, #tpu.memory_space<hbm>> -> memref<40x384xi32, #tpu.memory_space<hbm>>
    %dma_wait3A_274 = tpu.memref_slice %arg9[%dma_wait3A_265] : memref<2x!tpu.dma_semaphore, #tpu.memory_space<semaphore_mem>> -> memref<1x!tpu.dma_semaphore, #tpu.memory_space<semaphore_mem>>
    %dma_wait3A_275 = tpu.memref_squeeze %dma_wait3A_274 : memref<1x!tpu.dma_semaphore, #tpu.memory_space<semaphore_mem>> -> memref<!tpu.dma_semaphore, #tpu.memory_space<semaphore_mem>>
    %dma_wait3A_276 = arith.constant 0 : i32
    %dma_wait3A_277 = arith.constant 0 : i32
    %dma_wait3A_278 = tpu.memref_slice %arg4[%add3A, %dma_wait3A_264, %dma_wait3A_276, %dma_wait3A_277] : memref<32x2x40x384xi32, #tpu.memory_space<hbm>> -> memref<1x1x40x384xi32, #tpu.memory_space<hbm>>
    %dma_wait3A_279 = tpu.memref_squeeze %dma_wait3A_278 : memref<1x1x40x384xi32, #tpu.memory_space<hbm>> -> memref<40x384xi32, #tpu.memory_space<hbm>>
    %dma_wait3A_280 = arith.constant 0 : i32
    %dma_wait3A_281 = arith.constant 0 : i32
    %dma_wait3A_282 = tpu.memref_slice %arg6[%dma_wait3A_263, %dma_wait3A_280, %dma_wait3A_281] : memref<2x40x384xi32, #tpu.memory_space<vmem>> -> memref<1x40x384xi32, #tpu.memory_space<vmem>>
    %dma_wait3A_283 = tpu.memref_squeeze %dma_wait3A_282 : memref<1x40x384xi32, #tpu.memory_space<vmem>> -> memref<40x384xi32, #tpu.memory_space<vmem>>
    tpu.wait_dma2 semaphore(%dma_wait3A_275 : memref<!tpu.dma_semaphore, #tpu.memory_space<semaphore_mem>>) src(%dma_wait3A_283 : memref<40x384xi32, #tpu.memory_space<vmem>>) dst(%dma_wait3A_279 : memref<40x384xi32, #tpu.memory_space<hbm>>)
    return
  }
}

#map = affine_map<(d0, d1) -> (0, 0)>
#map1 = affine_map<(d0, d1) -> (0, 0, 0, 0)>
module attributes {stable_mosaic.version = 14 : i64} {
  func.func @body(%arg0: i32, %arg1: i32, %arg2: memref<4096x384xi32, #tpu.memory_space<hbm>>, %arg3: memref<64x40xi32, #tpu.memory_space<hbm>>, %arg4: memref<32x2x40x384xi32, #tpu.memory_space<hbm>>, %arg5: memref<2x40xi32, #tpu.memory_space<vmem>>, %arg6: memref<2x40x384xi32, #tpu.memory_space<vmem>>, %arg7: memref<2x!tpu.dma_semaphore, #tpu.memory_space<semaphore_mem>>, %arg8: memref<2x!tpu.dma_semaphore, #tpu.memory_space<semaphore_mem>>, %arg9: memref<2x!tpu.dma_semaphore, #tpu.memory_space<semaphore_mem>>) attributes {dimension_semantics = [#tpu.dimension_semantics<core_parallel>, #tpu.dimension_semantics<subcore_parallel>], iteration_bounds = array<i64: 2, 16>, scalar_prefetch = 0 : i64, scratch_operands = 5 : i64, tpu.core_type = #tpu.core_type<sc_vector_subcore>, window_params = [{transform_indices = #map}, {transform_indices = #map}, {transform_indices = #map1}]} {
    %mul3A = arith.constant 2 : i32
    %mul3A_0 = arith.muli %arg1, %mul3A : i32
    %add3A = arith.addi %mul3A_0, %arg0 : i32
    %iota3A = tpu.iota {dimensions = array<i32: 0>} : vector<16xi32>
    %mul3A_1 = arith.constant 2 : i32
    %mul3A_2 = arith.muli %add3A, %mul3A_1 : i32
    %add3A_3 = arith.constant 0 : i32
    %add3A_4 = arith.addi %mul3A_2, %add3A_3 : i32
    %dma_start3A = arith.constant 0 : i32
    %dma_start3A_5 = arith.constant 0 : i32
    %dma_start3A_6 = arith.constant 0 : i32
    %dma_start3A_7 = tpu.memref_slice %arg5[%dma_start3A, %dma_start3A_6] : memref<2x40xi32, #tpu.memory_space<vmem>> -> memref<1x40xi32, #tpu.memory_space<vmem>>
    %dma_start3A_8 = tpu.memref_squeeze %dma_start3A_7 : memref<1x40xi32, #tpu.memory_space<vmem>> -> memref<40xi32, #tpu.memory_space<vmem>>
    %dma_start3A_9 = arith.constant 0 : i32
    %dma_start3A_10 = tpu.memref_slice %arg3[%add3A_4, %dma_start3A_9] : memref<64x40xi32, #tpu.memory_space<hbm>> -> memref<1x40xi32, #tpu.memory_space<hbm>>
    %dma_start3A_11 = tpu.memref_squeeze %dma_start3A_10 : memref<1x40xi32, #tpu.memory_space<hbm>> -> memref<40xi32, #tpu.memory_space<hbm>>
    %dma_start3A_12 = tpu.memref_slice %arg7[%dma_start3A_5] : memref<2x!tpu.dma_semaphore, #tpu.memory_space<semaphore_mem>> -> memref<1x!tpu.dma_semaphore, #tpu.memory_space<semaphore_mem>>
    %dma_start3A_13 = tpu.memref_squeeze %dma_start3A_12 : memref<1x!tpu.dma_semaphore, #tpu.memory_space<semaphore_mem>> -> memref<!tpu.dma_semaphore, #tpu.memory_space<semaphore_mem>>
    %dma_start3A_14 = arith.constant 0 : i32
    %dma_start3A_15 = tpu.memref_slice %arg5[%dma_start3A, %dma_start3A_14] : memref<2x40xi32, #tpu.memory_space<vmem>> -> memref<1x40xi32, #tpu.memory_space<vmem>>
    %dma_start3A_16 = tpu.memref_squeeze %dma_start3A_15 : memref<1x40xi32, #tpu.memory_space<vmem>> -> memref<40xi32, #tpu.memory_space<vmem>>
    %dma_start3A_17 = arith.constant 0 : i32
    %dma_start3A_18 = tpu.memref_slice %arg3[%add3A_4, %dma_start3A_17] : memref<64x40xi32, #tpu.memory_space<hbm>> -> memref<1x40xi32, #tpu.memory_space<hbm>>
    %dma_start3A_19 = tpu.memref_squeeze %dma_start3A_18 : memref<1x40xi32, #tpu.memory_space<hbm>> -> memref<40xi32, #tpu.memory_space<hbm>>
    tpu.enqueue_dma source(%dma_start3A_19 : memref<40xi32, #tpu.memory_space<hbm>>) target(%dma_start3A_16 : memref<40xi32, #tpu.memory_space<vmem>>) target_semaphore(%dma_start3A_13 : memref<!tpu.dma_semaphore, #tpu.memory_space<semaphore_mem>>)
    %mul3A_20 = arith.constant 2 : i32
    %mul3A_21 = arith.muli %add3A, %mul3A_20 : i32
    %add3A_22 = arith.constant 1 : i32
    %add3A_23 = arith.addi %mul3A_21, %add3A_22 : i32
    %dma_start3A_24 = arith.constant 1 : i32
    %dma_start3A_25 = arith.constant 1 : i32
    %dma_start3A_26 = arith.constant 0 : i32
    %dma_start3A_27 = tpu.memref_slice %arg5[%dma_start3A_24, %dma_start3A_26] : memref<2x40xi32, #tpu.memory_space<vmem>> -> memref<1x40xi32, #tpu.memory_space<vmem>>
    %dma_start3A_28 = tpu.memref_squeeze %dma_start3A_27 : memref<1x40xi32, #tpu.memory_space<vmem>> -> memref<40xi32, #tpu.memory_space<vmem>>
    %dma_start3A_29 = arith.constant 0 : i32
    %dma_start3A_30 = tpu.memref_slice %arg3[%add3A_23, %dma_start3A_29] : memref<64x40xi32, #tpu.memory_space<hbm>> -> memref<1x40xi32, #tpu.memory_space<hbm>>
    %dma_start3A_31 = tpu.memref_squeeze %dma_start3A_30 : memref<1x40xi32, #tpu.memory_space<hbm>> -> memref<40xi32, #tpu.memory_space<hbm>>
    %dma_start3A_32 = tpu.memref_slice %arg7[%dma_start3A_25] : memref<2x!tpu.dma_semaphore, #tpu.memory_space<semaphore_mem>> -> memref<1x!tpu.dma_semaphore, #tpu.memory_space<semaphore_mem>>
    %dma_start3A_33 = tpu.memref_squeeze %dma_start3A_32 : memref<1x!tpu.dma_semaphore, #tpu.memory_space<semaphore_mem>> -> memref<!tpu.dma_semaphore, #tpu.memory_space<semaphore_mem>>
    %dma_start3A_34 = arith.constant 0 : i32
    %dma_start3A_35 = tpu.memref_slice %arg5[%dma_start3A_24, %dma_start3A_34] : memref<2x40xi32, #tpu.memory_space<vmem>> -> memref<1x40xi32, #tpu.memory_space<vmem>>
    %dma_start3A_36 = tpu.memref_squeeze %dma_start3A_35 : memref<1x40xi32, #tpu.memory_space<vmem>> -> memref<40xi32, #tpu.memory_space<vmem>>
    %dma_start3A_37 = arith.constant 0 : i32
    %dma_start3A_38 = tpu.memref_slice %arg3[%add3A_23, %dma_start3A_37] : memref<64x40xi32, #tpu.memory_space<hbm>> -> memref<1x40xi32, #tpu.memory_space<hbm>>
    %dma_start3A_39 = tpu.memref_squeeze %dma_start3A_38 : memref<1x40xi32, #tpu.memory_space<hbm>> -> memref<40xi32, #tpu.memory_space<hbm>>
    tpu.enqueue_dma source(%dma_start3A_39 : memref<40xi32, #tpu.memory_space<hbm>>) target(%dma_start3A_36 : memref<40xi32, #tpu.memory_space<vmem>>) target_semaphore(%dma_start3A_33 : memref<!tpu.dma_semaphore, #tpu.memory_space<semaphore_mem>>)
    %dma_wait3A = arith.constant 0 : i32
    %dma_wait3A_40 = arith.constant 0 : i32
    %dma_wait3A_41 = arith.constant 0 : i32
    %dma_wait3A_42 = tpu.memref_slice %arg5[%dma_wait3A, %dma_wait3A_41] : memref<2x40xi32, #tpu.memory_space<vmem>> -> memref<1x40xi32, #tpu.memory_space<vmem>>
    %dma_wait3A_43 = tpu.memref_squeeze %dma_wait3A_42 : memref<1x40xi32, #tpu.memory_space<vmem>> -> memref<40xi32, #tpu.memory_space<vmem>>
    %dma_wait3A_44 = arith.constant 0 : i32
    %dma_wait3A_45 = tpu.memref_slice %arg3[%add3A_4, %dma_wait3A_44] : memref<64x40xi32, #tpu.memory_space<hbm>> -> memref<1x40xi32, #tpu.memory_space<hbm>>
    %dma_wait3A_46 = tpu.memref_squeeze %dma_wait3A_45 : memref<1x40xi32, #tpu.memory_space<hbm>> -> memref<40xi32, #tpu.memory_space<hbm>>
    %dma_wait3A_47 = tpu.memref_slice %arg7[%dma_wait3A_40] : memref<2x!tpu.dma_semaphore, #tpu.memory_space<semaphore_mem>> -> memref<1x!tpu.dma_semaphore, #tpu.memory_space<semaphore_mem>>
    %dma_wait3A_48 = tpu.memref_squeeze %dma_wait3A_47 : memref<1x!tpu.dma_semaphore, #tpu.memory_space<semaphore_mem>> -> memref<!tpu.dma_semaphore, #tpu.memory_space<semaphore_mem>>
    %dma_wait3A_49 = arith.constant 0 : i32
    %dma_wait3A_50 = tpu.memref_slice %arg5[%dma_wait3A, %dma_wait3A_49] : memref<2x40xi32, #tpu.memory_space<vmem>> -> memref<1x40xi32, #tpu.memory_space<vmem>>
    %dma_wait3A_51 = tpu.memref_squeeze %dma_wait3A_50 : memref<1x40xi32, #tpu.memory_space<vmem>> -> memref<40xi32, #tpu.memory_space<vmem>>
    %dma_wait3A_52 = arith.constant 0 : i32
    %dma_wait3A_53 = tpu.memref_slice %arg3[%add3A_4, %dma_wait3A_52] : memref<64x40xi32, #tpu.memory_space<hbm>> -> memref<1x40xi32, #tpu.memory_space<hbm>>
    %dma_wait3A_54 = tpu.memref_squeeze %dma_wait3A_53 : memref<1x40xi32, #tpu.memory_space<hbm>> -> memref<40xi32, #tpu.memory_space<hbm>>
    tpu.wait_dma2 semaphore(%dma_wait3A_48 : memref<!tpu.dma_semaphore, #tpu.memory_space<semaphore_mem>>) src(%dma_wait3A_54 : memref<40xi32, #tpu.memory_space<hbm>>) dst(%dma_wait3A_51 : memref<40xi32, #tpu.memory_space<vmem>>)
    %add3A_55 = arith.constant 0 : i32
    %add3A_56 = vector.broadcast %add3A_55 : i32 to vector<16xi32>
    %add3A_57 = arith.addi %add3A_56, %iota3A : vector<16xi32>
    %min3A = arith.constant 39 : i32
    %min3A_58 = vector.broadcast %min3A : i32 to vector<16xi32>
    %min3A_59 = arith.minsi %add3A_57, %min3A_58 : vector<16xi32>
    %broadcast_in_dim3A = arith.constant 0 : i32
    %broadcast_in_dim3A_60 = vector.broadcast %broadcast_in_dim3A : i32 to vector<16xi32>
    %gather3A = tpu.vector_load_idx %arg5[%broadcast_in_dim3A_60, %min3A_59] : memref<2x40xi32, #tpu.memory_space<vmem>>[vector<16xi32>, vector<16xi32>], vector<16xi32>,
    %min3A_61 = arith.constant 4095 : i32
    %min3A_62 = vector.broadcast %min3A_61 : i32 to vector<16xi32>
    %min3A_63 = arith.minsi %gather3A, %min3A_62 : vector<16xi32>
    tpu.vector_store_idx %arg5[%broadcast_in_dim3A_60, %min3A_59], %min3A_63 : memref<2x40xi32, #tpu.memory_space<vmem>>[vector<16xi32>, vector<16xi32>], vector<16xi32>,
    %add3A_64 = arith.constant 16 : i32
    %add3A_65 = vector.broadcast %add3A_64 : i32 to vector<16xi32>
    %add3A_66 = arith.addi %add3A_65, %iota3A : vector<16xi32>
    %min3A_67 = arith.constant 39 : i32
    %min3A_68 = vector.broadcast %min3A_67 : i32 to vector<16xi32>
    %min3A_69 = arith.minsi %add3A_66, %min3A_68 : vector<16xi32>
    %broadcast_in_dim3A_70 = arith.constant 0 : i32
    %broadcast_in_dim3A_71 = vector.broadcast %broadcast_in_dim3A_70 : i32 to vector<16xi32>
    %gather3A_72 = tpu.vector_load_idx %arg5[%broadcast_in_dim3A_71, %min3A_69] : memref<2x40xi32, #tpu.memory_space<vmem>>[vector<16xi32>, vector<16xi32>], vector<16xi32>,
    %min3A_73 = arith.constant 4095 : i32
    %min3A_74 = vector.broadcast %min3A_73 : i32 to vector<16xi32>
    %min3A_75 = arith.minsi %gather3A_72, %min3A_74 : vector<16xi32>
    tpu.vector_store_idx %arg5[%broadcast_in_dim3A_71, %min3A_69], %min3A_75 : memref<2x40xi32, #tpu.memory_space<vmem>>[vector<16xi32>, vector<16xi32>], vector<16xi32>,
    %add3A_76 = arith.constant 32 : i32
    %add3A_77 = vector.broadcast %add3A_76 : i32 to vector<16xi32>
    %add3A_78 = arith.addi %add3A_77, %iota3A : vector<16xi32>
    %min3A_79 = arith.constant 39 : i32
    %min3A_80 = vector.broadcast %min3A_79 : i32 to vector<16xi32>
    %min3A_81 = arith.minsi %add3A_78, %min3A_80 : vector<16xi32>
    %broadcast_in_dim3A_82 = arith.constant 0 : i32
    %broadcast_in_dim3A_83 = vector.broadcast %broadcast_in_dim3A_82 : i32 to vector<16xi32>
    %gather3A_84 = tpu.vector_load_idx %arg5[%broadcast_in_dim3A_83, %min3A_81] : memref<2x40xi32, #tpu.memory_space<vmem>>[vector<16xi32>, vector<16xi32>], vector<16xi32>,
    %min3A_85 = arith.constant 4095 : i32
    %min3A_86 = vector.broadcast %min3A_85 : i32 to vector<16xi32>
    %min3A_87 = arith.minsi %gather3A_84, %min3A_86 : vector<16xi32>
    tpu.vector_store_idx %arg5[%broadcast_in_dim3A_83, %min3A_81], %min3A_87 : memref<2x40xi32, #tpu.memory_space<vmem>>[vector<16xi32>, vector<16xi32>], vector<16xi32>,
    %dma_start3A_88 = arith.constant 0 : i32
    %dma_start3A_89 = arith.constant 0 : i32
    %dma_start3A_90 = arith.constant 0 : i32
    %dma_start3A_91 = arith.constant 0 : i32
    %dma_start3A_92 = arith.constant 0 : i32
    %dma_start3A_93 = tpu.memref_slice %arg6[%dma_start3A_89, %dma_start3A_91, %dma_start3A_92] : memref<2x40x384xi32, #tpu.memory_space<vmem>> -> memref<1x40x384xi32, #tpu.memory_space<vmem>>
    %dma_start3A_94 = tpu.memref_squeeze %dma_start3A_93 : memref<1x40x384xi32, #tpu.memory_space<vmem>> -> memref<40x384xi32, #tpu.memory_space<vmem>>
    %dma_start3A_95 = arith.constant 0 : i32
    %dma_start3A_96 = tpu.memref_slice %arg5[%dma_start3A_88, %dma_start3A_95] : memref<2x40xi32, #tpu.memory_space<vmem>> -> memref<1x40xi32, #tpu.memory_space<vmem>>
    %dma_start3A_97 = tpu.memref_squeeze %dma_start3A_96 : memref<1x40xi32, #tpu.memory_space<vmem>> -> memref<40xi32, #tpu.memory_space<vmem>>
    %dma_start3A_98 = arith.constant 0 : i32
    %dma_start3A_99 = arith.constant 0 : i32
    %dma_start3A_100 = tpu.memref_slice %arg2[%dma_start3A_98, %dma_start3A_99] : memref<4096x384xi32, #tpu.memory_space<hbm>> -> memref<4096x384xi32, #tpu.memory_space<hbm>>
    %dma_start3A_101 = tpu.memref_slice %arg8[%dma_start3A_90] : memref<2x!tpu.dma_semaphore, #tpu.memory_space<semaphore_mem>> -> memref<1x!tpu.dma_semaphore, #tpu.memory_space<semaphore_mem>>
    %dma_start3A_102 = tpu.memref_squeeze %dma_start3A_101 : memref<1x!tpu.dma_semaphore, #tpu.memory_space<semaphore_mem>> -> memref<!tpu.dma_semaphore, #tpu.memory_space<semaphore_mem>>
    tpu.enqueue_indirect_dma source(%dma_start3A_100 : memref<4096x384xi32, #tpu.memory_space<hbm>>) target(%dma_start3A_94 : memref<40x384xi32, #tpu.memory_space<vmem>>) offsets(%dma_start3A_97 : memref<40xi32, #tpu.memory_space<vmem>>) semaphore(%dma_start3A_102 : memref<!tpu.dma_semaphore, #tpu.memory_space<semaphore_mem>>)
    %dma_wait3A_103 = arith.constant 1 : i32
    %dma_wait3A_104 = arith.constant 1 : i32
    %dma_wait3A_105 = arith.constant 0 : i32
    %dma_wait3A_106 = tpu.memref_slice %arg5[%dma_wait3A_103, %dma_wait3A_105] : memref<2x40xi32, #tpu.memory_space<vmem>> -> memref<1x40xi32, #tpu.memory_space<vmem>>
    %dma_wait3A_107 = tpu.memref_squeeze %dma_wait3A_106 : memref<1x40xi32, #tpu.memory_space<vmem>> -> memref<40xi32, #tpu.memory_space<vmem>>
    %dma_wait3A_108 = arith.constant 0 : i32
    %dma_wait3A_109 = tpu.memref_slice %arg3[%add3A_23, %dma_wait3A_108] : memref<64x40xi32, #tpu.memory_space<hbm>> -> memref<1x40xi32, #tpu.memory_space<hbm>>
    %dma_wait3A_110 = tpu.memref_squeeze %dma_wait3A_109 : memref<1x40xi32, #tpu.memory_space<hbm>> -> memref<40xi32, #tpu.memory_space<hbm>>
    %dma_wait3A_111 = tpu.memref_slice %arg7[%dma_wait3A_104] : memref<2x!tpu.dma_semaphore, #tpu.memory_space<semaphore_mem>> -> memref<1x!tpu.dma_semaphore, #tpu.memory_space<semaphore_mem>>
    %dma_wait3A_112 = tpu.memref_squeeze %dma_wait3A_111 : memref<1x!tpu.dma_semaphore, #tpu.memory_space<semaphore_mem>> -> memref<!tpu.dma_semaphore, #tpu.memory_space<semaphore_mem>>
    %dma_wait3A_113 = arith.constant 0 : i32
    %dma_wait3A_114 = tpu.memref_slice %arg5[%dma_wait3A_103, %dma_wait3A_113] : memref<2x40xi32, #tpu.memory_space<vmem>> -> memref<1x40xi32, #tpu.memory_space<vmem>>
    %dma_wait3A_115 = tpu.memref_squeeze %dma_wait3A_114 : memref<1x40xi32, #tpu.memory_space<vmem>> -> memref<40xi32, #tpu.memory_space<vmem>>
    %dma_wait3A_116 = arith.constant 0 : i32
    %dma_wait3A_117 = tpu.memref_slice %arg3[%add3A_23, %dma_wait3A_116] : memref<64x40xi32, #tpu.memory_space<hbm>> -> memref<1x40xi32, #tpu.memory_space<hbm>>
    %dma_wait3A_118 = tpu.memref_squeeze %dma_wait3A_117 : memref<1x40xi32, #tpu.memory_space<hbm>> -> memref<40xi32, #tpu.memory_space<hbm>>
    tpu.wait_dma2 semaphore(%dma_wait3A_112 : memref<!tpu.dma_semaphore, #tpu.memory_space<semaphore_mem>>) src(%dma_wait3A_118 : memref<40xi32, #tpu.memory_space<hbm>>) dst(%dma_wait3A_115 : memref<40xi32, #tpu.memory_space<vmem>>)
    %add3A_119 = arith.constant 0 : i32
    %add3A_120 = vector.broadcast %add3A_119 : i32 to vector<16xi32>
    %add3A_121 = arith.addi %add3A_120, %iota3A : vector<16xi32>
    %min3A_122 = arith.constant 39 : i32
    %min3A_123 = vector.broadcast %min3A_122 : i32 to vector<16xi32>
    %min3A_124 = arith.minsi %add3A_121, %min3A_123 : vector<16xi32>
    %broadcast_in_dim3A_125 = arith.constant 1 : i32
    %broadcast_in_dim3A_126 = vector.broadcast %broadcast_in_dim3A_125 : i32 to vector<16xi32>
    %gather3A_127 = tpu.vector_load_idx %arg5[%broadcast_in_dim3A_126, %min3A_124] : memref<2x40xi32, #tpu.memory_space<vmem>>[vector<16xi32>, vector<16xi32>], vector<16xi32>,
    %min3A_128 = arith.constant 4095 : i32
    %min3A_129 = vector.broadcast %min3A_128 : i32 to vector<16xi32>
    %min3A_130 = arith.minsi %gather3A_127, %min3A_129 : vector<16xi32>
    tpu.vector_store_idx %arg5[%broadcast_in_dim3A_126, %min3A_124], %min3A_130 : memref<2x40xi32, #tpu.memory_space<vmem>>[vector<16xi32>, vector<16xi32>], vector<16xi32>,
    %add3A_131 = arith.constant 16 : i32
    %add3A_132 = vector.broadcast %add3A_131 : i32 to vector<16xi32>
    %add3A_133 = arith.addi %add3A_132, %iota3A : vector<16xi32>
    %min3A_134 = arith.constant 39 : i32
    %min3A_135 = vector.broadcast %min3A_134 : i32 to vector<16xi32>
    %min3A_136 = arith.minsi %add3A_133, %min3A_135 : vector<16xi32>
    %broadcast_in_dim3A_137 = arith.constant 1 : i32
    %broadcast_in_dim3A_138 = vector.broadcast %broadcast_in_dim3A_137 : i32 to vector<16xi32>
    %gather3A_139 = tpu.vector_load_idx %arg5[%broadcast_in_dim3A_138, %min3A_136] : memref<2x40xi32, #tpu.memory_space<vmem>>[vector<16xi32>, vector<16xi32>], vector<16xi32>,
    %min3A_140 = arith.constant 4095 : i32
    %min3A_141 = vector.broadcast %min3A_140 : i32 to vector<16xi32>
    %min3A_142 = arith.minsi %gather3A_139, %min3A_141 : vector<16xi32>
    tpu.vector_store_idx %arg5[%broadcast_in_dim3A_138, %min3A_136], %min3A_142 : memref<2x40xi32, #tpu.memory_space<vmem>>[vector<16xi32>, vector<16xi32>], vector<16xi32>,
    %add3A_143 = arith.constant 32 : i32
    %add3A_144 = vector.broadcast %add3A_143 : i32 to vector<16xi32>
    %add3A_145 = arith.addi %add3A_144, %iota3A : vector<16xi32>
    %min3A_146 = arith.constant 39 : i32
    %min3A_147 = vector.broadcast %min3A_146 : i32 to vector<16xi32>
    %min3A_148 = arith.minsi %add3A_145, %min3A_147 : vector<16xi32>
    %broadcast_in_dim3A_149 = arith.constant 1 : i32
    %broadcast_in_dim3A_150 = vector.broadcast %broadcast_in_dim3A_149 : i32 to vector<16xi32>
    %gather3A_151 = tpu.vector_load_idx %arg5[%broadcast_in_dim3A_150, %min3A_148] : memref<2x40xi32, #tpu.memory_space<vmem>>[vector<16xi32>, vector<16xi32>], vector<16xi32>,
    %min3A_152 = arith.constant 4095 : i32
    %min3A_153 = vector.broadcast %min3A_152 : i32 to vector<16xi32>
    %min3A_154 = arith.minsi %gather3A_151, %min3A_153 : vector<16xi32>
    tpu.vector_store_idx %arg5[%broadcast_in_dim3A_150, %min3A_148], %min3A_154 : memref<2x40xi32, #tpu.memory_space<vmem>>[vector<16xi32>, vector<16xi32>], vector<16xi32>,
    %dma_start3A_155 = arith.constant 1 : i32
    %dma_start3A_156 = arith.constant 1 : i32
    %dma_start3A_157 = arith.constant 1 : i32
    %dma_start3A_158 = arith.constant 0 : i32
    %dma_start3A_159 = arith.constant 0 : i32
    %dma_start3A_160 = tpu.memref_slice %arg6[%dma_start3A_156, %dma_start3A_158, %dma_start3A_159] : memref<2x40x384xi32, #tpu.memory_space<vmem>> -> memref<1x40x384xi32, #tpu.memory_space<vmem>>
    %dma_start3A_161 = tpu.memref_squeeze %dma_start3A_160 : memref<1x40x384xi32, #tpu.memory_space<vmem>> -> memref<40x384xi32, #tpu.memory_space<vmem>>
    %dma_start3A_162 = arith.constant 0 : i32
    %dma_start3A_163 = tpu.memref_slice %arg5[%dma_start3A_155, %dma_start3A_162] : memref<2x40xi32, #tpu.memory_space<vmem>> -> memref<1x40xi32, #tpu.memory_space<vmem>>
    %dma_start3A_164 = tpu.memref_squeeze %dma_start3A_163 : memref<1x40xi32, #tpu.memory_space<vmem>> -> memref<40xi32, #tpu.memory_space<vmem>>
    %dma_start3A_165 = arith.constant 0 : i32
    %dma_start3A_166 = arith.constant 0 : i32
    %dma_start3A_167 = tpu.memref_slice %arg2[%dma_start3A_165, %dma_start3A_166] : memref<4096x384xi32, #tpu.memory_space<hbm>> -> memref<4096x384xi32, #tpu.memory_space<hbm>>
    %dma_start3A_168 = tpu.memref_slice %arg8[%dma_start3A_157] : memref<2x!tpu.dma_semaphore, #tpu.memory_space<semaphore_mem>> -> memref<1x!tpu.dma_semaphore, #tpu.memory_space<semaphore_mem>>
    %dma_start3A_169 = tpu.memref_squeeze %dma_start3A_168 : memref<1x!tpu.dma_semaphore, #tpu.memory_space<semaphore_mem>> -> memref<!tpu.dma_semaphore, #tpu.memory_space<semaphore_mem>>
    tpu.enqueue_indirect_dma source(%dma_start3A_167 : memref<4096x384xi32, #tpu.memory_space<hbm>>) target(%dma_start3A_161 : memref<40x384xi32, #tpu.memory_space<vmem>>) offsets(%dma_start3A_164 : memref<40xi32, #tpu.memory_space<vmem>>) semaphore(%dma_start3A_169 : memref<!tpu.dma_semaphore, #tpu.memory_space<semaphore_mem>>)
    %dma_wait3A_170 = arith.constant 0 : i32
    %dma_wait3A_171 = arith.constant 0 : i32
    %dma_wait3A_172 = arith.constant 0 : i32
    %dma_wait3A_173 = arith.constant 0 : i32
    %dma_wait3A_174 = arith.constant 0 : i32
    %dma_wait3A_175 = tpu.memref_slice %arg6[%dma_wait3A_171, %dma_wait3A_173, %dma_wait3A_174] : memref<2x40x384xi32, #tpu.memory_space<vmem>> -> memref<1x40x384xi32, #tpu.memory_space<vmem>>
    %dma_wait3A_176 = tpu.memref_squeeze %dma_wait3A_175 : memref<1x40x384xi32, #tpu.memory_space<vmem>> -> memref<40x384xi32, #tpu.memory_space<vmem>>
    %dma_wait3A_177 = arith.constant 0 : i32
    %dma_wait3A_178 = tpu.memref_slice %arg5[%dma_wait3A_170, %dma_wait3A_177] : memref<2x40xi32, #tpu.memory_space<vmem>> -> memref<1x40xi32, #tpu.memory_space<vmem>>
    %dma_wait3A_179 = tpu.memref_squeeze %dma_wait3A_178 : memref<1x40xi32, #tpu.memory_space<vmem>> -> memref<40xi32, #tpu.memory_space<vmem>>
    %dma_wait3A_180 = arith.constant 0 : i32
    %dma_wait3A_181 = arith.constant 0 : i32
    %dma_wait3A_182 = tpu.memref_slice %arg2[%dma_wait3A_180, %dma_wait3A_181] : memref<4096x384xi32, #tpu.memory_space<hbm>> -> memref<4096x384xi32, #tpu.memory_space<hbm>>
    %dma_wait3A_183 = tpu.memref_slice %arg8[%dma_wait3A_172] : memref<2x!tpu.dma_semaphore, #tpu.memory_space<semaphore_mem>> -> memref<1x!tpu.dma_semaphore, #tpu.memory_space<semaphore_mem>>
    %dma_wait3A_184 = tpu.memref_squeeze %dma_wait3A_183 : memref<1x!tpu.dma_semaphore, #tpu.memory_space<semaphore_mem>> -> memref<!tpu.dma_semaphore, #tpu.memory_space<semaphore_mem>>
    tpu.wait_indirect_dma semaphore(%dma_wait3A_184 : memref<!tpu.dma_semaphore, #tpu.memory_space<semaphore_mem>>) src(%dma_wait3A_182 : memref<4096x384xi32, #tpu.memory_space<hbm>>) dst(%dma_wait3A_176 : memref<40x384xi32, #tpu.memory_space<vmem>>)
    %dma_start3A_185 = arith.constant 0 : i32
    %dma_start3A_186 = arith.constant 0 : i32
    %dma_start3A_187 = arith.constant 0 : i32
    %dma_start3A_188 = arith.constant 0 : i32
    %dma_start3A_189 = arith.constant 0 : i32
    %dma_start3A_190 = tpu.memref_slice %arg6[%dma_start3A_185, %dma_start3A_188, %dma_start3A_189] : memref<2x40x384xi32, #tpu.memory_space<vmem>> -> memref<1x40x384xi32, #tpu.memory_space<vmem>>
    %dma_start3A_191 = tpu.memref_squeeze %dma_start3A_190 : memref<1x40x384xi32, #tpu.memory_space<vmem>> -> memref<40x384xi32, #tpu.memory_space<vmem>>
    %dma_start3A_192 = arith.constant 0 : i32
    %dma_start3A_193 = arith.constant 0 : i32
    %dma_start3A_194 = tpu.memref_slice %arg4[%add3A, %dma_start3A_186, %dma_start3A_192, %dma_start3A_193] : memref<32x2x40x384xi32, #tpu.memory_space<hbm>> -> memref<1x1x40x384xi32, #tpu.memory_space<hbm>>
    %dma_start3A_195 = tpu.memref_squeeze %dma_start3A_194 : memref<1x1x40x384xi32, #tpu.memory_space<hbm>> -> memref<40x384xi32, #tpu.memory_space<hbm>>
    %dma_start3A_196 = tpu.memref_slice %arg9[%dma_start3A_187] : memref<2x!tpu.dma_semaphore, #tpu.memory_space<semaphore_mem>> -> memref<1x!tpu.dma_semaphore, #tpu.memory_space<semaphore_mem>>
    %dma_start3A_197 = tpu.memref_squeeze %dma_start3A_196 : memref<1x!tpu.dma_semaphore, #tpu.memory_space<semaphore_mem>> -> memref<!tpu.dma_semaphore, #tpu.memory_space<semaphore_mem>>
    %dma_start3A_198 = arith.constant 0 : i32
    %dma_start3A_199 = arith.constant 0 : i32
    %dma_start3A_200 = tpu.memref_slice %arg4[%add3A, %dma_start3A_186, %dma_start3A_198, %dma_start3A_199] : memref<32x2x40x384xi32, #tpu.memory_space<hbm>> -> memref<1x1x40x384xi32, #tpu.memory_space<hbm>>
    %dma_start3A_201 = tpu.memref_squeeze %dma_start3A_200 : memref<1x1x40x384xi32, #tpu.memory_space<hbm>> -> memref<40x384xi32, #tpu.memory_space<hbm>>
    %dma_start3A_202 = arith.constant 0 : i32
    %dma_start3A_203 = arith.constant 0 : i32
    %dma_start3A_204 = tpu.memref_slice %arg6[%dma_start3A_185, %dma_start3A_202, %dma_start3A_203] : memref<2x40x384xi32, #tpu.memory_space<vmem>> -> memref<1x40x384xi32, #tpu.memory_space<vmem>>
    %dma_start3A_205 = tpu.memref_squeeze %dma_start3A_204 : memref<1x40x384xi32, #tpu.memory_space<vmem>> -> memref<40x384xi32, #tpu.memory_space<vmem>>
    tpu.enqueue_dma source(%dma_start3A_205 : memref<40x384xi32, #tpu.memory_space<vmem>>) target(%dma_start3A_201 : memref<40x384xi32, #tpu.memory_space<hbm>>) target_semaphore(%dma_start3A_197 : memref<!tpu.dma_semaphore, #tpu.memory_space<semaphore_mem>>)
    %dma_wait3A_206 = arith.constant 1 : i32
    %dma_wait3A_207 = arith.constant 1 : i32
    %dma_wait3A_208 = arith.constant 1 : i32
    %dma_wait3A_209 = arith.constant 0 : i32
    %dma_wait3A_210 = arith.constant 0 : i32
    %dma_wait3A_211 = tpu.memref_slice %arg6[%dma_wait3A_207, %dma_wait3A_209, %dma_wait3A_210] : memref<2x40x384xi32, #tpu.memory_space<vmem>> -> memref<1x40x384xi32, #tpu.memory_space<vmem>>
    %dma_wait3A_212 = tpu.memref_squeeze %dma_wait3A_211 : memref<1x40x384xi32, #tpu.memory_space<vmem>> -> memref<40x384xi32, #tpu.memory_space<vmem>>
    %dma_wait3A_213 = arith.constant 0 : i32
    %dma_wait3A_214 = tpu.memref_slice %arg5[%dma_wait3A_206, %dma_wait3A_213] : memref<2x40xi32, #tpu.memory_space<vmem>> -> memref<1x40xi32, #tpu.memory_space<vmem>>
    %dma_wait3A_215 = tpu.memref_squeeze %dma_wait3A_214 : memref<1x40xi32, #tpu.memory_space<vmem>> -> memref<40xi32, #tpu.memory_space<vmem>>
    %dma_wait3A_216 = arith.constant 0 : i32
    %dma_wait3A_217 = arith.constant 0 : i32
    %dma_wait3A_218 = tpu.memref_slice %arg2[%dma_wait3A_216, %dma_wait3A_217] : memref<4096x384xi32, #tpu.memory_space<hbm>> -> memref<4096x384xi32, #tpu.memory_space<hbm>>
    %dma_wait3A_219 = tpu.memref_slice %arg8[%dma_wait3A_208] : memref<2x!tpu.dma_semaphore, #tpu.memory_space<semaphore_mem>> -> memref<1x!tpu.dma_semaphore, #tpu.memory_space<semaphore_mem>>
    %dma_wait3A_220 = tpu.memref_squeeze %dma_wait3A_219 : memref<1x!tpu.dma_semaphore, #tpu.memory_space<semaphore_mem>> -> memref<!tpu.dma_semaphore, #tpu.memory_space<semaphore_mem>>
    tpu.wait_indirect_dma semaphore(%dma_wait3A_220 : memref<!tpu.dma_semaphore, #tpu.memory_space<semaphore_mem>>) src(%dma_wait3A_218 : memref<4096x384xi32, #tpu.memory_space<hbm>>) dst(%dma_wait3A_212 : memref<40x384xi32, #tpu.memory_space<vmem>>)
    %dma_start3A_221 = arith.constant 1 : i32
    %dma_start3A_222 = arith.constant 1 : i32
    %dma_start3A_223 = arith.constant 1 : i32
    %dma_start3A_224 = arith.constant 0 : i32
    %dma_start3A_225 = arith.constant 0 : i32
    %dma_start3A_226 = tpu.memref_slice %arg6[%dma_start3A_221, %dma_start3A_224, %dma_start3A_225] : memref<2x40x384xi32, #tpu.memory_space<vmem>> -> memref<1x40x384xi32, #tpu.memory_space<vmem>>
    %dma_start3A_227 = tpu.memref_squeeze %dma_start3A_226 : memref<1x40x384xi32, #tpu.memory_space<vmem>> -> memref<40x384xi32, #tpu.memory_space<vmem>>
    %dma_start3A_228 = arith.constant 0 : i32
    %dma_start3A_229 = arith.constant 0 : i32
    %dma_start3A_230 = tpu.memref_slice %arg4[%add3A, %dma_start3A_222, %dma_start3A_228, %dma_start3A_229] : memref<32x2x40x384xi32, #tpu.memory_space<hbm>> -> memref<1x1x40x384xi32, #tpu.memory_space<hbm>>
    %dma_start3A_231 = tpu.memref_squeeze %dma_start3A_230 : memref<1x1x40x384xi32, #tpu.memory_space<hbm>> -> memref<40x384xi32, #tpu.memory_space<hbm>>
    %dma_start3A_232 = tpu.memref_slice %arg9[%dma_start3A_223] : memref<2x!tpu.dma_semaphore, #tpu.memory_space<semaphore_mem>> -> memref<1x!tpu.dma_semaphore, #tpu.memory_space<semaphore_mem>>
    %dma_start3A_233 = tpu.memref_squeeze %dma_start3A_232 : memref<1x!tpu.dma_semaphore, #tpu.memory_space<semaphore_mem>> -> memref<!tpu.dma_semaphore, #tpu.memory_space<semaphore_mem>>
    %dma_start3A_234 = arith.constant 0 : i32
    %dma_start3A_235 = arith.constant 0 : i32
    %dma_start3A_236 = tpu.memref_slice %arg4[%add3A, %dma_start3A_222, %dma_start3A_234, %dma_start3A_235] : memref<32x2x40x384xi32, #tpu.memory_space<hbm>> -> memref<1x1x40x384xi32, #tpu.memory_space<hbm>>
    %dma_start3A_237 = tpu.memref_squeeze %dma_start3A_236 : memref<1x1x40x384xi32, #tpu.memory_space<hbm>> -> memref<40x384xi32, #tpu.memory_space<hbm>>
    %dma_start3A_238 = arith.constant 0 : i32
    %dma_start3A_239 = arith.constant 0 : i32
    %dma_start3A_240 = tpu.memref_slice %arg6[%dma_start3A_221, %dma_start3A_238, %dma_start3A_239] : memref<2x40x384xi32, #tpu.memory_space<vmem>> -> memref<1x40x384xi32, #tpu.memory_space<vmem>>
    %dma_start3A_241 = tpu.memref_squeeze %dma_start3A_240 : memref<1x40x384xi32, #tpu.memory_space<vmem>> -> memref<40x384xi32, #tpu.memory_space<vmem>>
    tpu.enqueue_dma source(%dma_start3A_241 : memref<40x384xi32, #tpu.memory_space<vmem>>) target(%dma_start3A_237 : memref<40x384xi32, #tpu.memory_space<hbm>>) target_semaphore(%dma_start3A_233 : memref<!tpu.dma_semaphore, #tpu.memory_space<semaphore_mem>>)
    %dma_wait3A_242 = arith.constant 0 : i32
    %dma_wait3A_243 = arith.constant 0 : i32
    %dma_wait3A_244 = arith.constant 0 : i32
    %dma_wait3A_245 = arith.constant 0 : i32
    %dma_wait3A_246 = arith.constant 0 : i32
    %dma_wait3A_247 = tpu.memref_slice %arg6[%dma_wait3A_242, %dma_wait3A_245, %dma_wait3A_246] : memref<2x40x384xi32, #tpu.memory_space<vmem>> -> memref<1x40x384xi32, #tpu.memory_space<vmem>>
    %dma_wait3A_248 = tpu.memref_squeeze %dma_wait3A_247 : memref<1x40x384xi32, #tpu.memory_space<vmem>> -> memref<40x384xi32, #tpu.memory_space<vmem>>
    %dma_wait3A_249 = arith.constant 0 : i32
    %dma_wait3A_250 = arith.constant 0 : i32
    %dma_wait3A_251 = tpu.memref_slice %arg4[%add3A, %dma_wait3A_243, %dma_wait3A_249, %dma_wait3A_250] : memref<32x2x40x384xi32, #tpu.memory_space<hbm>> -> memref<1x1x40x384xi32, #tpu.memory_space<hbm>>
    %dma_wait3A_252 = tpu.memref_squeeze %dma_wait3A_251 : memref<1x1x40x384xi32, #tpu.memory_space<hbm>> -> memref<40x384xi32, #tpu.memory_space<hbm>>
    %dma_wait3A_253 = tpu.memref_slice %arg9[%dma_wait3A_244] : memref<2x!tpu.dma_semaphore, #tpu.memory_space<semaphore_mem>> -> memref<1x!tpu.dma_semaphore, #tpu.memory_space<semaphore_mem>>
    %dma_wait3A_254 = tpu.memref_squeeze %dma_wait3A_253 : memref<1x!tpu.dma_semaphore, #tpu.memory_space<semaphore_mem>> -> memref<!tpu.dma_semaphore, #tpu.memory_space<semaphore_mem>>
    %dma_wait3A_255 = arith.constant 0 : i32
    %dma_wait3A_256 = arith.constant 0 : i32
    %dma_wait3A_257 = tpu.memref_slice %arg4[%add3A, %dma_wait3A_243, %dma_wait3A_255, %dma_wait3A_256] : memref<32x2x40x384xi32, #tpu.memory_space<hbm>> -> memref<1x1x40x384xi32, #tpu.memory_space<hbm>>
    %dma_wait3A_258 = tpu.memref_squeeze %dma_wait3A_257 : memref<1x1x40x384xi32, #tpu.memory_space<hbm>> -> memref<40x384xi32, #tpu.memory_space<hbm>>
    %dma_wait3A_259 = arith.constant 0 : i32
    %dma_wait3A_260 = arith.constant 0 : i32
    %dma_wait3A_261 = tpu.memref_slice %arg6[%dma_wait3A_242, %dma_wait3A_259, %dma_wait3A_260] : memref<2x40x384xi32, #tpu.memory_space<vmem>> -> memref<1x40x384xi32, #tpu.memory_space<vmem>>
    %dma_wait3A_262 = tpu.memref_squeeze %dma_wait3A_261 : memref<1x40x384xi32, #tpu.memory_space<vmem>> -> memref<40x384xi32, #tpu.memory_space<vmem>>
    tpu.wait_dma2 semaphore(%dma_wait3A_254 : memref<!tpu.dma_semaphore, #tpu.memory_space<semaphore_mem>>) src(%dma_wait3A_262 : memref<40x384xi32, #tpu.memory_space<vmem>>) dst(%dma_wait3A_258 : memref<40x384xi32, #tpu.memory_space<hbm>>)
    %dma_wait3A_263 = arith.constant 1 : i32
    %dma_wait3A_264 = arith.constant 1 : i32
    %dma_wait3A_265 = arith.constant 1 : i32
    %dma_wait3A_266 = arith.constant 0 : i32
    %dma_wait3A_267 = arith.constant 0 : i32
    %dma_wait3A_268 = tpu.memref_slice %arg6[%dma_wait3A_263, %dma_wait3A_266, %dma_wait3A_267] : memref<2x40x384xi32, #tpu.memory_space<vmem>> -> memref<1x40x384xi32, #tpu.memory_space<vmem>>
    %dma_wait3A_269 = tpu.memref_squeeze %dma_wait3A_268 : memref<1x40x384xi32, #tpu.memory_space<vmem>> -> memref<40x384xi32, #tpu.memory_space<vmem>>
    %dma_wait3A_270 = arith.constant 0 : i32
    %dma_wait3A_271 = arith.constant 0 : i32
    %dma_wait3A_272 = tpu.memref_slice %arg4[%add3A, %dma_wait3A_264, %dma_wait3A_270, %dma_wait3A_271] : memref<32x2x40x384xi32, #tpu.memory_space<hbm>> -> memref<1x1x40x384xi32, #tpu.memory_space<hbm>>
    %dma_wait3A_273 = tpu.memref_squeeze %dma_wait3A_272 : memref<1x1x40x384xi32, #tpu.memory_space<hbm>> -> memref<40x384xi32, #tpu.memory_space<hbm>>
    %dma_wait3A_274 = tpu.memref_slice %arg9[%dma_wait3A_265] : memref<2x!tpu.dma_semaphore, #tpu.memory_space<semaphore_mem>> -> memref<1x!tpu.dma_semaphore, #tpu.memory_space<semaphore_mem>>
    %dma_wait3A_275 = tpu.memref_squeeze %dma_wait3A_274 : memref<1x!tpu.dma_semaphore, #tpu.memory_space<semaphore_mem>> -> memref<!tpu.dma_semaphore, #tpu.memory_space<semaphore_mem>>
    %dma_wait3A_276 = arith.constant 0 : i32
    %dma_wait3A_277 = arith.constant 0 : i32
    %dma_wait3A_278 = tpu.memref_slice %arg4[%add3A, %dma_wait3A_264, %dma_wait3A_276, %dma_wait3A_277] : memref<32x2x40x384xi32, #tpu.memory_space<hbm>> -> memref<1x1x40x384xi32, #tpu.memory_space<hbm>>
    %dma_wait3A_279 = tpu.memref_squeeze %dma_wait3A_278 : memref<1x1x40x384xi32, #tpu.memory_space<hbm>> -> memref<40x384xi32, #tpu.memory_space<hbm>>
    %dma_wait3A_280 = arith.constant 0 : i32
    %dma_wait3A_281 = arith.constant 0 : i32
    %dma_wait3A_282 = tpu.memref_slice %arg6[%dma_wait3A_263, %dma_wait3A_280, %dma_wait3A_281] : memref<2x40x384xi32, #tpu.memory_space<vmem>> -> memref<1x40x384xi32, #tpu.memory_space<vmem>>
    %dma_wait3A_283 = tpu.memref_squeeze %dma_wait3A_282 : memref<1x40x384xi32, #tpu.memory_space<vmem>> -> memref<40x384xi32, #tpu.memory_space<vmem>>
    tpu.wait_dma2 semaphore(%dma_wait3A_275 : memref<!tpu.dma_semaphore, #tpu.memory_space<semaphore_mem>>) src(%dma_wait3A_283 : memref<40x384xi32, #tpu.memory_space<vmem>>) dst(%dma_wait3A_279 : memref<40x384xi32, #tpu.memory_space<hbm>>)
    return
  }
}

#map = affine_map<(d0, d1) -> (0)>
module attributes {stable_mosaic.version = 14 : i64} {
  func.func @_route_body_v2(%arg0: i32, %arg1: i32, %arg2: memref<4096xi32, #tpu.memory_space<hbm>>, %arg3: memref<5120xi32, #tpu.memory_space<hbm>>, %arg4: memref<64xi32, #tpu.memory_space<hbm>>, %arg5: memref<4096xi32, #tpu.memory_space<vmem>>, %arg6: memref<4224xi32, #tpu.memory_space<vmem>>, %arg7: memref<16xi32, #tpu.memory_space<vmem>>, %arg8: memref<8x16xi32, #tpu.memory_space<vmem>>, %arg9: memref<64xi32, #tpu.memory_space<vmem>>, %arg10: memref<8x16xi32, #tpu.memory_space<vmem_shared>>) attributes {dimension_semantics = [#tpu.dimension_semantics<core_parallel>, #tpu.dimension_semantics<subcore_parallel>], iteration_bounds = array<i64: 2, 16>, scalar_prefetch = 0 : i64, scratch_operands = 6 : i64, tpu.core_type = #tpu.core_type<sc_vector_subcore>, window_params = [{transform_indices = #map}, {transform_indices = #map}, {transform_indices = #map}]} {
    %eq3A = arith.constant 0 : i32
    %eq3A_0 = arith.cmpi eq, %arg0, %eq3A : i32
    %convert_element_type3A = arith.extui %eq3A_0 : i1 to i32
    %cond3A = arith.constant 0 : i32
    %cond3A_1 = arith.cmpi ne, %convert_element_type3A, %cond3A : i32
    scf.if %cond3A_1 {
      %iota3A = tpu.iota {dimensions = array<i32: 0>} : vector<16xi32>
      %broadcast_in_dim3A = arith.constant 4096 : i32
      %broadcast_in_dim3A_2 = vector.broadcast %broadcast_in_dim3A : i32 to vector<16xi32>
      %lt3A = arith.constant 8 : i32
      %lt3A_3 = arith.cmpi slt, %arg1, %lt3A : i32
      %convert_element_type3A_4 = arith.extui %lt3A_3 : i1 to i32
      %cond3A_5 = arith.constant 0 : i32
      %cond3A_6 = arith.cmpi ne, %convert_element_type3A_4, %cond3A_5 : i32
      scf.if %cond3A_6 {
        "tpu.region"() ({
          %run_scoped3A = tpu.sem_alloc : memref<!tpu.dma_semaphore, #tpu.memory_space<semaphore_mem>>
          tpu.enqueue_dma source(%arg2 : memref<4096xi32, #tpu.memory_space<hbm>>) target(%arg5 : memref<4096xi32, #tpu.memory_space<vmem>>) target_semaphore(%run_scoped3A : memref<!tpu.dma_semaphore, #tpu.memory_space<semaphore_mem>>)
          tpu.wait_dma2 semaphore(%run_scoped3A : memref<!tpu.dma_semaphore, #tpu.memory_space<semaphore_mem>>) src(%arg2 : memref<4096xi32, #tpu.memory_space<hbm>>) dst(%arg5 : memref<4096xi32, #tpu.memory_space<vmem>>)
          tpu.yield
        }) : () -> ()
        %scan3A = arith.constant 0 : i32
        %scan3A_351 = arith.constant 0 : i32
        %scan3A_352 = arith.constant 264 : i32
        %scan3A_353 = arith.addi %scan3A_351, %scan3A_352 : i32
        %scan3A_354 = arith.constant 1 : i32
        scf.for %scan3A_364 = %scan3A_351 to %scan3A_353 step %scan3A_354  : i32 {
          %mul3A_365 = arith.constant 16 : i32
          %mul3A_366 = arith.muli %scan3A_364, %mul3A_365 : i32
          %add3A_367 = vector.broadcast %mul3A_366 : i32 to vector<16xi32>
          %add3A_368 = arith.addi %add3A_367, %iota3A : vector<16xi32>
          tpu.vector_store_idx %arg6[%add3A_368], %broadcast_in_dim3A_2 : memref<4224xi32, #tpu.memory_space<vmem>>[vector<16xi32>], vector<16xi32>,
        }
        %scan3A_355 = arith.constant 264 : i32
        %scan3A_356 = arith.constant 0 : i32
        %scan3A_357 = arith.constant 0 : i32
        %scan3A_358 = arith.constant 256 : i32
        %scan3A_359 = arith.addi %scan3A_357, %scan3A_358 : i32
        %scan3A_360 = arith.constant 1 : i32
        %scan3A_361 = scf.for %scan3A_364 = %scan3A_357 to %scan3A_359 step %scan3A_360 iter_args(%scan3A_365 = %scan3A_356) -> (i32)  : i32 {
          %mul3A_366 = arith.constant 16 : i32
          %mul3A_367 = arith.muli %scan3A_364, %mul3A_366 : i32
          %add3A_368 = vector.broadcast %mul3A_367 : i32 to vector<16xi32>
          %add3A_369 = arith.addi %add3A_368, %iota3A : vector<16xi32>
          %gather3A_370 = tpu.vector_load_idx %arg5[%add3A_369] : memref<4096xi32, #tpu.memory_space<vmem>>[vector<16xi32>], vector<16xi32>,
          %eq3A_371 = vector.broadcast %arg1 : i32 to vector<16xi32>
          %eq3A_372 = arith.cmpi eq, %gather3A_370, %eq3A_371 : vector<16xi32>
          %convert_element_type3A_373 = arith.extui %eq3A_372 : vector<16xi1> to vector<16xi32>
          %broadcast_in_dim3A_374 = arith.constant true
          %broadcast_in_dim3A_375 = vector.broadcast %broadcast_in_dim3A_374 : i1 to vector<16xi1>
          %masked_cumsum3A = tpu.scan <sum>, %convert_element_type3A_373 masked %broadcast_in_dim3A_375 : vector<16xi32>, vector<16xi1> -> vector<16xi32>
          %sub3A_376 = arith.subi %masked_cumsum3A, %convert_element_type3A_373 : vector<16xi32>
          %add3A_377 = vector.broadcast %scan3A_365 : i32 to vector<16xi32>
          %add3A_378 = arith.addi %add3A_377, %sub3A_376 : vector<16xi32>
          tpu.vector_store_idx %arg6[%add3A_378], %add3A_369 masked %eq3A_372 : memref<4224xi32, #tpu.memory_space<vmem>>[vector<16xi32>], vector<16xi32>, vector<16xi1>
          %reduce_sum3A_379 = arith.constant true
          %reduce_sum3A_380 = vector.broadcast %reduce_sum3A_379 : i1 to vector<16xi1>
          %reduce_sum3A_381 = tpu.scan <sum>, %convert_element_type3A_373 masked %reduce_sum3A_380 : vector<16xi32>, vector<16xi1> -> vector<16xi32>
          %reduce_sum3A_382 = vector.extract %reduce_sum3A_381[15] : i32 from vector<16xi32>
          %add3A_383 = arith.addi %scan3A_365, %reduce_sum3A_382 : i32
          scf.yield %add3A_383 : i32
        }
        %scan3A_362 = arith.constant 256 : i32
        %broadcast_in_dim3A_363 = vector.broadcast %scan3A_361 : i32 to vector<16xi32>
        tpu.vector_store_idx %arg7[%iota3A], %broadcast_in_dim3A_363 : memref<16xi32, #tpu.memory_space<vmem>>[vector<16xi32>], vector<16xi32>,
        "tpu.region"() ({
          %run_scoped3A = tpu.sem_alloc : memref<!tpu.dma_semaphore, #tpu.memory_space<semaphore_mem>>
          %dma_start3A = arith.constant 0 : i32
          %dma_start3A_364 = tpu.memref_slice %arg10[%arg1, %dma_start3A] : memref<8x16xi32, #tpu.memory_space<vmem_shared>> -> memref<1x16xi32, #tpu.memory_space<vmem_shared>>
          %dma_start3A_365 = tpu.memref_squeeze %dma_start3A_364 : memref<1x16xi32, #tpu.memory_space<vmem_shared>> -> memref<16xi32, #tpu.memory_space<vmem_shared>>
          %dma_start3A_366 = arith.constant 0 : i32
          %dma_start3A_367 = tpu.memref_slice %arg10[%arg1, %dma_start3A_366] : memref<8x16xi32, #tpu.memory_space<vmem_shared>> -> memref<1x16xi32, #tpu.memory_space<vmem_shared>>
          %dma_start3A_368 = tpu.memref_squeeze %dma_start3A_367 : memref<1x16xi32, #tpu.memory_space<vmem_shared>> -> memref<16xi32, #tpu.memory_space<vmem_shared>>
          tpu.enqueue_dma source(%arg7 : memref<16xi32, #tpu.memory_space<vmem>>) target(%dma_start3A_368 : memref<16xi32, #tpu.memory_space<vmem_shared>>) target_semaphore(%run_scoped3A : memref<!tpu.dma_semaphore, #tpu.memory_space<semaphore_mem>>)
          %dma_wait3A = arith.constant 0 : i32
          %dma_wait3A_369 = tpu.memref_slice %arg10[%arg1, %dma_wait3A] : memref<8x16xi32, #tpu.memory_space<vmem_shared>> -> memref<1x16xi32, #tpu.memory_space<vmem_shared>>
          %dma_wait3A_370 = tpu.memref_squeeze %dma_wait3A_369 : memref<1x16xi32, #tpu.memory_space<vmem_shared>> -> memref<16xi32, #tpu.memory_space<vmem_shared>>
          %dma_wait3A_371 = arith.constant 0 : i32
          %dma_wait3A_372 = tpu.memref_slice %arg10[%arg1, %dma_wait3A_371] : memref<8x16xi32, #tpu.memory_space<vmem_shared>> -> memref<1x16xi32, #tpu.memory_space<vmem_shared>>
          %dma_wait3A_373 = tpu.memref_squeeze %dma_wait3A_372 : memref<1x16xi32, #tpu.memory_space<vmem_shared>> -> memref<16xi32, #tpu.memory_space<vmem_shared>>
          tpu.wait_dma2 semaphore(%run_scoped3A : memref<!tpu.dma_semaphore, #tpu.memory_space<semaphore_mem>>) src(%arg7 : memref<16xi32, #tpu.memory_space<vmem>>) dst(%dma_wait3A_373 : memref<16xi32, #tpu.memory_space<vmem_shared>>)
          tpu.yield
        }) : () -> ()
      } else {
      }
      %barrier3A = arith.constant 0 : index
      tpu.barrier barrier_id(%barrier3A)
      "tpu.region"() ({
        %run_scoped3A = tpu.sem_alloc : memref<!tpu.dma_semaphore, #tpu.memory_space<semaphore_mem>>
        tpu.enqueue_dma source(%arg10 : memref<8x16xi32, #tpu.memory_space<vmem_shared>>) target(%arg8 : memref<8x16xi32, #tpu.memory_space<vmem>>) target_semaphore(%run_scoped3A : memref<!tpu.dma_semaphore, #tpu.memory_space<semaphore_mem>>)
        tpu.wait_dma2 semaphore(%run_scoped3A : memref<!tpu.dma_semaphore, #tpu.memory_space<semaphore_mem>>) src(%arg10 : memref<8x16xi32, #tpu.memory_space<vmem_shared>>) dst(%arg8 : memref<8x16xi32, #tpu.memory_space<vmem>>)
        tpu.yield
      }) : () -> ()
      %broadcast_in_dim3A_7 = arith.constant 0 : i32
      %broadcast_in_dim3A_8 = vector.broadcast %broadcast_in_dim3A_7 : i32 to vector<16xi32>
      %gather3A = tpu.vector_load_idx %arg8[%broadcast_in_dim3A_8, %iota3A] : memref<8x16xi32, #tpu.memory_space<vmem>>[vector<16xi32>, vector<16xi32>], vector<16xi32>,
      %eq3A_9 = arith.constant 0 : i32
      %eq3A_10 = vector.broadcast %eq3A_9 : i32 to vector<16xi32>
      %eq3A_11 = arith.cmpi eq, %iota3A, %eq3A_10 : vector<16xi32>
      %convert_element_type3A_12 = arith.extui %eq3A_11 : vector<16xi1> to vector<16xi32>
      %mul3A = arith.muli %gather3A, %convert_element_type3A_12 : vector<16xi32>
      %reduce_sum3A = arith.constant true
      %reduce_sum3A_13 = vector.broadcast %reduce_sum3A : i1 to vector<16xi1>
      %reduce_sum3A_14 = tpu.scan <sum>, %mul3A masked %reduce_sum3A_13 : vector<16xi32>, vector<16xi1> -> vector<16xi32>
      %reduce_sum3A_15 = vector.extract %reduce_sum3A_14[15] : i32 from vector<16xi32>
      %broadcast_in_dim3A_16 = arith.constant 1 : i32
      %broadcast_in_dim3A_17 = vector.broadcast %broadcast_in_dim3A_16 : i32 to vector<16xi32>
      %gather3A_18 = tpu.vector_load_idx %arg8[%broadcast_in_dim3A_17, %iota3A] : memref<8x16xi32, #tpu.memory_space<vmem>>[vector<16xi32>, vector<16xi32>], vector<16xi32>,
      %eq3A_19 = arith.constant 0 : i32
      %eq3A_20 = vector.broadcast %eq3A_19 : i32 to vector<16xi32>
      %eq3A_21 = arith.cmpi eq, %iota3A, %eq3A_20 : vector<16xi32>
      %convert_element_type3A_22 = arith.extui %eq3A_21 : vector<16xi1> to vector<16xi32>
      %mul3A_23 = arith.muli %gather3A_18, %convert_element_type3A_22 : vector<16xi32>
      %reduce_sum3A_24 = arith.constant true
      %reduce_sum3A_25 = vector.broadcast %reduce_sum3A_24 : i1 to vector<16xi1>
      %reduce_sum3A_26 = tpu.scan <sum>, %mul3A_23 masked %reduce_sum3A_25 : vector<16xi32>, vector<16xi1> -> vector<16xi32>
      %reduce_sum3A_27 = vector.extract %reduce_sum3A_26[15] : i32 from vector<16xi32>
      %broadcast_in_dim3A_28 = arith.constant 2 : i32
      %broadcast_in_dim3A_29 = vector.broadcast %broadcast_in_dim3A_28 : i32 to vector<16xi32>
      %gather3A_30 = tpu.vector_load_idx %arg8[%broadcast_in_dim3A_29, %iota3A] : memref<8x16xi32, #tpu.memory_space<vmem>>[vector<16xi32>, vector<16xi32>], vector<16xi32>,
      %eq3A_31 = arith.constant 0 : i32
      %eq3A_32 = vector.broadcast %eq3A_31 : i32 to vector<16xi32>
      %eq3A_33 = arith.cmpi eq, %iota3A, %eq3A_32 : vector<16xi32>
      %convert_element_type3A_34 = arith.extui %eq3A_33 : vector<16xi1> to vector<16xi32>
      %mul3A_35 = arith.muli %gather3A_30, %convert_element_type3A_34 : vector<16xi32>
      %reduce_sum3A_36 = arith.constant true
      %reduce_sum3A_37 = vector.broadcast %reduce_sum3A_36 : i1 to vector<16xi1>
      %reduce_sum3A_38 = tpu.scan <sum>, %mul3A_35 masked %reduce_sum3A_37 : vector<16xi32>, vector<16xi1> -> vector<16xi32>
      %reduce_sum3A_39 = vector.extract %reduce_sum3A_38[15] : i32 from vector<16xi32>
      %broadcast_in_dim3A_40 = arith.constant 3 : i32
      %broadcast_in_dim3A_41 = vector.broadcast %broadcast_in_dim3A_40 : i32 to vector<16xi32>
      %gather3A_42 = tpu.vector_load_idx %arg8[%broadcast_in_dim3A_41, %iota3A] : memref<8x16xi32, #tpu.memory_space<vmem>>[vector<16xi32>, vector<16xi32>], vector<16xi32>,
      %eq3A_43 = arith.constant 0 : i32
      %eq3A_44 = vector.broadcast %eq3A_43 : i32 to vector<16xi32>
      %eq3A_45 = arith.cmpi eq, %iota3A, %eq3A_44 : vector<16xi32>
      %convert_element_type3A_46 = arith.extui %eq3A_45 : vector<16xi1> to vector<16xi32>
      %mul3A_47 = arith.muli %gather3A_42, %convert_element_type3A_46 : vector<16xi32>
      %reduce_sum3A_48 = arith.constant true
      %reduce_sum3A_49 = vector.broadcast %reduce_sum3A_48 : i1 to vector<16xi1>
      %reduce_sum3A_50 = tpu.scan <sum>, %mul3A_47 masked %reduce_sum3A_49 : vector<16xi32>, vector<16xi1> -> vector<16xi32>
      %reduce_sum3A_51 = vector.extract %reduce_sum3A_50[15] : i32 from vector<16xi32>
      %broadcast_in_dim3A_52 = arith.constant 4 : i32
      %broadcast_in_dim3A_53 = vector.broadcast %broadcast_in_dim3A_52 : i32 to vector<16xi32>
      %gather3A_54 = tpu.vector_load_idx %arg8[%broadcast_in_dim3A_53, %iota3A] : memref<8x16xi32, #tpu.memory_space<vmem>>[vector<16xi32>, vector<16xi32>], vector<16xi32>,
      %eq3A_55 = arith.constant 0 : i32
      %eq3A_56 = vector.broadcast %eq3A_55 : i32 to vector<16xi32>
      %eq3A_57 = arith.cmpi eq, %iota3A, %eq3A_56 : vector<16xi32>
      %convert_element_type3A_58 = arith.extui %eq3A_57 : vector<16xi1> to vector<16xi32>
      %mul3A_59 = arith.muli %gather3A_54, %convert_element_type3A_58 : vector<16xi32>
      %reduce_sum3A_60 = arith.constant true
      %reduce_sum3A_61 = vector.broadcast %reduce_sum3A_60 : i1 to vector<16xi1>
      %reduce_sum3A_62 = tpu.scan <sum>, %mul3A_59 masked %reduce_sum3A_61 : vector<16xi32>, vector<16xi1> -> vector<16xi32>
      %reduce_sum3A_63 = vector.extract %reduce_sum3A_62[15] : i32 from vector<16xi32>
      %broadcast_in_dim3A_64 = arith.constant 5 : i32
      %broadcast_in_dim3A_65 = vector.broadcast %broadcast_in_dim3A_64 : i32 to vector<16xi32>
      %gather3A_66 = tpu.vector_load_idx %arg8[%broadcast_in_dim3A_65, %iota3A] : memref<8x16xi32, #tpu.memory_space<vmem>>[vector<16xi32>, vector<16xi32>], vector<16xi32>,
      %eq3A_67 = arith.constant 0 : i32
      %eq3A_68 = vector.broadcast %eq3A_67 : i32 to vector<16xi32>
      %eq3A_69 = arith.cmpi eq, %iota3A, %eq3A_68 : vector<16xi32>
      %convert_element_type3A_70 = arith.extui %eq3A_69 : vector<16xi1> to vector<16xi32>
      %mul3A_71 = arith.muli %gather3A_66, %convert_element_type3A_70 : vector<16xi32>
      %reduce_sum3A_72 = arith.constant true
      %reduce_sum3A_73 = vector.broadcast %reduce_sum3A_72 : i1 to vector<16xi1>
      %reduce_sum3A_74 = tpu.scan <sum>, %mul3A_71 masked %reduce_sum3A_73 : vector<16xi32>, vector<16xi1> -> vector<16xi32>
      %reduce_sum3A_75 = vector.extract %reduce_sum3A_74[15] : i32 from vector<16xi32>
      %broadcast_in_dim3A_76 = arith.constant 6 : i32
      %broadcast_in_dim3A_77 = vector.broadcast %broadcast_in_dim3A_76 : i32 to vector<16xi32>
      %gather3A_78 = tpu.vector_load_idx %arg8[%broadcast_in_dim3A_77, %iota3A] : memref<8x16xi32, #tpu.memory_space<vmem>>[vector<16xi32>, vector<16xi32>], vector<16xi32>,
      %eq3A_79 = arith.constant 0 : i32
      %eq3A_80 = vector.broadcast %eq3A_79 : i32 to vector<16xi32>
      %eq3A_81 = arith.cmpi eq, %iota3A, %eq3A_80 : vector<16xi32>
      %convert_element_type3A_82 = arith.extui %eq3A_81 : vector<16xi1> to vector<16xi32>
      %mul3A_83 = arith.muli %gather3A_78, %convert_element_type3A_82 : vector<16xi32>
      %reduce_sum3A_84 = arith.constant true
      %reduce_sum3A_85 = vector.broadcast %reduce_sum3A_84 : i1 to vector<16xi1>
      %reduce_sum3A_86 = tpu.scan <sum>, %mul3A_83 masked %reduce_sum3A_85 : vector<16xi32>, vector<16xi1> -> vector<16xi32>
      %reduce_sum3A_87 = vector.extract %reduce_sum3A_86[15] : i32 from vector<16xi32>
      %broadcast_in_dim3A_88 = arith.constant 7 : i32
      %broadcast_in_dim3A_89 = vector.broadcast %broadcast_in_dim3A_88 : i32 to vector<16xi32>
      %gather3A_90 = tpu.vector_load_idx %arg8[%broadcast_in_dim3A_89, %iota3A] : memref<8x16xi32, #tpu.memory_space<vmem>>[vector<16xi32>, vector<16xi32>], vector<16xi32>,
      %eq3A_91 = arith.constant 0 : i32
      %eq3A_92 = vector.broadcast %eq3A_91 : i32 to vector<16xi32>
      %eq3A_93 = arith.cmpi eq, %iota3A, %eq3A_92 : vector<16xi32>
      %convert_element_type3A_94 = arith.extui %eq3A_93 : vector<16xi1> to vector<16xi32>
      %mul3A_95 = arith.muli %gather3A_90, %convert_element_type3A_94 : vector<16xi32>
      %reduce_sum3A_96 = arith.constant true
      %reduce_sum3A_97 = vector.broadcast %reduce_sum3A_96 : i1 to vector<16xi1>
      %reduce_sum3A_98 = tpu.scan <sum>, %mul3A_95 masked %reduce_sum3A_97 : vector<16xi32>, vector<16xi1> -> vector<16xi32>
      %reduce_sum3A_99 = vector.extract %reduce_sum3A_98[15] : i32 from vector<16xi32>
      %add3A = arith.constant 128 : i32
      %add3A_100 = arith.addi %reduce_sum3A_15, %add3A : i32
      %sub3A = arith.constant 1 : i32
      %sub3A_101 = arith.subi %add3A_100, %sub3A : i32
      %jit3A = arith.constant 128 : i32
      %div3A = arith.divsi %sub3A_101, %jit3A : i32
      %sign3A = arith.constant 0 : i32
      %sign3A_102 = arith.cmpi sgt, %sub3A_101, %sign3A : i32
      %sign3A_103 = arith.extui %sign3A_102 : i1 to i32
      %sign3A_104 = arith.constant 0 : i32
      %sign3A_105 = arith.cmpi slt, %sub3A_101, %sign3A_104 : i32
      %sign3A_106 = arith.extui %sign3A_105 : i1 to i32
      %sign3A_107 = arith.subi %sign3A_103, %sign3A_106 : i32
      %sign3A_108 = arith.constant 0 : i32
      %sign3A_109 = arith.cmpi sgt, %jit3A, %sign3A_108 : i32
      %sign3A_110 = arith.extui %sign3A_109 : i1 to i32
      %sign3A_111 = arith.constant 0 : i32
      %sign3A_112 = arith.cmpi slt, %jit3A, %sign3A_111 : i32
      %sign3A_113 = arith.extui %sign3A_112 : i1 to i32
      %sign3A_114 = arith.subi %sign3A_110, %sign3A_113 : i32
      %ne3A = arith.cmpi ne, %sign3A_107, %sign3A_114 : i32
      %rem3A = arith.remsi %sub3A_101, %jit3A : i32
      %ne3A_115 = arith.constant 0 : i32
      %ne3A_116 = arith.cmpi ne, %rem3A, %ne3A_115 : i32
      %and3A = arith.andi %ne3A, %ne3A_116 : i1
      %sub3A_117 = arith.constant 1 : i32
      %sub3A_118 = arith.subi %div3A, %sub3A_117 : i32
      %select_n3A = arith.select %and3A, %sub3A_118, %div3A : i32
      %add3A_119 = arith.constant 128 : i32
      %add3A_120 = arith.addi %reduce_sum3A_27, %add3A_119 : i32
      %sub3A_121 = arith.constant 1 : i32
      %sub3A_122 = arith.subi %add3A_120, %sub3A_121 : i32
      %jit3A_123 = arith.constant 128 : i32
      %div3A_124 = arith.divsi %sub3A_122, %jit3A_123 : i32
      %sign3A_125 = arith.constant 0 : i32
      %sign3A_126 = arith.cmpi sgt, %sub3A_122, %sign3A_125 : i32
      %sign3A_127 = arith.extui %sign3A_126 : i1 to i32
      %sign3A_128 = arith.constant 0 : i32
      %sign3A_129 = arith.cmpi slt, %sub3A_122, %sign3A_128 : i32
      %sign3A_130 = arith.extui %sign3A_129 : i1 to i32
      %sign3A_131 = arith.subi %sign3A_127, %sign3A_130 : i32
      %sign3A_132 = arith.constant 0 : i32
      %sign3A_133 = arith.cmpi sgt, %jit3A_123, %sign3A_132 : i32
      %sign3A_134 = arith.extui %sign3A_133 : i1 to i32
      %sign3A_135 = arith.constant 0 : i32
      %sign3A_136 = arith.cmpi slt, %jit3A_123, %sign3A_135 : i32
      %sign3A_137 = arith.extui %sign3A_136 : i1 to i32
      %sign3A_138 = arith.subi %sign3A_134, %sign3A_137 : i32
      %ne3A_139 = arith.cmpi ne, %sign3A_131, %sign3A_138 : i32
      %rem3A_140 = arith.remsi %sub3A_122, %jit3A_123 : i32
      %ne3A_141 = arith.constant 0 : i32
      %ne3A_142 = arith.cmpi ne, %rem3A_140, %ne3A_141 : i32
      %and3A_143 = arith.andi %ne3A_139, %ne3A_142 : i1
      %sub3A_144 = arith.constant 1 : i32
      %sub3A_145 = arith.subi %div3A_124, %sub3A_144 : i32
      %select_n3A_146 = arith.select %and3A_143, %sub3A_145, %div3A_124 : i32
      %add3A_147 = arith.constant 128 : i32
      %add3A_148 = arith.addi %reduce_sum3A_39, %add3A_147 : i32
      %sub3A_149 = arith.constant 1 : i32
      %sub3A_150 = arith.subi %add3A_148, %sub3A_149 : i32
      %jit3A_151 = arith.constant 128 : i32
      %div3A_152 = arith.divsi %sub3A_150, %jit3A_151 : i32
      %sign3A_153 = arith.constant 0 : i32
      %sign3A_154 = arith.cmpi sgt, %sub3A_150, %sign3A_153 : i32
      %sign3A_155 = arith.extui %sign3A_154 : i1 to i32
      %sign3A_156 = arith.constant 0 : i32
      %sign3A_157 = arith.cmpi slt, %sub3A_150, %sign3A_156 : i32
      %sign3A_158 = arith.extui %sign3A_157 : i1 to i32
      %sign3A_159 = arith.subi %sign3A_155, %sign3A_158 : i32
      %sign3A_160 = arith.constant 0 : i32
      %sign3A_161 = arith.cmpi sgt, %jit3A_151, %sign3A_160 : i32
      %sign3A_162 = arith.extui %sign3A_161 : i1 to i32
      %sign3A_163 = arith.constant 0 : i32
      %sign3A_164 = arith.cmpi slt, %jit3A_151, %sign3A_163 : i32
      %sign3A_165 = arith.extui %sign3A_164 : i1 to i32
      %sign3A_166 = arith.subi %sign3A_162, %sign3A_165 : i32
      %ne3A_167 = arith.cmpi ne, %sign3A_159, %sign3A_166 : i32
      %rem3A_168 = arith.remsi %sub3A_150, %jit3A_151 : i32
      %ne3A_169 = arith.constant 0 : i32
      %ne3A_170 = arith.cmpi ne, %rem3A_168, %ne3A_169 : i32
      %and3A_171 = arith.andi %ne3A_167, %ne3A_170 : i1
      %sub3A_172 = arith.constant 1 : i32
      %sub3A_173 = arith.subi %div3A_152, %sub3A_172 : i32
      %select_n3A_174 = arith.select %and3A_171, %sub3A_173, %div3A_152 : i32
      %add3A_175 = arith.constant 128 : i32
      %add3A_176 = arith.addi %reduce_sum3A_51, %add3A_175 : i32
      %sub3A_177 = arith.constant 1 : i32
      %sub3A_178 = arith.subi %add3A_176, %sub3A_177 : i32
      %jit3A_179 = arith.constant 128 : i32
      %div3A_180 = arith.divsi %sub3A_178, %jit3A_179 : i32
      %sign3A_181 = arith.constant 0 : i32
      %sign3A_182 = arith.cmpi sgt, %sub3A_178, %sign3A_181 : i32
      %sign3A_183 = arith.extui %sign3A_182 : i1 to i32
      %sign3A_184 = arith.constant 0 : i32
      %sign3A_185 = arith.cmpi slt, %sub3A_178, %sign3A_184 : i32
      %sign3A_186 = arith.extui %sign3A_185 : i1 to i32
      %sign3A_187 = arith.subi %sign3A_183, %sign3A_186 : i32
      %sign3A_188 = arith.constant 0 : i32
      %sign3A_189 = arith.cmpi sgt, %jit3A_179, %sign3A_188 : i32
      %sign3A_190 = arith.extui %sign3A_189 : i1 to i32
      %sign3A_191 = arith.constant 0 : i32
      %sign3A_192 = arith.cmpi slt, %jit3A_179, %sign3A_191 : i32
      %sign3A_193 = arith.extui %sign3A_192 : i1 to i32
      %sign3A_194 = arith.subi %sign3A_190, %sign3A_193 : i32
      %ne3A_195 = arith.cmpi ne, %sign3A_187, %sign3A_194 : i32
      %rem3A_196 = arith.remsi %sub3A_178, %jit3A_179 : i32
      %ne3A_197 = arith.constant 0 : i32
      %ne3A_198 = arith.cmpi ne, %rem3A_196, %ne3A_197 : i32
      %and3A_199 = arith.andi %ne3A_195, %ne3A_198 : i1
      %sub3A_200 = arith.constant 1 : i32
      %sub3A_201 = arith.subi %div3A_180, %sub3A_200 : i32
      %select_n3A_202 = arith.select %and3A_199, %sub3A_201, %div3A_180 : i32
      %add3A_203 = arith.constant 128 : i32
      %add3A_204 = arith.addi %reduce_sum3A_63, %add3A_203 : i32
      %sub3A_205 = arith.constant 1 : i32
      %sub3A_206 = arith.subi %add3A_204, %sub3A_205 : i32
      %jit3A_207 = arith.constant 128 : i32
      %div3A_208 = arith.divsi %sub3A_206, %jit3A_207 : i32
      %sign3A_209 = arith.constant 0 : i32
      %sign3A_210 = arith.cmpi sgt, %sub3A_206, %sign3A_209 : i32
      %sign3A_211 = arith.extui %sign3A_210 : i1 to i32
      %sign3A_212 = arith.constant 0 : i32
      %sign3A_213 = arith.cmpi slt, %sub3A_206, %sign3A_212 : i32
      %sign3A_214 = arith.extui %sign3A_213 : i1 to i32
      %sign3A_215 = arith.subi %sign3A_211, %sign3A_214 : i32
      %sign3A_216 = arith.constant 0 : i32
      %sign3A_217 = arith.cmpi sgt, %jit3A_207, %sign3A_216 : i32
      %sign3A_218 = arith.extui %sign3A_217 : i1 to i32
      %sign3A_219 = arith.constant 0 : i32
      %sign3A_220 = arith.cmpi slt, %jit3A_207, %sign3A_219 : i32
      %sign3A_221 = arith.extui %sign3A_220 : i1 to i32
      %sign3A_222 = arith.subi %sign3A_218, %sign3A_221 : i32
      %ne3A_223 = arith.cmpi ne, %sign3A_215, %sign3A_222 : i32
      %rem3A_224 = arith.remsi %sub3A_206, %jit3A_207 : i32
      %ne3A_225 = arith.constant 0 : i32
      %ne3A_226 = arith.cmpi ne, %rem3A_224, %ne3A_225 : i32
      %and3A_227 = arith.andi %ne3A_223, %ne3A_226 : i1
      %sub3A_228 = arith.constant 1 : i32
      %sub3A_229 = arith.subi %div3A_208, %sub3A_228 : i32
      %select_n3A_230 = arith.select %and3A_227, %sub3A_229, %div3A_208 : i32
      %add3A_231 = arith.constant 128 : i32
      %add3A_232 = arith.addi %reduce_sum3A_75, %add3A_231 : i32
      %sub3A_233 = arith.constant 1 : i32
      %sub3A_234 = arith.subi %add3A_232, %sub3A_233 : i32
      %jit3A_235 = arith.constant 128 : i32
      %div3A_236 = arith.divsi %sub3A_234, %jit3A_235 : i32
      %sign3A_237 = arith.constant 0 : i32
      %sign3A_238 = arith.cmpi sgt, %sub3A_234, %sign3A_237 : i32
      %sign3A_239 = arith.extui %sign3A_238 : i1 to i32
      %sign3A_240 = arith.constant 0 : i32
      %sign3A_241 = arith.cmpi slt, %sub3A_234, %sign3A_240 : i32
      %sign3A_242 = arith.extui %sign3A_241 : i1 to i32
      %sign3A_243 = arith.subi %sign3A_239, %sign3A_242 : i32
      %sign3A_244 = arith.constant 0 : i32
      %sign3A_245 = arith.cmpi sgt, %jit3A_235, %sign3A_244 : i32
      %sign3A_246 = arith.extui %sign3A_245 : i1 to i32
      %sign3A_247 = arith.constant 0 : i32
      %sign3A_248 = arith.cmpi slt, %jit3A_235, %sign3A_247 : i32
      %sign3A_249 = arith.extui %sign3A_248 : i1 to i32
      %sign3A_250 = arith.subi %sign3A_246, %sign3A_249 : i32
      %ne3A_251 = arith.cmpi ne, %sign3A_243, %sign3A_250 : i32
      %rem3A_252 = arith.remsi %sub3A_234, %jit3A_235 : i32
      %ne3A_253 = arith.constant 0 : i32
      %ne3A_254 = arith.cmpi ne, %rem3A_252, %ne3A_253 : i32
      %and3A_255 = arith.andi %ne3A_251, %ne3A_254 : i1
      %sub3A_256 = arith.constant 1 : i32
      %sub3A_257 = arith.subi %div3A_236, %sub3A_256 : i32
      %select_n3A_258 = arith.select %and3A_255, %sub3A_257, %div3A_236 : i32
      %add3A_259 = arith.constant 128 : i32
      %add3A_260 = arith.addi %reduce_sum3A_87, %add3A_259 : i32
      %sub3A_261 = arith.constant 1 : i32
      %sub3A_262 = arith.subi %add3A_260, %sub3A_261 : i32
      %jit3A_263 = arith.constant 128 : i32
      %div3A_264 = arith.divsi %sub3A_262, %jit3A_263 : i32
      %sign3A_265 = arith.constant 0 : i32
      %sign3A_266 = arith.cmpi sgt, %sub3A_262, %sign3A_265 : i32
      %sign3A_267 = arith.extui %sign3A_266 : i1 to i32
      %sign3A_268 = arith.constant 0 : i32
      %sign3A_269 = arith.cmpi slt, %sub3A_262, %sign3A_268 : i32
      %sign3A_270 = arith.extui %sign3A_269 : i1 to i32
      %sign3A_271 = arith.subi %sign3A_267, %sign3A_270 : i32
      %sign3A_272 = arith.constant 0 : i32
      %sign3A_273 = arith.cmpi sgt, %jit3A_263, %sign3A_272 : i32
      %sign3A_274 = arith.extui %sign3A_273 : i1 to i32
      %sign3A_275 = arith.constant 0 : i32
      %sign3A_276 = arith.cmpi slt, %jit3A_263, %sign3A_275 : i32
      %sign3A_277 = arith.extui %sign3A_276 : i1 to i32
      %sign3A_278 = arith.subi %sign3A_274, %sign3A_277 : i32
      %ne3A_279 = arith.cmpi ne, %sign3A_271, %sign3A_278 : i32
      %rem3A_280 = arith.remsi %sub3A_262, %jit3A_263 : i32
      %ne3A_281 = arith.constant 0 : i32
      %ne3A_282 = arith.cmpi ne, %rem3A_280, %ne3A_281 : i32
      %and3A_283 = arith.andi %ne3A_279, %ne3A_282 : i1
      %sub3A_284 = arith.constant 1 : i32
      %sub3A_285 = arith.subi %div3A_264, %sub3A_284 : i32
      %select_n3A_286 = arith.select %and3A_283, %sub3A_285, %div3A_264 : i32
      %add3A_287 = arith.constant 128 : i32
      %add3A_288 = arith.addi %reduce_sum3A_99, %add3A_287 : i32
      %sub3A_289 = arith.constant 1 : i32
      %sub3A_290 = arith.subi %add3A_288, %sub3A_289 : i32
      %jit3A_291 = arith.constant 128 : i32
      %div3A_292 = arith.divsi %sub3A_290, %jit3A_291 : i32
      %sign3A_293 = arith.constant 0 : i32
      %sign3A_294 = arith.cmpi sgt, %sub3A_290, %sign3A_293 : i32
      %sign3A_295 = arith.extui %sign3A_294 : i1 to i32
      %sign3A_296 = arith.constant 0 : i32
      %sign3A_297 = arith.cmpi slt, %sub3A_290, %sign3A_296 : i32
      %sign3A_298 = arith.extui %sign3A_297 : i1 to i32
      %sign3A_299 = arith.subi %sign3A_295, %sign3A_298 : i32
      %sign3A_300 = arith.constant 0 : i32
      %sign3A_301 = arith.cmpi sgt, %jit3A_291, %sign3A_300 : i32
      %sign3A_302 = arith.extui %sign3A_301 : i1 to i32
      %sign3A_303 = arith.constant 0 : i32
      %sign3A_304 = arith.cmpi slt, %jit3A_291, %sign3A_303 : i32
      %sign3A_305 = arith.extui %sign3A_304 : i1 to i32
      %sign3A_306 = arith.subi %sign3A_302, %sign3A_305 : i32
      %ne3A_307 = arith.cmpi ne, %sign3A_299, %sign3A_306 : i32
      %rem3A_308 = arith.remsi %sub3A_290, %jit3A_291 : i32
      %ne3A_309 = arith.constant 0 : i32
      %ne3A_310 = arith.cmpi ne, %rem3A_308, %ne3A_309 : i32
      %and3A_311 = arith.andi %ne3A_307, %ne3A_310 : i1
      %sub3A_312 = arith.constant 1 : i32
      %sub3A_313 = arith.subi %div3A_292, %sub3A_312 : i32
      %select_n3A_314 = arith.select %and3A_311, %sub3A_313, %div3A_292 : i32
      %mul3A_315 = arith.constant 128 : i32
      %mul3A_316 = arith.muli %select_n3A, %mul3A_315 : i32
      %add3A_317 = arith.constant 0 : i32
      %add3A_318 = arith.addi %add3A_317, %mul3A_316 : i32
      %mul3A_319 = arith.constant 128 : i32
      %mul3A_320 = arith.muli %select_n3A_146, %mul3A_319 : i32
      %add3A_321 = arith.addi %add3A_318, %mul3A_320 : i32
      %mul3A_322 = arith.constant 128 : i32
      %mul3A_323 = arith.muli %select_n3A_174, %mul3A_322 : i32
      %add3A_324 = arith.addi %add3A_321, %mul3A_323 : i32
      %mul3A_325 = arith.constant 128 : i32
      %mul3A_326 = arith.muli %select_n3A_202, %mul3A_325 : i32
      %add3A_327 = arith.addi %add3A_324, %mul3A_326 : i32
      %mul3A_328 = arith.constant 128 : i32
      %mul3A_329 = arith.muli %select_n3A_230, %mul3A_328 : i32
      %add3A_330 = arith.addi %add3A_327, %mul3A_329 : i32
      %mul3A_331 = arith.constant 128 : i32
      %mul3A_332 = arith.muli %select_n3A_258, %mul3A_331 : i32
      %add3A_333 = arith.addi %add3A_330, %mul3A_332 : i32
      %mul3A_334 = arith.constant 128 : i32
      %mul3A_335 = arith.muli %select_n3A_286, %mul3A_334 : i32
      %add3A_336 = arith.addi %add3A_333, %mul3A_335 : i32
      %mul3A_337 = arith.constant 128 : i32
      %mul3A_338 = arith.muli %select_n3A_314, %mul3A_337 : i32
      %add3A_339 = arith.addi %add3A_336, %mul3A_338 : i32
      %lt3A_340 = arith.constant 8 : i32
      %lt3A_341 = arith.cmpi slt, %arg1, %lt3A_340 : i32
      %convert_element_type3A_342 = arith.extui %lt3A_341 : i1 to i32
      %cond3A_343 = arith.constant 0 : i32
      %cond3A_344 = arith.constant 0 : i32
      %cond3A_345 = arith.cmpi ne, %convert_element_type3A_342, %cond3A_344 : i32
      scf.if %cond3A_345 {
        %eq3A_351 = arith.constant 1 : i32
        %eq3A_352 = arith.cmpi eq, %arg1, %eq3A_351 : i32
        %select_n3A_353 = arith.select %eq3A_352, %select_n3A_146, %select_n3A : i32
        %eq3A_354 = arith.constant 2 : i32
        %eq3A_355 = arith.cmpi eq, %arg1, %eq3A_354 : i32
        %select_n3A_356 = arith.select %eq3A_355, %select_n3A_174, %select_n3A_353 : i32
        %eq3A_357 = arith.constant 3 : i32
        %eq3A_358 = arith.cmpi eq, %arg1, %eq3A_357 : i32
        %select_n3A_359 = arith.select %eq3A_358, %select_n3A_202, %select_n3A_356 : i32
        %eq3A_360 = arith.constant 4 : i32
        %eq3A_361 = arith.cmpi eq, %arg1, %eq3A_360 : i32
        %select_n3A_362 = arith.select %eq3A_361, %select_n3A_230, %select_n3A_359 : i32
        %eq3A_363 = arith.constant 5 : i32
        %eq3A_364 = arith.cmpi eq, %arg1, %eq3A_363 : i32
        %select_n3A_365 = arith.select %eq3A_364, %select_n3A_258, %select_n3A_362 : i32
        %eq3A_366 = arith.constant 6 : i32
        %eq3A_367 = arith.cmpi eq, %arg1, %eq3A_366 : i32
        %select_n3A_368 = arith.select %eq3A_367, %select_n3A_286, %select_n3A_365 : i32
        %eq3A_369 = arith.constant 7 : i32
        %eq3A_370 = arith.cmpi eq, %arg1, %eq3A_369 : i32
        %select_n3A_371 = arith.select %eq3A_370, %select_n3A_314, %select_n3A_368 : i32
        %while3A = arith.constant 0 : i32
        %while3A_372 = arith.constant 0 : i32
        %while3A_373 = arith.subi %select_n3A_371, %while3A_372 : i32
        %while3A_374 = arith.addi %while3A_372, %while3A_373 : i32
        %while3A_375 = arith.constant 1 : i32
        %while3A_376 = arith.divsi %while3A_373, %while3A_375 : i32
        %while3A_377 = arith.muli %while3A_376, %while3A_375 : i32
        %while3A_378 = arith.addi %while3A_372, %while3A_377 : i32
        %while3A_379 = arith.constant 1 : i32
        scf.for %while3A_381 = %while3A_372 to %while3A_378 step %while3A_379  : i32 {
          %mul3A_382 = arith.constant 128 : i32
          %mul3A_383 = arith.muli %while3A_381, %mul3A_382 : i32
          %multiple_of3A = tpu.assume_multiple %mul3A_383, 128 : i32
          %eq3A_384 = arith.constant 1 : i32
          %eq3A_385 = arith.cmpi eq, %arg1, %eq3A_384 : i32
          %select_n3A_386 = arith.select %eq3A_385, %add3A_318, %cond3A_343 : i32
          %eq3A_387 = arith.constant 2 : i32
          %eq3A_388 = arith.cmpi eq, %arg1, %eq3A_387 : i32
          %select_n3A_389 = arith.select %eq3A_388, %add3A_321, %select_n3A_386 : i32
          %eq3A_390 = arith.constant 3 : i32
          %eq3A_391 = arith.cmpi eq, %arg1, %eq3A_390 : i32
          %select_n3A_392 = arith.select %eq3A_391, %add3A_324, %select_n3A_389 : i32
          %eq3A_393 = arith.constant 4 : i32
          %eq3A_394 = arith.cmpi eq, %arg1, %eq3A_393 : i32
          %select_n3A_395 = arith.select %eq3A_394, %add3A_327, %select_n3A_392 : i32
          %eq3A_396 = arith.constant 5 : i32
          %eq3A_397 = arith.cmpi eq, %arg1, %eq3A_396 : i32
          %select_n3A_398 = arith.select %eq3A_397, %add3A_330, %select_n3A_395 : i32
          %eq3A_399 = arith.constant 6 : i32
          %eq3A_400 = arith.cmpi eq, %arg1, %eq3A_399 : i32
          %select_n3A_401 = arith.select %eq3A_400, %add3A_333, %select_n3A_398 : i32
          %eq3A_402 = arith.constant 7 : i32
          %eq3A_403 = arith.cmpi eq, %arg1, %eq3A_402 : i32
          %select_n3A_404 = arith.select %eq3A_403, %add3A_336, %select_n3A_401 : i32
          %mul3A_405 = arith.constant 128 : i32
          %mul3A_406 = arith.muli %while3A_381, %mul3A_405 : i32
          %add3A_407 = arith.addi %select_n3A_404, %mul3A_406 : i32
          %multiple_of3A_408 = tpu.assume_multiple %add3A_407, 128 : i32
          "tpu.region"() ({
            %run_scoped3A = tpu.sem_alloc : memref<!tpu.dma_semaphore, #tpu.memory_space<semaphore_mem>>
            %dma_start3A = tpu.memref_slice %arg6[%multiple_of3A] : memref<4224xi32, #tpu.memory_space<vmem>> -> memref<128xi32, #tpu.memory_space<vmem>>
            %dma_start3A_409 = tpu.memref_slice %arg3[%multiple_of3A_408] : memref<5120xi32, #tpu.memory_space<hbm>> -> memref<128xi32, #tpu.memory_space<hbm>>
            %dma_start3A_410 = tpu.memref_slice %arg3[%multiple_of3A_408] : memref<5120xi32, #tpu.memory_space<hbm>> -> memref<128xi32, #tpu.memory_space<hbm>>
            %dma_start3A_411 = tpu.memref_slice %arg6[%multiple_of3A] : memref<4224xi32, #tpu.memory_space<vmem>> -> memref<128xi32, #tpu.memory_space<vmem>>
            tpu.enqueue_dma source(%dma_start3A_411 : memref<128xi32, #tpu.memory_space<vmem>>) target(%dma_start3A_410 : memref<128xi32, #tpu.memory_space<hbm>>) target_semaphore(%run_scoped3A : memref<!tpu.dma_semaphore, #tpu.memory_space<semaphore_mem>>)
            %dma_wait3A = tpu.memref_slice %arg6[%multiple_of3A] : memref<4224xi32, #tpu.memory_space<vmem>> -> memref<128xi32, #tpu.memory_space<vmem>>
            %dma_wait3A_412 = tpu.memref_slice %arg3[%multiple_of3A_408] : memref<5120xi32, #tpu.memory_space<hbm>> -> memref<128xi32, #tpu.memory_space<hbm>>
            %dma_wait3A_413 = tpu.memref_slice %arg3[%multiple_of3A_408] : memref<5120xi32, #tpu.memory_space<hbm>> -> memref<128xi32, #tpu.memory_space<hbm>>
            %dma_wait3A_414 = tpu.memref_slice %arg6[%multiple_of3A] : memref<4224xi32, #tpu.memory_space<vmem>> -> memref<128xi32, #tpu.memory_space<vmem>>
            tpu.wait_dma2 semaphore(%run_scoped3A : memref<!tpu.dma_semaphore, #tpu.memory_space<semaphore_mem>>) src(%dma_wait3A_414 : memref<128xi32, #tpu.memory_space<vmem>>) dst(%dma_wait3A_413 : memref<128xi32, #tpu.memory_space<hbm>>)
            tpu.yield
          }) : () -> ()
        }
        %while3A_380 = arith.constant 1 : i32
        scf.for %while3A_381 = %while3A_378 to %while3A_374 step %while3A_380  : i32 {
          %mul3A_382 = arith.constant 128 : i32
          %mul3A_383 = arith.muli %while3A_381, %mul3A_382 : i32
          %multiple_of3A = tpu.assume_multiple %mul3A_383, 128 : i32
          %eq3A_384 = arith.constant 1 : i32
          %eq3A_385 = arith.cmpi eq, %arg1, %eq3A_384 : i32
          %select_n3A_386 = arith.select %eq3A_385, %add3A_318, %cond3A_343 : i32
          %eq3A_387 = arith.constant 2 : i32
          %eq3A_388 = arith.cmpi eq, %arg1, %eq3A_387 : i32
          %select_n3A_389 = arith.select %eq3A_388, %add3A_321, %select_n3A_386 : i32
          %eq3A_390 = arith.constant 3 : i32
          %eq3A_391 = arith.cmpi eq, %arg1, %eq3A_390 : i32
          %select_n3A_392 = arith.select %eq3A_391, %add3A_324, %select_n3A_389 : i32
          %eq3A_393 = arith.constant 4 : i32
          %eq3A_394 = arith.cmpi eq, %arg1, %eq3A_393 : i32
          %select_n3A_395 = arith.select %eq3A_394, %add3A_327, %select_n3A_392 : i32
          %eq3A_396 = arith.constant 5 : i32
          %eq3A_397 = arith.cmpi eq, %arg1, %eq3A_396 : i32
          %select_n3A_398 = arith.select %eq3A_397, %add3A_330, %select_n3A_395 : i32
          %eq3A_399 = arith.constant 6 : i32
          %eq3A_400 = arith.cmpi eq, %arg1, %eq3A_399 : i32
          %select_n3A_401 = arith.select %eq3A_400, %add3A_333, %select_n3A_398 : i32
          %eq3A_402 = arith.constant 7 : i32
          %eq3A_403 = arith.cmpi eq, %arg1, %eq3A_402 : i32
          %select_n3A_404 = arith.select %eq3A_403, %add3A_336, %select_n3A_401 : i32
          %mul3A_405 = arith.constant 128 : i32
          %mul3A_406 = arith.muli %while3A_381, %mul3A_405 : i32
          %add3A_407 = arith.addi %select_n3A_404, %mul3A_406 : i32
          %multiple_of3A_408 = tpu.assume_multiple %add3A_407, 128 : i32
          "tpu.region"() ({
            %run_scoped3A = tpu.sem_alloc : memref<!tpu.dma_semaphore, #tpu.memory_space<semaphore_mem>>
            %dma_start3A = tpu.memref_slice %arg6[%multiple_of3A] : memref<4224xi32, #tpu.memory_space<vmem>> -> memref<128xi32, #tpu.memory_space<vmem>>
            %dma_start3A_409 = tpu.memref_slice %arg3[%multiple_of3A_408] : memref<5120xi32, #tpu.memory_space<hbm>> -> memref<128xi32, #tpu.memory_space<hbm>>
            %dma_start3A_410 = tpu.memref_slice %arg3[%multiple_of3A_408] : memref<5120xi32, #tpu.memory_space<hbm>> -> memref<128xi32, #tpu.memory_space<hbm>>
            %dma_start3A_411 = tpu.memref_slice %arg6[%multiple_of3A] : memref<4224xi32, #tpu.memory_space<vmem>> -> memref<128xi32, #tpu.memory_space<vmem>>
            tpu.enqueue_dma source(%dma_start3A_411 : memref<128xi32, #tpu.memory_space<vmem>>) target(%dma_start3A_410 : memref<128xi32, #tpu.memory_space<hbm>>) target_semaphore(%run_scoped3A : memref<!tpu.dma_semaphore, #tpu.memory_space<semaphore_mem>>)
            %dma_wait3A = tpu.memref_slice %arg6[%multiple_of3A] : memref<4224xi32, #tpu.memory_space<vmem>> -> memref<128xi32, #tpu.memory_space<vmem>>
            %dma_wait3A_412 = tpu.memref_slice %arg3[%multiple_of3A_408] : memref<5120xi32, #tpu.memory_space<hbm>> -> memref<128xi32, #tpu.memory_space<hbm>>
            %dma_wait3A_413 = tpu.memref_slice %arg3[%multiple_of3A_408] : memref<5120xi32, #tpu.memory_space<hbm>> -> memref<128xi32, #tpu.memory_space<hbm>>
            %dma_wait3A_414 = tpu.memref_slice %arg6[%multiple_of3A] : memref<4224xi32, #tpu.memory_space<vmem>> -> memref<128xi32, #tpu.memory_space<vmem>>
            tpu.wait_dma2 semaphore(%run_scoped3A : memref<!tpu.dma_semaphore, #tpu.memory_space<semaphore_mem>>) src(%dma_wait3A_414 : memref<128xi32, #tpu.memory_space<vmem>>) dst(%dma_wait3A_413 : memref<128xi32, #tpu.memory_space<hbm>>)
            tpu.yield
          }) : () -> ()
        }
      } else {
      }
      %eq3A_346 = arith.constant 8 : i32
      %eq3A_347 = arith.cmpi eq, %arg1, %eq3A_346 : i32
      %convert_element_type3A_348 = arith.extui %eq3A_347 : i1 to i32
      %cond3A_349 = arith.constant 0 : i32
      %cond3A_350 = arith.cmpi ne, %convert_element_type3A_348, %cond3A_349 : i32
      scf.if %cond3A_350 {
        %scan3A = arith.constant 0 : i32
        %scan3A_351 = arith.constant 0 : i32
        %scan3A_352 = arith.constant 8 : i32
        %scan3A_353 = arith.addi %scan3A_351, %scan3A_352 : i32
        %scan3A_354 = arith.constant 1 : i32
        scf.for %scan3A_559 = %scan3A_351 to %scan3A_353 step %scan3A_354  : i32 {
          %mul3A_560 = arith.constant 16 : i32
          %mul3A_561 = arith.muli %scan3A_559, %mul3A_560 : i32
          %add3A_562 = vector.broadcast %mul3A_561 : i32 to vector<16xi32>
          %add3A_563 = arith.addi %add3A_562, %iota3A : vector<16xi32>
          tpu.vector_store_idx %arg6[%add3A_563], %broadcast_in_dim3A_2 : memref<4224xi32, #tpu.memory_space<vmem>>[vector<16xi32>], vector<16xi32>,
        }
        %scan3A_355 = arith.constant 8 : i32
        %sub3A_356 = arith.constant 5120 : i32
        %sub3A_357 = arith.subi %sub3A_356, %add3A_339 : i32
        %jit3A_358 = arith.constant 128 : i32
        %div3A_359 = arith.divsi %sub3A_357, %jit3A_358 : i32
        %sign3A_360 = arith.constant 0 : i32
        %sign3A_361 = arith.cmpi sgt, %sub3A_357, %sign3A_360 : i32
        %sign3A_362 = arith.extui %sign3A_361 : i1 to i32
        %sign3A_363 = arith.constant 0 : i32
        %sign3A_364 = arith.cmpi slt, %sub3A_357, %sign3A_363 : i32
        %sign3A_365 = arith.extui %sign3A_364 : i1 to i32
        %sign3A_366 = arith.subi %sign3A_362, %sign3A_365 : i32
        %sign3A_367 = arith.constant 0 : i32
        %sign3A_368 = arith.cmpi sgt, %jit3A_358, %sign3A_367 : i32
        %sign3A_369 = arith.extui %sign3A_368 : i1 to i32
        %sign3A_370 = arith.constant 0 : i32
        %sign3A_371 = arith.cmpi slt, %jit3A_358, %sign3A_370 : i32
        %sign3A_372 = arith.extui %sign3A_371 : i1 to i32
        %sign3A_373 = arith.subi %sign3A_369, %sign3A_372 : i32
        %ne3A_374 = arith.cmpi ne, %sign3A_366, %sign3A_373 : i32
        %rem3A_375 = arith.remsi %sub3A_357, %jit3A_358 : i32
        %ne3A_376 = arith.constant 0 : i32
        %ne3A_377 = arith.cmpi ne, %rem3A_375, %ne3A_376 : i32
        %and3A_378 = arith.andi %ne3A_374, %ne3A_377 : i1
        %sub3A_379 = arith.constant 1 : i32
        %sub3A_380 = arith.subi %div3A_359, %sub3A_379 : i32
        %select_n3A_381 = arith.select %and3A_378, %sub3A_380, %div3A_359 : i32
        %while3A = arith.constant 0 : i32
        %while3A_382 = arith.constant 0 : i32
        %while3A_383 = arith.subi %select_n3A_381, %while3A_382 : i32
        %while3A_384 = arith.addi %while3A_382, %while3A_383 : i32
        %while3A_385 = arith.constant 1 : i32
        %while3A_386 = arith.divsi %while3A_383, %while3A_385 : i32
        %while3A_387 = arith.muli %while3A_386, %while3A_385 : i32
        %while3A_388 = arith.addi %while3A_382, %while3A_387 : i32
        %while3A_389 = arith.constant 1 : i32
        scf.for %while3A_559 = %while3A_382 to %while3A_388 step %while3A_389  : i32 {
          %mul3A_560 = arith.constant 128 : i32
          %mul3A_561 = arith.muli %while3A_559, %mul3A_560 : i32
          %add3A_562 = arith.addi %add3A_339, %mul3A_561 : i32
          %multiple_of3A = tpu.assume_multiple %add3A_562, 128 : i32
          "tpu.region"() ({
            %run_scoped3A = tpu.sem_alloc : memref<!tpu.dma_semaphore, #tpu.memory_space<semaphore_mem>>
            %dma_start3A = arith.constant 0 : i32
            %dma_start3A_563 = tpu.memref_slice %arg6[%dma_start3A] : memref<4224xi32, #tpu.memory_space<vmem>> -> memref<128xi32, #tpu.memory_space<vmem>>
            %dma_start3A_564 = tpu.memref_slice %arg3[%multiple_of3A] : memref<5120xi32, #tpu.memory_space<hbm>> -> memref<128xi32, #tpu.memory_space<hbm>>
            %dma_start3A_565 = tpu.memref_slice %arg3[%multiple_of3A] : memref<5120xi32, #tpu.memory_space<hbm>> -> memref<128xi32, #tpu.memory_space<hbm>>
            %dma_start3A_566 = arith.constant 0 : i32
            %dma_start3A_567 = tpu.memref_slice %arg6[%dma_start3A_566] : memref<4224xi32, #tpu.memory_space<vmem>> -> memref<128xi32, #tpu.memory_space<vmem>>
            tpu.enqueue_dma source(%dma_start3A_567 : memref<128xi32, #tpu.memory_space<vmem>>) target(%dma_start3A_565 : memref<128xi32, #tpu.memory_space<hbm>>) target_semaphore(%run_scoped3A : memref<!tpu.dma_semaphore, #tpu.memory_space<semaphore_mem>>)
            %dma_wait3A = arith.constant 0 : i32
            %dma_wait3A_568 = tpu.memref_slice %arg6[%dma_wait3A] : memref<4224xi32, #tpu.memory_space<vmem>> -> memref<128xi32, #tpu.memory_space<vmem>>
            %dma_wait3A_569 = tpu.memref_slice %arg3[%multiple_of3A] : memref<5120xi32, #tpu.memory_space<hbm>> -> memref<128xi32, #tpu.memory_space<hbm>>
            %dma_wait3A_570 = tpu.memref_slice %arg3[%multiple_of3A] : memref<5120xi32, #tpu.memory_space<hbm>> -> memref<128xi32, #tpu.memory_space<hbm>>
            %dma_wait3A_571 = arith.constant 0 : i32
            %dma_wait3A_572 = tpu.memref_slice %arg6[%dma_wait3A_571] : memref<4224xi32, #tpu.memory_space<vmem>> -> memref<128xi32, #tpu.memory_space<vmem>>
            tpu.wait_dma2 semaphore(%run_scoped3A : memref<!tpu.dma_semaphore, #tpu.memory_space<semaphore_mem>>) src(%dma_wait3A_572 : memref<128xi32, #tpu.memory_space<vmem>>) dst(%dma_wait3A_570 : memref<128xi32, #tpu.memory_space<hbm>>)
            tpu.yield
          }) : () -> ()
        }
        %while3A_390 = arith.constant 1 : i32
        scf.for %while3A_559 = %while3A_388 to %while3A_384 step %while3A_390  : i32 {
          %mul3A_560 = arith.constant 128 : i32
          %mul3A_561 = arith.muli %while3A_559, %mul3A_560 : i32
          %add3A_562 = arith.addi %add3A_339, %mul3A_561 : i32
          %multiple_of3A = tpu.assume_multiple %add3A_562, 128 : i32
          "tpu.region"() ({
            %run_scoped3A = tpu.sem_alloc : memref<!tpu.dma_semaphore, #tpu.memory_space<semaphore_mem>>
            %dma_start3A = arith.constant 0 : i32
            %dma_start3A_563 = tpu.memref_slice %arg6[%dma_start3A] : memref<4224xi32, #tpu.memory_space<vmem>> -> memref<128xi32, #tpu.memory_space<vmem>>
            %dma_start3A_564 = tpu.memref_slice %arg3[%multiple_of3A] : memref<5120xi32, #tpu.memory_space<hbm>> -> memref<128xi32, #tpu.memory_space<hbm>>
            %dma_start3A_565 = tpu.memref_slice %arg3[%multiple_of3A] : memref<5120xi32, #tpu.memory_space<hbm>> -> memref<128xi32, #tpu.memory_space<hbm>>
            %dma_start3A_566 = arith.constant 0 : i32
            %dma_start3A_567 = tpu.memref_slice %arg6[%dma_start3A_566] : memref<4224xi32, #tpu.memory_space<vmem>> -> memref<128xi32, #tpu.memory_space<vmem>>
            tpu.enqueue_dma source(%dma_start3A_567 : memref<128xi32, #tpu.memory_space<vmem>>) target(%dma_start3A_565 : memref<128xi32, #tpu.memory_space<hbm>>) target_semaphore(%run_scoped3A : memref<!tpu.dma_semaphore, #tpu.memory_space<semaphore_mem>>)
            %dma_wait3A = arith.constant 0 : i32
            %dma_wait3A_568 = tpu.memref_slice %arg6[%dma_wait3A] : memref<4224xi32, #tpu.memory_space<vmem>> -> memref<128xi32, #tpu.memory_space<vmem>>
            %dma_wait3A_569 = tpu.memref_slice %arg3[%multiple_of3A] : memref<5120xi32, #tpu.memory_space<hbm>> -> memref<128xi32, #tpu.memory_space<hbm>>
            %dma_wait3A_570 = tpu.memref_slice %arg3[%multiple_of3A] : memref<5120xi32, #tpu.memory_space<hbm>> -> memref<128xi32, #tpu.memory_space<hbm>>
            %dma_wait3A_571 = arith.constant 0 : i32
            %dma_wait3A_572 = tpu.memref_slice %arg6[%dma_wait3A_571] : memref<4224xi32, #tpu.memory_space<vmem>> -> memref<128xi32, #tpu.memory_space<vmem>>
            tpu.wait_dma2 semaphore(%run_scoped3A : memref<!tpu.dma_semaphore, #tpu.memory_space<semaphore_mem>>) src(%dma_wait3A_572 : memref<128xi32, #tpu.memory_space<vmem>>) dst(%dma_wait3A_570 : memref<128xi32, #tpu.memory_space<hbm>>)
            tpu.yield
          }) : () -> ()
        }
        %mul3A_391 = arith.constant 128 : i32
        %mul3A_392 = arith.muli %select_n3A, %mul3A_391 : i32
        %add3A_393 = arith.constant 0 : i32
        %add3A_394 = arith.addi %add3A_393, %mul3A_392 : i32
        %mul3A_395 = arith.constant 128 : i32
        %mul3A_396 = arith.muli %select_n3A_146, %mul3A_395 : i32
        %add3A_397 = arith.addi %add3A_394, %mul3A_396 : i32
        %mul3A_398 = arith.constant 128 : i32
        %mul3A_399 = arith.muli %select_n3A_174, %mul3A_398 : i32
        %add3A_400 = arith.addi %add3A_397, %mul3A_399 : i32
        %mul3A_401 = arith.constant 128 : i32
        %mul3A_402 = arith.muli %select_n3A_202, %mul3A_401 : i32
        %add3A_403 = arith.addi %add3A_400, %mul3A_402 : i32
        %mul3A_404 = arith.constant 128 : i32
        %mul3A_405 = arith.muli %select_n3A_230, %mul3A_404 : i32
        %add3A_406 = arith.addi %add3A_403, %mul3A_405 : i32
        %mul3A_407 = arith.constant 128 : i32
        %mul3A_408 = arith.muli %select_n3A_258, %mul3A_407 : i32
        %add3A_409 = arith.addi %add3A_406, %mul3A_408 : i32
        %mul3A_410 = arith.constant 128 : i32
        %mul3A_411 = arith.muli %select_n3A_286, %mul3A_410 : i32
        %add3A_412 = arith.addi %add3A_409, %mul3A_411 : i32
        %mul3A_413 = arith.constant 128 : i32
        %mul3A_414 = arith.muli %select_n3A_314, %mul3A_413 : i32
        %add3A_415 = arith.addi %add3A_412, %mul3A_414 : i32
        %add3A_416 = arith.constant 0 : i32
        %add3A_417 = vector.broadcast %add3A_416 : i32 to vector<16xi32>
        %add3A_418 = arith.addi %add3A_417, %iota3A : vector<16xi32>
        %mul3A_419 = arith.constant 128 : i32
        %mul3A_420 = vector.broadcast %mul3A_419 : i32 to vector<16xi32>
        %mul3A_421 = arith.muli %add3A_418, %mul3A_420 : vector<16xi32>
        %broadcast_in_dim3A_422 = arith.constant 0 : i32
        %broadcast_in_dim3A_423 = vector.broadcast %broadcast_in_dim3A_422 : i32 to vector<16xi32>
        %ge3A = vector.broadcast %add3A_394 : i32 to vector<16xi32>
        %ge3A_424 = arith.cmpi sge, %mul3A_421, %ge3A : vector<16xi32>
        %convert_element_type3A_425 = arith.extui %ge3A_424 : vector<16xi1> to vector<16xi32>
        %add3A_426 = arith.addi %broadcast_in_dim3A_423, %convert_element_type3A_425 : vector<16xi32>
        %ge3A_427 = vector.broadcast %add3A_397 : i32 to vector<16xi32>
        %ge3A_428 = arith.cmpi sge, %mul3A_421, %ge3A_427 : vector<16xi32>
        %convert_element_type3A_429 = arith.extui %ge3A_428 : vector<16xi1> to vector<16xi32>
        %add3A_430 = arith.addi %add3A_426, %convert_element_type3A_429 : vector<16xi32>
        %ge3A_431 = vector.broadcast %add3A_400 : i32 to vector<16xi32>
        %ge3A_432 = arith.cmpi sge, %mul3A_421, %ge3A_431 : vector<16xi32>
        %convert_element_type3A_433 = arith.extui %ge3A_432 : vector<16xi1> to vector<16xi32>
        %add3A_434 = arith.addi %add3A_430, %convert_element_type3A_433 : vector<16xi32>
        %ge3A_435 = vector.broadcast %add3A_403 : i32 to vector<16xi32>
        %ge3A_436 = arith.cmpi sge, %mul3A_421, %ge3A_435 : vector<16xi32>
        %convert_element_type3A_437 = arith.extui %ge3A_436 : vector<16xi1> to vector<16xi32>
        %add3A_438 = arith.addi %add3A_434, %convert_element_type3A_437 : vector<16xi32>
        %ge3A_439 = vector.broadcast %add3A_406 : i32 to vector<16xi32>
        %ge3A_440 = arith.cmpi sge, %mul3A_421, %ge3A_439 : vector<16xi32>
        %convert_element_type3A_441 = arith.extui %ge3A_440 : vector<16xi1> to vector<16xi32>
        %add3A_442 = arith.addi %add3A_438, %convert_element_type3A_441 : vector<16xi32>
        %ge3A_443 = vector.broadcast %add3A_409 : i32 to vector<16xi32>
        %ge3A_444 = arith.cmpi sge, %mul3A_421, %ge3A_443 : vector<16xi32>
        %convert_element_type3A_445 = arith.extui %ge3A_444 : vector<16xi1> to vector<16xi32>
        %add3A_446 = arith.addi %add3A_442, %convert_element_type3A_445 : vector<16xi32>
        %ge3A_447 = vector.broadcast %add3A_412 : i32 to vector<16xi32>
        %ge3A_448 = arith.cmpi sge, %mul3A_421, %ge3A_447 : vector<16xi32>
        %convert_element_type3A_449 = arith.extui %ge3A_448 : vector<16xi1> to vector<16xi32>
        %add3A_450 = arith.addi %add3A_446, %convert_element_type3A_449 : vector<16xi32>
        tpu.vector_store_idx %arg9[%add3A_418], %add3A_450 : memref<64xi32, #tpu.memory_space<vmem>>[vector<16xi32>], vector<16xi32>,
        %add3A_451 = arith.constant 16 : i32
        %add3A_452 = vector.broadcast %add3A_451 : i32 to vector<16xi32>
        %add3A_453 = arith.addi %add3A_452, %iota3A : vector<16xi32>
        %mul3A_454 = arith.constant 128 : i32
        %mul3A_455 = vector.broadcast %mul3A_454 : i32 to vector<16xi32>
        %mul3A_456 = arith.muli %add3A_453, %mul3A_455 : vector<16xi32>
        %broadcast_in_dim3A_457 = arith.constant 0 : i32
        %broadcast_in_dim3A_458 = vector.broadcast %broadcast_in_dim3A_457 : i32 to vector<16xi32>
        %ge3A_459 = vector.broadcast %add3A_394 : i32 to vector<16xi32>
        %ge3A_460 = arith.cmpi sge, %mul3A_456, %ge3A_459 : vector<16xi32>
        %convert_element_type3A_461 = arith.extui %ge3A_460 : vector<16xi1> to vector<16xi32>
        %add3A_462 = arith.addi %broadcast_in_dim3A_458, %convert_element_type3A_461 : vector<16xi32>
        %ge3A_463 = vector.broadcast %add3A_397 : i32 to vector<16xi32>
        %ge3A_464 = arith.cmpi sge, %mul3A_456, %ge3A_463 : vector<16xi32>
        %convert_element_type3A_465 = arith.extui %ge3A_464 : vector<16xi1> to vector<16xi32>
        %add3A_466 = arith.addi %add3A_462, %convert_element_type3A_465 : vector<16xi32>
        %ge3A_467 = vector.broadcast %add3A_400 : i32 to vector<16xi32>
        %ge3A_468 = arith.cmpi sge, %mul3A_456, %ge3A_467 : vector<16xi32>
        %convert_element_type3A_469 = arith.extui %ge3A_468 : vector<16xi1> to vector<16xi32>
        %add3A_470 = arith.addi %add3A_466, %convert_element_type3A_469 : vector<16xi32>
        %ge3A_471 = vector.broadcast %add3A_403 : i32 to vector<16xi32>
        %ge3A_472 = arith.cmpi sge, %mul3A_456, %ge3A_471 : vector<16xi32>
        %convert_element_type3A_473 = arith.extui %ge3A_472 : vector<16xi1> to vector<16xi32>
        %add3A_474 = arith.addi %add3A_470, %convert_element_type3A_473 : vector<16xi32>
        %ge3A_475 = vector.broadcast %add3A_406 : i32 to vector<16xi32>
        %ge3A_476 = arith.cmpi sge, %mul3A_456, %ge3A_475 : vector<16xi32>
        %convert_element_type3A_477 = arith.extui %ge3A_476 : vector<16xi1> to vector<16xi32>
        %add3A_478 = arith.addi %add3A_474, %convert_element_type3A_477 : vector<16xi32>
        %ge3A_479 = vector.broadcast %add3A_409 : i32 to vector<16xi32>
        %ge3A_480 = arith.cmpi sge, %mul3A_456, %ge3A_479 : vector<16xi32>
        %convert_element_type3A_481 = arith.extui %ge3A_480 : vector<16xi1> to vector<16xi32>
        %add3A_482 = arith.addi %add3A_478, %convert_element_type3A_481 : vector<16xi32>
        %ge3A_483 = vector.broadcast %add3A_412 : i32 to vector<16xi32>
        %ge3A_484 = arith.cmpi sge, %mul3A_456, %ge3A_483 : vector<16xi32>
        %convert_element_type3A_485 = arith.extui %ge3A_484 : vector<16xi1> to vector<16xi32>
        %add3A_486 = arith.addi %add3A_482, %convert_element_type3A_485 : vector<16xi32>
        tpu.vector_store_idx %arg9[%add3A_453], %add3A_486 : memref<64xi32, #tpu.memory_space<vmem>>[vector<16xi32>], vector<16xi32>,
        %add3A_487 = arith.constant 32 : i32
        %add3A_488 = vector.broadcast %add3A_487 : i32 to vector<16xi32>
        %add3A_489 = arith.addi %add3A_488, %iota3A : vector<16xi32>
        %mul3A_490 = arith.constant 128 : i32
        %mul3A_491 = vector.broadcast %mul3A_490 : i32 to vector<16xi32>
        %mul3A_492 = arith.muli %add3A_489, %mul3A_491 : vector<16xi32>
        %broadcast_in_dim3A_493 = arith.constant 0 : i32
        %broadcast_in_dim3A_494 = vector.broadcast %broadcast_in_dim3A_493 : i32 to vector<16xi32>
        %ge3A_495 = vector.broadcast %add3A_394 : i32 to vector<16xi32>
        %ge3A_496 = arith.cmpi sge, %mul3A_492, %ge3A_495 : vector<16xi32>
        %convert_element_type3A_497 = arith.extui %ge3A_496 : vector<16xi1> to vector<16xi32>
        %add3A_498 = arith.addi %broadcast_in_dim3A_494, %convert_element_type3A_497 : vector<16xi32>
        %ge3A_499 = vector.broadcast %add3A_397 : i32 to vector<16xi32>
        %ge3A_500 = arith.cmpi sge, %mul3A_492, %ge3A_499 : vector<16xi32>
        %convert_element_type3A_501 = arith.extui %ge3A_500 : vector<16xi1> to vector<16xi32>
        %add3A_502 = arith.addi %add3A_498, %convert_element_type3A_501 : vector<16xi32>
        %ge3A_503 = vector.broadcast %add3A_400 : i32 to vector<16xi32>
        %ge3A_504 = arith.cmpi sge, %mul3A_492, %ge3A_503 : vector<16xi32>
        %convert_element_type3A_505 = arith.extui %ge3A_504 : vector<16xi1> to vector<16xi32>
        %add3A_506 = arith.addi %add3A_502, %convert_element_type3A_505 : vector<16xi32>
        %ge3A_507 = vector.broadcast %add3A_403 : i32 to vector<16xi32>
        %ge3A_508 = arith.cmpi sge, %mul3A_492, %ge3A_507 : vector<16xi32>
        %convert_element_type3A_509 = arith.extui %ge3A_508 : vector<16xi1> to vector<16xi32>
        %add3A_510 = arith.addi %add3A_506, %convert_element_type3A_509 : vector<16xi32>
        %ge3A_511 = vector.broadcast %add3A_406 : i32 to vector<16xi32>
        %ge3A_512 = arith.cmpi sge, %mul3A_492, %ge3A_511 : vector<16xi32>
        %convert_element_type3A_513 = arith.extui %ge3A_512 : vector<16xi1> to vector<16xi32>
        %add3A_514 = arith.addi %add3A_510, %convert_element_type3A_513 : vector<16xi32>
        %ge3A_515 = vector.broadcast %add3A_409 : i32 to vector<16xi32>
        %ge3A_516 = arith.cmpi sge, %mul3A_492, %ge3A_515 : vector<16xi32>
        %convert_element_type3A_517 = arith.extui %ge3A_516 : vector<16xi1> to vector<16xi32>
        %add3A_518 = arith.addi %add3A_514, %convert_element_type3A_517 : vector<16xi32>
        %ge3A_519 = vector.broadcast %add3A_412 : i32 to vector<16xi32>
        %ge3A_520 = arith.cmpi sge, %mul3A_492, %ge3A_519 : vector<16xi32>
        %convert_element_type3A_521 = arith.extui %ge3A_520 : vector<16xi1> to vector<16xi32>
        %add3A_522 = arith.addi %add3A_518, %convert_element_type3A_521 : vector<16xi32>
        tpu.vector_store_idx %arg9[%add3A_489], %add3A_522 : memref<64xi32, #tpu.memory_space<vmem>>[vector<16xi32>], vector<16xi32>,
        %add3A_523 = arith.constant 48 : i32
        %add3A_524 = vector.broadcast %add3A_523 : i32 to vector<16xi32>
        %add3A_525 = arith.addi %add3A_524, %iota3A : vector<16xi32>
        %mul3A_526 = arith.constant 128 : i32
        %mul3A_527 = vector.broadcast %mul3A_526 : i32 to vector<16xi32>
        %mul3A_528 = arith.muli %add3A_525, %mul3A_527 : vector<16xi32>
        %broadcast_in_dim3A_529 = arith.constant 0 : i32
        %broadcast_in_dim3A_530 = vector.broadcast %broadcast_in_dim3A_529 : i32 to vector<16xi32>
        %ge3A_531 = vector.broadcast %add3A_394 : i32 to vector<16xi32>
        %ge3A_532 = arith.cmpi sge, %mul3A_528, %ge3A_531 : vector<16xi32>
        %convert_element_type3A_533 = arith.extui %ge3A_532 : vector<16xi1> to vector<16xi32>
        %add3A_534 = arith.addi %broadcast_in_dim3A_530, %convert_element_type3A_533 : vector<16xi32>
        %ge3A_535 = vector.broadcast %add3A_397 : i32 to vector<16xi32>
        %ge3A_536 = arith.cmpi sge, %mul3A_528, %ge3A_535 : vector<16xi32>
        %convert_element_type3A_537 = arith.extui %ge3A_536 : vector<16xi1> to vector<16xi32>
        %add3A_538 = arith.addi %add3A_534, %convert_element_type3A_537 : vector<16xi32>
        %ge3A_539 = vector.broadcast %add3A_400 : i32 to vector<16xi32>
        %ge3A_540 = arith.cmpi sge, %mul3A_528, %ge3A_539 : vector<16xi32>
        %convert_element_type3A_541 = arith.extui %ge3A_540 : vector<16xi1> to vector<16xi32>
        %add3A_542 = arith.addi %add3A_538, %convert_element_type3A_541 : vector<16xi32>
        %ge3A_543 = vector.broadcast %add3A_403 : i32 to vector<16xi32>
        %ge3A_544 = arith.cmpi sge, %mul3A_528, %ge3A_543 : vector<16xi32>
        %convert_element_type3A_545 = arith.extui %ge3A_544 : vector<16xi1> to vector<16xi32>
        %add3A_546 = arith.addi %add3A_542, %convert_element_type3A_545 : vector<16xi32>
        %ge3A_547 = vector.broadcast %add3A_406 : i32 to vector<16xi32>
        %ge3A_548 = arith.cmpi sge, %mul3A_528, %ge3A_547 : vector<16xi32>
        %convert_element_type3A_549 = arith.extui %ge3A_548 : vector<16xi1> to vector<16xi32>
        %add3A_550 = arith.addi %add3A_546, %convert_element_type3A_549 : vector<16xi32>
        %ge3A_551 = vector.broadcast %add3A_409 : i32 to vector<16xi32>
        %ge3A_552 = arith.cmpi sge, %mul3A_528, %ge3A_551 : vector<16xi32>
        %convert_element_type3A_553 = arith.extui %ge3A_552 : vector<16xi1> to vector<16xi32>
        %add3A_554 = arith.addi %add3A_550, %convert_element_type3A_553 : vector<16xi32>
        %ge3A_555 = vector.broadcast %add3A_412 : i32 to vector<16xi32>
        %ge3A_556 = arith.cmpi sge, %mul3A_528, %ge3A_555 : vector<16xi32>
        %convert_element_type3A_557 = arith.extui %ge3A_556 : vector<16xi1> to vector<16xi32>
        %add3A_558 = arith.addi %add3A_554, %convert_element_type3A_557 : vector<16xi32>
        tpu.vector_store_idx %arg9[%add3A_525], %add3A_558 : memref<64xi32, #tpu.memory_space<vmem>>[vector<16xi32>], vector<16xi32>,
        "tpu.region"() ({
          %run_scoped3A = tpu.sem_alloc : memref<!tpu.dma_semaphore, #tpu.memory_space<semaphore_mem>>
          tpu.enqueue_dma source(%arg9 : memref<64xi32, #tpu.memory_space<vmem>>) target(%arg4 : memref<64xi32, #tpu.memory_space<hbm>>) target_semaphore(%run_scoped3A : memref<!tpu.dma_semaphore, #tpu.memory_space<semaphore_mem>>)
          tpu.wait_dma2 semaphore(%run_scoped3A : memref<!tpu.dma_semaphore, #tpu.memory_space<semaphore_mem>>) src(%arg9 : memref<64xi32, #tpu.memory_space<vmem>>) dst(%arg4 : memref<64xi32, #tpu.memory_space<hbm>>)
          tpu.yield
        }) : () -> ()
      } else {
      }
    } else {
    }
    return
  }
}

module attributes {stable_mosaic.version = 14 : i64} {
  func.func @_gate_body(%arg0: i32, %arg1: memref<512x768xf32, #tpu.memory_space<vmem>>, %arg2: memref<8x768xf32, #tpu.memory_space<vmem>>, %arg3: memref<1x8xf32, #tpu.memory_space<vmem>>, %arg4: memref<512xi32, #tpu.memory_space<vmem>>, %arg5: memref<512x384xi32, #tpu.memory_space<vmem>>) attributes {dimension_semantics = [#tpu.dimension_semantics<arbitrary>], iteration_bounds = array<i64: 8>, scalar_prefetch = 0 : i64, scratch_operands = 0 : i64, tpu.core_type = #tpu.core_type<tc>, window_params = [{transform_indices = @transform_0, window_bounds = array<i64: 512, 768>}, {pipeline_mode = #tpu.pipeline_mode<synchronous>, transform_indices = @transform_1, window_bounds = array<i64: 8, 768>}, {pipeline_mode = #tpu.pipeline_mode<synchronous>, transform_indices = @transform_2, window_bounds = array<i64: 1, 8>}, {transform_indices = @transform_3, window_bounds = array<i64: 512>}, {transform_indices = @transform_4, window_bounds = array<i64: 512, 384>}]} {
    %get3A = arith.constant 0 : index
    %get3A_0 = arith.constant 0 : index
    %get3A_1 = vector.load %arg1[%get3A, %get3A_0] : memref<512x768xf32, #tpu.memory_space<vmem>>, vector<512x768xf32>
    %get3A_2 = arith.constant 0 : index
    %get3A_3 = arith.constant 0 : index
    %get3A_4 = vector.load %arg2[%get3A_2, %get3A_3] : memref<8x768xf32, #tpu.memory_space<vmem>>, vector<8x768xf32>
    %dot_general3A = arith.constant dense<0.000000e+00> : vector<512x8xf32>
    %dot_general3A_5 = tpu.matmul %get3A_1, %get3A_4, %dot_general3A {dimension_numbers = #tpu.dot_dimension_numbers<[1], [1], [0], [0], [0, 0, 1, 0], [], []>, transpose_lhs_hint = false} : vector<512x768xf32>, vector<8x768xf32>, vector<512x8xf32> -> vector<512x8xf32>
    %get3A_6 = arith.constant 0 : index
    %get3A_7 = arith.constant 0 : index
    %get3A_8 = vector.load %arg3[%get3A_6, %get3A_7] : memref<1x8xf32, #tpu.memory_space<vmem>>, vector<1x8xf32>
    %add3A = vector.broadcast %get3A_8 : vector<1x8xf32> to vector<512x8xf32>
    %add3A_9 = arith.addf %dot_general3A_5, %add3A : vector<512x8xf32>
    %argmax3A = tpu.reduce_index %add3A_9 {axis = 1 : i32, kind = #tpu.reduction_kind<arg_max>} : vector<512x8xf32> -> vector<512xi32>
    %swap3A = arith.constant 0 : index
    %swap3A_10 = vector.load %arg4[%swap3A] : memref<512xi32, #tpu.memory_space<vmem>>, vector<512xi32>
    tpu.vector_store %arg4[%swap3A], %argmax3A {strides = array<i32>} : memref<512xi32, #tpu.memory_space<vmem>>, vector<512xi32>,
    %slice3A = vector.extract_strided_slice %get3A_1 {offsets = [0, 0], sizes = [512, 384], strides = [1, 1]} : vector<512x768xf32> to vector<512x384xf32>
    %slice3A_11 = vector.extract_strided_slice %get3A_1 {offsets = [0, 384], sizes = [512, 384], strides = [1, 1]} : vector<512x768xf32> to vector<512x384xf32>
    %bitcast_convert_type3A = tpu.bitcast %slice3A_11 : vector<512x384xf32> -> vector<512x384xi32>
    %add3A_12 = arith.constant 32767 : i32
    %add3A_13 = vector.broadcast %add3A_12 : i32 to vector<512x384xi32>
    %add3A_14 = arith.addi %bitcast_convert_type3A, %add3A_13 : vector<512x384xi32>
    %shift_right_logical3A = arith.constant 16 : i32
    %shift_right_logical3A_15 = vector.broadcast %shift_right_logical3A : i32 to vector<512x384xi32>
    %shift_right_logical3A_16 = arith.shrui %bitcast_convert_type3A, %shift_right_logical3A_15 : vector<512x384xi32>
    %and3A = arith.constant 1 : i32
    %and3A_17 = vector.broadcast %and3A : i32 to vector<512x384xi32>
    %and3A_18 = arith.andi %shift_right_logical3A_16, %and3A_17 : vector<512x384xi32>
    %add3A_19 = arith.addi %add3A_14, %and3A_18 : vector<512x384xi32>
    %and3A_20 = arith.constant -65536 : i32
    %and3A_21 = vector.broadcast %and3A_20 : i32 to vector<512x384xi32>
    %and3A_22 = arith.andi %add3A_19, %and3A_21 : vector<512x384xi32>
    %bitcast_convert_type3A_23 = tpu.bitcast %slice3A : vector<512x384xf32> -> vector<512x384xi32>
    %add3A_24 = arith.constant 32767 : i32
    %add3A_25 = vector.broadcast %add3A_24 : i32 to vector<512x384xi32>
    %add3A_26 = arith.addi %bitcast_convert_type3A_23, %add3A_25 : vector<512x384xi32>
    %shift_right_logical3A_27 = arith.constant 16 : i32
    %shift_right_logical3A_28 = vector.broadcast %shift_right_logical3A_27 : i32 to vector<512x384xi32>
    %shift_right_logical3A_29 = arith.shrui %bitcast_convert_type3A_23, %shift_right_logical3A_28 : vector<512x384xi32>
    %and3A_30 = arith.constant 1 : i32
    %and3A_31 = vector.broadcast %and3A_30 : i32 to vector<512x384xi32>
    %and3A_32 = arith.andi %shift_right_logical3A_29, %and3A_31 : vector<512x384xi32>
    %add3A_33 = arith.addi %add3A_26, %and3A_32 : vector<512x384xi32>
    %shift_right_logical3A_34 = arith.constant 16 : i32
    %shift_right_logical3A_35 = vector.broadcast %shift_right_logical3A_34 : i32 to vector<512x384xi32>
    %shift_right_logical3A_36 = arith.shrui %add3A_33, %shift_right_logical3A_35 : vector<512x384xi32>
    %or3A = arith.ori %and3A_22, %shift_right_logical3A_36 : vector<512x384xi32>
    %swap3A_37 = arith.constant 0 : index
    %swap3A_38 = arith.constant 0 : index
    %swap3A_39 = vector.load %arg5[%swap3A_37, %swap3A_38] : memref<512x384xi32, #tpu.memory_space<vmem>>, vector<512x384xi32>
    tpu.vector_store %arg5[%swap3A_37, %swap3A_38], %or3A {strides = array<i32>} : memref<512x384xi32, #tpu.memory_space<vmem>>, vector<512x384xi32>,
    return
  }
  func.func @transform_0(%arg0: i32) -> (i32, i32) {
    %c0_i32 = arith.constant 0 : i32
    %c0_i32_0 = arith.constant 0 : i32
    return %arg0, %c0_i32 : i32, i32
  }
  func.func @transform_1(%arg0: i32) -> (i32, i32) {
    %c0_i32 = arith.constant 0 : i32
    %c0_i32_0 = arith.constant 0 : i32
    %c0_i32_1 = arith.constant 0 : i32
    return %c0_i32, %c0_i32_0 : i32, i32
  }
  func.func @transform_2(%arg0: i32) -> (i32, i32) {
    %c0_i32 = arith.constant 0 : i32
    %c0_i32_0 = arith.constant 0 : i32
    %c0_i32_1 = arith.constant 0 : i32
    return %c0_i32, %c0_i32_0 : i32, i32
  }
  func.func @transform_3(%arg0: i32) -> i32 {
    %c0_i32 = arith.constant 0 : i32
    return %arg0 : i32
  }
  func.func @transform_4(%arg0: i32) -> (i32, i32) {
    %c0_i32 = arith.constant 0 : i32
    %c0_i32_0 = arith.constant 0 : i32
    return %arg0, %c0_i32 : i32, i32
  }
}

module attributes {stable_mosaic.version = 14 : i64} {
  func.func @_unpack_body(%arg0: i32, %arg1: memref<512x384xi32, #tpu.memory_space<vmem>>, %arg2: memref<512x768xf32, #tpu.memory_space<vmem>>) attributes {dimension_semantics = [#tpu.dimension_semantics<arbitrary>], iteration_bounds = array<i64: 8>, scalar_prefetch = 0 : i64, scratch_operands = 0 : i64, tpu.core_type = #tpu.core_type<tc>, window_params = [{transform_indices = @transform_0, window_bounds = array<i64: 512, 384>}, {transform_indices = @transform_1, window_bounds = array<i64: 512, 768>}]} {
    %get3A = arith.constant 0 : index
    %get3A_0 = arith.constant 0 : index
    %get3A_1 = vector.load %arg1[%get3A, %get3A_0] : memref<512x384xi32, #tpu.memory_space<vmem>>, vector<512x384xi32>
    %shift_left3A = arith.constant 16 : i32
    %shift_left3A_2 = vector.broadcast %shift_left3A : i32 to vector<512x384xi32>
    %shift_left3A_3 = arith.shli %get3A_1, %shift_left3A_2 : vector<512x384xi32>
    %bitcast_convert_type3A = tpu.bitcast %shift_left3A_3 : vector<512x384xi32> -> vector<512x384xf32>
    %and3A = arith.constant -65536 : i32
    %and3A_4 = vector.broadcast %and3A : i32 to vector<512x384xi32>
    %and3A_5 = arith.andi %get3A_1, %and3A_4 : vector<512x384xi32>
    %bitcast_convert_type3A_6 = tpu.bitcast %and3A_5 : vector<512x384xi32> -> vector<512x384xf32>
    %concatenate3A = tpu.concatenate %bitcast_convert_type3A, %bitcast_convert_type3A_6 in 1 : vector<512x384xf32>, vector<512x384xf32> -> vector<512x768xf32>
    %swap3A = arith.constant 0 : index
    %swap3A_7 = arith.constant 0 : index
    %swap3A_8 = vector.load %arg2[%swap3A, %swap3A_7] : memref<512x768xf32, #tpu.memory_space<vmem>>, vector<512x768xf32>
    tpu.vector_store %arg2[%swap3A, %swap3A_7], %concatenate3A {strides = array<i32>} : memref<512x768xf32, #tpu.memory_space<vmem>>, vector<512x768xf32>,
    return
  }
  func.func @transform_0(%arg0: i32) -> (i32, i32) {
    %c0_i32 = arith.constant 0 : i32
    %c0_i32_0 = arith.constant 0 : i32
    return %arg0, %c0_i32 : i32, i32
  }
  func.func @transform_1(%arg0: i32) -> (i32, i32) {
    %c0_i32 = arith.constant 0 : i32
    %c0_i32_0 = arith.constant 0 : i32
    return %arg0, %c0_i32 : i32, i32
  }
}

module attributes {stable_mosaic.version = 14 : i64} {
  func.func @_mm_body(%arg0: i32, %arg1: memref<20xi32, #tpu.memory_space<smem>>, %arg2: memref<128x384xi32, #tpu.memory_space<vmem>>, %arg3: memref<1x1024x768xf32, #tpu.memory_space<vmem>>, %arg4: memref<1x1x1024xf32, #tpu.memory_space<vmem>>, %arg5: memref<768x1024xf32, #tpu.memory_space<vmem>>, %arg6: memref<1x768xf32, #tpu.memory_space<vmem>>, %arg7: memref<128x384xi32, #tpu.memory_space<vmem>>, %arg8: memref<1024x768xbf16, #tpu.memory_space<vmem>>, %arg9: memref<768x1024xbf16, #tpu.memory_space<vmem>>) attributes {dimension_semantics = [#tpu.dimension_semantics<arbitrary>], iteration_bounds = array<i64: 20>, scalar_prefetch = 1 : i64, scratch_operands = 2 : i64, tpu.core_type = #tpu.core_type<tc>, window_params = [{transform_indices = @transform_0, window_bounds = array<i64: 128, 384>}, {transform_indices = @transform_1, window_bounds = array<i64: 1, 1024, 768>}, {transform_indices = @transform_2, window_bounds = array<i64: 1, 1, 1024>}, {pipeline_mode = #tpu.pipeline_mode<synchronous>, transform_indices = @transform_3, window_bounds = array<i64: 768, 1024>}, {pipeline_mode = #tpu.pipeline_mode<synchronous>, transform_indices = @transform_4, window_bounds = array<i64: 1, 768>}, {transform_indices = @transform_5, window_bounds = array<i64: 128, 384>}]} {
    %eq3A = arith.constant 0 : i32
    %eq3A_0 = arith.cmpi eq, %arg0, %eq3A : i32
    %convert_element_type3A = arith.extui %eq3A_0 : i1 to i32
    %cond3A = arith.constant 0 : i32
    %cond3A_1 = arith.cmpi ne, %convert_element_type3A, %cond3A : i32
    scf.if %cond3A_1 {
      %get3A_73 = arith.constant 0 : index
      %get3A_74 = arith.constant 0 : index
      %get3A_75 = vector.load %arg5[%get3A_73, %get3A_74] : memref<768x1024xf32, #tpu.memory_space<vmem>>, vector<768x1024xf32>
      %convert_element_type3A_76 = arith.truncf %get3A_75 : vector<768x1024xf32> to vector<768x1024xbf16>
      %swap3A_77 = arith.constant 0 : index
      %swap3A_78 = arith.constant 0 : index
      %swap3A_79 = vector.load %arg9[%swap3A_77, %swap3A_78] : memref<768x1024xbf16, #tpu.memory_space<vmem>>, vector<768x1024xbf16>
      tpu.vector_store %arg9[%swap3A_77, %swap3A_78], %convert_element_type3A_76 {strides = array<i32>} : memref<768x1024xbf16, #tpu.memory_space<vmem>>, vector<768x1024xbf16>,
    } else {
    }
    %sub3A = arith.constant 1 : i32
    %sub3A_2 = arith.subi %arg0, %sub3A : i32
    %max3A = arith.constant 0 : i32
    %max3A_3 = arith.maxsi %sub3A_2, %max3A : i32
    %get3A = arith.index_cast %max3A_3 : i32 to index
    %get3A_4 = memref.load %arg1[%get3A] : memref<20xi32, #tpu.memory_space<smem>>
    %eq3A_5 = arith.constant 0 : i32
    %eq3A_6 = arith.cmpi eq, %arg0, %eq3A_5 : i32
    %get3A_7 = arith.index_cast %arg0 : i32 to index
    %get3A_8 = memref.load %arg1[%get3A_7] : memref<20xi32, #tpu.memory_space<smem>>
    %ne3A = arith.cmpi ne, %get3A_8, %get3A_4 : i32
    %or3A = arith.ori %eq3A_6, %ne3A : i1
    %convert_element_type3A_9 = arith.extui %or3A : i1 to i32
    %cond3A_10 = arith.constant 0 : i32
    %cond3A_11 = arith.cmpi ne, %convert_element_type3A_9, %cond3A_10 : i32
    scf.if %cond3A_11 {
      %get3A_73 = arith.constant 0 : index
      %get3A_74 = arith.constant 0 : index
      %get3A_75 = arith.constant 0 : index
      %get3A_76 = vector.load %arg3[%get3A_73, %get3A_74, %get3A_75] : memref<1x1024x768xf32, #tpu.memory_space<vmem>>, vector<1x1024x768xf32>
      %get3A_77 = vector.shape_cast %get3A_76 : vector<1x1024x768xf32> to vector<1024x768xf32>
      %convert_element_type3A_78 = arith.truncf %get3A_77 : vector<1024x768xf32> to vector<1024x768xbf16>
      %swap3A_79 = arith.constant 0 : index
      %swap3A_80 = arith.constant 0 : index
      %swap3A_81 = vector.load %arg8[%swap3A_79, %swap3A_80] : memref<1024x768xbf16, #tpu.memory_space<vmem>>, vector<1024x768xbf16>
      tpu.vector_store %arg8[%swap3A_79, %swap3A_80], %convert_element_type3A_78 {strides = array<i32>} : memref<1024x768xbf16, #tpu.memory_space<vmem>>, vector<1024x768xbf16>,
    } else {
    }
    %get3A_12 = arith.constant 0 : index
    %get3A_13 = arith.constant 0 : index
    %get3A_14 = vector.load %arg2[%get3A_12, %get3A_13] : memref<128x384xi32, #tpu.memory_space<vmem>>, vector<128x384xi32>
    %shift_left3A = arith.constant 16 : i32
    %shift_left3A_15 = vector.broadcast %shift_left3A : i32 to vector<128x384xi32>
    %shift_left3A_16 = arith.shli %get3A_14, %shift_left3A_15 : vector<128x384xi32>
    %bitcast_convert_type3A = tpu.bitcast %shift_left3A_16 : vector<128x384xi32> -> vector<128x384xf32>
    %and3A = arith.constant -65536 : i32
    %and3A_17 = vector.broadcast %and3A : i32 to vector<128x384xi32>
    %and3A_18 = arith.andi %get3A_14, %and3A_17 : vector<128x384xi32>
    %bitcast_convert_type3A_19 = tpu.bitcast %and3A_18 : vector<128x384xi32> -> vector<128x384xf32>
    %concatenate3A = tpu.concatenate %bitcast_convert_type3A, %bitcast_convert_type3A_19 in 1 : vector<128x384xf32>, vector<128x384xf32> -> vector<128x768xf32>
    %convert_element_type3A_20 = arith.truncf %concatenate3A : vector<128x768xf32> to vector<128x768xbf16>
    %get3A_21 = arith.constant 0 : index
    %get3A_22 = arith.constant 0 : index
    %get3A_23 = vector.load %arg8[%get3A_21, %get3A_22] : memref<1024x768xbf16, #tpu.memory_space<vmem>>, vector<1024x768xbf16>
    %dot_general3A = arith.constant dense<0.000000e+00> : vector<128x1024xf32>
    %dot_general3A_24 = tpu.matmul %convert_element_type3A_20, %get3A_23, %dot_general3A {dimension_numbers = #tpu.dot_dimension_numbers<[1], [1], [0], [0], [0, 0, 1, 0], [], []>, transpose_lhs_hint = false} : vector<128x768xbf16>, vector<1024x768xbf16>, vector<128x1024xf32> -> vector<128x1024xf32>
    %get3A_25 = arith.constant 0 : index
    %get3A_26 = arith.constant 0 : index
    %get3A_27 = arith.constant 0 : index
    %get3A_28 = vector.load %arg4[%get3A_25, %get3A_26, %get3A_27] : memref<1x1x1024xf32, #tpu.memory_space<vmem>>, vector<1x1x1024xf32>
    %get3A_29 = vector.shape_cast %get3A_28 : vector<1x1x1024xf32> to vector<1x1024xf32>
    %add3A = vector.broadcast %get3A_29 : vector<1x1024xf32> to vector<128x1024xf32>
    %add3A_30 = arith.addf %dot_general3A_24, %add3A : vector<128x1024xf32>
    %convert_element_type3A_31 = arith.truncf %add3A_30 : vector<128x1024xf32> to vector<128x1024xbf16>
    %get3A_32 = arith.constant 0 : index
    %get3A_33 = arith.constant 0 : index
    %get3A_34 = vector.load %arg9[%get3A_32, %get3A_33] : memref<768x1024xbf16, #tpu.memory_space<vmem>>, vector<768x1024xbf16>
    %dot_general3A_35 = arith.constant dense<0.000000e+00> : vector<128x768xf32>
    %dot_general3A_36 = tpu.matmul %convert_element_type3A_31, %get3A_34, %dot_general3A_35 {dimension_numbers = #tpu.dot_dimension_numbers<[1], [1], [0], [0], [0, 0, 1, 0], [], []>, transpose_lhs_hint = false} : vector<128x1024xbf16>, vector<768x1024xbf16>, vector<128x768xf32> -> vector<128x768xf32>
    %get3A_37 = arith.constant 0 : index
    %get3A_38 = arith.constant 0 : index
    %get3A_39 = vector.load %arg6[%get3A_37, %get3A_38] : memref<1x768xf32, #tpu.memory_space<vmem>>, vector<1x768xf32>
    %add3A_40 = vector.broadcast %get3A_39 : vector<1x768xf32> to vector<128x768xf32>
    %add3A_41 = arith.addf %dot_general3A_36, %add3A_40 : vector<128x768xf32>
    %slice3A = vector.extract_strided_slice %add3A_41 {offsets = [0, 0], sizes = [128, 384], strides = [1, 1]} : vector<128x768xf32> to vector<128x384xf32>
    %slice3A_42 = vector.extract_strided_slice %add3A_41 {offsets = [0, 384], sizes = [128, 384], strides = [1, 1]} : vector<128x768xf32> to vector<128x384xf32>
    %bitcast_convert_type3A_43 = tpu.bitcast %slice3A_42 : vector<128x384xf32> -> vector<128x384xi32>
    %add3A_44 = arith.constant 32767 : i32
    %add3A_45 = vector.broadcast %add3A_44 : i32 to vector<128x384xi32>
    %add3A_46 = arith.addi %bitcast_convert_type3A_43, %add3A_45 : vector<128x384xi32>
    %shift_right_logical3A = arith.constant 16 : i32
    %shift_right_logical3A_47 = vector.broadcast %shift_right_logical3A : i32 to vector<128x384xi32>
    %shift_right_logical3A_48 = arith.shrui %bitcast_convert_type3A_43, %shift_right_logical3A_47 : vector<128x384xi32>
    %and3A_49 = arith.constant 1 : i32
    %and3A_50 = vector.broadcast %and3A_49 : i32 to vector<128x384xi32>
    %and3A_51 = arith.andi %shift_right_logical3A_48, %and3A_50 : vector<128x384xi32>
    %add3A_52 = arith.addi %add3A_46, %and3A_51 : vector<128x384xi32>
    %and3A_53 = arith.constant -65536 : i32
    %and3A_54 = vector.broadcast %and3A_53 : i32 to vector<128x384xi32>
    %and3A_55 = arith.andi %add3A_52, %and3A_54 : vector<128x384xi32>
    %bitcast_convert_type3A_56 = tpu.bitcast %slice3A : vector<128x384xf32> -> vector<128x384xi32>
    %add3A_57 = arith.constant 32767 : i32
    %add3A_58 = vector.broadcast %add3A_57 : i32 to vector<128x384xi32>
    %add3A_59 = arith.addi %bitcast_convert_type3A_56, %add3A_58 : vector<128x384xi32>
    %shift_right_logical3A_60 = arith.constant 16 : i32
    %shift_right_logical3A_61 = vector.broadcast %shift_right_logical3A_60 : i32 to vector<128x384xi32>
    %shift_right_logical3A_62 = arith.shrui %bitcast_convert_type3A_56, %shift_right_logical3A_61 : vector<128x384xi32>
    %and3A_63 = arith.constant 1 : i32
    %and3A_64 = vector.broadcast %and3A_63 : i32 to vector<128x384xi32>
    %and3A_65 = arith.andi %shift_right_logical3A_62, %and3A_64 : vector<128x384xi32>
    %add3A_66 = arith.addi %add3A_59, %and3A_65 : vector<128x384xi32>
    %shift_right_logical3A_67 = arith.constant 16 : i32
    %shift_right_logical3A_68 = vector.broadcast %shift_right_logical3A_67 : i32 to vector<128x384xi32>
    %shift_right_logical3A_69 = arith.shrui %add3A_66, %shift_right_logical3A_68 : vector<128x384xi32>
    %or3A_70 = arith.ori %and3A_55, %shift_right_logical3A_69 : vector<128x384xi32>
    %swap3A = arith.constant 0 : index
    %swap3A_71 = arith.constant 0 : index
    %swap3A_72 = vector.load %arg7[%swap3A, %swap3A_71] : memref<128x384xi32, #tpu.memory_space<vmem>>, vector<128x384xi32>
    tpu.vector_store %arg7[%swap3A, %swap3A_71], %or3A_70 {strides = array<i32>} : memref<128x384xi32, #tpu.memory_space<vmem>>, vector<128x384xi32>,
    return
  }
  func.func @transform_0(%arg0: i32, %arg1: memref<20xi32, #tpu.memory_space<smem>>) -> (i32, i32) {
    %c0_i32 = arith.constant 0 : i32
    %c0_i32_0 = arith.constant 0 : i32
    return %arg0, %c0_i32 : i32, i32
  }
  func.func @transform_1(%arg0: i32, %arg1: memref<20xi32, #tpu.memory_space<smem>>) -> (i32, i32, i32) {
    %get3A = arith.index_cast %arg0 : i32 to index
    %get3A_0 = memref.load %arg1[%get3A] : memref<20xi32, #tpu.memory_space<smem>>
    %c0_i32 = arith.constant 0 : i32
    %c0_i32_1 = arith.constant 0 : i32
    %c0_i32_2 = arith.constant 0 : i32
    return %get3A_0, %c0_i32, %c0_i32_1 : i32, i32, i32
  }
  func.func @transform_2(%arg0: i32, %arg1: memref<20xi32, #tpu.memory_space<smem>>) -> (i32, i32, i32) {
    %get3A = arith.index_cast %arg0 : i32 to index
    %get3A_0 = memref.load %arg1[%get3A] : memref<20xi32, #tpu.memory_space<smem>>
    %c0_i32 = arith.constant 0 : i32
    %c0_i32_1 = arith.constant 0 : i32
    %c0_i32_2 = arith.constant 0 : i32
    return %get3A_0, %c0_i32, %c0_i32_1 : i32, i32, i32
  }
  func.func @transform_3(%arg0: i32, %arg1: memref<20xi32, #tpu.memory_space<smem>>) -> (i32, i32) {
    %c0_i32 = arith.constant 0 : i32
    %c0_i32_0 = arith.constant 0 : i32
    %c0_i32_1 = arith.constant 0 : i32
    return %c0_i32, %c0_i32_0 : i32, i32
  }
  func.func @transform_4(%arg0: i32, %arg1: memref<20xi32, #tpu.memory_space<smem>>) -> (i32, i32) {
    %c0_i32 = arith.constant 0 : i32
    %c0_i32_0 = arith.constant 0 : i32
    %c0_i32_1 = arith.constant 0 : i32
    return %c0_i32, %c0_i32_0 : i32, i32
  }
  func.func @transform_5(%arg0: i32, %arg1: memref<20xi32, #tpu.memory_space<smem>>) -> (i32, i32) {
    %c0_i32 = arith.constant 0 : i32
    %c0_i32_0 = arith.constant 0 : i32
    return %arg0, %c0_i32 : i32, i32
  }
}

</mosaic_0001>

<sc_bundles>
// kernel: kernel.10.cloned.1.call-start
scs
__scs_entry_jumppad:
0x0: {  	(pc) =	sbr.rel $0x88, $3  }
0x1: {  	(tag) =	ssettag $0x0;
	lr =	simm.s32 $0x1  }
0x2: {  	[smem:$0x3F9A] =	sst lr;
	_ =	strace $0xD0000000  }
0x3: {  	_ = 	snop  }
0x4: {  	_ = 	snop  }
0x5: {  	_ = 	snop  }
0x6: {  	_ = 	snop  }
0x7: {  	_ = 	snop  }
__scs_overlays_trampoline_lowered:
0x8: {  	[smem:$0x3FA9] =	sst s0  }
0x9: {  	[smem:$0x3FAA] =	sst s1  }
0xa: {  	[smem:$0x3FAB] =	sst s2  }
0xb: {  	[smem:$0x3FAC] =	sst s3  }
0xc: {  	[smem:$0x3FAD] =	sst s4  }
0xd: {  	[smem:$0x3FAE] =	sst s5  }
0xe: {  	[smem:$0x3FAF] =	sst s6  }
0xf: {  	[smem:$0x3FB0] =	sst s7  }
0x10: {  	[smem:$0x3FB1] =	sst s8  }
0x11: {  	[smem:$0x3FB2] =	sst s9;
	s0 =	simm.s32 @!p0 $0x0  }
0x12: {  	s1 =	sld [smem:$0x3F98];
	s0 =	simm.s32 @p0 $0x1  }
0x13: {  	[smem:$0x3FB3] =	sst s0;
	s0 =	simm.s32 @!p1 $0x0  }
0x14: {  	s2 =	sld [smem:$0x3F97];
	s0 =	simm.s32 @p1 $0x1  }
0x15: {  	[smem:$0x3FB4] =	sst s0;
	s0 =	simm.s32 @!p2 $0x0  }
0x16: {  	s3 =	sld [smem:$0x3FDB];
	s0 =	simm.s32 @p2 $0x1  }
0x17: {  	s4 =	simm.s32 $0x1BF5;
	[smem:$0x3FB6] =	sst s0  }
0x18: {  	s0 =	sld [smem:$0x3F99];
	_ =	swait.ge [sflag:s4], $0x0  }
0x19: {  	s7 =	sld [smem:$0x3F9A]  }
0x1a: {  	s8 =	sadd.s32 $0xFFFFE003, lr  }
0x1b: {  	s9 =	sadd.s32 $0xFFFFFEF7, lr;
	s5 =	simm.s32 $0xFFFFFFFF;
	p2 =	slt.u32 s8, $0xFFFFF086  }
0x1c: {  	p1 =	slt.u32 s9, $0xF7A;
	s5 =	simm.s32 @!p2 $0x0  }
0x1d: {  	s5 =	simm.s32 @p1 $0x1;
	p0 =	seq.s32 s7, s2  }
0x1e: {  	s7 =	smul.u32 @!p0 $0xF7A, s2;
	p2 =	seq.s32 @!p0 s5, $0x0  }
0x1f: {  	s9 =	smul.u32 $0xF7A, s1;
	s8 =	simm.s32 @!p0 $0x1BF5;
	p2 =	por !p2, p0  }
0x20: {  	[sflag:s8] =	ssyncset.s32 @!p0 $0xFFFFF086;
	s6 =	sadd.s32 @!p0 s3, s7;
	s7 =	simm.s32 @!p0 $0x108  }
0x21: {  	s3 =	sadd.s32 s3, s9;
	s6 =	sadd.s32 @!p0 $0x88, s6;
	s7 =	simm.s32 @p2 $0x1082  }
0x22: {  	[simem:s7], [sflag:s8] =	dma.local @!p0 [hbm:s6], $0xF7A  }
0x23: {  	s9 =	sor.u32 $0xD0000000, s2;
	s6 =	simm.s32 $0x108;
	_ =	swait.ge @!p0 [sflag:s8], $0x0  }
0x24: {  	s3 =	sadd.s32 $0x88, s3;
	s6 =	simm.s32 @!p1 $0x1082;
	[sflag:s4] =	ssyncset.s32 $0xFFFFF086  }
0x25: {  	[simem:s6], [sflag:s4] =	dma.local [hbm:s3], $0xF7A  }
0x26: {  	[smem:$0x3F9A] =	sst s1;
	(tag) =	ssettag s2;
	_ =	strace s9  }
0x27: {  	s1 =	sld [smem:$0x3FAA]  }
0x28: {  	s2 =	sld [smem:$0x3FAB]  }
0x29: {  	s4 =	sld [smem:$0x3FAD]  }
0x2a: {  	p0 =	seq.s32 s5, $0x0;
	s5 =	sld [smem:$0x3FAE]  }
0x2b: {  	s6 =	sld [smem:$0x3FAF]  }
0x2c: {  	s7 =	sld [smem:$0x3FB0]  }
0x2d: {  	s3 =	simm.s32 $0x108;
	s8 =	sld [smem:$0x3FB1]  }
0x2e: {  	s3 =	simm.s32 @!p0 $0x1082;
	s9 =	sld [smem:$0x3FB2]  }
0x2f: {  	lr =	sadd.s32 s0, s3;
	s0 =	sld [smem:$0x3FA9]  }
0x30: {  	s3 =	sld [smem:$0x3FAC]  }
0x31: {  	[smem:$0x3FB5] =	sst s10  }
0x32: {  	s10 =	sld [smem:$0x3FB3];
	_ =	sdelay $0x3  }
0x33: {  	p0 =	seq.s32 s10, $0x1;
	s10 =	sld [smem:$0x3FB5];
	_ =	sdelay $0x3  }
0x34: {  	[smem:$0x3FB5] =	sst s10  }
0x35: {  	s10 =	sld [smem:$0x3FB4];
	_ =	sdelay $0x3  }
0x36: {  	p1 =	seq.s32 s10, $0x1;
	s10 =	sld [smem:$0x3FB5];
	_ =	sdelay $0x3  }
0x37: {  	[smem:$0x3FB5] =	sst s10  }
0x38: {  	s10 =	sld [smem:$0x3FB6]  }
0x39: {  	_ = 	snop;
	(pc) =	sbr.ind lr, $3  }
0x3a: {  	_ = 	snop  }
0x3b: {  	_ = 	snop  }
0x3c: {  	p2 =	seq.s32 s10, $0x1;
	s10 =	sld [smem:$0x3FB5]  }
0x3d: {  	_ =	shalt  }
0x3e: {  	_ =	shalt  }
0x3f: {  	_ =	shalt  }
0x40: {  	_ =	shalt  }
0x41: {  	_ =	shalt  }
0x42: {  	_ =	shalt  }
0x43: {  	_ =	shalt  }
0x44: {  	_ =	shalt  }
0x45: {  	_ =	shalt  }
0x46: {  	_ =	shalt  }
0x47: {  	_ =	shalt  }
0x48: {  	_ =	shalt  }
0x49: {  	_ =	shalt  }
0x4a: {  	_ =	shalt  }
0x4b: {  	_ =	shalt  }
0x4c: {  	_ =	shalt  }
0x4d: {  	_ =	shalt  }
0x4e: {  	_ =	shalt  }
0x4f: {  	_ =	shalt  }
0x50: {  	_ =	shalt  }
0x51: {  	_ =	shalt  }
0x52: {  	_ =	shalt  }
0x53: {  	_ =	shalt  }
0x54: {  	_ =	shalt  }
0x55: {  	_ =	shalt  }
0x56: {  	_ =	shalt  }
0x57: {  	_ =	shalt  }
0x58: {  	_ =	shalt  }
0x59: {  	_ =	shalt  }
0x5a: {  	_ =	shalt  }
0x5b: {  	_ =	shalt  }
0x5c: {  	_ =	shalt  }
0x5d: {  	_ =	shalt  }
0x5e: {  	_ =	shalt  }
0x5f: {  	_ =	shalt  }
0x60: {  	_ =	shalt  }
0x61: {  	_ =	shalt  }
0x62: {  	_ =	shalt  }
0x63: {  	_ =	shalt  }
0x64: {  	_ =	shalt  }
0x65: {  	_ =	shalt  }
0x66: {  	_ =	shalt  }
0x67: {  	_ =	shalt  }
0x68: {  	_ =	shalt  }
0x69: {  	_ =	shalt  }
0x6a: {  	_ =	shalt  }
0x6b: {  	_ =	shalt  }
0x6c: {  	_ =	shalt  }
0x6d: {  	_ =	shalt  }
0x6e: {  	_ =	shalt  }
0x6f: {  	_ =	shalt  }
0x70: {  	_ =	shalt  }
0x71: {  	_ =	shalt  }
0x72: {  	_ =	shalt  }
0x73: {  	_ =	shalt  }
0x74: {  	_ =	shalt  }
0x75: {  	_ =	shalt  }
0x76: {  	_ =	shalt  }
0x77: {  	_ =	shalt  }
0x78: {  	_ =	shalt  }
0x79: {  	_ =	shalt  }
0x7a: {  	_ =	shalt  }
0x7b: {  	_ =	shalt  }
0x7c: {  	_ =	shalt  }
0x7d: {  	_ =	shalt  }
0x7e: {  	_ =	shalt  }
0x7f: {  	_ =	shalt  }
0x80: {  	_ =	shalt  }
0x81: {  	_ =	shalt  }
0x82: {  	_ =	shalt  }
0x83: {  	_ =	shalt  }
0x84: {  	_ =	shalt  }
0x85: {  	_ =	shalt  }
0x86: {  	_ =	shalt  }
0x87: {  	_ =	shalt  }
.Lfunc_end0:
.L_simem_size_0:
called_computation_lowered:
.L_overlay_start_0:
0x88: {  	s2 =	sld [smem:$0x3FD9]  }
0x89: {  	s3 =	sld [smem:$0x3FFE];
	_ =	sdelay $0x1  }
0x8a: {  	s1 =	srdreg.scid  }
0x8b: {  	s0 =	sand.u32 $0x1, s1  }
0x8c: {  	s16 =	sshll.u32 s0, $0xA;
	s2 =	sadd.s32 s3, s2  }
0x8d: {  	s2 =	sadd.s32 s2, s16  }
0x8e: {  	[smem:$0x3FC1] =	sst s2  }
0x8f: {  	_ = 	snop  }
0x90: {  	(tm) =	ssettm $0x1  }
0x91: {  	s17 =	sld [smem:$0x3FFB];
	_ =	sdelay $0x3  }
0x92: {  	_ =	strace s17  }
0x93: {  	s2 =	sld [smem:$0x3FFC];
	_ =	sdelay $0x3  }
0x94: {  	_ =	strace s2  }
0x95: {  	s2 =	sld [smem:$0x3FFD];
	_ =	sdelay $0x3  }
0x96: {  	_ =	strace s2  }
0x97: {  	_ =	strace $0x8FFFFFFF  }
0x98: {  	s18 =	sld [smem:$0x3FDB];
	_ =	sdelay $0x1  }
0x99: {  	s19 =	simm.s32 $_scs_section_size  }
0x9a: {  	s4 =	simm.s32 $_size__tile_overlayer_lowered;
	s5 =	simm.s32 $_tile_overlayer_lowered  }
0x9b: {  	s22 =	simm.s32 $0x1BFF;
	s21 =	sshll.u32 s5, $0x1;
	s2 =	sadd.s32 s19, s18  }
0x9c: {  	s6 =	simm.s32 $0x0;
	s20 =	sshll.u32 s4, $0x1;
	s4 =	sadd.s32 s21, s2  }
0x9d: {  	[timem:s6], [sflag:s22] =	dma.local [hbm:s4], s20  }
0x9e: {  	_ =	swait.ge [sflag:s22], s20  }
0x9f: {  	s3 =	ssub.s32 $0x0, s20;
	[sflag:s22] =	ssyncset.done $0x0  }
0xa0: {  	[sflag:s22] =	ssyncadd.s32 s3;
	_ =	sdelay $0x1  }
0xa1: {  	s23 =	simm.s32 $0x1B8B  }
0xa2: {  	_ =	swait.ge [sflag:s23], $0x1  }
0xa3: {  	[sflag:s23] =	ssyncset.done $0x0  }
0xa4: {  	s25 =	simm.s32 $0x1B8E;
	s24 =	sld [smem:$0x3FFE];
	[sflag:s23] =	ssyncadd.s32 $0xFFFFFFFF  }
0xa5: {  	s26 =	simm.s32 $execute0_lowered;
	[smem:$0x3FD2] =	sst s25  }
0xa6: {  	s4 =	sshll.u32 s26, $0x1;
	_ =	strace $0x80000046;
	[dreg:$0x1] =	wrdreg $0xFFFFFFFF  }
0xa7: {  	s28 =	simm.s32 $_size_execute0_lowered;
	s2 =	sadd.s32 s2, s4;
	[dreg:$0x0] =	wrdreg $0x0  }
0xa8: {  	s4 =	sshll.u32 s28, $0x1;
	[dreg:$0x2] =	wrdreg s2  }
0xa9: {  	[dreg:$0x3] =	wrdreg s4  }
0xaa: {  	[dreg:$0x4] =	wrdreg $0xC0  }
0xab: {  	_ =	task [dreg:s6], $0x5FFFF  }
0xac: {  	[dreg:$0x1] =	wrdreg $0xFFFFFFFF  }
0xad: {  	[dreg:$0x0] =	wrdreg $0x60  }
0xae: {  	[dreg:$0x2] =	wrdreg s24  }
0xaf: {  	[dreg:$0x3] =	wrdreg $0x25800  }
0xb0: {  	[dreg:$0x4] =	wrdreg $0x9  }
0xb1: {  	_ =	task.clear_ibuf [dreg:s6], $0x5FFFF;
	_ =	strace $0x90000046  }
0xb2: {  	s29 =	simm.s32 $0x9;
	_ =	strace $0x80000048  }
0xb3: {  	_ =	swait.ge [sflag:s29], $0x1  }
0xb4: {  	[sflag:s29] =	ssyncadd.s32 $0xFFFFFFFF  }
0xb5: {  	_ =	strace $0x90000048  }
0xb6: {  	_ =	sfence  }
0xb7: {  	s30 =	sld [smem:$0x0];
	_ =	sdelay $0x2  }
0xb8: {  	s31 =	sshll.u32 s1, $0xD;
	s1 =	sshrl.u32 s1, $0x2  }
0xb9: {  	s3 =	sand.u32 $0x4000, s31;
	s1 =	sadd.s32 s1, s30  }
0xba: {  	s0 =	sor.u32 s3, s0;
	s1 =	sshll.u32 s1, $0x11  }
0xbb: {  	s0 =	sor.u32 s1, s0  }
0xbc: {  	s0 =	sadd.s32 $0x8F2B, s0  }
0xbd: {  	[sflag:s0] =	ssyncadd.remote.s32 $0x1  }
0xbe: {  	_ =	sfence.sel $0xFFFF  }
0xbf: {  	[dreg:$0x0] =	wrdreg $0xFFFFFFFF;
	(pc) =	sbr.abs _section_cstart, $3  }
0xc0: {  	[dreg:$0x1] =	wrdreg $0xFFFFFFFF  }
0xc1: {  	_ =	task.clear_ibuf [dreg:s6], $0x2FFFF;
	_ =	strace $0x9FFFFFFF  }
0xc2: {  	(tm) =	ssettm $0x7FFFFFFF  }
0xc3: {  	_ =	shalt  }
tec
execute0_lowered:
.L_overlay_start_1:
0x0: {  	(tag) =	ssettag $0x1  }
0x1: {  	s1 =	srdreg.scid  }
0x2: {  	s1 =	sand.u32 $0x1, s1  }
0x3: {  	p0 =	seq.s32 s1, $0x1  }
.Ltmp0:
0x4: {  	_ = 	snop;
	(pc) =	sbr.rel @p0 .LBB2_18-.Ltmp0, $4  }
0x5: {  	s2 =	rddreg [dreg:$0x0]  }
0x6: {  	s3 =	rddreg [dreg:$0x1];
	s4 =	simm.s32 $0x0  }
0x7: {  	[smem:$0x7FF] =	sst s4  }
0x8: {  	s0 =	rddreg [dreg:$0x2];
	_ =	strace $0x80000047;
	s1 =	stileid.u32  }
0x9: {  	p0 =	sgt.u32 s1, $0x7  }
.Ltmp1:
0xa: {  	_ = 	snop;
	(pc) =	sbr.rel @p0 .LBB2_7-.Ltmp1, $4  }
0xb: {  	_ = 	snop  }
0xc: {  	s4 =	simm.s32 @!p0 $0x0  }
0xd: {  	s4 =	simm.s32 @p0 $0x1  }
0xe: {  	[smem:$0x7FD] =	sst s4  }
0xf: {  	s4 =	sadd.s32 $0x3800, s2;
	s5 =	simm.s32 $0x0;
	s6 =	simm.s32 $0x1  }
0x10: {  	[tilespmem:s5], [sflag:$0x1] =	stream.linear.gather [hbm4b:s4+s5], $0x1000, $0x38;
	[tilespmem:$0x2588] =	vst v63  }
0x11: {  	_ =	swait.ge [sflag:s6], $0x1000  }
0x12: {  	s31 =	sshll.u32 s1, $0x7;
	s7 =	simm.s32 $0x0;
	[sflag:s6] =	ssyncset.done $0x0  }
0x13: {  	v0 =	vmov s1;
	v1 =	vlaneseq.u32;
	v2 =	vimm.s32 $0x1000;
	s4 =	sadd.s32 s31, s3;
	[sflag:s6] =	ssyncadd.s32 $0xFFFFF000;
	s6 =	simm.s32 $0x1000  }
.LBB2_3:
0x14: {  	v3 =	vor.u32 s7, v1;
	p0 =	sne.s32 s7, $0x1070  }
.Ltmp2:
0x15: {  	_ = 	snop;
	(pc) =	sbr.rel @p0 .LBB2_3-.Ltmp2, $2  }
0x16: {  	_ =	sdelay $0x2  }
0x17: {  	s7 =	sadd.s32 $0x10, s7;
	[tilespmem:v3+s6+$0x0] =	vst.idx.msk $0xffff, v2  }
0x18: {  	v2 =	vlaneseq.u32  }
0x19: {  	v3 =	vor.u32 s5, v2;
	_ =	sdelay $0x3  }
0x1a: {  	s7 =	simm.s32 $0x0  }
0x1b: {  	v4 =	vld.idx.msk [tilespmem:v3+s7+$0x0], $0xffff;
	_ =	sdelay $0x4  }
0x1c: {  	v1 =	vimm.s32 $0x0;
	vm0 =	veq.s32 v4, v0  }
0x1d: {  	v4 =	vsel vm0, $0x1, v1  }
0x1e: {  	(xrf0) =	vadd.scan.msk.s32 $0xffff, v4;
	_ =	sdelay $0x4  }
0x1f: {  	v4 =	vsel vm0, $0xFFFFFFFF, v1  }
0x20: {  	v4 =	vadd.s32 s5, v4;
	v6, _, _ =	vpop (xrf0)  }
0x21: {  	s8 =	simm.s32 $0x10;
	v5 =	vadd.s32 v6, v4;
	(v2sf) =	vpush v6, $0xF  }
0x22: {  	s6 =	simm.s32 $0x1000;
	v4 =	vor.u32 s8, v2;
	s8 =	simm.s32 $0x20  }
.LBB2_5:
0x23: {  	p0 =	sne.s32 s8, $0xFF0;
	_ =	sdelay $0x2  }
0x24: {  	[tilespmem:v5+s6+$0x0] =	vst.idx.msk vm0, v3;
	v3 =	vmov v4  }
0x25: {  	v4 =	vld.idx.msk [tilespmem:v4+s7+$0x0], $0xffff;
	_ =	sdelay $0x5  }
0x26: {  	vm0 =	veq.s32 v4, v0  }
0x27: {  	v4 =	vsel vm0, $0xFFFFFFFF, v1;
	v5 =	vsel vm0, $0x1, v1  }
0x28: {  	(xrf0) =	vadd.scan.msk.s32 $0xffff, v5  }
0x29: {  	s9 =	spop (v2sf)  }
0x2a: {  	s5 =	sadd.s32 s5, s9  }
0x2b: {  	v4 =	vadd.s32 s5, v4  }
.Ltmp3:
0x2c: {  	(pc) =	sbr.rel @p0 .LBB2_5-.Ltmp3, $4  }
0x2d: {  	_ = 	snop  }
0x2e: {  	v6, _, _ =	vpop (xrf0)  }
0x2f: {  	v5 =	vadd.s32 v6, v4;
	(v2sf) =	vpush v6, $0xF  }
0x30: {  	v4 =	vor.u32 s8, v2;
	s8 =	sadd.s32 $0x10, s8  }
0x31: {  	_ =	sdelay $0x4  }
0x32: {  	[tilespmem:v5+s6+$0x0] =	vst.idx.msk vm0, v3  }
0x33: {  	v2 =	vld.idx.msk [tilespmem:v4+s7+$0x0], $0xffff;
	_ =	sdelay $0x4  }
0x34: {  	vm15 =	veq.s32 v2, v0  }
0x35: {  	v0 =	vsel vm15, $0x1, v1  }
0x36: {  	(xrf0) =	vadd.scan.msk.s32 $0xffff, v0;
	_ =	sdelay $0x5  }
0x37: {  	v0, _, _ =	vpop (xrf0)  }
0x38: {  	(v2sf) =	vpush v0, $0xF;
	_ =	sdelay $0x8  }
0x39: {  	s28 =	spop (v2sf)  }
0x3a: {  	v61 =	vsel vm15, $0xFFFFFFFF, v1;
	s5 =	sadd.s32 s5, s28  }
0x3b: {  	v1 =	vadd.s32 s5, v61  }
0x3c: {  	v0 =	vadd.s32 v0, v1  }
0x3d: {  	v62 =	vlaneseq.u32;
	_ =	sdelay $0x1  }
0x3e: {  	s29 =	spop (v2sf)  }
0x3f: {  	s5 =	sadd.s32 s5, s29  }
0x40: {  	s30 =	simm.s32 $0x2080;
	[tilespmem:v0+s6+$0x0] =	vst.idx.msk vm15, v4;
	v63 =	vmov s5  }
0x41: {  	s31 =	simm.s32 $0x1;
	[tilespmem:v62+s30+$0x0] =	vst.idx.msk $0xffff, v63  }
0x42: {  	[spmem:s4] =	stream.linear.scatter [tilespmem:s30], [sflag:$0x1], $0x80, $0x38;
	[tilespmem:$0x2588] =	vst v63  }
0x43: {  	_ =	swait.ge [sflag:s31], $0x80  }
0x44: {  	[sflag:s31] =	ssyncset.done $0x0  }
0x45: {  	[sflag:s31] =	ssyncadd.s32 $0xFFFFFF80  }
.LBB2_7:
0x46: {  	[bflag:$0x0] =	sbarrier.arrive $0xFFFF;
	s5 =	simm.s32 $0x2100;
	v0 =	vlaneseq.u32;
	s4 =	simm.s32 $0x1  }
0x47: {  	[tilespmem:s5], [sflag:$0x1] =	stream.linear.gather [spmem:s3], $0x400, $0x38;
	v1 =	vor.u32 $0x80, v0;
	[tilespmem:$0x2588] =	vst v63  }
0x48: {  	v2 =	vor.u32 $0x100, v0;
	_ =	swait.ge [sflag:s4], $0x400  }
0x49: {  	v3 =	vor.u32 $0x180, v0;
	[sflag:s4] =	ssyncset.done $0x0  }
0x4a: {  	[sflag:s4] =	ssyncadd.s32 $0xFFFFFC00  }
0x4b: {  	v5 =	vld.idx.msk [tilespmem:v0+s5+$0x0], $0xffff  }
0x4c: {  	v4 =	vor.u32 $0x200, v0;
	v1 =	vld.idx.msk [tilespmem:v1+s5+$0x0], $0xffff  }
0x4d: {  	v2 =	vld.idx.msk [tilespmem:v2+s5+$0x0], $0xffff  }
0x4e: {  	vm0 =	vcmask $0x300;
	v8 =	vimm.s32 $0x0;
	v6 =	vor.u32 $0x280, v0;
	v3 =	vld.idx.msk [tilespmem:v3+s5+$0x0], $0xffff  }
0x4f: {  	v8 =	vsel vm0, $0xFFFFFFFF, v8  }
0x50: {  	v7 =	vor.u32 $0x300, v0;
	v5 =	vand.u32 v8, v5  }
0x51: {  	v4 =	vld.idx.msk [tilespmem:v4+s5+$0x0], $0xffff;
	(xrf0) =	vadd.scan.msk.s32 $0xffff, v5;
	v1 =	vand.u32 v8, v1  }
0x52: {  	v52 =	vand.u32 v8, v2;
	(xrf0) =	vadd.scan.msk.s32 $0xffff, v1  }
0x53: {  	v6 =	vld.idx.msk [tilespmem:v6+s5+$0x0], $0xffff;
	v54 =	vand.u32 v8, v3;
	(xrf0) =	vadd.scan.msk.s32 $0xffff, v52  }
0x54: {  	(xrf0) =	vadd.scan.msk.s32 $0xffff, v54  }
0x55: {  	v53 =	vld.idx.msk [tilespmem:v7+s5+$0x0], $0xffff  }
0x56: {  	v55 =	vand.u32 v8, v4  }
0x57: {  	(xrf0) =	vadd.scan.msk.s32 $0xffff, v55;
	v57, _, _ =	vpop (xrf0)  }
0x58: {  	v56 =	vand.u32 v8, v6;
	(v2sf) =	vpush v57, $0xF;
	v58, _, _ =	vpop (xrf0)  }
0x59: {  	(xrf0) =	vadd.scan.msk.s32 $0xffff, v56;
	v59, _, _ =	vpop (xrf0);
	(v2sf) =	vpush v58, $0xF  }
0x5a: {  	v2 =	vand.u32 v8, v53;
	v60, _, _ =	vpop (xrf0);
	(v2sf) =	vpush v59, $0xF  }
0x5b: {  	(xrf0) =	vadd.scan.msk.s32 $0xffff, v2;
	(v2sf) =	vpush v60, $0xF;
	_ =	sdelay $0x1  }
0x5c: {  	v61, _, _ =	vpop (xrf0)  }
0x5d: {  	(v2sf) =	vpush v61, $0xF  }
0x5e: {  	v62, _, _ =	vpop (xrf0)  }
0x5f: {  	v0 =	vor.u32 $0x380, v0;
	(v2sf) =	vpush v62, $0xF  }
0x60: {  	v63, _, _ =	vpop (xrf0)  }
0x61: {  	(v2sf) =	vpush v63, $0xF;
	_ =	sdelay $0x2  }
0x62: {  	v0 =	vld.idx.msk [tilespmem:v0+s5+$0x0], $0xffff;
	_ =	sdelay $0x1  }
0x63: {  	s21 =	spop (v2sf)  }
0x64: {  	s22 =	spop (v2sf);
	s9 =	sadd.s32 $0x7F, s21  }
0x65: {  	s6 =	spop (v2sf);
	s10 =	sand.u32 $0x7F, s9;
	p0 =	slt.s32 s9, $0x1  }
0x66: {  	v0 =	vand.u32 v8, v0;
	s24 =	sadd.s32 $0x7F, s22;
	s13 =	sshra.s32 s9, $0x1F;
	s7 =	spop (v2sf)  }
0x67: {  	(xrf0) =	vadd.scan.msk.s32 $0xffff, v0;
	p1 =	sne.s32 s10, $0x0;
	s11 =	sand.u32 $0x7F, s24;
	p3 =	slt.s32 s24, $0x1  }
0x68: {  	s6 =	sadd.s32 $0x7F, s6;
	s16 =	sshra.s32 s24, $0x1F;
	s10 =	simm.s32 $0x1  }
0x69: {  	s8 =	spop (v2sf);
	p4 =	por !p0, !p1;
	p2 =	sne.s32 s11, $0x0  }
0x6a: {  	s26 =	sand.u32 $0x7F, s6;
	s7 =	sadd.s32 $0x7F, s7;
	p5 =	slt.s32 s6, $0x1  }
0x6b: {  	s23 =	spop (v2sf);
	p6 =	por !p3, !p2;
	p0 =	sne.s32 s26, $0x0  }
0x6c: {  	s29 =	sand.u32 $0x7F, s7;
	p3 =	slt.s32 s7, $0x1;
	s8 =	sadd.s32 $0x7F, s8  }
0x6d: {  	v0, _, _ =	vpop (xrf0);
	s22 =	sshra.s32 s7, $0x1F;
	s25 =	spop (v2sf);
	p0 =	por !p5, !p0  }
0x6e: {  	(v2sf) =	vpush v0, $0xF;
	p5 =	sne.s32 s29, $0x0;
	s17 =	sadd.s32 $0x7F, s23;
	s30 =	sand.u32 $0x7F, s8  }
0x6f: {  	s23 =	sshrl.u32 s22, $0x19;
	s12 =	simm.s32 @!p0 $0x0;
	s31 =	sand.u32 $0x7F, s17  }
0x70: {  	p1 =	slt.s32 s17, $0x1;
	s19 =	sadd.s32 $0x7F, s25;
	s29 =	sshra.s32 s17, $0x1F  }
0x71: {  	s12 =	simm.s32 @p0 $0x1;
	p0 =	por !p3, !p5;
	p5 =	slt.s32 s8, $0x1  }
0x72: {  	p3 =	sne.s32 s31, $0x0;
	s14 =	sand.u32 $0x7F, s19;
	[smem:$0x7FA] =	sst s12  }
0x73: {  	s11 =	simm.s32 @!p0 $0x0;
	p2 =	sne.s32 s14, $0x0;
	s14 =	sshra.s32 s6, $0x1F  }
0x74: {  	s11 =	simm.s32 @p0 $0x1;
	p0 =	sne.s32 s30, $0x0;
	s21 =	sld [smem:$0x7FA]  }
0x75: {  	s20 =	sshrl.u32 s14, $0x19;
	s30 =	sshra.s32 s19, $0x1F;
	[smem:$0x7FB] =	sst s11  }
0x76: {  	p5 =	por !p5, !p0;
	p0 =	por !p1, !p3;
	p3 =	slt.s32 s19, $0x1  }
0x77: {  	s11 =	sshrl.u32 s13, $0x19;
	s13 =	simm.s32 $0x1;
	s6 =	sadd.s32 s20, s6  }
0x78: {  	s3 =	simm.s32 @!p0 $0x0;
	p2 =	por !p3, !p2;
	s9 =	sadd.s32 s11, s9  }
0x79: {  	s11 =	sshrl.u32 s16, $0x19;
	s14 =	sshra.s32 s6, $0x7;
	s6 =	sadd.s32 s23, s7  }
0x7a: {  	s25 =	sld [smem:$0x7FB];
	p5 =	por !p5, !p5;
	s3 =	simm.s32 @p0 $0x1  }
0x7b: {  	s18 =	sadd.s32 s11, s24;
	p3 =	seq.s32 s21, $0x1;
	s24 =	sshra.s32 s8, $0x1F  }
0x7c: {  	[smem:$0x7FC] =	sst s3;
	s11 =	sshra.s32 s18, $0x7;
	s7 =	sshrl.u32 s24, $0x19  }
0x7d: {  	p3 =	por !p3, !p3;
	s12 =	spop (v2sf);
	s26 =	sadd.s32 s7, s8  }
0x7e: {  	s7 =	simm.s32 $0x1;
	s31 =	sld [smem:$0x7FC];
	s5 =	sadd.s32 $0x7F, s12  }
0x7f: {  	s8 =	sshrl.u32 s30, $0x19;
	s12 =	sshra.s32 s9, $0x7;
	s15 =	sand.u32 $0x7F, s5  }
0x80: {  	s16 =	sshra.s32 s26, $0x7;
	p1 =	slt.s32 s5, $0x1;
	p0 =	sne.s32 s15, $0x0  }
0x81: {  	s7 =	simm.s32 @!p5 $0x0;
	p1 =	por !p1, !p0;
	p0 =	por !p4, !p4  }
0x82: {  	s15 =	sshra.s32 s6, $0x7;
	s6 =	sshrl.u32 s29, $0x19;
	s9 =	simm.s32 @!p0 $0x0  }
0x83: {  	s13 =	simm.s32 @!p0 $0x0;
	s9 =	simm.s32 @p0 $0x1;
	p0 =	por !p6, !p6  }
0x84: {  	p4 =	seq.s32 s25, $0x1;
	[smem:$0x7F8] =	sst s9;
	s9 =	simm.s32 @!p0 $0x0  }
0x85: {  	s6 =	sadd.s32 s6, s17;
	s25 =	ssub.s32 s16, s7;
	s9 =	simm.s32 @p0 $0x1  }
0x86: {  	p4 =	por !p4, !p4;
	[smem:$0x7F9] =	sst s9;
	s9 =	simm.s32 $0x1  }
0x87: {  	s13 =	ssub.s32 s12, s13;
	p6 =	seq.s32 s31, $0x1;
	s9 =	simm.s32 @!p3 $0x0  }
0x88: {  	s10 =	simm.s32 @!p0 $0x0;
	s20 =	ssub.s32 s14, s9;
	s9 =	simm.s32 $0x1  }
0x89: {  	p6 =	por !p6, !p6;
	s18 =	ssub.s32 s11, s10;
	s9 =	simm.s32 @!p4 $0x0  }
0x8a: {  	s10 =	sadd.s32 s13, s18;
	s22 =	ssub.s32 s15, s9;
	s9 =	simm.s32 $0x1  }
0x8b: {  	s17 =	sshra.s32 s6, $0x7;
	s29 =	sadd.s32 s20, s10;
	s9 =	simm.s32 @!p6 $0x0  }
0x8c: {  	s28 =	sadd.s32 s22, s29;
	s24 =	ssub.s32 s17, s9;
	s9 =	sshra.s32 s5, $0x1F  }
0x8d: {  	s7 =	sshrl.u32 s9, $0x19;
	s9 =	sshll.u32 s29, $0x7;
	s29 =	sld [smem:$0x7FD]  }
0x8e: {  	s3 =	sadd.s32 $0x3A00, s2;
	s8 =	sadd.s32 s8, s19  }
0x8f: {  	s19 =	sshra.s32 s8, $0x7;
	s6 =	simm.s32 $0x1;
	p1 =	por !p1, !p1  }
0x90: {  	s4 =	simm.s32 @!p1 $0x0;
	p0 =	por !p2, !p2;
	p2 =	seq.s32 s29, $0x1  }
.Ltmp4:
0x91: {  	s6 =	simm.s32 @!p0 $0x0;
	s30 =	sadd.s32 s25, s28;
	(pc) =	sbr.rel @p2 .LBB2_12-.Ltmp4, $4  }
0x92: {  	s26 =	ssub.s32 s19, s6;
	s10 =	sshll.u32 s10, $0x7;
	s31 =	sadd.s32 s24, s30  }
0x93: {  	s8 =	sshll.u32 s28, $0x7;
	s5 =	sadd.s32 s7, s5;
	s28 =	sadd.s32 s26, s31  }
0x94: {  	s7 =	sshll.u32 s30, $0x7;
	s6 =	sshll.u32 s31, $0x7;
	s21 =	sshra.s32 s5, $0x7  }
0x95: {  	s5 =	sshll.u32 s13, $0x7;
	s23 =	ssub.s32 s21, s4;
	s4 =	sshll.u32 s28, $0x7  }
0x96: {  	p1 =	seq.s32 s1, $0x1  }
0x97: {  	p0 =	seq.s32 s1, $0x2;
	s13 =	smov.u32 @p1 s18  }
0x98: {  	p2 =	seq.s32 s1, $0x3;
	s13 =	smov.u32 @p0 s20  }
0x99: {  	p3 =	seq.s32 s1, $0x4;
	s13 =	smov.u32 @p2 s22  }
0x9a: {  	p4 =	seq.s32 s1, $0x5;
	s13 =	smov.u32 @p3 s25  }
0x9b: {  	p5 =	seq.s32 s1, $0x6;
	s13 =	smov.u32 @p4 s24  }
0x9c: {  	p6 =	seq.s32 s1, $0x7;
	s13 =	smov.u32 @p5 s26  }
0x9d: {  	s2 =	simm.s32 @!p0 $0x0;
	s13 =	smov.u32 @p6 s23  }
0x9e: {  	s2 =	simm.s32 @p0 $0x1;
	p0 =	slt.s32 s13, $0x1  }
.Ltmp5:
0x9f: {  	_ = 	snop;
	(pc) =	sbr.rel @p0 .LBB2_18-.Ltmp5, $2  }
0xa0: {  	_ =	sdelay $0x2  }
0xa1: {  	[smem:$0x7F7] =	sst s2  }
0xa2: {  	s2 =	sld [smem:$0x7F7];
	_ =	sdelay $0x2  }
0xa3: {  	s5 =	simm.s32 @!p1 $0x0;
	p0 =	seq.s32 s2, $0x1  }
0xa4: {  	s5 =	smov.u32 @p0 s10  }
0xa5: {  	s5 =	smov.u32 @p2 s9  }
0xa6: {  	s5 =	smov.u32 @p3 s8  }
0xa7: {  	s5 =	smov.u32 @p4 s7  }
0xa8: {  	s5 =	smov.u32 @p5 s6  }
0xa9: {  	s5 =	smov.u32 @p6 s4  }
0xaa: {  	p0 =	seq.s32 s13, $0x1;
	s30 =	sshrl.u32 s5, $0x3  }
.Ltmp6:
0xab: {  	s31 =	sand.u32 $0x1FFFFFF0, s30;
	(pc) =	sbr.rel @p0 .LBB2_11-.Ltmp6, $4  }
0xac: {  	s2 =	simm.s32 $0x1000;
	s4 =	simm.s32 $0x0;
	s6 =	sadd.s32 s3, s31  }
0xad: {  	[hbm4b:s6+s4] =	stream.linear.scatter [tilespmem:s2], [sflag:$0x1], $0x80, $0x38;
	[tilespmem:$0x2588] =	vst v63  }
0xae: {  	s6 =	simm.s32 $0x1  }
0xaf: {  	s7 =	sadd.s32 $0xFFFFFFFF, s13;
	s5 =	sadd.s32 $0x80, s5;
	_ =	swait.ge [sflag:s6], $0x80  }
.LBB2_10:
0xb0: {  	s8 =	sshrl.u32 s5, $0x3  }
0xb1: {  	[sflag:s6] =	ssyncset.done $0x0;
	s2 =	sadd.s32 $0x80, s2;
	p0 =	seq.s32 s7, $0x1  }
.Ltmp7:
0xb2: {  	s8 =	sand.u32 $0x1FFFFFF0, s8;
	[sflag:s6] =	ssyncadd.s32 $0xFFFFFF80;
	(pc) =	sbr.rel @!p0 .LBB2_10-.Ltmp7, $4  }
0xb3: {  	s7 =	sadd.s32 $0xFFFFFFFF, s7;
	s8 =	sadd.s32 s3, s8  }
0xb4: {  	[hbm4b:s8+s4] =	stream.linear.scatter [tilespmem:s2], [sflag:$0x1], $0x80, $0x38;
	[tilespmem:$0x2588] =	vst v63  }
0xb5: {  	_ = 	snop  }
0xb6: {  	s5 =	sadd.s32 $0x80, s5;
	_ =	swait.ge [sflag:s6], $0x80  }
.LBB2_11:
.Ltmp8:
0xb7: {  	(pc) =	sbr.rel .LBB2_18-.Ltmp8, $3  }
0xb8: {  	_ =	sdelay $0x1  }
0xb9: {  	[sflag:s6] =	ssyncset.done $0x0  }
0xba: {  	[sflag:s6] =	ssyncadd.s32 $0xFFFFFF80  }
.LBB2_12:
0xbb: {  	p2 =	sne.s32 s1, $0x8  }
.Ltmp9:
0xbc: {  	_ = 	snop;
	(pc) =	sbr.rel @p2 .LBB2_18-.Ltmp9, $1  }
0xbd: {  	_ =	sdelay $0x3  }
0xbe: {  	v3 =	vlaneseq.u32  }
0xbf: {  	v2 =	vor.u32 $0x10, v3  }
0xc0: {  	v1 =	vor.u32 $0x20, v3  }
0xc1: {  	s18 =	sadd.s32 s23, s28;
	v0 =	vor.u32 $0x30, v3  }
0xc2: {  	v4 =	vimm.s32 $0x1000;
	s13 =	simm.s32 $0x1000;
	v5 =	vor.u32 $0x40, v3;
	s18 =	sshll.u32 s18, $0x7  }
0xc3: {  	v6 =	vor.u32 $0x50, v3;
	s18 =	ssub.s32 $0x1400, s18;
	[tilespmem:v3+s13+$0x0] =	vst.idx.msk $0xffff, v4  }
0xc4: {  	v7 =	vor.u32 $0x60, v3;
	s18 =	sshra.s32 s18, $0x7;
	[tilespmem:v2+s13+$0x0] =	vst.idx.msk $0xffff, v4  }
0xc5: {  	v8 =	vor.u32 $0x70, v3;
	p2 =	slt.s32 s18, $0x1;
	[tilespmem:v1+s13+$0x0] =	vst.idx.msk $0xffff, v4  }
.Ltmp10:
0xc6: {  	[tilespmem:v0+s13+$0x0] =	vst.idx.msk $0xffff, v4;
	(pc) =	sbr.rel @p2 .LBB2_17-.Ltmp10, $4  }
0xc7: {  	[tilespmem:v5+s13+$0x0] =	vst.idx.msk $0xffff, v4  }
0xc8: {  	[tilespmem:v6+s13+$0x0] =	vst.idx.msk $0xffff, v4  }
0xc9: {  	[tilespmem:v7+s13+$0x0] =	vst.idx.msk $0xffff, v4  }
0xca: {  	s2 =	sadd.s32 $0x3E00, s2;
	[tilespmem:v8+s13+$0x0] =	vst.idx.msk $0xffff, v4  }
0xcb: {  	s12 =	sadd.s32 s14, s12  }
0xcc: {  	s12 =	sadd.s32 s15, s12  }
0xcd: {  	s29 =	sld [smem:$0x7F8];
	s12 =	sadd.s32 s16, s12  }
0xce: {  	s12 =	sadd.s32 s17, s12  }
0xcf: {  	s14 =	simm.s32 $0xFFFFFFFF;
	s30 =	sld [smem:$0x7F9];
	s12 =	sadd.s32 s19, s12  }
0xd0: {  	s15 =	simm.s32 $0xFFFFFFFF;
	p2 =	seq.s32 s29, $0x1;
	s12 =	sadd.s32 s21, s12  }
0xd1: {  	s15 =	simm.s32 @!p3 $0x0;
	s14 =	simm.s32 @!p2 $0x0;
	s11 =	sadd.s32 s11, s12  }
0xd2: {  	s12 =	simm.s32 $0xFFFFFFFF;
	s11 =	sadd.s32 s14, s11;
	s14 =	simm.s32 $0xFFFFFFFF  }
0xd3: {  	s12 =	simm.s32 @!p4 $0x0;
	s11 =	sadd.s32 s15, s11;
	s14 =	simm.s32 @!p5 $0x0  }
0xd4: {  	s15 =	simm.s32 $0xFFFFFFFF;
	s11 =	sadd.s32 s12, s11;
	s12 =	simm.s32 $0xFFFFFFFF  }
0xd5: {  	s15 =	simm.s32 @!p6 $0x0;
	s11 =	sadd.s32 s14, s11;
	s12 =	simm.s32 @!p0 $0x0  }
0xd6: {  	s14 =	simm.s32 $0xFFFFFFFF;
	p0 =	seq.s32 s30, $0x1;
	s11 =	sadd.s32 s15, s11  }
0xd7: {  	s14 =	simm.s32 @!p1 $0x0;
	s15 =	simm.s32 $0xFFFFFFFF;
	s11 =	sadd.s32 s12, s11  }
0xd8: {  	s15 =	simm.s32 @!p0 $0x0;
	s11 =	sadd.s32 s14, s11  }
0xd9: {  	s11 =	sadd.s32 s15, s11  }
0xda: {  	p0 =	sne.s32 s18, $0x1;
	s15 =	sshll.u32 s11, $0x4  }
.Ltmp11:
0xdb: {  	s31 =	sand.u32 $0x1FFFFFF0, s15;
	(pc) =	sbr.rel @!p0 .LBB2_16-.Ltmp11, $4  }
0xdc: {  	s11 =	simm.s32 $0x0;
	s12 =	sadd.s32 s3, s31  }
0xdd: {  	[hbm4b:s12+s11] =	stream.linear.scatter [tilespmem:s13], [sflag:$0x1], $0x80, $0x38;
	[tilespmem:$0x2588] =	vst v63  }
0xde: {  	s12 =	simm.s32 $0x1  }
0xdf: {  	s14 =	sadd.s32 $0xFFFFFFFF, s18;
	s15 =	sadd.s32 $0x10, s15;
	_ =	swait.ge [sflag:s12], $0x80  }
.LBB2_15:
0xe0: {  	s16 =	sand.u32 $0x1FFFFFF0, s15;
	[sflag:s12] =	ssyncset.done $0x0;
	p0 =	sne.s32 s14, $0x1  }
.Ltmp12:
0xe1: {  	s16 =	sadd.s32 s3, s16;
	[sflag:s12] =	ssyncadd.s32 $0xFFFFFF80;
	(pc) =	sbr.rel @p0 .LBB2_15-.Ltmp12, $3  }
0xe2: {  	[hbm4b:s16+s11] =	stream.linear.scatter [tilespmem:s13], [sflag:$0x1], $0x80, $0x38;
	[tilespmem:$0x2588] =	vst v63  }
0xe3: {  	s14 =	sadd.s32 $0xFFFFFFFF, s14;
	_ =	sdelay $0x1  }
0xe4: {  	s15 =	sadd.s32 $0x10, s15;
	_ =	swait.ge [sflag:s12], $0x80  }
.LBB2_16:
0xe5: {  	[sflag:s12] =	ssyncset.done $0x0  }
0xe6: {  	[sflag:s12] =	ssyncadd.s32 $0xFFFFFF80  }
.LBB2_17:
0xe7: {  	v4 =	vmul.u32 $0x80, v3;
	v5 =	vmov s5  }
0xe8: {  	v7 =	vmov s10;
	v8 =	vimm.s32 $0x0;
	v9 =	vmov s9  }
0xe9: {  	v12 =	vmov s8;
	v38 =	vmov s7;
	v14 =	vmov s6  }
0xea: {  	v16 =	vmov s4;
	v6 =	vor.u32 $0x1, v4;
	v39 =	vor.u32 $0x801, v4  }
0xeb: {  	v46 =	vor.u32 $0x1001, v4;
	v4 =	vor.u32 $0x1801, v4;
	vm0 =	vlt.s32 v5, v6  }
0xec: {  	vm1 =	vlt.s32 v7, v6;
	vm14 =	vlt.s32 v9, v6;
	vm15 =	vlt.s32 v12, v6  }
0xed: {  	vm4 =	vlt.s32 v38, v6;
	vm5 =	vlt.s32 v14, v6;
	vm6 =	vlt.s32 v16, v6  }
0xee: {  	vm7 =	vlt.s32 v5, v39;
	vm8 =	vlt.s32 v7, v39;
	vm9 =	vlt.s32 v9, v39  }
0xef: {  	vm10 =	vlt.s32 v12, v39;
	vm11 =	vlt.s32 v38, v39;
	vm12 =	vlt.s32 v14, v39  }
0xf0: {  	vm13 =	vlt.s32 v16, v39;
	v10 =	vsel vm0, $0x1, v8;
	v11 =	vsel vm1, $0x1, v8  }
0xf1: {  	v37 =	vsel vm14, $0x1, v8;
	v13 =	vsel vm15, $0x1, v8;
	v15 =	vsel vm4, $0x1, v8  }
0xf2: {  	v17 =	vsel vm5, $0x1, v8;
	v40 =	vsel vm6, $0x1, v8;
	v41 =	vsel vm7, $0x1, v8  }
0xf3: {  	v42 =	vsel vm8, $0x1, v8;
	v43 =	vsel vm9, $0x1, v8;
	v44 =	vsel vm10, $0x1, v8  }
0xf4: {  	v45 =	vsel vm11, $0x1, v8;
	v18 =	vsel vm12, $0x1, v8;
	v47 =	vsel vm13, $0x1, v8  }
0xf5: {  	vm14 =	vlt.s32 v5, v46;
	vm15 =	vlt.s32 v7, v46;
	vm4 =	vlt.s32 v9, v46  }
0xf6: {  	vm5 =	vlt.s32 v12, v46;
	vm6 =	vlt.s32 v38, v46;
	vm7 =	vlt.s32 v14, v46  }
0xf7: {  	vm8 =	vlt.s32 v16, v46;
	vm9 =	vlt.s32 v5, v4;
	vm10 =	vlt.s32 v7, v4  }
0xf8: {  	vm11 =	vlt.s32 v9, v4;
	vm12 =	vlt.s32 v12, v4;
	vm13 =	vlt.s32 v38, v4  }
0xf9: {  	v10 =	vadd.s32 v10, v11;
	v48 =	vsel vm14, $0x1, v8;
	v49 =	vsel vm15, $0x1, v8  }
0xfa: {  	v50 =	vsel vm4, $0x1, v8;
	v51 =	vsel vm5, $0x1, v8;
	v52 =	vsel vm6, $0x1, v8  }
0xfb: {  	v19 =	vsel vm7, $0x1, v8;
	v54 =	vsel vm8, $0x1, v8;
	v56 =	vsel vm9, $0x1, v8  }
0xfc: {  	v7 =	vsel vm10, $0x1, v8;
	v57 =	vsel vm11, $0x1, v8;
	v58 =	vsel vm12, $0x1, v8  }
0xfd: {  	v59 =	vsel vm13, $0x1, v8;
	vm14 =	vlt.s32 v14, v4;
	v10 =	vadd.s32 v37, v10  }
0xfe: {  	vm15 =	vlt.s32 v16, v4;
	v6 =	vadd.s32 v56, v7;
	v10 =	vadd.s32 v13, v10  }
0xff: {  	v6 =	vadd.s32 v57, v6;
	v10 =	vadd.s32 v15, v10;
	v15 =	vadd.s32 v41, v42  }
0x100: {  	v6 =	vadd.s32 v58, v6;
	v13 =	vadd.s32 v43, v15;
	v15 =	vadd.s32 v48, v49  }
0x101: {  	v10 =	vadd.s32 v17, v10;
	v13 =	vadd.s32 v44, v13;
	v15 =	vadd.s32 v50, v15  }
0x102: {  	v60 =	vadd.s32 v59, v6;
	v13 =	vadd.s32 v45, v13;
	v53 =	vadd.s32 v51, v15  }
0x103: {  	s3 =	simm.s32 $0x2500;
	v10 =	vadd.s32 v40, v10;
	v13 =	vadd.s32 v18, v13;
	v55 =	vadd.s32 v52, v53  }
0x104: {  	v61 =	vsel vm14, $0x1, v8;
	[tilespmem:v3+s3+$0x0] =	vst.idx.msk $0xffff, v10;
	v13 =	vadd.s32 v47, v13;
	v5 =	vadd.s32 v19, v55  }
0x105: {  	v4 =	vsel vm15, $0x1, v8;
	v3 =	vadd.s32 v61, v60;
	[tilespmem:v2+s3+$0x0] =	vst.idx.msk $0xffff, v13;
	v62 =	vadd.s32 v54, v5  }
0x106: {  	v63 =	vadd.s32 v4, v3;
	[tilespmem:v1+s3+$0x0] =	vst.idx.msk $0xffff, v62  }
0x107: {  	s30 =	simm.s32 $0x0;
	s31 =	simm.s32 $0x1;
	[tilespmem:v0+s3+$0x0] =	vst.idx.msk $0xffff, v63  }
0x108: {  	[hbm4b:s2+s30] =	stream.linear.scatter [tilespmem:s3], [sflag:$0x1], $0x80, $0x38;
	[tilespmem:$0x2588] =	vst v63  }
0x109: {  	_ =	swait.ge [sflag:s31], $0x80  }
0x10a: {  	[sflag:s31] =	ssyncset.done $0x0  }
0x10b: {  	[sflag:s31] =	ssyncadd.s32 $0xFFFFFF80  }
.LBB2_18:
0x10c: {  	_ =	sfence.sel $0x180000  }
0x10d: {  	[bflag:$0x0] =	sbarrier.arrive $0xFFFF  }
0x10e: {  	p0 =	sne.s32 s1, $0x0;
	_ =	strace $0x90000047  }
0x10f: {  	s0 =	sadd.s32 @!p0 $0x100000, s0;
	[bflag:$0x2] =	sbarrier.arrive $0xFFFF  }
0x110: {  	[sflag:s0] =	ssyncadd.tile.s32 @!p0 $0x1;
	_ =	shalt  }
.Lfunc_end2:
_tile_overlayer_lowered:
.L_overlay_start_2:
0x111: {  	(tag) =	ssettag $0x2  }
0x112: {  	s0 =	rddreg [dreg:$0x0];
	s2 =	stileid.u32  }
0x113: {  	s1 =	rddreg [dreg:$0x1];
	p0 =	sne.s32 s2, $0x0  }
0x114: {  	s3 =	rddreg [dreg:$0x2];
	[bflag:$0x3] =	sbarrier.arrive $0xFFFF;
	s2 =	simm.s32 @!p0 $0x1C01  }
0x115: {  	[timem:s3], [sflag:s2] =	dma.local @!p0 [hbm:s0], s1  }
0x116: {  	s0 =	simm.s32 @!p0 $0x1  }
0x117: {  	_ =	swait.ge @!p0 [sflag:s0], s1  }
0x118: {  	s1 =	ssub.s32 @!p0 $0x0, s1;
	[sflag:s0] =	ssyncset.done @!p0 $0x0  }
0x119: {  	[sflag:s0] =	ssyncadd.s32 @!p0 s1  }
0x11a: {  	[bflag:$0x3] =	sbarrier.arrive $0xFFFF  }
0x11b: {  	_ =	shalt  }

// kernel: kernel.13.cloned.1.call-start
scs
__scs_entry_jumppad:
0x0: {  	(pc) =	sbr.rel $0x88, $3  }
0x1: {  	(tag) =	ssettag $0x0;
	lr =	simm.s32 $0x1  }
0x2: {  	[smem:$0x3F9A] =	sst lr;
	_ =	strace $0xD0000000  }
0x3: {  	_ = 	snop  }
0x4: {  	_ = 	snop  }
0x5: {  	_ = 	snop  }
0x6: {  	_ = 	snop  }
0x7: {  	_ = 	snop  }
__scs_overlays_trampoline_lowered:
0x8: {  	[smem:$0x3FA9] =	sst s0  }
0x9: {  	[smem:$0x3FAA] =	sst s1  }
0xa: {  	[smem:$0x3FAB] =	sst s2  }
0xb: {  	[smem:$0x3FAC] =	sst s3  }
0xc: {  	[smem:$0x3FAD] =	sst s4  }
0xd: {  	[smem:$0x3FAE] =	sst s5  }
0xe: {  	[smem:$0x3FAF] =	sst s6  }
0xf: {  	[smem:$0x3FB0] =	sst s7  }
0x10: {  	[smem:$0x3FB1] =	sst s8  }
0x11: {  	[smem:$0x3FB2] =	sst s9;
	s0 =	simm.s32 @!p0 $0x0  }
0x12: {  	s1 =	sld [smem:$0x3F98];
	s0 =	simm.s32 @p0 $0x1  }
0x13: {  	[smem:$0x3FB3] =	sst s0;
	s0 =	simm.s32 @!p1 $0x0  }
0x14: {  	s2 =	sld [smem:$0x3F97];
	s0 =	simm.s32 @p1 $0x1  }
0x15: {  	[smem:$0x3FB4] =	sst s0;
	s0 =	simm.s32 @!p2 $0x0  }
0x16: {  	s3 =	sld [smem:$0x3FDB];
	s0 =	simm.s32 @p2 $0x1  }
0x17: {  	s4 =	simm.s32 $0x1BF5;
	[smem:$0x3FB6] =	sst s0  }
0x18: {  	s0 =	sld [smem:$0x3F99];
	_ =	swait.ge [sflag:s4], $0x0  }
0x19: {  	s7 =	sld [smem:$0x3F9A]  }
0x1a: {  	s8 =	sadd.s32 $0xFFFFE003, lr  }
0x1b: {  	s9 =	sadd.s32 $0xFFFFFEF7, lr;
	s5 =	simm.s32 $0xFFFFFFFF;
	p2 =	slt.u32 s8, $0xFFFFF086  }
0x1c: {  	p1 =	slt.u32 s9, $0xF7A;
	s5 =	simm.s32 @!p2 $0x0  }
0x1d: {  	s5 =	simm.s32 @p1 $0x1;
	p0 =	seq.s32 s7, s2  }
0x1e: {  	s7 =	smul.u32 @!p0 $0xF7A, s2;
	p2 =	seq.s32 @!p0 s5, $0x0  }
0x1f: {  	s9 =	smul.u32 $0xF7A, s1;
	s8 =	simm.s32 @!p0 $0x1BF5;
	p2 =	por !p2, p0  }
0x20: {  	[sflag:s8] =	ssyncset.s32 @!p0 $0xFFFFF086;
	s6 =	sadd.s32 @!p0 s3, s7;
	s7 =	simm.s32 @!p0 $0x108  }
0x21: {  	s3 =	sadd.s32 s3, s9;
	s6 =	sadd.s32 @!p0 $0x88, s6;
	s7 =	simm.s32 @p2 $0x1082  }
0x22: {  	[simem:s7], [sflag:s8] =	dma.local @!p0 [hbm:s6], $0xF7A  }
0x23: {  	s9 =	sor.u32 $0xD0000000, s2;
	s6 =	simm.s32 $0x108;
	_ =	swait.ge @!p0 [sflag:s8], $0x0  }
0x24: {  	s3 =	sadd.s32 $0x88, s3;
	s6 =	simm.s32 @!p1 $0x1082;
	[sflag:s4] =	ssyncset.s32 $0xFFFFF086  }
0x25: {  	[simem:s6], [sflag:s4] =	dma.local [hbm:s3], $0xF7A  }
0x26: {  	[smem:$0x3F9A] =	sst s1;
	(tag) =	ssettag s2;
	_ =	strace s9  }
0x27: {  	s1 =	sld [smem:$0x3FAA]  }
0x28: {  	s2 =	sld [smem:$0x3FAB]  }
0x29: {  	s4 =	sld [smem:$0x3FAD]  }
0x2a: {  	p0 =	seq.s32 s5, $0x0;
	s5 =	sld [smem:$0x3FAE]  }
0x2b: {  	s6 =	sld [smem:$0x3FAF]  }
0x2c: {  	s7 =	sld [smem:$0x3FB0]  }
0x2d: {  	s3 =	simm.s32 $0x108;
	s8 =	sld [smem:$0x3FB1]  }
0x2e: {  	s3 =	simm.s32 @!p0 $0x1082;
	s9 =	sld [smem:$0x3FB2]  }
0x2f: {  	lr =	sadd.s32 s0, s3;
	s0 =	sld [smem:$0x3FA9]  }
0x30: {  	s3 =	sld [smem:$0x3FAC]  }
0x31: {  	[smem:$0x3FB5] =	sst s10  }
0x32: {  	s10 =	sld [smem:$0x3FB3];
	_ =	sdelay $0x3  }
0x33: {  	p0 =	seq.s32 s10, $0x1;
	s10 =	sld [smem:$0x3FB5];
	_ =	sdelay $0x3  }
0x34: {  	[smem:$0x3FB5] =	sst s10  }
0x35: {  	s10 =	sld [smem:$0x3FB4];
	_ =	sdelay $0x3  }
0x36: {  	p1 =	seq.s32 s10, $0x1;
	s10 =	sld [smem:$0x3FB5];
	_ =	sdelay $0x3  }
0x37: {  	[smem:$0x3FB5] =	sst s10  }
0x38: {  	s10 =	sld [smem:$0x3FB6]  }
0x39: {  	_ = 	snop;
	(pc) =	sbr.ind lr, $3  }
0x3a: {  	_ = 	snop  }
0x3b: {  	_ = 	snop  }
0x3c: {  	p2 =	seq.s32 s10, $0x1;
	s10 =	sld [smem:$0x3FB5]  }
0x3d: {  	_ =	shalt  }
0x3e: {  	_ =	shalt  }
0x3f: {  	_ =	shalt  }
0x40: {  	_ =	shalt  }
0x41: {  	_ =	shalt  }
0x42: {  	_ =	shalt  }
0x43: {  	_ =	shalt  }
0x44: {  	_ =	shalt  }
0x45: {  	_ =	shalt  }
0x46: {  	_ =	shalt  }
0x47: {  	_ =	shalt  }
0x48: {  	_ =	shalt  }
0x49: {  	_ =	shalt  }
0x4a: {  	_ =	shalt  }
0x4b: {  	_ =	shalt  }
0x4c: {  	_ =	shalt  }
0x4d: {  	_ =	shalt  }
0x4e: {  	_ =	shalt  }
0x4f: {  	_ =	shalt  }
0x50: {  	_ =	shalt  }
0x51: {  	_ =	shalt  }
0x52: {  	_ =	shalt  }
0x53: {  	_ =	shalt  }
0x54: {  	_ =	shalt  }
0x55: {  	_ =	shalt  }
0x56: {  	_ =	shalt  }
0x57: {  	_ =	shalt  }
0x58: {  	_ =	shalt  }
0x59: {  	_ =	shalt  }
0x5a: {  	_ =	shalt  }
0x5b: {  	_ =	shalt  }
0x5c: {  	_ =	shalt  }
0x5d: {  	_ =	shalt  }
0x5e: {  	_ =	shalt  }
0x5f: {  	_ =	shalt  }
0x60: {  	_ =	shalt  }
0x61: {  	_ =	shalt  }
0x62: {  	_ =	shalt  }
0x63: {  	_ =	shalt  }
0x64: {  	_ =	shalt  }
0x65: {  	_ =	shalt  }
0x66: {  	_ =	shalt  }
0x67: {  	_ =	shalt  }
0x68: {  	_ =	shalt  }
0x69: {  	_ =	shalt  }
0x6a: {  	_ =	shalt  }
0x6b: {  	_ =	shalt  }
0x6c: {  	_ =	shalt  }
0x6d: {  	_ =	shalt  }
0x6e: {  	_ =	shalt  }
0x6f: {  	_ =	shalt  }
0x70: {  	_ =	shalt  }
0x71: {  	_ =	shalt  }
0x72: {  	_ =	shalt  }
0x73: {  	_ =	shalt  }
0x74: {  	_ =	shalt  }
0x75: {  	_ =	shalt  }
0x76: {  	_ =	shalt  }
0x77: {  	_ =	shalt  }
0x78: {  	_ =	shalt  }
0x79: {  	_ =	shalt  }
0x7a: {  	_ =	shalt  }
0x7b: {  	_ =	shalt  }
0x7c: {  	_ =	shalt  }
0x7d: {  	_ =	shalt  }
0x7e: {  	_ =	shalt  }
0x7f: {  	_ =	shalt  }
0x80: {  	_ =	shalt  }
0x81: {  	_ =	shalt  }
0x82: {  	_ =	shalt  }
0x83: {  	_ =	shalt  }
0x84: {  	_ =	shalt  }
0x85: {  	_ =	shalt  }
0x86: {  	_ =	shalt  }
0x87: {  	_ =	shalt  }
.Lfunc_end0:
.L_simem_size_0:
called_computation.1_lowered:
.L_overlay_start_0:
0x88: {  	s2 =	sld [smem:$0x3FD9]  }
0x89: {  	s3 =	sld [smem:$0x3FFE];
	_ =	sdelay $0x1  }
0x8a: {  	s1 =	srdreg.scid  }
0x8b: {  	s0 =	sand.u32 $0x1, s1  }
0x8c: {  	s17 =	sshll.u32 s0, $0xA;
	s2 =	sadd.s32 s3, s2  }
0x8d: {  	s2 =	sadd.s32 s2, s17  }
0x8e: {  	[smem:$0x3FC1] =	sst s2  }
0x8f: {  	_ = 	snop  }
0x90: {  	s18 =	sld [smem:$0x3FD0];
	(tm) =	ssettm $0x1  }
0x91: {  	s19 =	sld [smem:$0x3FFB];
	_ =	sdelay $0x3  }
0x92: {  	_ =	strace s19  }
0x93: {  	s2 =	sld [smem:$0x3FFC];
	_ =	sdelay $0x3  }
0x94: {  	_ =	strace s2  }
0x95: {  	s2 =	sld [smem:$0x3FFD];
	_ =	sdelay $0x3  }
0x96: {  	_ =	strace s2  }
0x97: {  	_ =	strace $0x8FFFFFFF  }
0x98: {  	s20 =	sld [smem:$0x3FDB];
	_ =	sdelay $0x1  }
0x99: {  	s4 =	simm.s32 $_scs_section_size  }
0x9a: {  	s5 =	simm.s32 $_size__tile_overlayer_lowered;
	s6 =	simm.s32 $_tile_overlayer_lowered  }
0x9b: {  	s7 =	simm.s32 $0x1BFF;
	s21 =	sshll.u32 s6, $0x1;
	s4 =	sadd.s32 s4, s20  }
0x9c: {  	s22 =	simm.s32 $0x0;
	s5 =	sshll.u32 s5, $0x1;
	s6 =	sadd.s32 s21, s4  }
0x9d: {  	[timem:s22], [sflag:s7] =	dma.local [hbm:s6], s5  }
0x9e: {  	_ =	swait.ge [sflag:s7], s5  }
0x9f: {  	s5 =	ssub.s32 $0x0, s5;
	[sflag:s7] =	ssyncset.done $0x0  }
0xa0: {  	[sflag:s7] =	ssyncadd.s32 s5;
	_ =	sdelay $0x1  }
0xa1: {  	s23 =	simm.s32 $0x1B8B  }
0xa2: {  	_ =	swait.ge [sflag:s23], $0x1  }
0xa3: {  	[sflag:s23] =	ssyncset.done $0x0  }
0xa4: {  	[sflag:s23] =	ssyncadd.s32 $0xFFFFFFFF  }
0xa5: {  	s5 =	sld [smem:$0x0]  }
0xa6: {  	s6 =	sand.u32 $0xFFFFFFFE, s1  }
0xa7: {  	p0 =	sne.s32 s1, s6  }
0xa8: {  	s6 =	sshll.u32 @p0 s6, $0xE  }
0xa9: {  	s6 =	sadd.s32 @p0 $0x11B8D, s6;
	s7 =	sshll.u32 @p0 s5, $0x11  }
0xaa: {  	s6 =	sor.u32 @p0 s7, s6  }
0xab: {  	[sflag:s6] =	ssyncadd.remote.s32 @p0 $0x1;
	_ =	sdelay $0x1  }
0xac: {  	s6 =	simm.s32 @p0 $0x1B8D  }
0xad: {  	_ =	swait.eq @p0 [sflag:s6], $0x1  }
0xae: {  	[sflag:s6] =	ssyncadd.s32 @p0 $0xFFFFFFFF  }
0xaf: {  	s7 =	sshll.u32 @!p0 s1, $0xE  }
0xb0: {  	s7 =	sor.u32 @!p0 $0x4000, s7;
	s6 =	simm.s32 @!p0 $0x1B8D  }
0xb1: {  	s5 =	sshll.u32 @!p0 s5, $0x11;
	s7 =	sadd.s32 @!p0 $0x11B8D, s7;
	_ =	swait.eq @!p0 [sflag:s6], $0x1  }
0xb2: {  	s5 =	sor.u32 @!p0 s5, s7;
	[sflag:s6] =	ssyncadd.s32 @!p0 $0xFFFFFFFF  }
0xb3: {  	s25 =	simm.s32 $0x1B8E;
	s24 =	sld [smem:$0x3FFE];
	[sflag:s5] =	ssyncadd.remote.s32 @!p0 $0x1  }
0xb4: {  	s26 =	simm.s32 $execute0_lowered;
	[smem:$0x3FD2] =	sst s25  }
0xb5: {  	s6 =	sshll.u32 s26, $0x1;
	_ =	strace $0x8000004C;
	[dreg:$0x1] =	wrdreg $0xFFFFFFFF  }
0xb6: {  	s28 =	simm.s32 $_size_execute0_lowered;
	s4 =	sadd.s32 s4, s6;
	[dreg:$0x0] =	wrdreg $0x0  }
0xb7: {  	s6 =	sshll.u32 s28, $0x1;
	[dreg:$0x2] =	wrdreg s4  }
0xb8: {  	[dreg:$0x3] =	wrdreg s6  }
0xb9: {  	[dreg:$0x4] =	wrdreg $0xC0  }
0xba: {  	_ =	task [dreg:s22], $0x5FFFF  }
0xbb: {  	[dreg:$0x1] =	wrdreg $0xFFFFFFFF  }
0xbc: {  	[dreg:$0x0] =	wrdreg $0x60  }
0xbd: {  	[dreg:$0x2] =	wrdreg s18  }
0xbe: {  	[dreg:$0x3] =	wrdreg s24  }
0xbf: {  	[dreg:$0x4] =	wrdreg $0x9  }
0xc0: {  	_ =	task.clear_ibuf [dreg:s22], $0x5FFFF;
	_ =	strace $0x9000004C  }
0xc1: {  	s29 =	simm.s32 $0x9;
	_ =	strace $0x8000004E  }
0xc2: {  	_ =	swait.ge [sflag:s29], $0x1  }
0xc3: {  	[sflag:s29] =	ssyncadd.s32 $0xFFFFFFFF  }
0xc4: {  	_ =	strace $0x9000004E  }
0xc5: {  	_ =	sfence  }
0xc6: {  	s30 =	sld [smem:$0x0];
	_ =	sdelay $0x2  }
0xc7: {  	s31 =	sshll.u32 s1, $0xD;
	s1 =	sshrl.u32 s1, $0x2  }
0xc8: {  	s4 =	sand.u32 $0x4000, s31;
	s1 =	sadd.s32 s1, s30  }
0xc9: {  	s0 =	sor.u32 s4, s0;
	s1 =	sshll.u32 s1, $0x11  }
0xca: {  	s0 =	sor.u32 s1, s0  }
0xcb: {  	s0 =	sadd.s32 $0x8F2B, s0  }
0xcc: {  	[sflag:s0] =	ssyncadd.remote.s32 $0x1  }
0xcd: {  	_ =	sfence.sel $0xFFFF  }
0xce: {  	[dreg:$0x0] =	wrdreg $0xFFFFFFFF;
	(pc) =	sbr.abs _section_cstart, $3  }
0xcf: {  	[dreg:$0x1] =	wrdreg $0xFFFFFFFF  }
0xd0: {  	_ =	task.clear_ibuf [dreg:s22], $0x2FFFF;
	_ =	strace $0x9FFFFFFF  }
0xd1: {  	(tm) =	ssettm $0x7FFFFFFF  }
tec
execute0_lowered:
.L_overlay_start_1:
0x0: {  	(tag) =	ssettag $0x1  }
0x1: {  	s1 =	srdreg.scid  }
0x2: {  	s0 =	stileid.u32;
	s2 =	rddreg [dreg:$0x0]  }
0x3: {  	s4 =	rddreg [dreg:$0x1];
	s26 =	simm.s32 $0x80;
	s10 =	simm.s32 $0x1500  }
0x4: {  	s11 =	simm.s32 $0x1900;
	s12 =	simm.s32 $0x2100;
	s13 =	simm.s32 $0x2500  }
0x5: {  	s14 =	simm.s32 $0x2D00;
	s15 =	simm.s32 $0x3100;
	s16 =	simm.s32 $0x3900  }
0x6: {  	s17 =	simm.s32 $0x2;
	s18 =	simm.s32 $0x3D00;
	s19 =	simm.s32 $0x4500  }
0x7: {  	s20 =	simm.s32 $0x4900;
	s21 =	simm.s32 $0x5100;
	s28 =	simm.s32 $0x7500  }
0x8: {  	s29 =	simm.s32 $0x3;
	s1 =	sand.u32 $0x1, s1;
	s3 =	sshll.u32 s0, $0x1  }
0x9: {  	s30 =	simm.s32 $0x4;
	s31 =	simm.s32 $0x5;
	s5 =	sor.u32 s1, s3  }
0xa: {  	s3 =	simm.s32 $0x0;
	s1 =	ssub.s32 $0x2, s1;
	s6 =	smul.u32 $0x7800, s5  }
0xb: {  	v0 =	vlaneseq.u32;
	[smem:$0x7FF] =	sst s3;
	s5 =	sshll.u32 s5, $0x5;
	s7 =	sshrl.u32 s1, $0x1  }
0xc: {  	v2 =	vimm.s32 $0x23222120;
	vm0 =	vmmov $0xffff;
	v3 =	vimm.s32 $0x27262524;
	_ =	strace $0x8000004D;
	s5 =	sadd.s32 s5, s4;
	s1 =	ssub.s32 s1, s7  }
0xd: {  	vm1 =	vcmask $0xF00;
	v4 =	vimm.s32 $0xA3A2A1A0;
	vm2 =	vcmask $0x1F10;
	[dreg:$0x7] =	wrdreg s26;
	s7 =	simm.s32 $0x100;
	s26 =	simm.s32 $0x6D00  }
0xe: {  	v1 =	vor.u32 $0x10, v0;
	v2 =	vunpack.c.0.s8.s32 v2;
	v3 =	vunpack.c.0.s8.s32 v3;
	s6 =	sshrl.u32 s6, $0x3;
	s22 =	sadd.s32 $0x3800, s5;
	s23 =	sadd.s32 $0x3810, s5  }
0xf: {  	v5 =	vunpack.c.0.s8.s32 v4;
	v4 =	vimm.s32 $0xA7A6A5A4;
	v6 =	vshrl.u32 v0, $0x3;
	s5 =	smax.u32 s1, $0x1;
	s1 =	simm.s32 $0x6;
	[dreg:$0x3] =	wrdreg s22  }
0x10: {  	v7 =	vunpack.c.0.s8.s32 v4;
	v4 =	vmul.u32 $0x8, v6;
	v2 =	vnsel vm1, $0x27, v2;
	s6 =	sadd.s32 s6, s4;
	[dreg:$0x4] =	wrdreg s23;
	s4 =	sadd.s32 $0x100, s2  }
0x11: {  	v6 =	vnsel vm1, $0xA7, v5;
	vm1 =	vmmov $0xff;
	v5 =	vor.u32 $0x8, v0;
	s22 =	simm.s32 $0x5500;
	s23 =	simm.s32 $0x5D00;
	s24 =	sadd.s32 $0x22C00, s6  }
0x12: {  	v2 =	vsel vm2, v3, v2;
	v3 =	vand.u32 $0x7, v0;
	v8 =	vsel vm2, v7, v6;
	s25 =	sadd.s32 $0x23380, s6;
	s6 =	simm.s32 $0x1;
	[dreg:$0x5] =	wrdreg s24  }
0x13: {  	v6 =	vor.u32 $0x80, v0;
	v7 =	vor.u32 $0x90, v0;
	v8 =	vand.u32 $0xFF, v8;
	[dreg:$0x6] =	wrdreg s25;
	s24 =	simm.s32 $0x6100;
	s25 =	simm.s32 $0x6900  }
.LBB2_1:
0x14: {  	s0 =	rddreg [dreg:$0x3]  }
0x15: {  	s8 =	rddreg [dreg:$0x4]  }
0x16: {  	[tilespmem:s3], [sflag:$0x1] =	stream.linear.gather [hbm4b:s0+s3], $0x80, $0x38;
	[tilespmem:$0x7900] =	vst v63  }
0x17: {  	s9 =	rddreg [dreg:$0x7]  }
0x18: {  	[tilespmem:s9], [sflag:$0x2] =	stream.linear.gather [hbm4b:s8+s3], $0x80, $0x38;
	[tilespmem:$0x7900] =	vst v63  }
0x19: {  	_ =	swait.ge [sflag:s6], $0x80  }
0x1a: {  	[sflag:s6] =	ssyncset.done $0x0  }
0x1b: {  	[sflag:s6] =	ssyncadd.s32 $0xFFFFFF80  }
0x1c: {  	v9 =	vld.idx.msk [tilespmem:v0+s3+$0x0], $0xffff;
	_ =	sdelay $0x4  }
0x1d: {  	vm2 =	vlt.s32 v9, $0xFFF  }
0x1e: {  	v9 =	vnsel vm2, $0xFFF, v9  }
0x1f: {  	[tilespmem:v0+s3+$0x0] =	vst.idx.msk $0xffff, v9  }
0x20: {  	v9 =	vld.idx.msk [tilespmem:v1+s3+$0x0], $0xffff;
	_ =	sdelay $0x4  }
0x21: {  	vm2 =	vlt.s32 v9, $0xFFF  }
0x22: {  	v9 =	vnsel vm2, $0xFFF, v9  }
0x23: {  	[tilespmem:v1+s3+$0x0] =	vst.idx.msk $0xffff, v9  }
0x24: {  	v9 =	vld.idx.msk [tilespmem:v2+s3+$0x0], $0xffff;
	_ =	sdelay $0x4  }
0x25: {  	vm2 =	vlt.s32 v9, $0xFFF  }
0x26: {  	v9 =	vnsel vm2, $0xFFF, v9  }
0x27: {  	[tilespmem:v2+s3+$0x0] =	vst.idx.msk $0xffff, v9  }
0x28: {  	v9 =	vld [tilespmem:$0x0];
	_ =	sdelay $0x4  }
0x29: {  	v10 =	vshrl.u32 v9, $0x3  }
0x2a: {  	v10 =	vmul.u32 $0x18, v10  }
0x2b: {  	v9 =	vand.u32 $0x7, v9  }
0x2c: {  	v9 =	vor.u32 v9, v10  }
0x2d: {  	v10 =	vperm.xlane v9, v3;
	_ =	sdelay $0x1  }
0x2e: {  	v10 =	vadd.s32 v4, v10;
	_ =	sdelay $0x1  }
0x2f: {  	v9 =	vperm.xlane v9, v5;
	_ =	sdelay $0x1  }
0x30: {  	v9 =	vadd.s32 v4, v9  }
0x31: {  	[tilespmem:s7], [sflag:$0x3] =	stream.indirect_vreg.gather [hbm4b:s2+s3], $0x80, v10, vm0, $0xb8;
	[tilespmem:$0x7900] =	vst v63  }
0x32: {  	s8 =	simm.s32 $0x900  }
0x33: {  	[tilespmem:s8], [sflag:$0x3] =	stream.indirect_vreg.gather [hbm4b:s4+s3], $0x80, v10, vm1, $0xb8;
	[tilespmem:$0x7900] =	vst v63  }
0x34: {  	s9 =	simm.s32 $0xD00  }
0x35: {  	[tilespmem:s9], [sflag:$0x3] =	stream.indirect_vreg.gather [hbm4b:s2+s3], $0x80, v9, vm0, $0xb8;
	[tilespmem:$0x7900] =	vst v63  }
0x36: {  	_ = 	snop  }
0x37: {  	[tilespmem:s10], [sflag:$0x3] =	stream.indirect_vreg.gather [hbm4b:s4+s3], $0x80, v9, vm1, $0xb8;
	[tilespmem:$0x7900] =	vst v63  }
0x38: {  	v9 =	vld [tilespmem:$0x10];
	_ =	sdelay $0x4  }
0x39: {  	v10 =	vshrl.u32 v9, $0x3  }
0x3a: {  	v10 =	vmul.u32 $0x18, v10  }
0x3b: {  	v9 =	vand.u32 $0x7, v9  }
0x3c: {  	v9 =	vor.u32 v9, v10  }
0x3d: {  	v10 =	vperm.xlane v9, v3;
	_ =	sdelay $0x1  }
0x3e: {  	v10 =	vadd.s32 v4, v10;
	_ =	sdelay $0x1  }
0x3f: {  	v9 =	vperm.xlane v9, v5;
	_ =	sdelay $0x1  }
0x40: {  	v9 =	vadd.s32 v4, v9  }
0x41: {  	[tilespmem:s11], [sflag:$0x3] =	stream.indirect_vreg.gather [hbm4b:s2+s3], $0x80, v10, vm0, $0xb8;
	[tilespmem:$0x7900] =	vst v63  }
0x42: {  	_ = 	snop  }
0x43: {  	[tilespmem:s12], [sflag:$0x3] =	stream.indirect_vreg.gather [hbm4b:s4+s3], $0x80, v10, vm1, $0xb8;
	[tilespmem:$0x7900] =	vst v63  }
0x44: {  	_ = 	snop  }
0x45: {  	[tilespmem:s13], [sflag:$0x3] =	stream.indirect_vreg.gather [hbm4b:s2+s3], $0x80, v9, vm0, $0xb8;
	[tilespmem:$0x7900] =	vst v63  }
0x46: {  	_ = 	snop  }
0x47: {  	[tilespmem:s14], [sflag:$0x3] =	stream.indirect_vreg.gather [hbm4b:s4+s3], $0x80, v9, vm1, $0xb8;
	[tilespmem:$0x7900] =	vst v63  }
0x48: {  	v9 =	vld.msk [tilespmem:$0x20], $0xff;
	_ =	sdelay $0x4  }
0x49: {  	v10 =	vshrl.u32 v9, $0x3  }
0x4a: {  	v10 =	vmul.u32 $0x18, v10  }
0x4b: {  	v9 =	vand.u32 $0x7, v9  }
0x4c: {  	v9 =	vor.u32 v9, v10  }
0x4d: {  	v9 =	vperm.xlane v9, v3;
	_ =	sdelay $0x1  }
0x4e: {  	v9 =	vadd.s32 v4, v9;
	_ =	sdelay $0x4  }
0x4f: {  	[tilespmem:s15], [sflag:$0x3] =	stream.indirect_vreg.gather [hbm4b:s2+s3], $0x80, v9, vm0, $0xb8;
	[tilespmem:$0x7900] =	vst v63  }
0x50: {  	_ = 	snop  }
0x51: {  	[tilespmem:s16], [sflag:$0x3] =	stream.indirect_vreg.gather [hbm4b:s4+s3], $0x80, v9, vm1, $0xb8;
	[tilespmem:$0x7900] =	vst v63  }
0x52: {  	_ =	swait.ge [sflag:s17], $0x80  }
0x53: {  	[sflag:s17] =	ssyncset.done $0x0  }
0x54: {  	[sflag:s17] =	ssyncadd.s32 $0xFFFFFF80  }
0x55: {  	v9 =	vld.idx.msk [tilespmem:v6+s3+$0x0], $0xffff;
	_ =	sdelay $0x4  }
0x56: {  	vm2 =	vlt.s32 v9, $0xFFF  }
0x57: {  	v9 =	vnsel vm2, $0xFFF, v9  }
0x58: {  	[tilespmem:v6+s3+$0x0] =	vst.idx.msk $0xffff, v9  }
0x59: {  	v9 =	vld.idx.msk [tilespmem:v7+s3+$0x0], $0xffff;
	_ =	sdelay $0x4  }
0x5a: {  	vm2 =	vlt.s32 v9, $0xFFF  }
0x5b: {  	v9 =	vnsel vm2, $0xFFF, v9  }
0x5c: {  	[tilespmem:v7+s3+$0x0] =	vst.idx.msk $0xffff, v9  }
0x5d: {  	v9 =	vld.idx.msk [tilespmem:v8+s3+$0x0], $0xffff;
	_ =	sdelay $0x4  }
0x5e: {  	vm2 =	vlt.s32 v9, $0xFFF  }
0x5f: {  	v9 =	vnsel vm2, $0xFFF, v9  }
0x60: {  	[tilespmem:v8+s3+$0x0] =	vst.idx.msk $0xffff, v9  }
0x61: {  	v9 =	vld [tilespmem:$0x80];
	_ =	sdelay $0x4  }
0x62: {  	v10 =	vshrl.u32 v9, $0x3  }
0x63: {  	v10 =	vmul.u32 $0x18, v10  }
0x64: {  	v9 =	vand.u32 $0x7, v9  }
0x65: {  	v9 =	vor.u32 v9, v10  }
0x66: {  	v10 =	vperm.xlane v9, v3;
	_ =	sdelay $0x1  }
0x67: {  	v10 =	vadd.s32 v4, v10;
	_ =	sdelay $0x1  }
0x68: {  	v9 =	vperm.xlane v9, v5;
	_ =	sdelay $0x1  }
0x69: {  	v9 =	vadd.s32 v4, v9  }
0x6a: {  	[tilespmem:s18], [sflag:$0x4] =	stream.indirect_vreg.gather [hbm4b:s2+s3], $0x80, v10, vm0, $0xb8;
	[tilespmem:$0x7900] =	vst v63  }
0x6b: {  	_ = 	snop  }
0x6c: {  	[tilespmem:s19], [sflag:$0x4] =	stream.indirect_vreg.gather [hbm4b:s4+s3], $0x80, v10, vm1, $0xb8;
	[tilespmem:$0x7900] =	vst v63  }
0x6d: {  	_ = 	snop  }
0x6e: {  	[tilespmem:s20], [sflag:$0x4] =	stream.indirect_vreg.gather [hbm4b:s2+s3], $0x80, v9, vm0, $0xb8;
	[tilespmem:$0x7900] =	vst v63  }
0x6f: {  	_ = 	snop  }
0x70: {  	[tilespmem:s21], [sflag:$0x4] =	stream.indirect_vreg.gather [hbm4b:s4+s3], $0x80, v9, vm1, $0xb8;
	[tilespmem:$0x7900] =	vst v63  }
0x71: {  	v9 =	vld [tilespmem:$0x90];
	_ =	sdelay $0x4  }
0x72: {  	v10 =	vshrl.u32 v9, $0x3  }
0x73: {  	v10 =	vmul.u32 $0x18, v10  }
0x74: {  	v9 =	vand.u32 $0x7, v9  }
0x75: {  	v9 =	vor.u32 v9, v10  }
0x76: {  	v10 =	vperm.xlane v9, v3;
	_ =	sdelay $0x1  }
0x77: {  	v10 =	vadd.s32 v4, v10;
	_ =	sdelay $0x1  }
0x78: {  	v9 =	vperm.xlane v9, v5;
	_ =	sdelay $0x1  }
0x79: {  	v9 =	vadd.s32 v4, v9  }
0x7a: {  	[tilespmem:s22], [sflag:$0x4] =	stream.indirect_vreg.gather [hbm4b:s2+s3], $0x80, v10, vm0, $0xb8;
	[tilespmem:$0x7900] =	vst v63  }
0x7b: {  	_ = 	snop  }
0x7c: {  	[tilespmem:s23], [sflag:$0x4] =	stream.indirect_vreg.gather [hbm4b:s4+s3], $0x80, v10, vm1, $0xb8;
	[tilespmem:$0x7900] =	vst v63  }
0x7d: {  	_ = 	snop  }
0x7e: {  	[tilespmem:s24], [sflag:$0x4] =	stream.indirect_vreg.gather [hbm4b:s2+s3], $0x80, v9, vm0, $0xb8;
	[tilespmem:$0x7900] =	vst v63  }
0x7f: {  	_ = 	snop  }
0x80: {  	[tilespmem:s25], [sflag:$0x4] =	stream.indirect_vreg.gather [hbm4b:s4+s3], $0x80, v9, vm1, $0xb8;
	[tilespmem:$0x7900] =	vst v63  }
0x81: {  	v9 =	vld.msk [tilespmem:$0xA0], $0xff;
	_ =	sdelay $0x4  }
0x82: {  	v10 =	vshrl.u32 v9, $0x3  }
0x83: {  	v10 =	vmul.u32 $0x18, v10  }
0x84: {  	v9 =	vand.u32 $0x7, v9  }
0x85: {  	v9 =	vor.u32 v9, v10  }
0x86: {  	v9 =	vperm.xlane v9, v3;
	_ =	sdelay $0x1  }
0x87: {  	v9 =	vadd.s32 v4, v9;
	_ =	sdelay $0x4  }
0x88: {  	[tilespmem:s26], [sflag:$0x4] =	stream.indirect_vreg.gather [hbm4b:s2+s3], $0x80, v9, vm0, $0xb8;
	[tilespmem:$0x7900] =	vst v63  }
0x89: {  	_ = 	snop  }
0x8a: {  	[tilespmem:s28], [sflag:$0x4] =	stream.indirect_vreg.gather [hbm4b:s4+s3], $0x80, v9, vm1, $0xb8;
	[tilespmem:$0x7900] =	vst v63  }
0x8b: {  	_ =	swait.ge [sflag:s29], $0x3C00  }
0x8c: {  	[sflag:s29] =	ssyncset.done $0x0  }
0x8d: {  	s8 =	rddreg [dreg:$0x5];
	[sflag:s29] =	ssyncadd.s32 $0xFFFFC400  }
0x8e: {  	[hbm4b:s8+s3] =	stream.linear.scatter [tilespmem:s7], [sflag:$0x5], $0x3C00, $0x38;
	[tilespmem:$0x7900] =	vst v63  }
0x8f: {  	_ =	swait.ge [sflag:s30], $0x3C00  }
0x90: {  	[sflag:s30] =	ssyncset.done $0x0  }
0x91: {  	s9 =	rddreg [dreg:$0x6];
	[sflag:s30] =	ssyncadd.s32 $0xFFFFC400  }
0x92: {  	[hbm4b:s9+s3] =	stream.linear.scatter [tilespmem:s18], [sflag:$0x6], $0x3C00, $0x38;
	[tilespmem:$0x7900] =	vst v63  }
0x93: {  	p0 =	sne.s32 s5, $0x1;
	_ =	swait.ge [sflag:s31], $0x3C00  }
.Ltmp0:
0x94: {  	[sflag:s31] =	ssyncset.done $0x0;
	(pc) =	sbr.rel @p0 .LBB2_1-.Ltmp0, $4  }
0x95: {  	[sflag:s31] =	ssyncadd.s32 $0xFFFFC400  }
0x96: {  	_ =	swait.ge [sflag:s1], $0x3C00  }
0x97: {  	[sflag:s1] =	ssyncset.done $0x0  }
0x98: {  	s5 =	sadd.s32 $0xFFFFFFFF, s5;
	[sflag:s1] =	ssyncadd.s32 $0xFFFFC400  }
0x99: {  	_ =	sfence.sel $0x180000  }
0x9a: {  	[bflag:$0x0] =	sbarrier.arrive $0xFFFF  }
0x9b: {  	_ =	strace $0x9000004D  }
0x9c: {  	s0 =	stileid.u32;
	[bflag:$0x2] =	sbarrier.arrive $0xFFFF  }
0x9d: {  	p0 =	sne.s32 s0, $0x0;
	s0 =	rddreg [dreg:$0x2]  }
0x9e: {  	s0 =	sadd.s32 @!p0 $0x100000, s0  }
0x9f: {  	[sflag:s0] =	ssyncadd.tile.s32 @!p0 $0x1;
	_ =	shalt  }
.Lfunc_end2:
_tile_overlayer_lowered:
.L_overlay_start_2:
0xa0: {  	(tag) =	ssettag $0x2  }
0xa1: {  	s0 =	rddreg [dreg:$0x0];
	s2 =	stileid.u32  }
0xa2: {  	s1 =	rddreg [dreg:$0x1];
	p0 =	sne.s32 s2, $0x0  }
0xa3: {  	s3 =	rddreg [dreg:$0x2];
	[bflag:$0x3] =	sbarrier.arrive $0xFFFF;
	s2 =	simm.s32 @!p0 $0x1C07  }
0xa4: {  	[timem:s3], [sflag:s2] =	dma.local @!p0 [hbm:s0], s1  }
0xa5: {  	s0 =	simm.s32 @!p0 $0x7  }
0xa6: {  	_ =	swait.ge @!p0 [sflag:s0], s1  }
0xa7: {  	s1 =	ssub.s32 @!p0 $0x0, s1;
	[sflag:s0] =	ssyncset.done @!p0 $0x0  }
0xa8: {  	[sflag:s0] =	ssyncadd.s32 @!p0 s1  }
0xa9: {  	[bflag:$0x3] =	sbarrier.arrive $0xFFFF  }
0xaa: {  	_ =	shalt  }

// kernel: kernel.16.cloned.1.call-start
scs
__scs_entry_jumppad:
0x0: {  	(pc) =	sbr.rel $0x88, $3  }
0x1: {  	(tag) =	ssettag $0x0;
	lr =	simm.s32 $0x1  }
0x2: {  	[smem:$0x3F9A] =	sst lr;
	_ =	strace $0xD0000000  }
0x3: {  	_ = 	snop  }
0x4: {  	_ = 	snop  }
0x5: {  	_ = 	snop  }
0x6: {  	_ = 	snop  }
0x7: {  	_ = 	snop  }
__scs_overlays_trampoline_lowered:
0x8: {  	[smem:$0x3FA9] =	sst s0  }
0x9: {  	[smem:$0x3FAA] =	sst s1  }
0xa: {  	[smem:$0x3FAB] =	sst s2  }
0xb: {  	[smem:$0x3FAC] =	sst s3  }
0xc: {  	[smem:$0x3FAD] =	sst s4  }
0xd: {  	[smem:$0x3FAE] =	sst s5  }
0xe: {  	[smem:$0x3FAF] =	sst s6  }
0xf: {  	[smem:$0x3FB0] =	sst s7  }
0x10: {  	[smem:$0x3FB1] =	sst s8  }
0x11: {  	[smem:$0x3FB2] =	sst s9;
	s0 =	simm.s32 @!p0 $0x0  }
0x12: {  	s1 =	sld [smem:$0x3F98];
	s0 =	simm.s32 @p0 $0x1  }
0x13: {  	[smem:$0x3FB3] =	sst s0;
	s0 =	simm.s32 @!p1 $0x0  }
0x14: {  	s2 =	sld [smem:$0x3F97];
	s0 =	simm.s32 @p1 $0x1  }
0x15: {  	[smem:$0x3FB4] =	sst s0;
	s0 =	simm.s32 @!p2 $0x0  }
0x16: {  	s3 =	sld [smem:$0x3FDB];
	s0 =	simm.s32 @p2 $0x1  }
0x17: {  	s4 =	simm.s32 $0x1BF5;
	[smem:$0x3FB6] =	sst s0  }
0x18: {  	s0 =	sld [smem:$0x3F99];
	_ =	swait.ge [sflag:s4], $0x0  }
0x19: {  	s7 =	sld [smem:$0x3F9A]  }
0x1a: {  	s8 =	sadd.s32 $0xFFFFE003, lr  }
0x1b: {  	s9 =	sadd.s32 $0xFFFFFEF7, lr;
	s5 =	simm.s32 $0xFFFFFFFF;
	p2 =	slt.u32 s8, $0xFFFFF086  }
0x1c: {  	p1 =	slt.u32 s9, $0xF7A;
	s5 =	simm.s32 @!p2 $0x0  }
0x1d: {  	s5 =	simm.s32 @p1 $0x1;
	p0 =	seq.s32 s7, s2  }
0x1e: {  	s7 =	smul.u32 @!p0 $0xF7A, s2;
	p2 =	seq.s32 @!p0 s5, $0x0  }
0x1f: {  	s9 =	smul.u32 $0xF7A, s1;
	s8 =	simm.s32 @!p0 $0x1BF5;
	p2 =	por !p2, p0  }
0x20: {  	[sflag:s8] =	ssyncset.s32 @!p0 $0xFFFFF086;
	s6 =	sadd.s32 @!p0 s3, s7;
	s7 =	simm.s32 @!p0 $0x108  }
0x21: {  	s3 =	sadd.s32 s3, s9;
	s6 =	sadd.s32 @!p0 $0x88, s6;
	s7 =	simm.s32 @p2 $0x1082  }
0x22: {  	[simem:s7], [sflag:s8] =	dma.local @!p0 [hbm:s6], $0xF7A  }
0x23: {  	s9 =	sor.u32 $0xD0000000, s2;
	s6 =	simm.s32 $0x108;
	_ =	swait.ge @!p0 [sflag:s8], $0x0  }
0x24: {  	s3 =	sadd.s32 $0x88, s3;
	s6 =	simm.s32 @!p1 $0x1082;
	[sflag:s4] =	ssyncset.s32 $0xFFFFF086  }
0x25: {  	[simem:s6], [sflag:s4] =	dma.local [hbm:s3], $0xF7A  }
0x26: {  	[smem:$0x3F9A] =	sst s1;
	(tag) =	ssettag s2;
	_ =	strace s9  }
0x27: {  	s1 =	sld [smem:$0x3FAA]  }
0x28: {  	s2 =	sld [smem:$0x3FAB]  }
0x29: {  	s4 =	sld [smem:$0x3FAD]  }
0x2a: {  	p0 =	seq.s32 s5, $0x0;
	s5 =	sld [smem:$0x3FAE]  }
0x2b: {  	s6 =	sld [smem:$0x3FAF]  }
0x2c: {  	s7 =	sld [smem:$0x3FB0]  }
0x2d: {  	s3 =	simm.s32 $0x108;
	s8 =	sld [smem:$0x3FB1]  }
0x2e: {  	s3 =	simm.s32 @!p0 $0x1082;
	s9 =	sld [smem:$0x3FB2]  }
0x2f: {  	lr =	sadd.s32 s0, s3;
	s0 =	sld [smem:$0x3FA9]  }
0x30: {  	s3 =	sld [smem:$0x3FAC]  }
0x31: {  	[smem:$0x3FB5] =	sst s10  }
0x32: {  	s10 =	sld [smem:$0x3FB3];
	_ =	sdelay $0x3  }
0x33: {  	p0 =	seq.s32 s10, $0x1;
	s10 =	sld [smem:$0x3FB5];
	_ =	sdelay $0x3  }
0x34: {  	[smem:$0x3FB5] =	sst s10  }
0x35: {  	s10 =	sld [smem:$0x3FB4];
	_ =	sdelay $0x3  }
0x36: {  	p1 =	seq.s32 s10, $0x1;
	s10 =	sld [smem:$0x3FB5];
	_ =	sdelay $0x3  }
0x37: {  	[smem:$0x3FB5] =	sst s10  }
0x38: {  	s10 =	sld [smem:$0x3FB6]  }
0x39: {  	_ = 	snop;
	(pc) =	sbr.ind lr, $3  }
0x3a: {  	_ = 	snop  }
0x3b: {  	_ = 	snop  }
0x3c: {  	p2 =	seq.s32 s10, $0x1;
	s10 =	sld [smem:$0x3FB5]  }
0x3d: {  	_ =	shalt  }
0x3e: {  	_ =	shalt  }
0x3f: {  	_ =	shalt  }
0x40: {  	_ =	shalt  }
0x41: {  	_ =	shalt  }
0x42: {  	_ =	shalt  }
0x43: {  	_ =	shalt  }
0x44: {  	_ =	shalt  }
0x45: {  	_ =	shalt  }
0x46: {  	_ =	shalt  }
0x47: {  	_ =	shalt  }
0x48: {  	_ =	shalt  }
0x49: {  	_ =	shalt  }
0x4a: {  	_ =	shalt  }
0x4b: {  	_ =	shalt  }
0x4c: {  	_ =	shalt  }
0x4d: {  	_ =	shalt  }
0x4e: {  	_ =	shalt  }
0x4f: {  	_ =	shalt  }
0x50: {  	_ =	shalt  }
0x51: {  	_ =	shalt  }
0x52: {  	_ =	shalt  }
0x53: {  	_ =	shalt  }
0x54: {  	_ =	shalt  }
0x55: {  	_ =	shalt  }
0x56: {  	_ =	shalt  }
0x57: {  	_ =	shalt  }
0x58: {  	_ =	shalt  }
0x59: {  	_ =	shalt  }
0x5a: {  	_ =	shalt  }
0x5b: {  	_ =	shalt  }
0x5c: {  	_ =	shalt  }
0x5d: {  	_ =	shalt  }
0x5e: {  	_ =	shalt  }
0x5f: {  	_ =	shalt  }
0x60: {  	_ =	shalt  }
0x61: {  	_ =	shalt  }
0x62: {  	_ =	shalt  }
0x63: {  	_ =	shalt  }
0x64: {  	_ =	shalt  }
0x65: {  	_ =	shalt  }
0x66: {  	_ =	shalt  }
0x67: {  	_ =	shalt  }
0x68: {  	_ =	shalt  }
0x69: {  	_ =	shalt  }
0x6a: {  	_ =	shalt  }
0x6b: {  	_ =	shalt  }
0x6c: {  	_ =	shalt  }
0x6d: {  	_ =	shalt  }
0x6e: {  	_ =	shalt  }
0x6f: {  	_ =	shalt  }
0x70: {  	_ =	shalt  }
0x71: {  	_ =	shalt  }
0x72: {  	_ =	shalt  }
0x73: {  	_ =	shalt  }
0x74: {  	_ =	shalt  }
0x75: {  	_ =	shalt  }
0x76: {  	_ =	shalt  }
0x77: {  	_ =	shalt  }
0x78: {  	_ =	shalt  }
0x79: {  	_ =	shalt  }
0x7a: {  	_ =	shalt  }
0x7b: {  	_ =	shalt  }
0x7c: {  	_ =	shalt  }
0x7d: {  	_ =	shalt  }
0x7e: {  	_ =	shalt  }
0x7f: {  	_ =	shalt  }
0x80: {  	_ =	shalt  }
0x81: {  	_ =	shalt  }
0x82: {  	_ =	shalt  }
0x83: {  	_ =	shalt  }
0x84: {  	_ =	shalt  }
0x85: {  	_ =	shalt  }
0x86: {  	_ =	shalt  }
0x87: {  	_ =	shalt  }
.Lfunc_end0:
.L_simem_size_0:
called_computation.2_lowered:
.L_overlay_start_0:
0x88: {  	s2 =	sld [smem:$0x3FD9]  }
0x89: {  	s3 =	sld [smem:$0x3FFE];
	_ =	sdelay $0x1  }
0x8a: {  	s1 =	srdreg.scid  }
0x8b: {  	s0 =	sand.u32 $0x1, s1  }
0x8c: {  	s17 =	sshll.u32 s0, $0xA;
	s2 =	sadd.s32 s3, s2  }
0x8d: {  	s2 =	sadd.s32 s2, s17  }
0x8e: {  	[smem:$0x3FC1] =	sst s2  }
0x8f: {  	_ = 	snop  }
0x90: {  	s2 =	sld [smem:$0x3FD0];
	(tm) =	ssettm $0x1  }
0x91: {  	s18 =	sld [smem:$0x3FFB];
	_ =	sdelay $0x3  }
0x92: {  	_ =	strace s18  }
0x93: {  	s3 =	sld [smem:$0x3FFC];
	_ =	sdelay $0x3  }
0x94: {  	_ =	strace s3  }
0x95: {  	s3 =	sld [smem:$0x3FFD];
	_ =	sdelay $0x3  }
0x96: {  	_ =	strace s3  }
0x97: {  	_ =	strace $0x8FFFFFFF  }
0x98: {  	s19 =	sld [smem:$0x3FDB];
	_ =	sdelay $0x1  }
0x99: {  	s4 =	simm.s32 $_scs_section_size  }
0x9a: {  	s5 =	simm.s32 $_size__tile_overlayer_lowered;
	s6 =	simm.s32 $_tile_overlayer_lowered  }
0x9b: {  	s22 =	simm.s32 $0x1BFF;
	s21 =	sshll.u32 s6, $0x1;
	s3 =	sadd.s32 s4, s19  }
0x9c: {  	s7 =	simm.s32 $0x0;
	s20 =	sshll.u32 s5, $0x1;
	s5 =	sadd.s32 s21, s3  }
0x9d: {  	[timem:s7], [sflag:s22] =	dma.local [hbm:s5], s20  }
0x9e: {  	_ =	swait.ge [sflag:s22], s20  }
0x9f: {  	s4 =	ssub.s32 $0x0, s20;
	[sflag:s22] =	ssyncset.done $0x0  }
0xa0: {  	[sflag:s22] =	ssyncadd.s32 s4;
	_ =	sdelay $0x1  }
0xa1: {  	s23 =	simm.s32 $0x1B8B  }
0xa2: {  	_ =	swait.ge [sflag:s23], $0x1  }
0xa3: {  	[sflag:s23] =	ssyncset.done $0x0  }
0xa4: {  	s25 =	simm.s32 $0x1B8E;
	s24 =	sld [smem:$0x3FFE];
	[sflag:s23] =	ssyncadd.s32 $0xFFFFFFFF  }
0xa5: {  	s26 =	simm.s32 $execute0_lowered;
	[smem:$0x3FD2] =	sst s25  }
0xa6: {  	s5 =	sshll.u32 s26, $0x1;
	_ =	strace $0x80000049;
	[dreg:$0x1] =	wrdreg $0xFFFFFFFF  }
0xa7: {  	s28 =	simm.s32 $_size_execute0_lowered;
	s3 =	sadd.s32 s3, s5;
	[dreg:$0x0] =	wrdreg $0x0  }
0xa8: {  	s5 =	sshll.u32 s28, $0x1;
	[dreg:$0x2] =	wrdreg s3  }
0xa9: {  	[dreg:$0x3] =	wrdreg s5  }
0xaa: {  	[dreg:$0x4] =	wrdreg $0xC0  }
0xab: {  	_ =	task [dreg:s7], $0x5FFFF  }
0xac: {  	[dreg:$0x1] =	wrdreg $0xFFFFFFFF  }
0xad: {  	[dreg:$0x0] =	wrdreg $0x60  }
0xae: {  	[dreg:$0x2] =	wrdreg s2  }
0xaf: {  	[dreg:$0x3] =	wrdreg s24  }
0xb0: {  	[dreg:$0x4] =	wrdreg $0xA  }
0xb1: {  	_ =	task.clear_ibuf [dreg:s7], $0x5FFFF;
	_ =	strace $0x90000049  }
0xb2: {  	s29 =	simm.s32 $0xA;
	_ =	strace $0x8000004B  }
0xb3: {  	_ =	swait.ge [sflag:s29], $0x1  }
0xb4: {  	[sflag:s29] =	ssyncadd.s32 $0xFFFFFFFF  }
0xb5: {  	_ =	strace $0x9000004B  }
0xb6: {  	_ =	sfence  }
0xb7: {  	s30 =	sld [smem:$0x0];
	_ =	sdelay $0x2  }
0xb8: {  	s31 =	sshll.u32 s1, $0xD;
	s1 =	sshrl.u32 s1, $0x2  }
0xb9: {  	s3 =	sand.u32 $0x4000, s31;
	s1 =	sadd.s32 s1, s30  }
0xba: {  	s0 =	sor.u32 s3, s0;
	s1 =	sshll.u32 s1, $0x11  }
0xbb: {  	s0 =	sor.u32 s1, s0  }
0xbc: {  	s0 =	sadd.s32 $0x8F2B, s0  }
0xbd: {  	[sflag:s0] =	ssyncadd.remote.s32 $0x1  }
0xbe: {  	_ =	sfence.sel $0xFFFF  }
0xbf: {  	[dreg:$0x0] =	wrdreg $0xFFFFFFFF;
	(pc) =	sbr.abs _section_cstart, $3  }
0xc0: {  	[dreg:$0x1] =	wrdreg $0xFFFFFFFF  }
0xc1: {  	_ =	task.clear_ibuf [dreg:s7], $0x2FFFF;
	_ =	strace $0x9FFFFFFF  }
0xc2: {  	(tm) =	ssettm $0x7FFFFFFF  }
0xc3: {  	_ =	shalt  }
tec
execute0_lowered:
.L_overlay_start_1:
0x0: {  	(tag) =	ssettag $0x1  }
0x1: {  	s1 =	srdreg.scid  }
0x2: {  	s0 =	stileid.u32;
	s2 =	rddreg [dreg:$0x0]  }
0x3: {  	s4 =	rddreg [dreg:$0x1];
	s26 =	simm.s32 $0x80;
	s10 =	simm.s32 $0x1500  }
0x4: {  	s11 =	simm.s32 $0x1900;
	s12 =	simm.s32 $0x2100;
	s13 =	simm.s32 $0x2500  }
0x5: {  	s14 =	simm.s32 $0x2D00;
	s15 =	simm.s32 $0x3100;
	s16 =	simm.s32 $0x3900  }
0x6: {  	s17 =	simm.s32 $0x2;
	s18 =	simm.s32 $0x3D00;
	s19 =	simm.s32 $0x4500  }
0x7: {  	s20 =	simm.s32 $0x4900;
	s21 =	simm.s32 $0x5100;
	s28 =	simm.s32 $0x7500  }
0x8: {  	s29 =	simm.s32 $0x3;
	s1 =	sand.u32 $0x1, s1;
	s3 =	sshll.u32 s0, $0x1  }
0x9: {  	s30 =	simm.s32 $0x4;
	s31 =	simm.s32 $0x5;
	s5 =	sor.u32 s1, s3  }
0xa: {  	s3 =	simm.s32 $0x0;
	s1 =	ssub.s32 $0x2, s1;
	s6 =	smul.u32 $0x7800, s5  }
0xb: {  	v0 =	vlaneseq.u32;
	[smem:$0x7FF] =	sst s3;
	s5 =	sshll.u32 s5, $0x5;
	s7 =	sshrl.u32 s1, $0x1  }
0xc: {  	v2 =	vimm.s32 $0x23222120;
	vm0 =	vmmov $0xffff;
	v3 =	vimm.s32 $0x27262524;
	_ =	strace $0x8000004A;
	s5 =	sadd.s32 s5, s4;
	s1 =	ssub.s32 s1, s7  }
0xd: {  	vm1 =	vcmask $0xF00;
	v4 =	vimm.s32 $0xA3A2A1A0;
	vm2 =	vcmask $0x1F10;
	[dreg:$0x7] =	wrdreg s26;
	s7 =	simm.s32 $0x100;
	s26 =	simm.s32 $0x6D00  }
0xe: {  	v1 =	vor.u32 $0x10, v0;
	v2 =	vunpack.c.0.s8.s32 v2;
	v3 =	vunpack.c.0.s8.s32 v3;
	s6 =	sshrl.u32 s6, $0x3;
	s22 =	sadd.s32 $0x4800, s5;
	s23 =	sadd.s32 $0x4810, s5  }
0xf: {  	v5 =	vunpack.c.0.s8.s32 v4;
	v4 =	vimm.s32 $0xA7A6A5A4;
	v6 =	vshrl.u32 v0, $0x3;
	s5 =	smax.u32 s1, $0x1;
	s1 =	simm.s32 $0x6;
	[dreg:$0x3] =	wrdreg s22  }
0x10: {  	v7 =	vunpack.c.0.s8.s32 v4;
	v4 =	vmul.u32 $0x8, v6;
	v2 =	vnsel vm1, $0x27, v2;
	s6 =	sadd.s32 s6, s4;
	[dreg:$0x4] =	wrdreg s23;
	s4 =	sadd.s32 $0x100, s2  }
0x11: {  	v6 =	vnsel vm1, $0xA7, v5;
	vm1 =	vmmov $0xff;
	v5 =	vor.u32 $0x8, v0;
	s22 =	simm.s32 $0x5500;
	s23 =	simm.s32 $0x5D00;
	s24 =	sadd.s32 $0x4C00, s6  }
0x12: {  	v2 =	vsel vm2, v3, v2;
	v3 =	vand.u32 $0x7, v0;
	v8 =	vsel vm2, v7, v6;
	s25 =	sadd.s32 $0x5380, s6;
	s6 =	simm.s32 $0x1;
	[dreg:$0x5] =	wrdreg s24  }
0x13: {  	v6 =	vor.u32 $0x80, v0;
	v7 =	vor.u32 $0x90, v0;
	v8 =	vand.u32 $0xFF, v8;
	[dreg:$0x6] =	wrdreg s25;
	s24 =	simm.s32 $0x6100;
	s25 =	simm.s32 $0x6900  }
.LBB2_1:
0x14: {  	s0 =	rddreg [dreg:$0x3]  }
0x15: {  	s8 =	rddreg [dreg:$0x4]  }
0x16: {  	[tilespmem:s3], [sflag:$0x1] =	stream.linear.gather [hbm4b:s0+s3], $0x80, $0x38;
	[tilespmem:$0x7900] =	vst v63  }
0x17: {  	s9 =	rddreg [dreg:$0x7]  }
0x18: {  	[tilespmem:s9], [sflag:$0x2] =	stream.linear.gather [hbm4b:s8+s3], $0x80, $0x38;
	[tilespmem:$0x7900] =	vst v63  }
0x19: {  	_ =	swait.ge [sflag:s6], $0x80  }
0x1a: {  	[sflag:s6] =	ssyncset.done $0x0  }
0x1b: {  	[sflag:s6] =	ssyncadd.s32 $0xFFFFFF80  }
0x1c: {  	v9 =	vld.idx.msk [tilespmem:v0+s3+$0x0], $0xffff;
	_ =	sdelay $0x4  }
0x1d: {  	vm2 =	vlt.s32 v9, $0xFFF  }
0x1e: {  	v9 =	vnsel vm2, $0xFFF, v9  }
0x1f: {  	[tilespmem:v0+s3+$0x0] =	vst.idx.msk $0xffff, v9  }
0x20: {  	v9 =	vld.idx.msk [tilespmem:v1+s3+$0x0], $0xffff;
	_ =	sdelay $0x4  }
0x21: {  	vm2 =	vlt.s32 v9, $0xFFF  }
0x22: {  	v9 =	vnsel vm2, $0xFFF, v9  }
0x23: {  	[tilespmem:v1+s3+$0x0] =	vst.idx.msk $0xffff, v9  }
0x24: {  	v9 =	vld.idx.msk [tilespmem:v2+s3+$0x0], $0xffff;
	_ =	sdelay $0x4  }
0x25: {  	vm2 =	vlt.s32 v9, $0xFFF  }
0x26: {  	v9 =	vnsel vm2, $0xFFF, v9  }
0x27: {  	[tilespmem:v2+s3+$0x0] =	vst.idx.msk $0xffff, v9  }
0x28: {  	v9 =	vld [tilespmem:$0x0];
	_ =	sdelay $0x4  }
0x29: {  	v10 =	vshrl.u32 v9, $0x3  }
0x2a: {  	v10 =	vmul.u32 $0x18, v10  }
0x2b: {  	v9 =	vand.u32 $0x7, v9  }
0x2c: {  	v9 =	vor.u32 v9, v10  }
0x2d: {  	v10 =	vperm.xlane v9, v3;
	_ =	sdelay $0x1  }
0x2e: {  	v10 =	vadd.s32 v4, v10;
	_ =	sdelay $0x1  }
0x2f: {  	v9 =	vperm.xlane v9, v5;
	_ =	sdelay $0x1  }
0x30: {  	v9 =	vadd.s32 v4, v9  }
0x31: {  	[tilespmem:s7], [sflag:$0x3] =	stream.indirect_vreg.gather [hbm4b:s2+s3], $0x80, v10, vm0, $0xb8;
	[tilespmem:$0x7900] =	vst v63  }
0x32: {  	s8 =	simm.s32 $0x900  }
0x33: {  	[tilespmem:s8], [sflag:$0x3] =	stream.indirect_vreg.gather [hbm4b:s4+s3], $0x80, v10, vm1, $0xb8;
	[tilespmem:$0x7900] =	vst v63  }
0x34: {  	s9 =	simm.s32 $0xD00  }
0x35: {  	[tilespmem:s9], [sflag:$0x3] =	stream.indirect_vreg.gather [hbm4b:s2+s3], $0x80, v9, vm0, $0xb8;
	[tilespmem:$0x7900] =	vst v63  }
0x36: {  	_ = 	snop  }
0x37: {  	[tilespmem:s10], [sflag:$0x3] =	stream.indirect_vreg.gather [hbm4b:s4+s3], $0x80, v9, vm1, $0xb8;
	[tilespmem:$0x7900] =	vst v63  }
0x38: {  	v9 =	vld [tilespmem:$0x10];
	_ =	sdelay $0x4  }
0x39: {  	v10 =	vshrl.u32 v9, $0x3  }
0x3a: {  	v10 =	vmul.u32 $0x18, v10  }
0x3b: {  	v9 =	vand.u32 $0x7, v9  }
0x3c: {  	v9 =	vor.u32 v9, v10  }
0x3d: {  	v10 =	vperm.xlane v9, v3;
	_ =	sdelay $0x1  }
0x3e: {  	v10 =	vadd.s32 v4, v10;
	_ =	sdelay $0x1  }
0x3f: {  	v9 =	vperm.xlane v9, v5;
	_ =	sdelay $0x1  }
0x40: {  	v9 =	vadd.s32 v4, v9  }
0x41: {  	[tilespmem:s11], [sflag:$0x3] =	stream.indirect_vreg.gather [hbm4b:s2+s3], $0x80, v10, vm0, $0xb8;
	[tilespmem:$0x7900] =	vst v63  }
0x42: {  	_ = 	snop  }
0x43: {  	[tilespmem:s12], [sflag:$0x3] =	stream.indirect_vreg.gather [hbm4b:s4+s3], $0x80, v10, vm1, $0xb8;
	[tilespmem:$0x7900] =	vst v63  }
0x44: {  	_ = 	snop  }
0x45: {  	[tilespmem:s13], [sflag:$0x3] =	stream.indirect_vreg.gather [hbm4b:s2+s3], $0x80, v9, vm0, $0xb8;
	[tilespmem:$0x7900] =	vst v63  }
0x46: {  	_ = 	snop  }
0x47: {  	[tilespmem:s14], [sflag:$0x3] =	stream.indirect_vreg.gather [hbm4b:s4+s3], $0x80, v9, vm1, $0xb8;
	[tilespmem:$0x7900] =	vst v63  }
0x48: {  	v9 =	vld.msk [tilespmem:$0x20], $0xff;
	_ =	sdelay $0x4  }
0x49: {  	v10 =	vshrl.u32 v9, $0x3  }
0x4a: {  	v10 =	vmul.u32 $0x18, v10  }
0x4b: {  	v9 =	vand.u32 $0x7, v9  }
0x4c: {  	v9 =	vor.u32 v9, v10  }
0x4d: {  	v9 =	vperm.xlane v9, v3;
	_ =	sdelay $0x1  }
0x4e: {  	v9 =	vadd.s32 v4, v9;
	_ =	sdelay $0x4  }
0x4f: {  	[tilespmem:s15], [sflag:$0x3] =	stream.indirect_vreg.gather [hbm4b:s2+s3], $0x80, v9, vm0, $0xb8;
	[tilespmem:$0x7900] =	vst v63  }
0x50: {  	_ = 	snop  }
0x51: {  	[tilespmem:s16], [sflag:$0x3] =	stream.indirect_vreg.gather [hbm4b:s4+s3], $0x80, v9, vm1, $0xb8;
	[tilespmem:$0x7900] =	vst v63  }
0x52: {  	_ =	swait.ge [sflag:s17], $0x80  }
0x53: {  	[sflag:s17] =	ssyncset.done $0x0  }
0x54: {  	[sflag:s17] =	ssyncadd.s32 $0xFFFFFF80  }
0x55: {  	v9 =	vld.idx.msk [tilespmem:v6+s3+$0x0], $0xffff;
	_ =	sdelay $0x4  }
0x56: {  	vm2 =	vlt.s32 v9, $0xFFF  }
0x57: {  	v9 =	vnsel vm2, $0xFFF, v9  }
0x58: {  	[tilespmem:v6+s3+$0x0] =	vst.idx.msk $0xffff, v9  }
0x59: {  	v9 =	vld.idx.msk [tilespmem:v7+s3+$0x0], $0xffff;
	_ =	sdelay $0x4  }
0x5a: {  	vm2 =	vlt.s32 v9, $0xFFF  }
0x5b: {  	v9 =	vnsel vm2, $0xFFF, v9  }
0x5c: {  	[tilespmem:v7+s3+$0x0] =	vst.idx.msk $0xffff, v9  }
0x5d: {  	v9 =	vld.idx.msk [tilespmem:v8+s3+$0x0], $0xffff;
	_ =	sdelay $0x4  }
0x5e: {  	vm2 =	vlt.s32 v9, $0xFFF  }
0x5f: {  	v9 =	vnsel vm2, $0xFFF, v9  }
0x60: {  	[tilespmem:v8+s3+$0x0] =	vst.idx.msk $0xffff, v9  }
0x61: {  	v9 =	vld [tilespmem:$0x80];
	_ =	sdelay $0x4  }
0x62: {  	v10 =	vshrl.u32 v9, $0x3  }
0x63: {  	v10 =	vmul.u32 $0x18, v10  }
0x64: {  	v9 =	vand.u32 $0x7, v9  }
0x65: {  	v9 =	vor.u32 v9, v10  }
0x66: {  	v10 =	vperm.xlane v9, v3;
	_ =	sdelay $0x1  }
0x67: {  	v10 =	vadd.s32 v4, v10;
	_ =	sdelay $0x1  }
0x68: {  	v9 =	vperm.xlane v9, v5;
	_ =	sdelay $0x1  }
0x69: {  	v9 =	vadd.s32 v4, v9  }
0x6a: {  	[tilespmem:s18], [sflag:$0x4] =	stream.indirect_vreg.gather [hbm4b:s2+s3], $0x80, v10, vm0, $0xb8;
	[tilespmem:$0x7900] =	vst v63  }
0x6b: {  	_ = 	snop  }
0x6c: {  	[tilespmem:s19], [sflag:$0x4] =	stream.indirect_vreg.gather [hbm4b:s4+s3], $0x80, v10, vm1, $0xb8;
	[tilespmem:$0x7900] =	vst v63  }
0x6d: {  	_ = 	snop  }
0x6e: {  	[tilespmem:s20], [sflag:$0x4] =	stream.indirect_vreg.gather [hbm4b:s2+s3], $0x80, v9, vm0, $0xb8;
	[tilespmem:$0x7900] =	vst v63  }
0x6f: {  	_ = 	snop  }
0x70: {  	[tilespmem:s21], [sflag:$0x4] =	stream.indirect_vreg.gather [hbm4b:s4+s3], $0x80, v9, vm1, $0xb8;
	[tilespmem:$0x7900] =	vst v63  }
0x71: {  	v9 =	vld [tilespmem:$0x90];
	_ =	sdelay $0x4  }
0x72: {  	v10 =	vshrl.u32 v9, $0x3  }
0x73: {  	v10 =	vmul.u32 $0x18, v10  }
0x74: {  	v9 =	vand.u32 $0x7, v9  }
0x75: {  	v9 =	vor.u32 v9, v10  }
0x76: {  	v10 =	vperm.xlane v9, v3;
	_ =	sdelay $0x1  }
0x77: {  	v10 =	vadd.s32 v4, v10;
	_ =	sdelay $0x1  }
0x78: {  	v9 =	vperm.xlane v9, v5;
	_ =	sdelay $0x1  }
0x79: {  	v9 =	vadd.s32 v4, v9  }
0x7a: {  	[tilespmem:s22], [sflag:$0x4] =	stream.indirect_vreg.gather [hbm4b:s2+s3], $0x80, v10, vm0, $0xb8;
	[tilespmem:$0x7900] =	vst v63  }
0x7b: {  	_ = 	snop  }
0x7c: {  	[tilespmem:s23], [sflag:$0x4] =	stream.indirect_vreg.gather [hbm4b:s4+s3], $0x80, v10, vm1, $0xb8;
	[tilespmem:$0x7900] =	vst v63  }
0x7d: {  	_ = 	snop  }
0x7e: {  	[tilespmem:s24], [sflag:$0x4] =	stream.indirect_vreg.gather [hbm4b:s2+s3], $0x80, v9, vm0, $0xb8;
	[tilespmem:$0x7900] =	vst v63  }
0x7f: {  	_ = 	snop  }
0x80: {  	[tilespmem:s25], [sflag:$0x4] =	stream.indirect_vreg.gather [hbm4b:s4+s3], $0x80, v9, vm1, $0xb8;
	[tilespmem:$0x7900] =	vst v63  }
0x81: {  	v9 =	vld.msk [tilespmem:$0xA0], $0xff;
	_ =	sdelay $0x4  }
0x82: {  	v10 =	vshrl.u32 v9, $0x3  }
0x83: {  	v10 =	vmul.u32 $0x18, v10  }
0x84: {  	v9 =	vand.u32 $0x7, v9  }
0x85: {  	v9 =	vor.u32 v9, v10  }
0x86: {  	v9 =	vperm.xlane v9, v3;
	_ =	sdelay $0x1  }
0x87: {  	v9 =	vadd.s32 v4, v9;
	_ =	sdelay $0x4  }
0x88: {  	[tilespmem:s26], [sflag:$0x4] =	stream.indirect_vreg.gather [hbm4b:s2+s3], $0x80, v9, vm0, $0xb8;
	[tilespmem:$0x7900] =	vst v63  }
0x89: {  	_ = 	snop  }
0x8a: {  	[tilespmem:s28], [sflag:$0x4] =	stream.indirect_vreg.gather [hbm4b:s4+s3], $0x80, v9, vm1, $0xb8;
	[tilespmem:$0x7900] =	vst v63  }
0x8b: {  	_ =	swait.ge [sflag:s29], $0x3C00  }
0x8c: {  	[sflag:s29] =	ssyncset.done $0x0  }
0x8d: {  	s8 =	rddreg [dreg:$0x5];
	[sflag:s29] =	ssyncadd.s32 $0xFFFFC400  }
0x8e: {  	[hbm4b:s8+s3] =	stream.linear.scatter [tilespmem:s7], [sflag:$0x5], $0x3C00, $0x38;
	[tilespmem:$0x7900] =	vst v63  }
0x8f: {  	_ =	swait.ge [sflag:s30], $0x3C00  }
0x90: {  	[sflag:s30] =	ssyncset.done $0x0  }
0x91: {  	s9 =	rddreg [dreg:$0x6];
	[sflag:s30] =	ssyncadd.s32 $0xFFFFC400  }
0x92: {  	[hbm4b:s9+s3] =	stream.linear.scatter [tilespmem:s18], [sflag:$0x6], $0x3C00, $0x38;
	[tilespmem:$0x7900] =	vst v63  }
0x93: {  	p0 =	sne.s32 s5, $0x1;
	_ =	swait.ge [sflag:s31], $0x3C00  }
.Ltmp0:
0x94: {  	[sflag:s31] =	ssyncset.done $0x0;
	(pc) =	sbr.rel @p0 .LBB2_1-.Ltmp0, $4  }
0x95: {  	[sflag:s31] =	ssyncadd.s32 $0xFFFFC400  }
0x96: {  	_ =	swait.ge [sflag:s1], $0x3C00  }
0x97: {  	[sflag:s1] =	ssyncset.done $0x0  }
0x98: {  	s5 =	sadd.s32 $0xFFFFFFFF, s5;
	[sflag:s1] =	ssyncadd.s32 $0xFFFFC400  }
0x99: {  	_ =	sfence.sel $0x180000  }
0x9a: {  	[bflag:$0x0] =	sbarrier.arrive $0xFFFF  }
0x9b: {  	_ =	strace $0x9000004A  }
0x9c: {  	s0 =	stileid.u32;
	[bflag:$0x2] =	sbarrier.arrive $0xFFFF  }
0x9d: {  	p0 =	sne.s32 s0, $0x0;
	s0 =	rddreg [dreg:$0x2]  }
0x9e: {  	s0 =	sadd.s32 @!p0 $0x100000, s0  }
0x9f: {  	[sflag:s0] =	ssyncadd.tile.s32 @!p0 $0x1;
	_ =	shalt  }
.Lfunc_end2:
_tile_overlayer_lowered:
.L_overlay_start_2:
0xa0: {  	(tag) =	ssettag $0x2  }
0xa1: {  	s0 =	rddreg [dreg:$0x0];
	s2 =	stileid.u32  }
0xa2: {  	s1 =	rddreg [dreg:$0x1];
	p0 =	sne.s32 s2, $0x0  }
0xa3: {  	s3 =	rddreg [dreg:$0x2];
	[bflag:$0x3] =	sbarrier.arrive $0xFFFF;
	s2 =	simm.s32 @!p0 $0x1C07  }
0xa4: {  	[timem:s3], [sflag:s2] =	dma.local @!p0 [hbm:s0], s1  }
0xa5: {  	s0 =	simm.s32 @!p0 $0x7  }
0xa6: {  	_ =	swait.ge @!p0 [sflag:s0], s1  }
0xa7: {  	s1 =	ssub.s32 @!p0 $0x0, s1;
	[sflag:s0] =	ssyncset.done @!p0 $0x0  }
0xa8: {  	[sflag:s0] =	ssyncadd.s32 @!p0 s1  }
0xa9: {  	[bflag:$0x3] =	sbarrier.arrive $0xFFFF  }
0xaa: {  	_ =	shalt  }

// kernel: kernel.19.cloned.1.call-start
scs
__scs_entry_jumppad:
0x0: {  	(pc) =	sbr.rel $0x88, $3  }
0x1: {  	(tag) =	ssettag $0x0;
	lr =	simm.s32 $0x1  }
0x2: {  	[smem:$0x3F9A] =	sst lr;
	_ =	strace $0xD0000000  }
0x3: {  	_ = 	snop  }
0x4: {  	_ = 	snop  }
0x5: {  	_ = 	snop  }
0x6: {  	_ = 	snop  }
0x7: {  	_ = 	snop  }
__scs_overlays_trampoline_lowered:
0x8: {  	[smem:$0x3FA9] =	sst s0  }
0x9: {  	[smem:$0x3FAA] =	sst s1  }
0xa: {  	[smem:$0x3FAB] =	sst s2  }
0xb: {  	[smem:$0x3FAC] =	sst s3  }
0xc: {  	[smem:$0x3FAD] =	sst s4  }
0xd: {  	[smem:$0x3FAE] =	sst s5  }
0xe: {  	[smem:$0x3FAF] =	sst s6  }
0xf: {  	[smem:$0x3FB0] =	sst s7  }
0x10: {  	[smem:$0x3FB1] =	sst s8  }
0x11: {  	[smem:$0x3FB2] =	sst s9;
	s0 =	simm.s32 @!p0 $0x0  }
0x12: {  	s1 =	sld [smem:$0x3F98];
	s0 =	simm.s32 @p0 $0x1  }
0x13: {  	[smem:$0x3FB3] =	sst s0;
	s0 =	simm.s32 @!p1 $0x0  }
0x14: {  	s2 =	sld [smem:$0x3F97];
	s0 =	simm.s32 @p1 $0x1  }
0x15: {  	[smem:$0x3FB4] =	sst s0;
	s0 =	simm.s32 @!p2 $0x0  }
0x16: {  	s3 =	sld [smem:$0x3FDB];
	s0 =	simm.s32 @p2 $0x1  }
0x17: {  	s4 =	simm.s32 $0x1BF5;
	[smem:$0x3FB6] =	sst s0  }
0x18: {  	s0 =	sld [smem:$0x3F99];
	_ =	swait.ge [sflag:s4], $0x0  }
0x19: {  	s7 =	sld [smem:$0x3F9A]  }
0x1a: {  	s8 =	sadd.s32 $0xFFFFE003, lr  }
0x1b: {  	s9 =	sadd.s32 $0xFFFFFEF7, lr;
	s5 =	simm.s32 $0xFFFFFFFF;
	p2 =	slt.u32 s8, $0xFFFFF086  }
0x1c: {  	p1 =	slt.u32 s9, $0xF7A;
	s5 =	simm.s32 @!p2 $0x0  }
0x1d: {  	s5 =	simm.s32 @p1 $0x1;
	p0 =	seq.s32 s7, s2  }
0x1e: {  	s7 =	smul.u32 @!p0 $0xF7A, s2;
	p2 =	seq.s32 @!p0 s5, $0x0  }
0x1f: {  	s9 =	smul.u32 $0xF7A, s1;
	s8 =	simm.s32 @!p0 $0x1BF5;
	p2 =	por !p2, p0  }
0x20: {  	[sflag:s8] =	ssyncset.s32 @!p0 $0xFFFFF086;
	s6 =	sadd.s32 @!p0 s3, s7;
	s7 =	simm.s32 @!p0 $0x108  }
0x21: {  	s3 =	sadd.s32 s3, s9;
	s6 =	sadd.s32 @!p0 $0x88, s6;
	s7 =	simm.s32 @p2 $0x1082  }
0x22: {  	[simem:s7], [sflag:s8] =	dma.local @!p0 [hbm:s6], $0xF7A  }
0x23: {  	s9 =	sor.u32 $0xD0000000, s2;
	s6 =	simm.s32 $0x108;
	_ =	swait.ge @!p0 [sflag:s8], $0x0  }
0x24: {  	s3 =	sadd.s32 $0x88, s3;
	s6 =	simm.s32 @!p1 $0x1082;
	[sflag:s4] =	ssyncset.s32 $0xFFFFF086  }
0x25: {  	[simem:s6], [sflag:s4] =	dma.local [hbm:s3], $0xF7A  }
0x26: {  	[smem:$0x3F9A] =	sst s1;
	(tag) =	ssettag s2;
	_ =	strace s9  }
0x27: {  	s1 =	sld [smem:$0x3FAA]  }
0x28: {  	s2 =	sld [smem:$0x3FAB]  }
0x29: {  	s4 =	sld [smem:$0x3FAD]  }
0x2a: {  	p0 =	seq.s32 s5, $0x0;
	s5 =	sld [smem:$0x3FAE]  }
0x2b: {  	s6 =	sld [smem:$0x3FAF]  }
0x2c: {  	s7 =	sld [smem:$0x3FB0]  }
0x2d: {  	s3 =	simm.s32 $0x108;
	s8 =	sld [smem:$0x3FB1]  }
0x2e: {  	s3 =	simm.s32 @!p0 $0x1082;
	s9 =	sld [smem:$0x3FB2]  }
0x2f: {  	lr =	sadd.s32 s0, s3;
	s0 =	sld [smem:$0x3FA9]  }
0x30: {  	s3 =	sld [smem:$0x3FAC]  }
0x31: {  	[smem:$0x3FB5] =	sst s10  }
0x32: {  	s10 =	sld [smem:$0x3FB3];
	_ =	sdelay $0x3  }
0x33: {  	p0 =	seq.s32 s10, $0x1;
	s10 =	sld [smem:$0x3FB5];
	_ =	sdelay $0x3  }
0x34: {  	[smem:$0x3FB5] =	sst s10  }
0x35: {  	s10 =	sld [smem:$0x3FB4];
	_ =	sdelay $0x3  }
0x36: {  	p1 =	seq.s32 s10, $0x1;
	s10 =	sld [smem:$0x3FB5];
	_ =	sdelay $0x3  }
0x37: {  	[smem:$0x3FB5] =	sst s10  }
0x38: {  	s10 =	sld [smem:$0x3FB6]  }
0x39: {  	_ = 	snop;
	(pc) =	sbr.ind lr, $3  }
0x3a: {  	_ = 	snop  }
0x3b: {  	_ = 	snop  }
0x3c: {  	p2 =	seq.s32 s10, $0x1;
	s10 =	sld [smem:$0x3FB5]  }
0x3d: {  	_ =	shalt  }
0x3e: {  	_ =	shalt  }
0x3f: {  	_ =	shalt  }
0x40: {  	_ =	shalt  }
0x41: {  	_ =	shalt  }
0x42: {  	_ =	shalt  }
0x43: {  	_ =	shalt  }
0x44: {  	_ =	shalt  }
0x45: {  	_ =	shalt  }
0x46: {  	_ =	shalt  }
0x47: {  	_ =	shalt  }
0x48: {  	_ =	shalt  }
0x49: {  	_ =	shalt  }
0x4a: {  	_ =	shalt  }
0x4b: {  	_ =	shalt  }
0x4c: {  	_ =	shalt  }
0x4d: {  	_ =	shalt  }
0x4e: {  	_ =	shalt  }
0x4f: {  	_ =	shalt  }
0x50: {  	_ =	shalt  }
0x51: {  	_ =	shalt  }
0x52: {  	_ =	shalt  }
0x53: {  	_ =	shalt  }
0x54: {  	_ =	shalt  }
0x55: {  	_ =	shalt  }
0x56: {  	_ =	shalt  }
0x57: {  	_ =	shalt  }
0x58: {  	_ =	shalt  }
0x59: {  	_ =	shalt  }
0x5a: {  	_ =	shalt  }
0x5b: {  	_ =	shalt  }
0x5c: {  	_ =	shalt  }
0x5d: {  	_ =	shalt  }
0x5e: {  	_ =	shalt  }
0x5f: {  	_ =	shalt  }
0x60: {  	_ =	shalt  }
0x61: {  	_ =	shalt  }
0x62: {  	_ =	shalt  }
0x63: {  	_ =	shalt  }
0x64: {  	_ =	shalt  }
0x65: {  	_ =	shalt  }
0x66: {  	_ =	shalt  }
0x67: {  	_ =	shalt  }
0x68: {  	_ =	shalt  }
0x69: {  	_ =	shalt  }
0x6a: {  	_ =	shalt  }
0x6b: {  	_ =	shalt  }
0x6c: {  	_ =	shalt  }
0x6d: {  	_ =	shalt  }
0x6e: {  	_ =	shalt  }
0x6f: {  	_ =	shalt  }
0x70: {  	_ =	shalt  }
0x71: {  	_ =	shalt  }
0x72: {  	_ =	shalt  }
0x73: {  	_ =	shalt  }
0x74: {  	_ =	shalt  }
0x75: {  	_ =	shalt  }
0x76: {  	_ =	shalt  }
0x77: {  	_ =	shalt  }
0x78: {  	_ =	shalt  }
0x79: {  	_ =	shalt  }
0x7a: {  	_ =	shalt  }
0x7b: {  	_ =	shalt  }
0x7c: {  	_ =	shalt  }
0x7d: {  	_ =	shalt  }
0x7e: {  	_ =	shalt  }
0x7f: {  	_ =	shalt  }
0x80: {  	_ =	shalt  }
0x81: {  	_ =	shalt  }
0x82: {  	_ =	shalt  }
0x83: {  	_ =	shalt  }
0x84: {  	_ =	shalt  }
0x85: {  	_ =	shalt  }
0x86: {  	_ =	shalt  }
0x87: {  	_ =	shalt  }
.Lfunc_end0:
.L_simem_size_0:
called_computation.3_lowered:
.L_overlay_start_0:
0x88: {  	s2 =	sld [smem:$0x3FD9]  }
0x89: {  	s3 =	sld [smem:$0x3FFE];
	_ =	sdelay $0x1  }
0x8a: {  	s1 =	srdreg.scid  }
0x8b: {  	s0 =	sand.u32 $0x1, s1  }
0x8c: {  	s17 =	sshll.u32 s0, $0xA;
	s2 =	sadd.s32 s3, s2  }
0x8d: {  	s2 =	sadd.s32 s2, s17  }
0x8e: {  	[smem:$0x3FC1] =	sst s2  }
0x8f: {  	_ = 	snop  }
0x90: {  	s2 =	sld [smem:$0x3FD0];
	(tm) =	ssettm $0x1  }
0x91: {  	s18 =	sld [smem:$0x3FFB];
	_ =	sdelay $0x3  }
0x92: {  	_ =	strace s18  }
0x93: {  	s3 =	sld [smem:$0x3FFC];
	_ =	sdelay $0x3  }
0x94: {  	_ =	strace s3  }
0x95: {  	s3 =	sld [smem:$0x3FFD];
	_ =	sdelay $0x3  }
0x96: {  	_ =	strace s3  }
0x97: {  	_ =	strace $0x8FFFFFFF  }
0x98: {  	s19 =	sld [smem:$0x3FDB];
	_ =	sdelay $0x1  }
0x99: {  	s4 =	simm.s32 $_scs_section_size  }
0x9a: {  	s5 =	simm.s32 $_size__tile_overlayer_lowered;
	s6 =	simm.s32 $_tile_overlayer_lowered  }
0x9b: {  	s22 =	simm.s32 $0x1BFF;
	s21 =	sshll.u32 s6, $0x1;
	s3 =	sadd.s32 s4, s19  }
0x9c: {  	s7 =	simm.s32 $0x0;
	s20 =	sshll.u32 s5, $0x1;
	s5 =	sadd.s32 s21, s3  }
0x9d: {  	[timem:s7], [sflag:s22] =	dma.local [hbm:s5], s20  }
0x9e: {  	_ =	swait.ge [sflag:s22], s20  }
0x9f: {  	s4 =	ssub.s32 $0x0, s20;
	[sflag:s22] =	ssyncset.done $0x0  }
0xa0: {  	[sflag:s22] =	ssyncadd.s32 s4;
	_ =	sdelay $0x1  }
0xa1: {  	s23 =	simm.s32 $0x1B8B  }
0xa2: {  	_ =	swait.ge [sflag:s23], $0x1  }
0xa3: {  	[sflag:s23] =	ssyncset.done $0x0  }
0xa4: {  	s25 =	simm.s32 $0x1B8E;
	s24 =	sld [smem:$0x3FFE];
	[sflag:s23] =	ssyncadd.s32 $0xFFFFFFFF  }
0xa5: {  	s26 =	simm.s32 $execute0_lowered;
	[smem:$0x3FD2] =	sst s25  }
0xa6: {  	s5 =	sshll.u32 s26, $0x1;
	_ =	strace $0x8000004F;
	[dreg:$0x1] =	wrdreg $0xFFFFFFFF  }
0xa7: {  	s28 =	simm.s32 $_size_execute0_lowered;
	s3 =	sadd.s32 s3, s5;
	[dreg:$0x0] =	wrdreg $0x0  }
0xa8: {  	s5 =	sshll.u32 s28, $0x1;
	[dreg:$0x2] =	wrdreg s3  }
0xa9: {  	[dreg:$0x3] =	wrdreg s5  }
0xaa: {  	[dreg:$0x4] =	wrdreg $0xC0  }
0xab: {  	_ =	task [dreg:s7], $0x5FFFF  }
0xac: {  	[dreg:$0x1] =	wrdreg $0xFFFFFFFF  }
0xad: {  	[dreg:$0x0] =	wrdreg $0x60  }
0xae: {  	[dreg:$0x2] =	wrdreg s24  }
0xaf: {  	[dreg:$0x3] =	wrdreg s2  }
0xb0: {  	[dreg:$0x4] =	wrdreg $0x9  }
0xb1: {  	_ =	task.clear_ibuf [dreg:s7], $0x5FFFF;
	_ =	strace $0x9000004F  }
0xb2: {  	s29 =	simm.s32 $0x9;
	_ =	strace $0x80000051  }
0xb3: {  	_ =	swait.ge [sflag:s29], $0x1  }
0xb4: {  	[sflag:s29] =	ssyncadd.s32 $0xFFFFFFFF  }
0xb5: {  	_ =	strace $0x90000051  }
0xb6: {  	_ =	sfence  }
0xb7: {  	s30 =	sld [smem:$0x0];
	_ =	sdelay $0x2  }
0xb8: {  	s31 =	sshll.u32 s1, $0xD;
	s1 =	sshrl.u32 s1, $0x2  }
0xb9: {  	s3 =	sand.u32 $0x4000, s31;
	s1 =	sadd.s32 s1, s30  }
0xba: {  	s0 =	sor.u32 s3, s0;
	s1 =	sshll.u32 s1, $0x11  }
0xbb: {  	s0 =	sor.u32 s1, s0  }
0xbc: {  	s0 =	sadd.s32 $0x8F2B, s0  }
0xbd: {  	[sflag:s0] =	ssyncadd.remote.s32 $0x1  }
0xbe: {  	_ =	sfence.sel $0xFFFF  }
0xbf: {  	[dreg:$0x0] =	wrdreg $0xFFFFFFFF;
	(pc) =	sbr.abs _section_cstart, $3  }
0xc0: {  	[dreg:$0x1] =	wrdreg $0xFFFFFFFF  }
0xc1: {  	_ =	task.clear_ibuf [dreg:s7], $0x2FFFF;
	_ =	strace $0x9FFFFFFF  }
0xc2: {  	(tm) =	ssettm $0x7FFFFFFF  }
0xc3: {  	_ =	shalt  }
tec
execute0_lowered:
.L_overlay_start_1:
0x0: {  	(tag) =	ssettag $0x1  }
0x1: {  	s4 =	rddreg [dreg:$0x0];
	s0 =	srdreg.scid  }
0x2: {  	s2 =	rddreg [dreg:$0x1];
	s1 =	stileid.u32;
	s3 =	simm.s32 $0x0  }
0x3: {  	s20 =	simm.s32 $0x80;
	s21 =	simm.s32 $0x100;
	[smem:$0x7FF] =	sst s3  }
0x4: {  	s22 =	simm.s32 $0x180;
	_ =	strace $0x80000050;
	[dreg:$0xb] =	wrdreg s20  }
0x5: {  	s23 =	simm.s32 $0xA00;
	s24 =	simm.s32 $0xE00;
	[dreg:$0xc] =	wrdreg s21  }
0x6: {  	s25 =	simm.s32 $0x1600;
	s26 =	simm.s32 $0x1A00;
	[dreg:$0xd] =	wrdreg s22  }
0x7: {  	s11 =	simm.s32 $0x5200;
	s12 =	simm.s32 $0x5600;
	[dreg:$0xe] =	wrdreg s23  }
0x8: {  	s28 =	simm.s32 $0xEE00;
	s29 =	simm.s32 $0x9;
	[dreg:$0xf] =	wrdreg s24  }
0x9: {  	s6 =	sshll.u32 s1, $0x7;
	s7 =	sshll.u32 s1, $0x1;
	[dreg:$0x10] =	wrdreg s25  }
0xa: {  	p0 =	slt.u32 s1, $0x8;
	s1 =	simm.s32 $0x2200;
	[dreg:$0x11] =	wrdreg s26  }
0xb: {  	s30 =	simm.s32 $0xA;
	s0 =	sand.u32 $0x1, s0;
	[dreg:$0x12] =	wrdreg s1  }
0xc: {  	s31 =	simm.s32 $0xB;
	s5 =	sshll.u32 s0, $0x6;
	[dreg:$0x19] =	wrdreg s11  }
0xd: {  	s14 =	sor.u32 s0, s7;
	[dreg:$0x1a] =	wrdreg s12;
	s20 =	simm.s32 $0x8600  }
0xe: {  	s0 =	ssub.s32 $0x2, s0;
	s21 =	simm.s32 $0x8E00;
	[smem:$0x7F7] =	sst s20  }
0xf: {  	s22 =	simm.s32 $0x9200;
	s11 =	simm.s32 $0x6;
	[smem:$0x7F8] =	sst s21  }
0x10: {  	s23 =	simm.s32 $0x9A00;
	s12 =	simm.s32 $0x7;
	[smem:$0x7F9] =	sst s22  }
0x11: {  	s24 =	simm.s32 $0x9E00;
	s25 =	simm.s32 $0xA600;
	[smem:$0x7FA] =	sst s23  }
0x12: {  	s26 =	simm.s32 $0xAA00;
	s5 =	sor.u32 s5, s6;
	[smem:$0x7FB] =	sst s24  }
0x13: {  	s6 =	smul.u32 $0xF000, s14;
	s13 =	sshrl.u32 s0, $0x1;
	[smem:$0x7FC] =	sst s25  }
0x14: {  	s14 =	simm.s32 $0x5E00;
	[smem:$0x7FD] =	sst s26;
	s21 =	simm.s32 $0xCA00  }
0x15: {  	s22 =	simm.s32 $0xCE00;
	s23 =	simm.s32 $0xD600;
	s24 =	simm.s32 $0xDA00  }
0x16: {  	s25 =	simm.s32 $0xE200;
	s26 =	simm.s32 $0xE600;
	s5 =	sadd.s32 s5, s4  }
0x17: {  	s0 =	ssub.s32 s0, s13;
	[dreg:$0x1b] =	wrdreg s14;
	s13 =	simm.s32 $0x8  }
0x18: {  	s15 =	sadd.s32 $0x4000, s5;
	s16 =	sadd.s32 $0x4010, s5;
	s8 =	sshrl.u32 s6, $0x3  }
0x19: {  	s17 =	sadd.s32 $0x4020, s5;
	s5 =	sadd.s32 $0x4030, s5;
	[dreg:$0x3] =	wrdreg s15  }
0x1a: {  	s18 =	sadd.s32 $0xFFF10000, s6;
	s19 =	sadd.s32 $0xFFF13C00, s6;
	[dreg:$0x4] =	wrdreg s16  }
0x1b: {  	s9 =	sadd.s32 $0xFFF17800, s6;
	s6 =	sadd.s32 $0xFFF1B400, s6;
	[dreg:$0x5] =	wrdreg s17  }
0x1c: {  	s8 =	sadd.s32 s8, s4;
	s4 =	sadd.s32 $0x4800, s4;
	[dreg:$0x6] =	wrdreg s5  }
0x1d: {  	s5 =	sshrl.u32 s18, $0x3;
	s7 =	sshrl.u32 s19, $0x3;
	s9 =	sshrl.u32 s9, $0x3  }
0x1e: {  	s6 =	sshrl.u32 s6, $0x3;
	s15 =	simm.s32 $0x6200;
	s16 =	simm.s32 $0x6A00  }
0x1f: {  	s17 =	simm.s32 $0x6E00;
	s18 =	simm.s32 $0x7600;
	[dreg:$0x1c] =	wrdreg s15  }
0x20: {  	s19 =	simm.s32 $0x8200;
	s5 =	sadd.s32 s4, s5;
	[dreg:$0x1d] =	wrdreg s16  }
0x21: {  	s7 =	sadd.s32 s4, s7;
	s9 =	sadd.s32 s4, s9;
	[dreg:$0x1e] =	wrdreg s17  }
0x22: {  	s10 =	sadd.s32 $0x22800, s8;
	s4 =	sadd.s32 s4, s6;
	[dreg:$0x1f] =	wrdreg s18  }
0x23: {  	s6 =	sadd.s32 $0x22F80, s8;
	[smem:$0x7F6] =	sst s19;
	s5 =	smov.u32 @p0 s10  }
0x24: {  	s14 =	simm.s32 $0x1;
	s7 =	smov.u32 @p0 s6;
	[dreg:$0x7] =	wrdreg s5  }
0x25: {  	s10 =	sadd.s32 $0x23700, s8;
	s6 =	simm.s32 $0x2E00;
	[dreg:$0x8] =	wrdreg s7  }
0x26: {  	s15 =	simm.s32 $0x2;
	s9 =	smov.u32 @p0 s10;
	[dreg:$0x14] =	wrdreg s6  }
0x27: {  	s16 =	simm.s32 $0x3;
	s7 =	simm.s32 $0x3200;
	[dreg:$0x9] =	wrdreg s9  }
0x28: {  	s5 =	sadd.s32 $0x23E80, s8;
	s8 =	simm.s32 $0x3A00;
	[dreg:$0x15] =	wrdreg s7  }
0x29: {  	s18 =	simm.s32 $0x4;
	s10 =	simm.s32 $0x4A00;
	[dreg:$0x16] =	wrdreg s8  }
0x2a: {  	s6 =	simm.s32 $0x200;
	s4 =	smov.u32 @p0 s5;
	[dreg:$0x18] =	wrdreg s10  }
0x2b: {  	s5 =	simm.s32 $0x2600;
	s9 =	simm.s32 $0x4600;
	[dreg:$0xa] =	wrdreg s4  }
0x2c: {  	v2 =	vlaneseq.u32;
	s7 =	simm.s32 $0x3E00;
	s8 =	simm.s32 $0x7A00;
	[dreg:$0x13] =	wrdreg s5  }
0x2d: {  	vm0 =	vmmov $0xffff;
	vm1 =	vmmov $0xff;
	v1 =	vshrl.u32 v2, $0x3;
	s10 =	simm.s32 $0x5;
	[dreg:$0x17] =	wrdreg s9;
	s4 =	sadd.s32 $0x100, s2  }
0x2e: {  	v0 =	vand.u32 $0x7, v2;
	v2 =	vor.u32 $0x8, v2;
	v1 =	vmul.u32 $0x8, v1;
	s5 =	smax.u32 s0, $0x1;
	s9 =	simm.s32 $0xB600;
	s0 =	simm.s32 $0xC  }
.LBB2_1:
0x2f: {  	s1 =	rddreg [dreg:$0x3]  }
0x30: {  	s17 =	rddreg [dreg:$0x4]  }
0x31: {  	s19 =	rddreg [dreg:$0xb]  }
0x32: {  	s20 =	rddreg [dreg:$0xd]  }
0x33: {  	[tilespmem:s3], [sflag:$0x1] =	stream.linear.gather [hbm4b:s1+s3], $0x80, $0x38;
	[tilespmem:$0xF200] =	vst v63  }
0x34: {  	s1 =	rddreg [dreg:$0x5]  }
0x35: {  	[tilespmem:s19], [sflag:$0x2] =	stream.linear.gather [hbm4b:s17+s3], $0x80, $0x38;
	[tilespmem:$0xF200] =	vst v63  }
0x36: {  	s17 =	rddreg [dreg:$0xc]  }
0x37: {  	[tilespmem:s17], [sflag:$0x3] =	stream.linear.gather [hbm4b:s1+s3], $0x80, $0x38;
	[tilespmem:$0xF200] =	vst v63  }
0x38: {  	s19 =	rddreg [dreg:$0x6]  }
0x39: {  	[tilespmem:s20], [sflag:$0x4] =	stream.linear.gather [hbm4b:s19+s3], $0x80, $0x38;
	[tilespmem:$0xF200] =	vst v63  }
0x3a: {  	s17 =	rddreg [dreg:$0x7]  }
0x3b: {  	[tilespmem:s6], [sflag:$0x5] =	stream.linear.gather [hbm4b:s17+s3], $0x3C00, $0x38;
	[tilespmem:$0xF200] =	vst v63  }
0x3c: {  	s20 =	rddreg [dreg:$0x8]  }
0x3d: {  	[tilespmem:s7], [sflag:$0x6] =	stream.linear.gather [hbm4b:s20+s3], $0x3C00, $0x38;
	[tilespmem:$0xF200] =	vst v63  }
0x3e: {  	s19 =	rddreg [dreg:$0x9]  }
0x3f: {  	[tilespmem:s8], [sflag:$0x7] =	stream.linear.gather [hbm4b:s19+s3], $0x3C00, $0x38;
	[tilespmem:$0xF200] =	vst v63  }
0x40: {  	s20 =	rddreg [dreg:$0xa]  }
0x41: {  	[tilespmem:s9], [sflag:$0x8] =	stream.linear.gather [hbm4b:s20+s3], $0x3C00, $0x38;
	[tilespmem:$0xF200] =	vst v63  }
0x42: {  	_ =	swait.ge [sflag:s10], $0x3C00  }
0x43: {  	[sflag:s10] =	ssyncset.done $0x0  }
0x44: {  	[sflag:s10] =	ssyncadd.s32 $0xFFFFC400  }
0x45: {  	_ =	swait.ge [sflag:s11], $0x3C00  }
0x46: {  	[sflag:s11] =	ssyncset.done $0x0  }
0x47: {  	[sflag:s11] =	ssyncadd.s32 $0xFFFFC400  }
0x48: {  	_ =	swait.ge [sflag:s12], $0x3C00  }
0x49: {  	[sflag:s12] =	ssyncset.done $0x0  }
0x4a: {  	[sflag:s12] =	ssyncadd.s32 $0xFFFFC400  }
0x4b: {  	_ =	swait.ge [sflag:s13], $0x3C00  }
0x4c: {  	[sflag:s13] =	ssyncset.done $0x0  }
0x4d: {  	[sflag:s13] =	ssyncadd.s32 $0xFFFFC400  }
0x4e: {  	_ =	swait.ge [sflag:s14], $0x80  }
0x4f: {  	[sflag:s14] =	ssyncset.done $0x0  }
0x50: {  	[sflag:s14] =	ssyncadd.s32 $0xFFFFFF80  }
0x51: {  	v3 =	vld [tilespmem:$0x0];
	_ =	sdelay $0x4  }
0x52: {  	v4 =	vshrl.u32 v3, $0x3  }
0x53: {  	v4 =	vmul.u32 $0x18, v4  }
0x54: {  	v3 =	vand.u32 $0x7, v3  }
0x55: {  	v3 =	vor.u32 v3, v4  }
0x56: {  	v4 =	vperm.xlane v3, v0;
	_ =	sdelay $0x1  }
0x57: {  	v4 =	vadd.s32 v1, v4;
	_ =	sdelay $0x1  }
0x58: {  	v3 =	vperm.xlane v3, v2;
	_ =	sdelay $0x1  }
0x59: {  	v3 =	vadd.s32 v1, v3  }
0x5a: {  	[hbm4b:s2+s3] =	stream.indirect_vreg.scatter [tilespmem:s6], [sflag:$0x9], $0x80, v4, vm0, $0xb8;
	[tilespmem:$0xF200] =	vst v63  }
0x5b: {  	s17 =	rddreg [dreg:$0xe]  }
0x5c: {  	[hbm4b:s4+s3] =	stream.indirect_vreg.scatter [tilespmem:s17], [sflag:$0x9], $0x80, v4, vm1, $0xb8;
	[tilespmem:$0xF200] =	vst v63  }
0x5d: {  	s19 =	rddreg [dreg:$0xf]  }
0x5e: {  	[hbm4b:s2+s3] =	stream.indirect_vreg.scatter [tilespmem:s19], [sflag:$0x9], $0x80, v3, vm0, $0xb8;
	[tilespmem:$0xF200] =	vst v63  }
0x5f: {  	s20 =	rddreg [dreg:$0x10]  }
0x60: {  	[hbm4b:s4+s3] =	stream.indirect_vreg.scatter [tilespmem:s20], [sflag:$0x9], $0x80, v3, vm1, $0xb8;
	[tilespmem:$0xF200] =	vst v63  }
0x61: {  	v3 =	vld [tilespmem:$0x10];
	_ =	sdelay $0x4  }
0x62: {  	v53 =	vshrl.u32 v3, $0x3  }
0x63: {  	v4 =	vmul.u32 $0x18, v53  }
0x64: {  	v3 =	vand.u32 $0x7, v3  }
0x65: {  	v3 =	vor.u32 v3, v4  }
0x66: {  	v4 =	vperm.xlane v3, v0;
	_ =	sdelay $0x1  }
0x67: {  	v4 =	vadd.s32 v1, v4;
	_ =	sdelay $0x1  }
0x68: {  	v3 =	vperm.xlane v3, v2;
	_ =	sdelay $0x1  }
0x69: {  	s19 =	rddreg [dreg:$0x11];
	v3 =	vadd.s32 v1, v3  }
0x6a: {  	[hbm4b:s2+s3] =	stream.indirect_vreg.scatter [tilespmem:s19], [sflag:$0x9], $0x80, v4, vm0, $0xb8;
	[tilespmem:$0xF200] =	vst v63  }
0x6b: {  	s20 =	rddreg [dreg:$0x12]  }
0x6c: {  	[hbm4b:s4+s3] =	stream.indirect_vreg.scatter [tilespmem:s20], [sflag:$0x9], $0x80, v4, vm1, $0xb8;
	[tilespmem:$0xF200] =	vst v63  }
0x6d: {  	s19 =	rddreg [dreg:$0x13]  }
0x6e: {  	[hbm4b:s2+s3] =	stream.indirect_vreg.scatter [tilespmem:s19], [sflag:$0x9], $0x80, v3, vm0, $0xb8;
	[tilespmem:$0xF200] =	vst v63  }
0x6f: {  	s20 =	rddreg [dreg:$0x14]  }
0x70: {  	[hbm4b:s4+s3] =	stream.indirect_vreg.scatter [tilespmem:s20], [sflag:$0x9], $0x80, v3, vm1, $0xb8;
	[tilespmem:$0xF200] =	vst v63  }
0x71: {  	v3 =	vld.msk [tilespmem:$0x20], $0xff;
	_ =	sdelay $0x4  }
0x72: {  	v54 =	vshrl.u32 v3, $0x3  }
0x73: {  	v4 =	vmul.u32 $0x18, v54  }
0x74: {  	v3 =	vand.u32 $0x7, v3  }
0x75: {  	v3 =	vor.u32 v3, v4  }
0x76: {  	v3 =	vperm.xlane v3, v0;
	_ =	sdelay $0x1  }
0x77: {  	v3 =	vadd.s32 v1, v3;
	_ =	sdelay $0x3  }
0x78: {  	s19 =	rddreg [dreg:$0x15]  }
0x79: {  	[hbm4b:s2+s3] =	stream.indirect_vreg.scatter [tilespmem:s19], [sflag:$0x9], $0x80, v3, vm0, $0xb8;
	[tilespmem:$0xF200] =	vst v63  }
0x7a: {  	s20 =	rddreg [dreg:$0x16]  }
0x7b: {  	[hbm4b:s4+s3] =	stream.indirect_vreg.scatter [tilespmem:s20], [sflag:$0x9], $0x80, v3, vm1, $0xb8;
	[tilespmem:$0xF200] =	vst v63  }
0x7c: {  	_ =	swait.ge [sflag:s15], $0x80  }
0x7d: {  	[sflag:s15] =	ssyncset.done $0x0  }
0x7e: {  	[sflag:s15] =	ssyncadd.s32 $0xFFFFFF80  }
0x7f: {  	v3 =	vld [tilespmem:$0x80];
	_ =	sdelay $0x4  }
0x80: {  	v55 =	vshrl.u32 v3, $0x3  }
0x81: {  	v4 =	vmul.u32 $0x18, v55  }
0x82: {  	v3 =	vand.u32 $0x7, v3  }
0x83: {  	v3 =	vor.u32 v3, v4  }
0x84: {  	v4 =	vperm.xlane v3, v0;
	_ =	sdelay $0x1  }
0x85: {  	v4 =	vadd.s32 v1, v4;
	_ =	sdelay $0x1  }
0x86: {  	v3 =	vperm.xlane v3, v2;
	_ =	sdelay $0x1  }
0x87: {  	v3 =	vadd.s32 v1, v3  }
0x88: {  	[hbm4b:s2+s3] =	stream.indirect_vreg.scatter [tilespmem:s7], [sflag:$0xA], $0x80, v4, vm0, $0xb8;
	[tilespmem:$0xF200] =	vst v63  }
0x89: {  	s17 =	rddreg [dreg:$0x17]  }
0x8a: {  	[hbm4b:s4+s3] =	stream.indirect_vreg.scatter [tilespmem:s17], [sflag:$0xA], $0x80, v4, vm1, $0xb8;
	[tilespmem:$0xF200] =	vst v63  }
0x8b: {  	s19 =	rddreg [dreg:$0x18]  }
0x8c: {  	[hbm4b:s2+s3] =	stream.indirect_vreg.scatter [tilespmem:s19], [sflag:$0xA], $0x80, v3, vm0, $0xb8;
	[tilespmem:$0xF200] =	vst v63  }
0x8d: {  	s20 =	rddreg [dreg:$0x19]  }
0x8e: {  	[hbm4b:s4+s3] =	stream.indirect_vreg.scatter [tilespmem:s20], [sflag:$0xA], $0x80, v3, vm1, $0xb8;
	[tilespmem:$0xF200] =	vst v63  }
0x8f: {  	v3 =	vld [tilespmem:$0x90];
	_ =	sdelay $0x4  }
0x90: {  	v56 =	vshrl.u32 v3, $0x3  }
0x91: {  	v4 =	vmul.u32 $0x18, v56  }
0x92: {  	v3 =	vand.u32 $0x7, v3  }
0x93: {  	v3 =	vor.u32 v3, v4  }
0x94: {  	v4 =	vperm.xlane v3, v0;
	_ =	sdelay $0x1  }
0x95: {  	v4 =	vadd.s32 v1, v4;
	_ =	sdelay $0x1  }
0x96: {  	v3 =	vperm.xlane v3, v2;
	_ =	sdelay $0x1  }
0x97: {  	s19 =	rddreg [dreg:$0x1a];
	v3 =	vadd.s32 v1, v3  }
0x98: {  	[hbm4b:s2+s3] =	stream.indirect_vreg.scatter [tilespmem:s19], [sflag:$0xA], $0x80, v4, vm0, $0xb8;
	[tilespmem:$0xF200] =	vst v63  }
0x99: {  	s20 =	rddreg [dreg:$0x1b]  }
0x9a: {  	[hbm4b:s4+s3] =	stream.indirect_vreg.scatter [tilespmem:s20], [sflag:$0xA], $0x80, v4, vm1, $0xb8;
	[tilespmem:$0xF200] =	vst v63  }
0x9b: {  	s19 =	rddreg [dreg:$0x1c]  }
0x9c: {  	[hbm4b:s2+s3] =	stream.indirect_vreg.scatter [tilespmem:s19], [sflag:$0xA], $0x80, v3, vm0, $0xb8;
	[tilespmem:$0xF200] =	vst v63  }
0x9d: {  	s20 =	rddreg [dreg:$0x1d]  }
0x9e: {  	[hbm4b:s4+s3] =	stream.indirect_vreg.scatter [tilespmem:s20], [sflag:$0xA], $0x80, v3, vm1, $0xb8;
	[tilespmem:$0xF200] =	vst v63  }
0x9f: {  	v3 =	vld.msk [tilespmem:$0xA0], $0xff;
	_ =	sdelay $0x4  }
0xa0: {  	v57 =	vshrl.u32 v3, $0x3  }
0xa1: {  	v4 =	vmul.u32 $0x18, v57  }
0xa2: {  	v3 =	vand.u32 $0x7, v3  }
0xa3: {  	v3 =	vor.u32 v3, v4  }
0xa4: {  	v3 =	vperm.xlane v3, v0;
	_ =	sdelay $0x1  }
0xa5: {  	v3 =	vadd.s32 v1, v3;
	_ =	sdelay $0x3  }
0xa6: {  	s19 =	rddreg [dreg:$0x1e]  }
0xa7: {  	[hbm4b:s2+s3] =	stream.indirect_vreg.scatter [tilespmem:s19], [sflag:$0xA], $0x80, v3, vm0, $0xb8;
	[tilespmem:$0xF200] =	vst v63  }
0xa8: {  	s20 =	rddreg [dreg:$0x1f]  }
0xa9: {  	[hbm4b:s4+s3] =	stream.indirect_vreg.scatter [tilespmem:s20], [sflag:$0xA], $0x80, v3, vm1, $0xb8;
	[tilespmem:$0xF200] =	vst v63  }
0xaa: {  	_ =	swait.ge [sflag:s16], $0x80  }
0xab: {  	[sflag:s16] =	ssyncset.done $0x0  }
0xac: {  	[sflag:s16] =	ssyncadd.s32 $0xFFFFFF80  }
0xad: {  	v3 =	vld [tilespmem:$0x100];
	_ =	sdelay $0x4  }
0xae: {  	v58 =	vshrl.u32 v3, $0x3  }
0xaf: {  	v4 =	vmul.u32 $0x18, v58  }
0xb0: {  	v3 =	vand.u32 $0x7, v3  }
0xb1: {  	v3 =	vor.u32 v3, v4  }
0xb2: {  	v4 =	vperm.xlane v3, v0;
	_ =	sdelay $0x1  }
0xb3: {  	v4 =	vadd.s32 v1, v4;
	_ =	sdelay $0x1  }
0xb4: {  	v3 =	vperm.xlane v3, v2;
	_ =	sdelay $0x1  }
0xb5: {  	s17 =	sld [smem:$0x7F6];
	v3 =	vadd.s32 v1, v3  }
0xb6: {  	[hbm4b:s2+s3] =	stream.indirect_vreg.scatter [tilespmem:s8], [sflag:$0xB], $0x80, v4, vm0, $0xb8;
	[tilespmem:$0xF200] =	vst v63  }
0xb7: {  	s19 =	sld [smem:$0x7F7]  }
0xb8: {  	[hbm4b:s4+s3] =	stream.indirect_vreg.scatter [tilespmem:s17], [sflag:$0xB], $0x80, v4, vm1, $0xb8;
	[tilespmem:$0xF200] =	vst v63  }
0xb9: {  	s20 =	sld [smem:$0x7F8]  }
0xba: {  	[hbm4b:s2+s3] =	stream.indirect_vreg.scatter [tilespmem:s19], [sflag:$0xB], $0x80, v3, vm0, $0xb8;
	[tilespmem:$0xF200] =	vst v63  }
0xbb: {  	_ = 	snop  }
0xbc: {  	[hbm4b:s4+s3] =	stream.indirect_vreg.scatter [tilespmem:s20], [sflag:$0xB], $0x80, v3, vm1, $0xb8;
	[tilespmem:$0xF200] =	vst v63  }
0xbd: {  	v3 =	vld [tilespmem:$0x110];
	_ =	sdelay $0x4  }
0xbe: {  	v59 =	vshrl.u32 v3, $0x3  }
0xbf: {  	v4 =	vmul.u32 $0x18, v59  }
0xc0: {  	v3 =	vand.u32 $0x7, v3  }
0xc1: {  	v3 =	vor.u32 v3, v4  }
0xc2: {  	v4 =	vperm.xlane v3, v0;
	_ =	sdelay $0x1  }
0xc3: {  	v4 =	vadd.s32 v1, v4;
	_ =	sdelay $0x1  }
0xc4: {  	s17 =	sld [smem:$0x7F9];
	v3 =	vperm.xlane v3, v2;
	_ =	sdelay $0x1  }
0xc5: {  	s19 =	sld [smem:$0x7FA];
	v3 =	vadd.s32 v1, v3  }
0xc6: {  	[hbm4b:s2+s3] =	stream.indirect_vreg.scatter [tilespmem:s17], [sflag:$0xB], $0x80, v4, vm0, $0xb8;
	[tilespmem:$0xF200] =	vst v63  }
0xc7: {  	s20 =	sld [smem:$0x7FB]  }
0xc8: {  	[hbm4b:s4+s3] =	stream.indirect_vreg.scatter [tilespmem:s19], [sflag:$0xB], $0x80, v4, vm1, $0xb8;
	[tilespmem:$0xF200] =	vst v63  }
0xc9: {  	s19 =	sld [smem:$0x7FC]  }
0xca: {  	[hbm4b:s2+s3] =	stream.indirect_vreg.scatter [tilespmem:s20], [sflag:$0xB], $0x80, v3, vm0, $0xb8;
	[tilespmem:$0xF200] =	vst v63  }
0xcb: {  	_ = 	snop  }
0xcc: {  	[hbm4b:s4+s3] =	stream.indirect_vreg.scatter [tilespmem:s19], [sflag:$0xB], $0x80, v3, vm1, $0xb8;
	[tilespmem:$0xF200] =	vst v63  }
0xcd: {  	v3 =	vld.msk [tilespmem:$0x120], $0xff;
	_ =	sdelay $0x4  }
0xce: {  	v60 =	vshrl.u32 v3, $0x3  }
0xcf: {  	v4 =	vmul.u32 $0x18, v60  }
0xd0: {  	v3 =	vand.u32 $0x7, v3  }
0xd1: {  	v3 =	vor.u32 v3, v4  }
0xd2: {  	v3 =	vperm.xlane v3, v0;
	_ =	sdelay $0x1  }
0xd3: {  	v3 =	vadd.s32 v1, v3;
	_ =	sdelay $0x1  }
0xd4: {  	s20 =	sld [smem:$0x7FD];
	_ =	sdelay $0x2  }
0xd5: {  	[hbm4b:s2+s3] =	stream.indirect_vreg.scatter [tilespmem:s20], [sflag:$0xB], $0x80, v3, vm0, $0xb8;
	[tilespmem:$0xF200] =	vst v63  }
0xd6: {  	s17 =	simm.s32 $0xB200  }
0xd7: {  	[hbm4b:s4+s3] =	stream.indirect_vreg.scatter [tilespmem:s17], [sflag:$0xB], $0x80, v3, vm1, $0xb8;
	[tilespmem:$0xF200] =	vst v63  }
0xd8: {  	_ =	swait.ge [sflag:s18], $0x80  }
0xd9: {  	[sflag:s18] =	ssyncset.done $0x0  }
0xda: {  	[sflag:s18] =	ssyncadd.s32 $0xFFFFFF80  }
0xdb: {  	v3 =	vld [tilespmem:$0x180];
	_ =	sdelay $0x4  }
0xdc: {  	v61 =	vshrl.u32 v3, $0x3  }
0xdd: {  	v4 =	vmul.u32 $0x18, v61  }
0xde: {  	v3 =	vand.u32 $0x7, v3  }
0xdf: {  	v3 =	vor.u32 v3, v4  }
0xe0: {  	v4 =	vperm.xlane v3, v0;
	_ =	sdelay $0x1  }
0xe1: {  	v4 =	vadd.s32 v1, v4;
	_ =	sdelay $0x1  }
0xe2: {  	v3 =	vperm.xlane v3, v2;
	_ =	sdelay $0x1  }
0xe3: {  	v3 =	vadd.s32 v1, v3  }
0xe4: {  	[hbm4b:s2+s3] =	stream.indirect_vreg.scatter [tilespmem:s9], [sflag:$0xC], $0x80, v4, vm0, $0xb8;
	[tilespmem:$0xF200] =	vst v63  }
0xe5: {  	s19 =	simm.s32 $0xBE00  }
0xe6: {  	[hbm4b:s4+s3] =	stream.indirect_vreg.scatter [tilespmem:s19], [sflag:$0xC], $0x80, v4, vm1, $0xb8;
	[tilespmem:$0xF200] =	vst v63  }
0xe7: {  	s20 =	simm.s32 $0xC200  }
0xe8: {  	[hbm4b:s2+s3] =	stream.indirect_vreg.scatter [tilespmem:s20], [sflag:$0xC], $0x80, v3, vm0, $0xb8;
	[tilespmem:$0xF200] =	vst v63  }
0xe9: {  	_ = 	snop  }
0xea: {  	[hbm4b:s4+s3] =	stream.indirect_vreg.scatter [tilespmem:s21], [sflag:$0xC], $0x80, v3, vm1, $0xb8;
	[tilespmem:$0xF200] =	vst v63  }
0xeb: {  	v3 =	vld [tilespmem:$0x190];
	_ =	sdelay $0x4  }
0xec: {  	v62 =	vshrl.u32 v3, $0x3  }
0xed: {  	v4 =	vmul.u32 $0x18, v62  }
0xee: {  	v3 =	vand.u32 $0x7, v3  }
0xef: {  	v3 =	vor.u32 v3, v4  }
0xf0: {  	v4 =	vperm.xlane v3, v0;
	_ =	sdelay $0x1  }
0xf1: {  	v4 =	vadd.s32 v1, v4;
	_ =	sdelay $0x1  }
0xf2: {  	v3 =	vperm.xlane v3, v2;
	_ =	sdelay $0x1  }
0xf3: {  	v3 =	vadd.s32 v1, v3  }
0xf4: {  	[hbm4b:s2+s3] =	stream.indirect_vreg.scatter [tilespmem:s22], [sflag:$0xC], $0x80, v4, vm0, $0xb8;
	[tilespmem:$0xF200] =	vst v63  }
0xf5: {  	_ = 	snop  }
0xf6: {  	[hbm4b:s4+s3] =	stream.indirect_vreg.scatter [tilespmem:s23], [sflag:$0xC], $0x80, v4, vm1, $0xb8;
	[tilespmem:$0xF200] =	vst v63  }
0xf7: {  	_ = 	snop  }
0xf8: {  	[hbm4b:s2+s3] =	stream.indirect_vreg.scatter [tilespmem:s24], [sflag:$0xC], $0x80, v3, vm0, $0xb8;
	[tilespmem:$0xF200] =	vst v63  }
0xf9: {  	_ = 	snop  }
0xfa: {  	[hbm4b:s4+s3] =	stream.indirect_vreg.scatter [tilespmem:s25], [sflag:$0xC], $0x80, v3, vm1, $0xb8;
	[tilespmem:$0xF200] =	vst v63  }
0xfb: {  	v3 =	vld.msk [tilespmem:$0x1A0], $0xff;
	_ =	sdelay $0x4  }
0xfc: {  	v63 =	vshrl.u32 v3, $0x3  }
0xfd: {  	v4 =	vmul.u32 $0x18, v63  }
0xfe: {  	v3 =	vand.u32 $0x7, v3  }
0xff: {  	v3 =	vor.u32 v3, v4  }
0x100: {  	v3 =	vperm.xlane v3, v0;
	_ =	sdelay $0x1  }
0x101: {  	v3 =	vadd.s32 v1, v3;
	_ =	sdelay $0x4  }
0x102: {  	[hbm4b:s2+s3] =	stream.indirect_vreg.scatter [tilespmem:s26], [sflag:$0xC], $0x80, v3, vm0, $0xb8;
	[tilespmem:$0xF200] =	vst v63  }
0x103: {  	_ = 	snop  }
0x104: {  	[hbm4b:s4+s3] =	stream.indirect_vreg.scatter [tilespmem:s28], [sflag:$0xC], $0x80, v3, vm1, $0xb8;
	[tilespmem:$0xF200] =	vst v63  }
0x105: {  	_ =	swait.ge [sflag:s29], $0x3C00  }
0x106: {  	[sflag:s29] =	ssyncset.done $0x0  }
0x107: {  	[sflag:s29] =	ssyncadd.s32 $0xFFFFC400  }
0x108: {  	_ =	swait.ge [sflag:s30], $0x3C00  }
0x109: {  	[sflag:s30] =	ssyncset.done $0x0  }
0x10a: {  	[sflag:s30] =	ssyncadd.s32 $0xFFFFC400  }
0x10b: {  	p0 =	sne.s32 s5, $0x1;
	_ =	swait.ge [sflag:s31], $0x3C00  }
.Ltmp0:
0x10c: {  	[sflag:s31] =	ssyncset.done $0x0;
	(pc) =	sbr.rel @p0 .LBB2_1-.Ltmp0, $4  }
0x10d: {  	[sflag:s31] =	ssyncadd.s32 $0xFFFFC400  }
0x10e: {  	_ =	swait.ge [sflag:s0], $0x3C00  }
0x10f: {  	[sflag:s0] =	ssyncset.done $0x0  }
0x110: {  	s5 =	sadd.s32 $0xFFFFFFFF, s5;
	[sflag:s0] =	ssyncadd.s32 $0xFFFFC400  }
0x111: {  	_ =	sfence.sel $0x180000  }
0x112: {  	[bflag:$0x0] =	sbarrier.arrive $0xFFFF  }
0x113: {  	_ =	strace $0x90000050  }
0x114: {  	s0 =	stileid.u32;
	[bflag:$0x2] =	sbarrier.arrive $0xFFFF  }
0x115: {  	p0 =	sne.s32 s0, $0x0;
	s0 =	rddreg [dreg:$0x2]  }
0x116: {  	s0 =	sadd.s32 @!p0 $0x100000, s0  }
0x117: {  	[sflag:s0] =	ssyncadd.tile.s32 @!p0 $0x1;
	_ =	shalt  }
.Lfunc_end2:
_tile_overlayer_lowered:
.L_overlay_start_2:
0x118: {  	(tag) =	ssettag $0x2  }
0x119: {  	s0 =	rddreg [dreg:$0x0];
	s2 =	stileid.u32  }
0x11a: {  	s1 =	rddreg [dreg:$0x1];
	p0 =	sne.s32 s2, $0x0  }
0x11b: {  	s3 =	rddreg [dreg:$0x2];
	[bflag:$0x3] =	sbarrier.arrive $0xFFFF;
	s2 =	simm.s32 @!p0 $0x1C0D  }
0x11c: {  	[timem:s3], [sflag:s2] =	dma.local @!p0 [hbm:s0], s1  }
0x11d: {  	s0 =	simm.s32 @!p0 $0xD  }
0x11e: {  	_ =	swait.ge @!p0 [sflag:s0], s1  }
0x11f: {  	s1 =	ssub.s32 @!p0 $0x0, s1;
	[sflag:s0] =	ssyncset.done @!p0 $0x0  }
0x120: {  	[sflag:s0] =	ssyncadd.s32 @!p0 s1  }
0x121: {  	[bflag:$0x3] =	sbarrier.arrive $0xFFFF  }
0x122: {  	_ =	shalt  }

</sc_bundles>
